<compile_context>
chip_gen: v7x
topology: tpu7x:2x2x1
jax: 0.10.2.dev20260603
libtpu: 0.0.44.dev20260713+nightly
codegen_flags: <defaults>
</compile_context>

<pallas_src>
import jax
import jax.numpy as jnp
from jax import lax
from jax.experimental import pallas as pl
from jax.experimental.pallas import tpu as pltpu
from jax.experimental.pallas import tpu_sc as plsc

N_FIELDS = 26
NUM_CATEGORIES = 1000
LATENT_DIM = 8
DIM = 64
BATCH = 16384
EPS = 1e-4

NON_CATEG = DIM - N_FIELDS
OUT_COLS = NON_CATEG + N_FIELDS * LATENT_DIM
GROUP = 16

QUARTERS = 8
TASK_ROWS = BATCH // QUARTERS
LANES = 16
TASK_GROUPS = TASK_ROWS // LANES

PREP_BLOCK = 2048
CONCAT_BLOCK = 2048


KPAD = 1024


def _prep_body(xt_ref, raw_ref, tab_ref, idxt_ref):
  @pl.when(pl.program_id(0) == 0)
  def _():
    t = EPS + (1.0 - 2.0 * EPS) * jax.nn.sigmoid(raw_ref[...])
    tp = jnp.concatenate(
        [t, jnp.zeros((N_FIELDS, LATENT_DIM, KPAD - NUM_CATEGORIES),
                      jnp.float32)], axis=-1)
    tab_ref[...] = tp.reshape(N_FIELDS, LATENT_DIM, KPAD // 128, 128)

  idxt_ref[...] = xt_ref[:N_FIELDS, :].astype(jnp.int32).reshape(
      N_FIELDS, PREP_BLOCK // 128, 128)


def _sc_body(tab2, idxt_hbm, emba_hbm, embb_hbm, tab_v0, tab_v1, idx_v0,
             idx_v1, obuf0, obuf1, sg0, sg1, sw0, sw1):
  wid = lax.axis_index("s") * 2 + lax.axis_index("c")
  tab_vs = (tab_v0, tab_v1)
  idx_vs = (idx_v0, idx_v1)
  obufs = (obuf0, obuf1)
  sg = (sg0, sg1)
  sw = (sw0, sw1)
  lsplats = [jnp.full((LANES,), l, jnp.int32) for l in range(LATENT_DIM)]
  pending = [None, None]

  defs = []
  for i in range(4):
    a = 4 * wid + i
    defs.append((a % GROUP, a // GROUP, emba_hbm))
  for i in range(2):
    b = 2 * wid + i
    defs.append((GROUP + b % 10, b // 10, embb_hbm))
  b6 = 64 + wid
  defs.append((GROUP + b6 % 10, jnp.minimum(b6 // 10, QUARTERS - 1),
               embb_hbm))

  def fire_stage(k):
    p = k % 2
    f, q, _ = defs[k]
    c1 = pltpu.async_copy(tab2.at[f], tab_vs[p], sg[p])
    c2 = pltpu.async_copy(
        idxt_hbm.at[f, pl.ds(pl.multiple_of(q * (TASK_ROWS // 128), 8),
                             TASK_ROWS // 128)],
        idx_vs[p], sg[p])
    return (c1, c2)

  def compute(k):
    p = k % 2
    tab_v, idx_v, obuf = tab_vs[p], idx_vs[p], obufs[p]

    @plsc.parallel_loop(0, TASK_GROUPS, unroll=4)
    def _(g):
      gr = g // 8
      gc = (g % 8) * LANES
      iv = idx_v[gr, pl.ds(gc, LANES)]
      hi = lax.shift_right_logical(iv, 7)
      lo = lax.bitwise_and(iv, 127)
      vs = [plsc.load_gather(tab_v, [lsplats[l], hi, lo])
            for l in range(LATENT_DIM)]
      for l in range(LATENT_DIM):
        obuf[l, gr, pl.ds(gc, LANES)] = vs[l]

  def fire_write(k):
    p = k % 2
    f, q, emb_hbm = defs[k]
    row0 = pl.multiple_of((f % GROUP) * LATENT_DIM, 8)
    col0 = pl.multiple_of(q * (TASK_ROWS // 128), 8)
    return pltpu.async_copy(
        obufs[p],
        emb_hbm.at[pl.ds(row0, LATENT_DIM), pl.ds(col0, TASK_ROWS // 128)],
        sw[p],
    )

  stage_pending = {0: fire_stage(0)}
  for k in range(7):
    if k + 1 < 7:
      stage_pending[k + 1] = fire_stage(k + 1)
    for c in stage_pending.pop(k):
      c.wait()
    if k == 6:
      break
    p = k % 2
    if pending[p] is not None:
      pending[p].wait()
    compute(k)
    pending[p] = fire_write(k)

  pending[0].wait()
  pending[0] = None

  @pl.when(wid < 16)
  def _():
    compute(6)
    fire_write(6).wait()

  pending[1].wait()


def _concat_body(xt_ref, emba_ref, embb_ref, out_ref):
  out_ref[:NON_CATEG, :] = xt_ref[N_FIELDS:, :]
  ea = emba_ref[...].reshape(GROUP * LATENT_DIM, CONCAT_BLOCK)
  eb = embb_ref[...].reshape(GROUP * LATENT_DIM, CONCAT_BLOCK)
  out_ref[NON_CATEG:NON_CATEG + GROUP * LATENT_DIM, :] = ea
  out_ref[NON_CATEG + GROUP * LATENT_DIM:, :] = (
      eb[:(N_FIELDS - GROUP) * LATENT_DIM, :])


@jax.jit
def kernel(X, raw_emb_tables):
  XT = X.T
  raw_t = raw_emb_tables.transpose(0, 2, 1)
  nprep = BATCH // PREP_BLOCK
  tab2, idxt = pl.pallas_call(
      _prep_body,
      grid=(nprep,),
      in_specs=[
          pl.BlockSpec((DIM, PREP_BLOCK), lambda k: (0, k)),
          pl.BlockSpec((N_FIELDS, LATENT_DIM, NUM_CATEGORIES),
                       lambda k: (0, 0, 0)),
      ],
      out_specs=[
          pl.BlockSpec((N_FIELDS, LATENT_DIM, KPAD // 128, 128),
                       lambda k: (0, 0, 0, 0)),
          pl.BlockSpec((N_FIELDS, PREP_BLOCK // 128, 128),
                       lambda k: (0, k, 0)),
      ],
      out_shape=[
          jax.ShapeDtypeStruct((N_FIELDS, LATENT_DIM, KPAD // 128, 128),
                               jnp.float32),
          jax.ShapeDtypeStruct((N_FIELDS, BATCH // 128, 128), jnp.int32),
      ],
  )(XT, raw_t)

  mesh = plsc.VectorSubcoreMesh(core_axis_name="c", subcore_axis_name="s")
  embat, embbt = pl.kernel(
      _sc_body,
      out_type=[
          jax.ShapeDtypeStruct((GROUP * LATENT_DIM, BATCH // 128, 128),
                               jnp.float32),
          jax.ShapeDtypeStruct((GROUP * LATENT_DIM, BATCH // 128, 128),
                               jnp.float32),
      ],
      mesh=mesh,
      compiler_params=pltpu.CompilerParams(
          use_tc_tiling_on_sc=False, needs_layout_passes=False),
      scratch_types=[
          pltpu.VMEM((LATENT_DIM, KPAD // 128, 128), jnp.float32),
          pltpu.VMEM((LATENT_DIM, KPAD // 128, 128), jnp.float32),
          pltpu.VMEM((TASK_ROWS // 128, 128), jnp.int32),
          pltpu.VMEM((TASK_ROWS // 128, 128), jnp.int32),
          pltpu.VMEM((LATENT_DIM, TASK_ROWS // 128, 128), jnp.float32),
          pltpu.VMEM((LATENT_DIM, TASK_ROWS // 128, 128), jnp.float32),
          pltpu.SemaphoreType.DMA,
          pltpu.SemaphoreType.DMA,
          pltpu.SemaphoreType.DMA,
          pltpu.SemaphoreType.DMA,
      ],
  )(tab2, idxt)

  nblk = BATCH // CONCAT_BLOCK
  outt = pl.pallas_call(
      _concat_body,
      grid=(nblk,),
      in_specs=[
          pl.BlockSpec((DIM, CONCAT_BLOCK), lambda k: (0, k)),
          pl.BlockSpec((GROUP * LATENT_DIM, CONCAT_BLOCK // 128, 128),
                       lambda k: (0, k, 0)),
          pl.BlockSpec((GROUP * LATENT_DIM, CONCAT_BLOCK // 128, 128),
                       lambda k: (0, k, 0)),
      ],
      out_specs=pl.BlockSpec((OUT_COLS, CONCAT_BLOCK), lambda k: (0, k)),
      out_shape=jax.ShapeDtypeStruct((OUT_COLS, BATCH), jnp.float32),
  )(XT, embat, embbt)
  return outt.T

# --- scband reference (transcript-rebuilt; emitter-appended) ---
"""Pipeline reference for scband-latent-categorical-embedding-36447092474339 (READ-ONLY COPY).

The authoritative reference and input builder live on the scoring server;
editing this copy changes nothing except your own understanding.
"""

import jax, jax.numpy as jnp
import numpy as np

N_FIELDS = 26
NUM_CATEGORIES = 1000
LATENT_DIM = 8
DIM = 64
BATCH = 16384
EPS = 1e-4


def setup_inputs(seed: int = 0) -> dict:
    key = jax.random.key(seed)
    k1, k2 = jax.random.split(key)
    # X: [batch, dim]; first N_FIELDS columns are categorical codes stored as floats,
    # remaining columns are continuous features (random values are fine).
    X = jax.random.randint(k1, (BATCH, DIM), 0, NUM_CATEGORIES).astype(jnp.float32)
    # One raw latent embedding table per categorical field (stacked; same shape per field).
    # Original init uses sobol-normal samples ~ standard normal.
    raw_emb_tables = jax.random.normal(k2, (N_FIELDS, NUM_CATEGORIES, LATENT_DIM), dtype=jnp.float32)
    return {"X": X, "raw_emb_tables": raw_emb_tables}


def reference(X, raw_emb_tables):
    # GPyTorch Interval(EPS, 1-EPS) constraint: lower + (upper - lower) * sigmoid(raw)
    tables = EPS + (1.0 - 2.0 * EPS) * jax.nn.sigmoid(raw_emb_tables)  # [F, K, L]
    idx = X[..., :N_FIELDS].astype(jnp.int32)  # [B, F]
    # Gather per-field embeddings: fancy indexing broadcasts [1,F] field ids with [B,F] row ids.
    emb = tables[jnp.arange(N_FIELDS)[None, :], idx]  # [B, F, L]
    emb = emb.reshape(X.shape[:-1] + (N_FIELDS * LATENT_DIM,))  # [B, F*L]
    # Original: cat([X[..., non_categ_mask], X_emb], dim=-1)
    non_categ = X[..., N_FIELDS:]  # [B, DIM - F]
    return jnp.concatenate([non_categ, emb], axis=-1)  # [B, 38 + 208] = [B, 246]

if __name__ == "__main__":
    import jax
    _d = setup_inputs()
    print(jax.jit(kernel)(*tuple(_d.values())))

</pallas_src>

<mosaic_0001>
#map = affine_map<(d0, d1) -> (0, 0, 0, 0)>
#map1 = affine_map<(d0, d1) -> (0, 0, 0)>
module attributes {stable_mosaic.version = 14 : i64} {
  func.func @_sc_body(%arg0: i32, %arg1: i32, %arg2: memref<26x8x8x128xf32, #tpu.memory_space<hbm>>, %arg3: memref<26x128x128xi32, #tpu.memory_space<hbm>>, %arg4: memref<128x128x128xf32, #tpu.memory_space<hbm>>, %arg5: memref<128x128x128xf32, #tpu.memory_space<hbm>>, %arg6: memref<8x8x128xf32, #tpu.memory_space<vmem>>, %arg7: memref<8x8x128xf32, #tpu.memory_space<vmem>>, %arg8: memref<16x128xi32, #tpu.memory_space<vmem>>, %arg9: memref<16x128xi32, #tpu.memory_space<vmem>>, %arg10: memref<8x16x128xf32, #tpu.memory_space<vmem>>, %arg11: memref<8x16x128xf32, #tpu.memory_space<vmem>>, %arg12: memref<!tpu.dma_semaphore, #tpu.memory_space<semaphore_mem>>, %arg13: memref<!tpu.dma_semaphore, #tpu.memory_space<semaphore_mem>>, %arg14: memref<!tpu.dma_semaphore, #tpu.memory_space<semaphore_mem>>, %arg15: memref<!tpu.dma_semaphore, #tpu.memory_space<semaphore_mem>>) attributes {dimension_semantics = [#tpu.dimension_semantics<core_parallel>, #tpu.dimension_semantics<subcore_parallel>], iteration_bounds = array<i64: 2, 16>, scalar_prefetch = 0 : i64, scratch_operands = 10 : i64, tpu.core_type = #tpu.core_type<sc_vector_subcore>, window_params = [{transform_indices = #map}, {transform_indices = #map1}, {transform_indices = #map1}, {transform_indices = #map1}]} {
    %mul3A = arith.constant 2 : i32
    %mul3A_0 = arith.muli %arg1, %mul3A : i32
    %add3A = arith.addi %mul3A_0, %arg0 : i32
    %broadcast_in_dim3A = arith.constant 0 : i32
    %broadcast_in_dim3A_1 = vector.broadcast %broadcast_in_dim3A : i32 to vector<16xi32>
    %broadcast_in_dim3A_2 = arith.constant 1 : i32
    %broadcast_in_dim3A_3 = vector.broadcast %broadcast_in_dim3A_2 : i32 to vector<16xi32>
    %broadcast_in_dim3A_4 = arith.constant 2 : i32
    %broadcast_in_dim3A_5 = vector.broadcast %broadcast_in_dim3A_4 : i32 to vector<16xi32>
    %broadcast_in_dim3A_6 = arith.constant 3 : i32
    %broadcast_in_dim3A_7 = vector.broadcast %broadcast_in_dim3A_6 : i32 to vector<16xi32>
    %broadcast_in_dim3A_8 = arith.constant 4 : i32
    %broadcast_in_dim3A_9 = vector.broadcast %broadcast_in_dim3A_8 : i32 to vector<16xi32>
    %broadcast_in_dim3A_10 = arith.constant 5 : i32
    %broadcast_in_dim3A_11 = vector.broadcast %broadcast_in_dim3A_10 : i32 to vector<16xi32>
    %broadcast_in_dim3A_12 = arith.constant 6 : i32
    %broadcast_in_dim3A_13 = vector.broadcast %broadcast_in_dim3A_12 : i32 to vector<16xi32>
    %broadcast_in_dim3A_14 = arith.constant 7 : i32
    %broadcast_in_dim3A_15 = vector.broadcast %broadcast_in_dim3A_14 : i32 to vector<16xi32>
    %mul3A_16 = arith.constant 4 : i32
    %mul3A_17 = arith.muli %mul3A_16, %add3A : i32
    %add3A_18 = arith.constant 0 : i32
    %add3A_19 = arith.addi %mul3A_17, %add3A_18 : i32
    %jit3A = arith.constant 16 : i32
    %eq3A = arith.constant 0 : i32
    %eq3A_20 = arith.cmpi eq, %jit3A, %eq3A : i32
    %jit3A_21 = arith.constant 1 : i32
    %select_n3A = arith.select %eq3A_20, %jit3A_21, %jit3A : i32
    %rem3A = arith.remsi %add3A_19, %select_n3A : i32
    %ne3A = arith.constant 0 : i32
    %ne3A_22 = arith.cmpi ne, %rem3A, %ne3A : i32
    %lt3A = arith.constant 0 : i32
    %lt3A_23 = arith.cmpi slt, %rem3A, %lt3A : i32
    %lt3A_24 = arith.constant 0 : i32
    %lt3A_25 = arith.cmpi slt, %select_n3A, %lt3A_24 : i32
    %ne3A_26 = arith.xori %lt3A_23, %lt3A_25 : i1
    %and3A = arith.andi %ne3A_26, %ne3A_22 : i1
    %add3A_27 = arith.addi %rem3A, %select_n3A : i32
    %select_n3A_28 = arith.select %and3A, %add3A_27, %rem3A : i32
    %jit3A_29 = arith.constant 16 : i32
    %div3A = arith.divsi %add3A_19, %jit3A_29 : i32
    %sign3A = arith.constant 0 : i32
    %sign3A_30 = arith.cmpi sgt, %add3A_19, %sign3A : i32
    %sign3A_31 = arith.extui %sign3A_30 : i1 to i32
    %sign3A_32 = arith.constant 0 : i32
    %sign3A_33 = arith.cmpi slt, %add3A_19, %sign3A_32 : i32
    %sign3A_34 = arith.extui %sign3A_33 : i1 to i32
    %sign3A_35 = arith.subi %sign3A_31, %sign3A_34 : i32
    %sign3A_36 = arith.constant 0 : i32
    %sign3A_37 = arith.cmpi sgt, %jit3A_29, %sign3A_36 : i32
    %sign3A_38 = arith.extui %sign3A_37 : i1 to i32
    %sign3A_39 = arith.constant 0 : i32
    %sign3A_40 = arith.cmpi slt, %jit3A_29, %sign3A_39 : i32
    %sign3A_41 = arith.extui %sign3A_40 : i1 to i32
    %sign3A_42 = arith.subi %sign3A_38, %sign3A_41 : i32
    %ne3A_43 = arith.cmpi ne, %sign3A_35, %sign3A_42 : i32
    %rem3A_44 = arith.remsi %add3A_19, %jit3A_29 : i32
    %ne3A_45 = arith.constant 0 : i32
    %ne3A_46 = arith.cmpi ne, %rem3A_44, %ne3A_45 : i32
    %and3A_47 = arith.andi %ne3A_43, %ne3A_46 : i1
    %sub3A = arith.constant 1 : i32
    %sub3A_48 = arith.subi %div3A, %sub3A : i32
    %select_n3A_49 = arith.select %and3A_47, %sub3A_48, %div3A : i32
    %mul3A_50 = arith.constant 4 : i32
    %mul3A_51 = arith.muli %mul3A_50, %add3A : i32
    %add3A_52 = arith.constant 1 : i32
    %add3A_53 = arith.addi %mul3A_51, %add3A_52 : i32
    %jit3A_54 = arith.constant 16 : i32
    %eq3A_55 = arith.constant 0 : i32
    %eq3A_56 = arith.cmpi eq, %jit3A_54, %eq3A_55 : i32
    %jit3A_57 = arith.constant 1 : i32
    %select_n3A_58 = arith.select %eq3A_56, %jit3A_57, %jit3A_54 : i32
    %rem3A_59 = arith.remsi %add3A_53, %select_n3A_58 : i32
    %ne3A_60 = arith.constant 0 : i32
    %ne3A_61 = arith.cmpi ne, %rem3A_59, %ne3A_60 : i32
    %lt3A_62 = arith.constant 0 : i32
    %lt3A_63 = arith.cmpi slt, %rem3A_59, %lt3A_62 : i32
    %lt3A_64 = arith.constant 0 : i32
    %lt3A_65 = arith.cmpi slt, %select_n3A_58, %lt3A_64 : i32
    %ne3A_66 = arith.xori %lt3A_63, %lt3A_65 : i1
    %and3A_67 = arith.andi %ne3A_66, %ne3A_61 : i1
    %add3A_68 = arith.addi %rem3A_59, %select_n3A_58 : i32
    %select_n3A_69 = arith.select %and3A_67, %add3A_68, %rem3A_59 : i32
    %jit3A_70 = arith.constant 16 : i32
    %div3A_71 = arith.divsi %add3A_53, %jit3A_70 : i32
    %sign3A_72 = arith.constant 0 : i32
    %sign3A_73 = arith.cmpi sgt, %add3A_53, %sign3A_72 : i32
    %sign3A_74 = arith.extui %sign3A_73 : i1 to i32
    %sign3A_75 = arith.constant 0 : i32
    %sign3A_76 = arith.cmpi slt, %add3A_53, %sign3A_75 : i32
    %sign3A_77 = arith.extui %sign3A_76 : i1 to i32
    %sign3A_78 = arith.subi %sign3A_74, %sign3A_77 : i32
    %sign3A_79 = arith.constant 0 : i32
    %sign3A_80 = arith.cmpi sgt, %jit3A_70, %sign3A_79 : i32
    %sign3A_81 = arith.extui %sign3A_80 : i1 to i32
    %sign3A_82 = arith.constant 0 : i32
    %sign3A_83 = arith.cmpi slt, %jit3A_70, %sign3A_82 : i32
    %sign3A_84 = arith.extui %sign3A_83 : i1 to i32
    %sign3A_85 = arith.subi %sign3A_81, %sign3A_84 : i32
    %ne3A_86 = arith.cmpi ne, %sign3A_78, %sign3A_85 : i32
    %rem3A_87 = arith.remsi %add3A_53, %jit3A_70 : i32
    %ne3A_88 = arith.constant 0 : i32
    %ne3A_89 = arith.cmpi ne, %rem3A_87, %ne3A_88 : i32
    %and3A_90 = arith.andi %ne3A_86, %ne3A_89 : i1
    %sub3A_91 = arith.constant 1 : i32
    %sub3A_92 = arith.subi %div3A_71, %sub3A_91 : i32
    %select_n3A_93 = arith.select %and3A_90, %sub3A_92, %div3A_71 : i32
    %mul3A_94 = arith.constant 4 : i32
    %mul3A_95 = arith.muli %mul3A_94, %add3A : i32
    %add3A_96 = arith.constant 2 : i32
    %add3A_97 = arith.addi %mul3A_95, %add3A_96 : i32
    %jit3A_98 = arith.constant 16 : i32
    %eq3A_99 = arith.constant 0 : i32
    %eq3A_100 = arith.cmpi eq, %jit3A_98, %eq3A_99 : i32
    %jit3A_101 = arith.constant 1 : i32
    %select_n3A_102 = arith.select %eq3A_100, %jit3A_101, %jit3A_98 : i32
    %rem3A_103 = arith.remsi %add3A_97, %select_n3A_102 : i32
    %ne3A_104 = arith.constant 0 : i32
    %ne3A_105 = arith.cmpi ne, %rem3A_103, %ne3A_104 : i32
    %lt3A_106 = arith.constant 0 : i32
    %lt3A_107 = arith.cmpi slt, %rem3A_103, %lt3A_106 : i32
    %lt3A_108 = arith.constant 0 : i32
    %lt3A_109 = arith.cmpi slt, %select_n3A_102, %lt3A_108 : i32
    %ne3A_110 = arith.xori %lt3A_107, %lt3A_109 : i1
    %and3A_111 = arith.andi %ne3A_110, %ne3A_105 : i1
    %add3A_112 = arith.addi %rem3A_103, %select_n3A_102 : i32
    %select_n3A_113 = arith.select %and3A_111, %add3A_112, %rem3A_103 : i32
    %jit3A_114 = arith.constant 16 : i32
    %div3A_115 = arith.divsi %add3A_97, %jit3A_114 : i32
    %sign3A_116 = arith.constant 0 : i32
    %sign3A_117 = arith.cmpi sgt, %add3A_97, %sign3A_116 : i32
    %sign3A_118 = arith.extui %sign3A_117 : i1 to i32
    %sign3A_119 = arith.constant 0 : i32
    %sign3A_120 = arith.cmpi slt, %add3A_97, %sign3A_119 : i32
    %sign3A_121 = arith.extui %sign3A_120 : i1 to i32
    %sign3A_122 = arith.subi %sign3A_118, %sign3A_121 : i32
    %sign3A_123 = arith.constant 0 : i32
    %sign3A_124 = arith.cmpi sgt, %jit3A_114, %sign3A_123 : i32
    %sign3A_125 = arith.extui %sign3A_124 : i1 to i32
    %sign3A_126 = arith.constant 0 : i32
    %sign3A_127 = arith.cmpi slt, %jit3A_114, %sign3A_126 : i32
    %sign3A_128 = arith.extui %sign3A_127 : i1 to i32
    %sign3A_129 = arith.subi %sign3A_125, %sign3A_128 : i32
    %ne3A_130 = arith.cmpi ne, %sign3A_122, %sign3A_129 : i32
    %rem3A_131 = arith.remsi %add3A_97, %jit3A_114 : i32
    %ne3A_132 = arith.constant 0 : i32
    %ne3A_133 = arith.cmpi ne, %rem3A_131, %ne3A_132 : i32
    %and3A_134 = arith.andi %ne3A_130, %ne3A_133 : i1
    %sub3A_135 = arith.constant 1 : i32
    %sub3A_136 = arith.subi %div3A_115, %sub3A_135 : i32
    %select_n3A_137 = arith.select %and3A_134, %sub3A_136, %div3A_115 : i32
    %mul3A_138 = arith.constant 4 : i32
    %mul3A_139 = arith.muli %mul3A_138, %add3A : i32
    %add3A_140 = arith.constant 3 : i32
    %add3A_141 = arith.addi %mul3A_139, %add3A_140 : i32
    %jit3A_142 = arith.constant 16 : i32
    %eq3A_143 = arith.constant 0 : i32
    %eq3A_144 = arith.cmpi eq, %jit3A_142, %eq3A_143 : i32
    %jit3A_145 = arith.constant 1 : i32
    %select_n3A_146 = arith.select %eq3A_144, %jit3A_145, %jit3A_142 : i32
    %rem3A_147 = arith.remsi %add3A_141, %select_n3A_146 : i32
    %ne3A_148 = arith.constant 0 : i32
    %ne3A_149 = arith.cmpi ne, %rem3A_147, %ne3A_148 : i32
    %lt3A_150 = arith.constant 0 : i32
    %lt3A_151 = arith.cmpi slt, %rem3A_147, %lt3A_150 : i32
    %lt3A_152 = arith.constant 0 : i32
    %lt3A_153 = arith.cmpi slt, %select_n3A_146, %lt3A_152 : i32
    %ne3A_154 = arith.xori %lt3A_151, %lt3A_153 : i1
    %and3A_155 = arith.andi %ne3A_154, %ne3A_149 : i1
    %add3A_156 = arith.addi %rem3A_147, %select_n3A_146 : i32
    %select_n3A_157 = arith.select %and3A_155, %add3A_156, %rem3A_147 : i32
    %jit3A_158 = arith.constant 16 : i32
    %div3A_159 = arith.divsi %add3A_141, %jit3A_158 : i32
    %sign3A_160 = arith.constant 0 : i32
    %sign3A_161 = arith.cmpi sgt, %add3A_141, %sign3A_160 : i32
    %sign3A_162 = arith.extui %sign3A_161 : i1 to i32
    %sign3A_163 = arith.constant 0 : i32
    %sign3A_164 = arith.cmpi slt, %add3A_141, %sign3A_163 : i32
    %sign3A_165 = arith.extui %sign3A_164 : i1 to i32
    %sign3A_166 = arith.subi %sign3A_162, %sign3A_165 : i32
    %sign3A_167 = arith.constant 0 : i32
    %sign3A_168 = arith.cmpi sgt, %jit3A_158, %sign3A_167 : i32
    %sign3A_169 = arith.extui %sign3A_168 : i1 to i32
    %sign3A_170 = arith.constant 0 : i32
    %sign3A_171 = arith.cmpi slt, %jit3A_158, %sign3A_170 : i32
    %sign3A_172 = arith.extui %sign3A_171 : i1 to i32
    %sign3A_173 = arith.subi %sign3A_169, %sign3A_172 : i32
    %ne3A_174 = arith.cmpi ne, %sign3A_166, %sign3A_173 : i32
    %rem3A_175 = arith.remsi %add3A_141, %jit3A_158 : i32
    %ne3A_176 = arith.constant 0 : i32
    %ne3A_177 = arith.cmpi ne, %rem3A_175, %ne3A_176 : i32
    %and3A_178 = arith.andi %ne3A_174, %ne3A_177 : i1
    %sub3A_179 = arith.constant 1 : i32
    %sub3A_180 = arith.subi %div3A_159, %sub3A_179 : i32
    %select_n3A_181 = arith.select %and3A_178, %sub3A_180, %div3A_159 : i32
    %mul3A_182 = arith.constant 2 : i32
    %mul3A_183 = arith.muli %mul3A_182, %add3A : i32
    %add3A_184 = arith.constant 0 : i32
    %add3A_185 = arith.addi %mul3A_183, %add3A_184 : i32
    %jit3A_186 = arith.constant 10 : i32
    %eq3A_187 = arith.constant 0 : i32
    %eq3A_188 = arith.cmpi eq, %jit3A_186, %eq3A_187 : i32
    %jit3A_189 = arith.constant 1 : i32
    %select_n3A_190 = arith.select %eq3A_188, %jit3A_189, %jit3A_186 : i32
    %rem3A_191 = arith.remsi %add3A_185, %select_n3A_190 : i32
    %ne3A_192 = arith.constant 0 : i32
    %ne3A_193 = arith.cmpi ne, %rem3A_191, %ne3A_192 : i32
    %lt3A_194 = arith.constant 0 : i32
    %lt3A_195 = arith.cmpi slt, %rem3A_191, %lt3A_194 : i32
    %lt3A_196 = arith.constant 0 : i32
    %lt3A_197 = arith.cmpi slt, %select_n3A_190, %lt3A_196 : i32
    %ne3A_198 = arith.xori %lt3A_195, %lt3A_197 : i1
    %and3A_199 = arith.andi %ne3A_198, %ne3A_193 : i1
    %add3A_200 = arith.addi %rem3A_191, %select_n3A_190 : i32
    %select_n3A_201 = arith.select %and3A_199, %add3A_200, %rem3A_191 : i32
    %add3A_202 = arith.constant 16 : i32
    %add3A_203 = arith.addi %add3A_202, %select_n3A_201 : i32
    %jit3A_204 = arith.constant 10 : i32
    %div3A_205 = arith.divsi %add3A_185, %jit3A_204 : i32
    %sign3A_206 = arith.constant 0 : i32
    %sign3A_207 = arith.cmpi sgt, %add3A_185, %sign3A_206 : i32
    %sign3A_208 = arith.extui %sign3A_207 : i1 to i32
    %sign3A_209 = arith.constant 0 : i32
    %sign3A_210 = arith.cmpi slt, %add3A_185, %sign3A_209 : i32
    %sign3A_211 = arith.extui %sign3A_210 : i1 to i32
    %sign3A_212 = arith.subi %sign3A_208, %sign3A_211 : i32
    %sign3A_213 = arith.constant 0 : i32
    %sign3A_214 = arith.cmpi sgt, %jit3A_204, %sign3A_213 : i32
    %sign3A_215 = arith.extui %sign3A_214 : i1 to i32
    %sign3A_216 = arith.constant 0 : i32
    %sign3A_217 = arith.cmpi slt, %jit3A_204, %sign3A_216 : i32
    %sign3A_218 = arith.extui %sign3A_217 : i1 to i32
    %sign3A_219 = arith.subi %sign3A_215, %sign3A_218 : i32
    %ne3A_220 = arith.cmpi ne, %sign3A_212, %sign3A_219 : i32
    %rem3A_221 = arith.remsi %add3A_185, %jit3A_204 : i32
    %ne3A_222 = arith.constant 0 : i32
    %ne3A_223 = arith.cmpi ne, %rem3A_221, %ne3A_222 : i32
    %and3A_224 = arith.andi %ne3A_220, %ne3A_223 : i1
    %sub3A_225 = arith.constant 1 : i32
    %sub3A_226 = arith.subi %div3A_205, %sub3A_225 : i32
    %select_n3A_227 = arith.select %and3A_224, %sub3A_226, %div3A_205 : i32
    %mul3A_228 = arith.constant 2 : i32
    %mul3A_229 = arith.muli %mul3A_228, %add3A : i32
    %add3A_230 = arith.constant 1 : i32
    %add3A_231 = arith.addi %mul3A_229, %add3A_230 : i32
    %jit3A_232 = arith.constant 10 : i32
    %eq3A_233 = arith.constant 0 : i32
    %eq3A_234 = arith.cmpi eq, %jit3A_232, %eq3A_233 : i32
    %jit3A_235 = arith.constant 1 : i32
    %select_n3A_236 = arith.select %eq3A_234, %jit3A_235, %jit3A_232 : i32
    %rem3A_237 = arith.remsi %add3A_231, %select_n3A_236 : i32
    %ne3A_238 = arith.constant 0 : i32
    %ne3A_239 = arith.cmpi ne, %rem3A_237, %ne3A_238 : i32
    %lt3A_240 = arith.constant 0 : i32
    %lt3A_241 = arith.cmpi slt, %rem3A_237, %lt3A_240 : i32
    %lt3A_242 = arith.constant 0 : i32
    %lt3A_243 = arith.cmpi slt, %select_n3A_236, %lt3A_242 : i32
    %ne3A_244 = arith.xori %lt3A_241, %lt3A_243 : i1
    %and3A_245 = arith.andi %ne3A_244, %ne3A_239 : i1
    %add3A_246 = arith.addi %rem3A_237, %select_n3A_236 : i32
    %select_n3A_247 = arith.select %and3A_245, %add3A_246, %rem3A_237 : i32
    %add3A_248 = arith.constant 16 : i32
    %add3A_249 = arith.addi %add3A_248, %select_n3A_247 : i32
    %jit3A_250 = arith.constant 10 : i32
    %div3A_251 = arith.divsi %add3A_231, %jit3A_250 : i32
    %sign3A_252 = arith.constant 0 : i32
    %sign3A_253 = arith.cmpi sgt, %add3A_231, %sign3A_252 : i32
    %sign3A_254 = arith.extui %sign3A_253 : i1 to i32
    %sign3A_255 = arith.constant 0 : i32
    %sign3A_256 = arith.cmpi slt, %add3A_231, %sign3A_255 : i32
    %sign3A_257 = arith.extui %sign3A_256 : i1 to i32
    %sign3A_258 = arith.subi %sign3A_254, %sign3A_257 : i32
    %sign3A_259 = arith.constant 0 : i32
    %sign3A_260 = arith.cmpi sgt, %jit3A_250, %sign3A_259 : i32
    %sign3A_261 = arith.extui %sign3A_260 : i1 to i32
    %sign3A_262 = arith.constant 0 : i32
    %sign3A_263 = arith.cmpi slt, %jit3A_250, %sign3A_262 : i32
    %sign3A_264 = arith.extui %sign3A_263 : i1 to i32
    %sign3A_265 = arith.subi %sign3A_261, %sign3A_264 : i32
    %ne3A_266 = arith.cmpi ne, %sign3A_258, %sign3A_265 : i32
    %rem3A_267 = arith.remsi %add3A_231, %jit3A_250 : i32
    %ne3A_268 = arith.constant 0 : i32
    %ne3A_269 = arith.cmpi ne, %rem3A_267, %ne3A_268 : i32
    %and3A_270 = arith.andi %ne3A_266, %ne3A_269 : i1
    %sub3A_271 = arith.constant 1 : i32
    %sub3A_272 = arith.subi %div3A_251, %sub3A_271 : i32
    %select_n3A_273 = arith.select %and3A_270, %sub3A_272, %div3A_251 : i32
    %add3A_274 = arith.constant 64 : i32
    %add3A_275 = arith.addi %add3A_274, %add3A : i32
    %jit3A_276 = arith.constant 10 : i32
    %eq3A_277 = arith.constant 0 : i32
    %eq3A_278 = arith.cmpi eq, %jit3A_276, %eq3A_277 : i32
    %jit3A_279 = arith.constant 1 : i32
    %select_n3A_280 = arith.select %eq3A_278, %jit3A_279, %jit3A_276 : i32
    %rem3A_281 = arith.remsi %add3A_275, %select_n3A_280 : i32
    %ne3A_282 = arith.constant 0 : i32
    %ne3A_283 = arith.cmpi ne, %rem3A_281, %ne3A_282 : i32
    %lt3A_284 = arith.constant 0 : i32
    %lt3A_285 = arith.cmpi slt, %rem3A_281, %lt3A_284 : i32
    %lt3A_286 = arith.constant 0 : i32
    %lt3A_287 = arith.cmpi slt, %select_n3A_280, %lt3A_286 : i32
    %ne3A_288 = arith.xori %lt3A_285, %lt3A_287 : i1
    %and3A_289 = arith.andi %ne3A_288, %ne3A_283 : i1
    %add3A_290 = arith.addi %rem3A_281, %select_n3A_280 : i32
    %select_n3A_291 = arith.select %and3A_289, %add3A_290, %rem3A_281 : i32
    %add3A_292 = arith.constant 16 : i32
    %add3A_293 = arith.addi %add3A_292, %select_n3A_291 : i32
    %jit3A_294 = arith.constant 10 : i32
    %div3A_295 = arith.divsi %add3A_275, %jit3A_294 : i32
    %sign3A_296 = arith.constant 0 : i32
    %sign3A_297 = arith.cmpi sgt, %add3A_275, %sign3A_296 : i32
    %sign3A_298 = arith.extui %sign3A_297 : i1 to i32
    %sign3A_299 = arith.constant 0 : i32
    %sign3A_300 = arith.cmpi slt, %add3A_275, %sign3A_299 : i32
    %sign3A_301 = arith.extui %sign3A_300 : i1 to i32
    %sign3A_302 = arith.subi %sign3A_298, %sign3A_301 : i32
    %sign3A_303 = arith.constant 0 : i32
    %sign3A_304 = arith.cmpi sgt, %jit3A_294, %sign3A_303 : i32
    %sign3A_305 = arith.extui %sign3A_304 : i1 to i32
    %sign3A_306 = arith.constant 0 : i32
    %sign3A_307 = arith.cmpi slt, %jit3A_294, %sign3A_306 : i32
    %sign3A_308 = arith.extui %sign3A_307 : i1 to i32
    %sign3A_309 = arith.subi %sign3A_305, %sign3A_308 : i32
    %ne3A_310 = arith.cmpi ne, %sign3A_302, %sign3A_309 : i32
    %rem3A_311 = arith.remsi %add3A_275, %jit3A_294 : i32
    %ne3A_312 = arith.constant 0 : i32
    %ne3A_313 = arith.cmpi ne, %rem3A_311, %ne3A_312 : i32
    %and3A_314 = arith.andi %ne3A_310, %ne3A_313 : i1
    %sub3A_315 = arith.constant 1 : i32
    %sub3A_316 = arith.subi %div3A_295, %sub3A_315 : i32
    %select_n3A_317 = arith.select %and3A_314, %sub3A_316, %div3A_295 : i32
    %min3A = arith.constant 7 : i32
    %min3A_318 = arith.minsi %select_n3A_317, %min3A : i32
    %dma_start3A = arith.constant 0 : i32
    %dma_start3A_319 = arith.constant 0 : i32
    %dma_start3A_320 = arith.constant 0 : i32
    %dma_start3A_321 = tpu.memref_slice %arg2[%select_n3A_28, %dma_start3A, %dma_start3A_319, %dma_start3A_320] : memref<26x8x8x128xf32, #tpu.memory_space<hbm>> -> memref<1x8x8x128xf32, #tpu.memory_space<hbm>>
    %dma_start3A_322 = tpu.memref_squeeze %dma_start3A_321 : memref<1x8x8x128xf32, #tpu.memory_space<hbm>> -> memref<8x8x128xf32, #tpu.memory_space<hbm>>
    %dma_start3A_323 = arith.constant 0 : i32
    %dma_start3A_324 = arith.constant 0 : i32
    %dma_start3A_325 = arith.constant 0 : i32
    %dma_start3A_326 = tpu.memref_slice %arg2[%select_n3A_28, %dma_start3A_323, %dma_start3A_324, %dma_start3A_325] : memref<26x8x8x128xf32, #tpu.memory_space<hbm>> -> memref<1x8x8x128xf32, #tpu.memory_space<hbm>>
    %dma_start3A_327 = tpu.memref_squeeze %dma_start3A_326 : memref<1x8x8x128xf32, #tpu.memory_space<hbm>> -> memref<8x8x128xf32, #tpu.memory_space<hbm>>
    tpu.enqueue_dma source(%dma_start3A_327 : memref<8x8x128xf32, #tpu.memory_space<hbm>>) target(%arg6 : memref<8x8x128xf32, #tpu.memory_space<vmem>>) target_semaphore(%arg12 : memref<!tpu.dma_semaphore, #tpu.memory_space<semaphore_mem>>)
    %mul3A_328 = arith.constant 16 : i32
    %mul3A_329 = arith.muli %select_n3A_49, %mul3A_328 : i32
    %multiple_of3A = tpu.assume_multiple %mul3A_329, 8 : i32
    %dma_start3A_330 = arith.constant 0 : i32
    %dma_start3A_331 = tpu.memref_slice %arg3[%select_n3A_28, %multiple_of3A, %dma_start3A_330] : memref<26x128x128xi32, #tpu.memory_space<hbm>> -> memref<1x16x128xi32, #tpu.memory_space<hbm>>
    %dma_start3A_332 = tpu.memref_squeeze %dma_start3A_331 : memref<1x16x128xi32, #tpu.memory_space<hbm>> -> memref<16x128xi32, #tpu.memory_space<hbm>>
    %dma_start3A_333 = arith.constant 0 : i32
    %dma_start3A_334 = tpu.memref_slice %arg3[%select_n3A_28, %multiple_of3A, %dma_start3A_333] : memref<26x128x128xi32, #tpu.memory_space<hbm>> -> memref<1x16x128xi32, #tpu.memory_space<hbm>>
    %dma_start3A_335 = tpu.memref_squeeze %dma_start3A_334 : memref<1x16x128xi32, #tpu.memory_space<hbm>> -> memref<16x128xi32, #tpu.memory_space<hbm>>
    tpu.enqueue_dma source(%dma_start3A_335 : memref<16x128xi32, #tpu.memory_space<hbm>>) target(%arg8 : memref<16x128xi32, #tpu.memory_space<vmem>>) target_semaphore(%arg12 : memref<!tpu.dma_semaphore, #tpu.memory_space<semaphore_mem>>)
    %dma_start3A_336 = arith.constant 0 : i32
    %dma_start3A_337 = arith.constant 0 : i32
    %dma_start3A_338 = arith.constant 0 : i32
    %dma_start3A_339 = tpu.memref_slice %arg2[%select_n3A_69, %dma_start3A_336, %dma_start3A_337, %dma_start3A_338] : memref<26x8x8x128xf32, #tpu.memory_space<hbm>> -> memref<1x8x8x128xf32, #tpu.memory_space<hbm>>
    %dma_start3A_340 = tpu.memref_squeeze %dma_start3A_339 : memref<1x8x8x128xf32, #tpu.memory_space<hbm>> -> memref<8x8x128xf32, #tpu.memory_space<hbm>>
    %dma_start3A_341 = arith.constant 0 : i32
    %dma_start3A_342 = arith.constant 0 : i32
    %dma_start3A_343 = arith.constant 0 : i32
    %dma_start3A_344 = tpu.memref_slice %arg2[%select_n3A_69, %dma_start3A_341, %dma_start3A_342, %dma_start3A_343] : memref<26x8x8x128xf32, #tpu.memory_space<hbm>> -> memref<1x8x8x128xf32, #tpu.memory_space<hbm>>
    %dma_start3A_345 = tpu.memref_squeeze %dma_start3A_344 : memref<1x8x8x128xf32, #tpu.memory_space<hbm>> -> memref<8x8x128xf32, #tpu.memory_space<hbm>>
    tpu.enqueue_dma source(%dma_start3A_345 : memref<8x8x128xf32, #tpu.memory_space<hbm>>) target(%arg7 : memref<8x8x128xf32, #tpu.memory_space<vmem>>) target_semaphore(%arg13 : memref<!tpu.dma_semaphore, #tpu.memory_space<semaphore_mem>>)
    %mul3A_346 = arith.constant 16 : i32
    %mul3A_347 = arith.muli %select_n3A_93, %mul3A_346 : i32
    %multiple_of3A_348 = tpu.assume_multiple %mul3A_347, 8 : i32
    %dma_start3A_349 = arith.constant 0 : i32
    %dma_start3A_350 = tpu.memref_slice %arg3[%select_n3A_69, %multiple_of3A_348, %dma_start3A_349] : memref<26x128x128xi32, #tpu.memory_space<hbm>> -> memref<1x16x128xi32, #tpu.memory_space<hbm>>
    %dma_start3A_351 = tpu.memref_squeeze %dma_start3A_350 : memref<1x16x128xi32, #tpu.memory_space<hbm>> -> memref<16x128xi32, #tpu.memory_space<hbm>>
    %dma_start3A_352 = arith.constant 0 : i32
    %dma_start3A_353 = tpu.memref_slice %arg3[%select_n3A_69, %multiple_of3A_348, %dma_start3A_352] : memref<26x128x128xi32, #tpu.memory_space<hbm>> -> memref<1x16x128xi32, #tpu.memory_space<hbm>>
    %dma_start3A_354 = tpu.memref_squeeze %dma_start3A_353 : memref<1x16x128xi32, #tpu.memory_space<hbm>> -> memref<16x128xi32, #tpu.memory_space<hbm>>
    tpu.enqueue_dma source(%dma_start3A_354 : memref<16x128xi32, #tpu.memory_space<hbm>>) target(%arg9 : memref<16x128xi32, #tpu.memory_space<vmem>>) target_semaphore(%arg13 : memref<!tpu.dma_semaphore, #tpu.memory_space<semaphore_mem>>)
    %dma_wait3A = arith.constant 0 : i32
    %dma_wait3A_355 = arith.constant 0 : i32
    %dma_wait3A_356 = arith.constant 0 : i32
    %dma_wait3A_357 = tpu.memref_slice %arg2[%select_n3A_28, %dma_wait3A, %dma_wait3A_355, %dma_wait3A_356] : memref<26x8x8x128xf32, #tpu.memory_space<hbm>> -> memref<1x8x8x128xf32, #tpu.memory_space<hbm>>
    %dma_wait3A_358 = tpu.memref_squeeze %dma_wait3A_357 : memref<1x8x8x128xf32, #tpu.memory_space<hbm>> -> memref<8x8x128xf32, #tpu.memory_space<hbm>>
    %dma_wait3A_359 = arith.constant 0 : i32
    %dma_wait3A_360 = arith.constant 0 : i32
    %dma_wait3A_361 = arith.constant 0 : i32
    %dma_wait3A_362 = tpu.memref_slice %arg2[%select_n3A_28, %dma_wait3A_359, %dma_wait3A_360, %dma_wait3A_361] : memref<26x8x8x128xf32, #tpu.memory_space<hbm>> -> memref<1x8x8x128xf32, #tpu.memory_space<hbm>>
    %dma_wait3A_363 = tpu.memref_squeeze %dma_wait3A_362 : memref<1x8x8x128xf32, #tpu.memory_space<hbm>> -> memref<8x8x128xf32, #tpu.memory_space<hbm>>
    tpu.wait_dma2 semaphore(%arg12 : memref<!tpu.dma_semaphore, #tpu.memory_space<semaphore_mem>>) src(%dma_wait3A_363 : memref<8x8x128xf32, #tpu.memory_space<hbm>>) dst(%arg6 : memref<8x8x128xf32, #tpu.memory_space<vmem>>)
    %dma_wait3A_364 = arith.constant 0 : i32
    %dma_wait3A_365 = tpu.memref_slice %arg3[%select_n3A_28, %multiple_of3A, %dma_wait3A_364] : memref<26x128x128xi32, #tpu.memory_space<hbm>> -> memref<1x16x128xi32, #tpu.memory_space<hbm>>
    %dma_wait3A_366 = tpu.memref_squeeze %dma_wait3A_365 : memref<1x16x128xi32, #tpu.memory_space<hbm>> -> memref<16x128xi32, #tpu.memory_space<hbm>>
    %dma_wait3A_367 = arith.constant 0 : i32
    %dma_wait3A_368 = tpu.memref_slice %arg3[%select_n3A_28, %multiple_of3A, %dma_wait3A_367] : memref<26x128x128xi32, #tpu.memory_space<hbm>> -> memref<1x16x128xi32, #tpu.memory_space<hbm>>
    %dma_wait3A_369 = tpu.memref_squeeze %dma_wait3A_368 : memref<1x16x128xi32, #tpu.memory_space<hbm>> -> memref<16x128xi32, #tpu.memory_space<hbm>>
    tpu.wait_dma2 semaphore(%arg12 : memref<!tpu.dma_semaphore, #tpu.memory_space<semaphore_mem>>) src(%dma_wait3A_369 : memref<16x128xi32, #tpu.memory_space<hbm>>) dst(%arg8 : memref<16x128xi32, #tpu.memory_space<vmem>>)
    %parallel_loop3A = arith.constant 0 : i32
    %parallel_loop3A_370 = arith.constant 128 : i32
    %parallel_loop3A_371 = arith.constant 1 : i32
    scf.for %parallel_loop3A_761 = %parallel_loop3A to %parallel_loop3A_370 step %parallel_loop3A_371  : i32 {
      %parallel_loop3A_762 = arith.constant 8 : i32
      %parallel_loop3A_763 = arith.divsi %parallel_loop3A_761, %parallel_loop3A_762 : i32
      %parallel_loop3A_764 = arith.constant 0 : i32
      %parallel_loop3A_765 = arith.cmpi sgt, %parallel_loop3A_761, %parallel_loop3A_764 : i32
      %parallel_loop3A_766 = arith.extui %parallel_loop3A_765 : i1 to i32
      %parallel_loop3A_767 = arith.constant 0 : i32
      %parallel_loop3A_768 = arith.cmpi slt, %parallel_loop3A_761, %parallel_loop3A_767 : i32
      %parallel_loop3A_769 = arith.extui %parallel_loop3A_768 : i1 to i32
      %parallel_loop3A_770 = arith.subi %parallel_loop3A_766, %parallel_loop3A_769 : i32
      %parallel_loop3A_771 = arith.constant 0 : i32
      %parallel_loop3A_772 = arith.cmpi sgt, %parallel_loop3A_762, %parallel_loop3A_771 : i32
      %parallel_loop3A_773 = arith.extui %parallel_loop3A_772 : i1 to i32
      %parallel_loop3A_774 = arith.constant 0 : i32
      %parallel_loop3A_775 = arith.cmpi slt, %parallel_loop3A_762, %parallel_loop3A_774 : i32
      %parallel_loop3A_776 = arith.extui %parallel_loop3A_775 : i1 to i32
      %parallel_loop3A_777 = arith.subi %parallel_loop3A_773, %parallel_loop3A_776 : i32
      %parallel_loop3A_778 = arith.cmpi ne, %parallel_loop3A_770, %parallel_loop3A_777 : i32
      %parallel_loop3A_779 = arith.remsi %parallel_loop3A_761, %parallel_loop3A_762 : i32
      %parallel_loop3A_780 = arith.constant 0 : i32
      %parallel_loop3A_781 = arith.cmpi ne, %parallel_loop3A_779, %parallel_loop3A_780 : i32
      %parallel_loop3A_782 = arith.andi %parallel_loop3A_778, %parallel_loop3A_781 : i1
      %parallel_loop3A_783 = arith.constant 1 : i32
      %parallel_loop3A_784 = arith.subi %parallel_loop3A_763, %parallel_loop3A_783 : i32
      %parallel_loop3A_785 = arith.select %parallel_loop3A_782, %parallel_loop3A_784, %parallel_loop3A_763 : i32
      %parallel_loop3A_786 = arith.constant 8 : i32
      %parallel_loop3A_787 = arith.constant 0 : i32
      %parallel_loop3A_788 = arith.cmpi eq, %parallel_loop3A_786, %parallel_loop3A_787 : i32
      %parallel_loop3A_789 = arith.constant 1 : i32
      %parallel_loop3A_790 = arith.select %parallel_loop3A_788, %parallel_loop3A_789, %parallel_loop3A_786 : i32
      %parallel_loop3A_791 = arith.remsi %parallel_loop3A_761, %parallel_loop3A_790 : i32
      %parallel_loop3A_792 = arith.constant 0 : i32
      %parallel_loop3A_793 = arith.cmpi ne, %parallel_loop3A_791, %parallel_loop3A_792 : i32
      %parallel_loop3A_794 = arith.constant 0 : i32
      %parallel_loop3A_795 = arith.cmpi slt, %parallel_loop3A_791, %parallel_loop3A_794 : i32
      %parallel_loop3A_796 = arith.constant 0 : i32
      %parallel_loop3A_797 = arith.cmpi slt, %parallel_loop3A_790, %parallel_loop3A_796 : i32
      %parallel_loop3A_798 = arith.xori %parallel_loop3A_795, %parallel_loop3A_797 : i1
      %parallel_loop3A_799 = arith.andi %parallel_loop3A_798, %parallel_loop3A_793 : i1
      %parallel_loop3A_800 = arith.addi %parallel_loop3A_791, %parallel_loop3A_790 : i32
      %parallel_loop3A_801 = arith.select %parallel_loop3A_799, %parallel_loop3A_800, %parallel_loop3A_791 : i32
      %parallel_loop3A_802 = arith.constant 16 : i32
      %parallel_loop3A_803 = arith.muli %parallel_loop3A_801, %parallel_loop3A_802 : i32
      %parallel_loop3A_804 = arith.index_cast %parallel_loop3A_785 : i32 to index
      %parallel_loop3A_805 = arith.index_cast %parallel_loop3A_803 : i32 to index
      %parallel_loop3A_806 = tpu.vector_load %arg8[%parallel_loop3A_804, %parallel_loop3A_805] {strides = array<i32>} : memref<16x128xi32, #tpu.memory_space<vmem>>, vector<16xi32>,
      %parallel_loop3A_807 = arith.constant 7 : i32
      %parallel_loop3A_808 = vector.broadcast %parallel_loop3A_807 : i32 to vector<16xi32>
      %parallel_loop3A_809 = arith.shrui %parallel_loop3A_806, %parallel_loop3A_808 : vector<16xi32>
      %parallel_loop3A_810 = arith.constant 127 : i32
      %parallel_loop3A_811 = vector.broadcast %parallel_loop3A_810 : i32 to vector<16xi32>
      %parallel_loop3A_812 = arith.andi %parallel_loop3A_806, %parallel_loop3A_811 : vector<16xi32>
      %parallel_loop3A_813 = tpu.vector_load_idx %arg6[%broadcast_in_dim3A_1, %parallel_loop3A_809, %parallel_loop3A_812] : memref<8x8x128xf32, #tpu.memory_space<vmem>>[vector<16xi32>, vector<16xi32>, vector<16xi32>], vector<16xf32>,
      %parallel_loop3A_814 = tpu.vector_load_idx %arg6[%broadcast_in_dim3A_3, %parallel_loop3A_809, %parallel_loop3A_812] : memref<8x8x128xf32, #tpu.memory_space<vmem>>[vector<16xi32>, vector<16xi32>, vector<16xi32>], vector<16xf32>,
      %parallel_loop3A_815 = tpu.vector_load_idx %arg6[%broadcast_in_dim3A_5, %parallel_loop3A_809, %parallel_loop3A_812] : memref<8x8x128xf32, #tpu.memory_space<vmem>>[vector<16xi32>, vector<16xi32>, vector<16xi32>], vector<16xf32>,
      %parallel_loop3A_816 = tpu.vector_load_idx %arg6[%broadcast_in_dim3A_7, %parallel_loop3A_809, %parallel_loop3A_812] : memref<8x8x128xf32, #tpu.memory_space<vmem>>[vector<16xi32>, vector<16xi32>, vector<16xi32>], vector<16xf32>,
      %parallel_loop3A_817 = tpu.vector_load_idx %arg6[%broadcast_in_dim3A_9, %parallel_loop3A_809, %parallel_loop3A_812] : memref<8x8x128xf32, #tpu.memory_space<vmem>>[vector<16xi32>, vector<16xi32>, vector<16xi32>], vector<16xf32>,
      %parallel_loop3A_818 = tpu.vector_load_idx %arg6[%broadcast_in_dim3A_11, %parallel_loop3A_809, %parallel_loop3A_812] : memref<8x8x128xf32, #tpu.memory_space<vmem>>[vector<16xi32>, vector<16xi32>, vector<16xi32>], vector<16xf32>,
      %parallel_loop3A_819 = tpu.vector_load_idx %arg6[%broadcast_in_dim3A_13, %parallel_loop3A_809, %parallel_loop3A_812] : memref<8x8x128xf32, #tpu.memory_space<vmem>>[vector<16xi32>, vector<16xi32>, vector<16xi32>], vector<16xf32>,
      %parallel_loop3A_820 = tpu.vector_load_idx %arg6[%broadcast_in_dim3A_15, %parallel_loop3A_809, %parallel_loop3A_812] : memref<8x8x128xf32, #tpu.memory_space<vmem>>[vector<16xi32>, vector<16xi32>, vector<16xi32>], vector<16xf32>,
      %parallel_loop3A_821 = arith.constant 0 : i32
      %parallel_loop3A_822 = arith.index_cast %parallel_loop3A_821 : i32 to index
      %parallel_loop3A_823 = arith.index_cast %parallel_loop3A_785 : i32 to index
      %parallel_loop3A_824 = arith.index_cast %parallel_loop3A_803 : i32 to index
      %parallel_loop3A_825 = tpu.vector_load %arg10[%parallel_loop3A_822, %parallel_loop3A_823, %parallel_loop3A_824] {strides = array<i32>} : memref<8x16x128xf32, #tpu.memory_space<vmem>>, vector<16xf32>,
      tpu.vector_store %arg10[%parallel_loop3A_822, %parallel_loop3A_823, %parallel_loop3A_824], %parallel_loop3A_813 {strides = array<i32>} : memref<8x16x128xf32, #tpu.memory_space<vmem>>, vector<16xf32>,
      %parallel_loop3A_826 = arith.constant 1 : i32
      %parallel_loop3A_827 = arith.index_cast %parallel_loop3A_826 : i32 to index
      %parallel_loop3A_828 = arith.index_cast %parallel_loop3A_785 : i32 to index
      %parallel_loop3A_829 = arith.index_cast %parallel_loop3A_803 : i32 to index
      %parallel_loop3A_830 = tpu.vector_load %arg10[%parallel_loop3A_827, %parallel_loop3A_828, %parallel_loop3A_829] {strides = array<i32>} : memref<8x16x128xf32, #tpu.memory_space<vmem>>, vector<16xf32>,
      tpu.vector_store %arg10[%parallel_loop3A_827, %parallel_loop3A_828, %parallel_loop3A_829], %parallel_loop3A_814 {strides = array<i32>} : memref<8x16x128xf32, #tpu.memory_space<vmem>>, vector<16xf32>,
      %parallel_loop3A_831 = arith.constant 2 : i32
      %parallel_loop3A_832 = arith.index_cast %parallel_loop3A_831 : i32 to index
      %parallel_loop3A_833 = arith.index_cast %parallel_loop3A_785 : i32 to index
      %parallel_loop3A_834 = arith.index_cast %parallel_loop3A_803 : i32 to index
      %parallel_loop3A_835 = tpu.vector_load %arg10[%parallel_loop3A_832, %parallel_loop3A_833, %parallel_loop3A_834] {strides = array<i32>} : memref<8x16x128xf32, #tpu.memory_space<vmem>>, vector<16xf32>,
      tpu.vector_store %arg10[%parallel_loop3A_832, %parallel_loop3A_833, %parallel_loop3A_834], %parallel_loop3A_815 {strides = array<i32>} : memref<8x16x128xf32, #tpu.memory_space<vmem>>, vector<16xf32>,
      %parallel_loop3A_836 = arith.constant 3 : i32
      %parallel_loop3A_837 = arith.index_cast %parallel_loop3A_836 : i32 to index
      %parallel_loop3A_838 = arith.index_cast %parallel_loop3A_785 : i32 to index
      %parallel_loop3A_839 = arith.index_cast %parallel_loop3A_803 : i32 to index
      %parallel_loop3A_840 = tpu.vector_load %arg10[%parallel_loop3A_837, %parallel_loop3A_838, %parallel_loop3A_839] {strides = array<i32>} : memref<8x16x128xf32, #tpu.memory_space<vmem>>, vector<16xf32>,
      tpu.vector_store %arg10[%parallel_loop3A_837, %parallel_loop3A_838, %parallel_loop3A_839], %parallel_loop3A_816 {strides = array<i32>} : memref<8x16x128xf32, #tpu.memory_space<vmem>>, vector<16xf32>,
      %parallel_loop3A_841 = arith.constant 4 : i32
      %parallel_loop3A_842 = arith.index_cast %parallel_loop3A_841 : i32 to index
      %parallel_loop3A_843 = arith.index_cast %parallel_loop3A_785 : i32 to index
      %parallel_loop3A_844 = arith.index_cast %parallel_loop3A_803 : i32 to index
      %parallel_loop3A_845 = tpu.vector_load %arg10[%parallel_loop3A_842, %parallel_loop3A_843, %parallel_loop3A_844] {strides = array<i32>} : memref<8x16x128xf32, #tpu.memory_space<vmem>>, vector<16xf32>,
      tpu.vector_store %arg10[%parallel_loop3A_842, %parallel_loop3A_843, %parallel_loop3A_844], %parallel_loop3A_817 {strides = array<i32>} : memref<8x16x128xf32, #tpu.memory_space<vmem>>, vector<16xf32>,
      %parallel_loop3A_846 = arith.constant 5 : i32
      %parallel_loop3A_847 = arith.index_cast %parallel_loop3A_846 : i32 to index
      %parallel_loop3A_848 = arith.index_cast %parallel_loop3A_785 : i32 to index
      %parallel_loop3A_849 = arith.index_cast %parallel_loop3A_803 : i32 to index
      %parallel_loop3A_850 = tpu.vector_load %arg10[%parallel_loop3A_847, %parallel_loop3A_848, %parallel_loop3A_849] {strides = array<i32>} : memref<8x16x128xf32, #tpu.memory_space<vmem>>, vector<16xf32>,
      tpu.vector_store %arg10[%parallel_loop3A_847, %parallel_loop3A_848, %parallel_loop3A_849], %parallel_loop3A_818 {strides = array<i32>} : memref<8x16x128xf32, #tpu.memory_space<vmem>>, vector<16xf32>,
      %parallel_loop3A_851 = arith.constant 6 : i32
      %parallel_loop3A_852 = arith.index_cast %parallel_loop3A_851 : i32 to index
      %parallel_loop3A_853 = arith.index_cast %parallel_loop3A_785 : i32 to index
      %parallel_loop3A_854 = arith.index_cast %parallel_loop3A_803 : i32 to index
      %parallel_loop3A_855 = tpu.vector_load %arg10[%parallel_loop3A_852, %parallel_loop3A_853, %parallel_loop3A_854] {strides = array<i32>} : memref<8x16x128xf32, #tpu.memory_space<vmem>>, vector<16xf32>,
      tpu.vector_store %arg10[%parallel_loop3A_852, %parallel_loop3A_853, %parallel_loop3A_854], %parallel_loop3A_819 {strides = array<i32>} : memref<8x16x128xf32, #tpu.memory_space<vmem>>, vector<16xf32>,
      %parallel_loop3A_856 = arith.constant 7 : i32
      %parallel_loop3A_857 = arith.index_cast %parallel_loop3A_856 : i32 to index
      %parallel_loop3A_858 = arith.index_cast %parallel_loop3A_785 : i32 to index
      %parallel_loop3A_859 = arith.index_cast %parallel_loop3A_803 : i32 to index
      %parallel_loop3A_860 = tpu.vector_load %arg10[%parallel_loop3A_857, %parallel_loop3A_858, %parallel_loop3A_859] {strides = array<i32>} : memref<8x16x128xf32, #tpu.memory_space<vmem>>, vector<16xf32>,
      tpu.vector_store %arg10[%parallel_loop3A_857, %parallel_loop3A_858, %parallel_loop3A_859], %parallel_loop3A_820 {strides = array<i32>} : memref<8x16x128xf32, #tpu.memory_space<vmem>>, vector<16xf32>,
    } {sc.loop_unroll_factor = 4 : i64, sc.parallel_access}
    %jit3A_372 = arith.constant 16 : i32
    %eq3A_373 = arith.constant 0 : i32
    %eq3A_374 = arith.cmpi eq, %jit3A_372, %eq3A_373 : i32
    %jit3A_375 = arith.constant 1 : i32
    %select_n3A_376 = arith.select %eq3A_374, %jit3A_375, %jit3A_372 : i32
    %rem3A_377 = arith.remsi %select_n3A_28, %select_n3A_376 : i32
    %ne3A_378 = arith.constant 0 : i32
    %ne3A_379 = arith.cmpi ne, %rem3A_377, %ne3A_378 : i32
    %lt3A_380 = arith.constant 0 : i32
    %lt3A_381 = arith.cmpi slt, %rem3A_377, %lt3A_380 : i32
    %lt3A_382 = arith.constant 0 : i32
    %lt3A_383 = arith.cmpi slt, %select_n3A_376, %lt3A_382 : i32
    %ne3A_384 = arith.xori %lt3A_381, %lt3A_383 : i1
    %and3A_385 = arith.andi %ne3A_384, %ne3A_379 : i1
    %add3A_386 = arith.addi %rem3A_377, %select_n3A_376 : i32
    %select_n3A_387 = arith.select %and3A_385, %add3A_386, %rem3A_377 : i32
    %mul3A_388 = arith.constant 8 : i32
    %mul3A_389 = arith.muli %select_n3A_387, %mul3A_388 : i32
    %multiple_of3A_390 = tpu.assume_multiple %mul3A_389, 8 : i32
    %mul3A_391 = arith.constant 16 : i32
    %mul3A_392 = arith.muli %select_n3A_49, %mul3A_391 : i32
    %multiple_of3A_393 = tpu.assume_multiple %mul3A_392, 8 : i32
    %dma_start3A_394 = arith.constant 0 : i32
    %dma_start3A_395 = tpu.memref_slice %arg4[%multiple_of3A_390, %multiple_of3A_393, %dma_start3A_394] : memref<128x128x128xf32, #tpu.memory_space<hbm>> -> memref<8x16x128xf32, #tpu.memory_space<hbm>>
    %dma_start3A_396 = arith.constant 0 : i32
    %dma_start3A_397 = tpu.memref_slice %arg4[%multiple_of3A_390, %multiple_of3A_393, %dma_start3A_396] : memref<128x128x128xf32, #tpu.memory_space<hbm>> -> memref<8x16x128xf32, #tpu.memory_space<hbm>>
    tpu.enqueue_dma source(%arg10 : memref<8x16x128xf32, #tpu.memory_space<vmem>>) target(%dma_start3A_397 : memref<8x16x128xf32, #tpu.memory_space<hbm>>) target_semaphore(%arg14 : memref<!tpu.dma_semaphore, #tpu.memory_space<semaphore_mem>>)
    %dma_start3A_398 = arith.constant 0 : i32
    %dma_start3A_399 = arith.constant 0 : i32
    %dma_start3A_400 = arith.constant 0 : i32
    %dma_start3A_401 = tpu.memref_slice %arg2[%select_n3A_113, %dma_start3A_398, %dma_start3A_399, %dma_start3A_400] : memref<26x8x8x128xf32, #tpu.memory_space<hbm>> -> memref<1x8x8x128xf32, #tpu.memory_space<hbm>>
    %dma_start3A_402 = tpu.memref_squeeze %dma_start3A_401 : memref<1x8x8x128xf32, #tpu.memory_space<hbm>> -> memref<8x8x128xf32, #tpu.memory_space<hbm>>
    %dma_start3A_403 = arith.constant 0 : i32
    %dma_start3A_404 = arith.constant 0 : i32
    %dma_start3A_405 = arith.constant 0 : i32
    %dma_start3A_406 = tpu.memref_slice %arg2[%select_n3A_113, %dma_start3A_403, %dma_start3A_404, %dma_start3A_405] : memref<26x8x8x128xf32, #tpu.memory_space<hbm>> -> memref<1x8x8x128xf32, #tpu.memory_space<hbm>>
    %dma_start3A_407 = tpu.memref_squeeze %dma_start3A_406 : memref<1x8x8x128xf32, #tpu.memory_space<hbm>> -> memref<8x8x128xf32, #tpu.memory_space<hbm>>
    tpu.enqueue_dma source(%dma_start3A_407 : memref<8x8x128xf32, #tpu.memory_space<hbm>>) target(%arg6 : memref<8x8x128xf32, #tpu.memory_space<vmem>>) target_semaphore(%arg12 : memref<!tpu.dma_semaphore, #tpu.memory_space<semaphore_mem>>)
    %mul3A_408 = arith.constant 16 : i32
    %mul3A_409 = arith.muli %select_n3A_137, %mul3A_408 : i32
    %multiple_of3A_410 = tpu.assume_multiple %mul3A_409, 8 : i32
    %dma_start3A_411 = arith.constant 0 : i32
    %dma_start3A_412 = tpu.memref_slice %arg3[%select_n3A_113, %multiple_of3A_410, %dma_start3A_411] : memref<26x128x128xi32, #tpu.memory_space<hbm>> -> memref<1x16x128xi32, #tpu.memory_space<hbm>>
    %dma_start3A_413 = tpu.memref_squeeze %dma_start3A_412 : memref<1x16x128xi32, #tpu.memory_space<hbm>> -> memref<16x128xi32, #tpu.memory_space<hbm>>
    %dma_start3A_414 = arith.constant 0 : i32
    %dma_start3A_415 = tpu.memref_slice %arg3[%select_n3A_113, %multiple_of3A_410, %dma_start3A_414] : memref<26x128x128xi32, #tpu.memory_space<hbm>> -> memref<1x16x128xi32, #tpu.memory_space<hbm>>
    %dma_start3A_416 = tpu.memref_squeeze %dma_start3A_415 : memref<1x16x128xi32, #tpu.memory_space<hbm>> -> memref<16x128xi32, #tpu.memory_space<hbm>>
    tpu.enqueue_dma source(%dma_start3A_416 : memref<16x128xi32, #tpu.memory_space<hbm>>) target(%arg8 : memref<16x128xi32, #tpu.memory_space<vmem>>) target_semaphore(%arg12 : memref<!tpu.dma_semaphore, #tpu.memory_space<semaphore_mem>>)
    %dma_wait3A_417 = arith.constant 0 : i32
    %dma_wait3A_418 = arith.constant 0 : i32
    %dma_wait3A_419 = arith.constant 0 : i32
    %dma_wait3A_420 = tpu.memref_slice %arg2[%select_n3A_69, %dma_wait3A_417, %dma_wait3A_418, %dma_wait3A_419] : memref<26x8x8x128xf32, #tpu.memory_space<hbm>> -> memref<1x8x8x128xf32, #tpu.memory_space<hbm>>
    %dma_wait3A_421 = tpu.memref_squeeze %dma_wait3A_420 : memref<1x8x8x128xf32, #tpu.memory_space<hbm>> -> memref<8x8x128xf32, #tpu.memory_space<hbm>>
    %dma_wait3A_422 = arith.constant 0 : i32
    %dma_wait3A_423 = arith.constant 0 : i32
    %dma_wait3A_424 = arith.constant 0 : i32
    %dma_wait3A_425 = tpu.memref_slice %arg2[%select_n3A_69, %dma_wait3A_422, %dma_wait3A_423, %dma_wait3A_424] : memref<26x8x8x128xf32, #tpu.memory_space<hbm>> -> memref<1x8x8x128xf32, #tpu.memory_space<hbm>>
    %dma_wait3A_426 = tpu.memref_squeeze %dma_wait3A_425 : memref<1x8x8x128xf32, #tpu.memory_space<hbm>> -> memref<8x8x128xf32, #tpu.memory_space<hbm>>
    tpu.wait_dma2 semaphore(%arg13 : memref<!tpu.dma_semaphore, #tpu.memory_space<semaphore_mem>>) src(%dma_wait3A_426 : memref<8x8x128xf32, #tpu.memory_space<hbm>>) dst(%arg7 : memref<8x8x128xf32, #tpu.memory_space<vmem>>)
    %dma_wait3A_427 = arith.constant 0 : i32
    %dma_wait3A_428 = tpu.memref_slice %arg3[%select_n3A_69, %multiple_of3A_348, %dma_wait3A_427] : memref<26x128x128xi32, #tpu.memory_space<hbm>> -> memref<1x16x128xi32, #tpu.memory_space<hbm>>
    %dma_wait3A_429 = tpu.memref_squeeze %dma_wait3A_428 : memref<1x16x128xi32, #tpu.memory_space<hbm>> -> memref<16x128xi32, #tpu.memory_space<hbm>>
    %dma_wait3A_430 = arith.constant 0 : i32
    %dma_wait3A_431 = tpu.memref_slice %arg3[%select_n3A_69, %multiple_of3A_348, %dma_wait3A_430] : memref<26x128x128xi32, #tpu.memory_space<hbm>> -> memref<1x16x128xi32, #tpu.memory_space<hbm>>
    %dma_wait3A_432 = tpu.memref_squeeze %dma_wait3A_431 : memref<1x16x128xi32, #tpu.memory_space<hbm>> -> memref<16x128xi32, #tpu.memory_space<hbm>>
    tpu.wait_dma2 semaphore(%arg13 : memref<!tpu.dma_semaphore, #tpu.memory_space<semaphore_mem>>) src(%dma_wait3A_432 : memref<16x128xi32, #tpu.memory_space<hbm>>) dst(%arg9 : memref<16x128xi32, #tpu.memory_space<vmem>>)
    %parallel_loop3A_433 = arith.constant 0 : i32
    %parallel_loop3A_434 = arith.constant 128 : i32
    %parallel_loop3A_435 = arith.constant 1 : i32
    scf.for %parallel_loop3A_761 = %parallel_loop3A_433 to %parallel_loop3A_434 step %parallel_loop3A_435  : i32 {
      %parallel_loop3A_762 = arith.constant 8 : i32
      %parallel_loop3A_763 = arith.divsi %parallel_loop3A_761, %parallel_loop3A_762 : i32
      %parallel_loop3A_764 = arith.constant 0 : i32
      %parallel_loop3A_765 = arith.cmpi sgt, %parallel_loop3A_761, %parallel_loop3A_764 : i32
      %parallel_loop3A_766 = arith.extui %parallel_loop3A_765 : i1 to i32
      %parallel_loop3A_767 = arith.constant 0 : i32
      %parallel_loop3A_768 = arith.cmpi slt, %parallel_loop3A_761, %parallel_loop3A_767 : i32
      %parallel_loop3A_769 = arith.extui %parallel_loop3A_768 : i1 to i32
      %parallel_loop3A_770 = arith.subi %parallel_loop3A_766, %parallel_loop3A_769 : i32
      %parallel_loop3A_771 = arith.constant 0 : i32
      %parallel_loop3A_772 = arith.cmpi sgt, %parallel_loop3A_762, %parallel_loop3A_771 : i32
      %parallel_loop3A_773 = arith.extui %parallel_loop3A_772 : i1 to i32
      %parallel_loop3A_774 = arith.constant 0 : i32
      %parallel_loop3A_775 = arith.cmpi slt, %parallel_loop3A_762, %parallel_loop3A_774 : i32
      %parallel_loop3A_776 = arith.extui %parallel_loop3A_775 : i1 to i32
      %parallel_loop3A_777 = arith.subi %parallel_loop3A_773, %parallel_loop3A_776 : i32
      %parallel_loop3A_778 = arith.cmpi ne, %parallel_loop3A_770, %parallel_loop3A_777 : i32
      %parallel_loop3A_779 = arith.remsi %parallel_loop3A_761, %parallel_loop3A_762 : i32
      %parallel_loop3A_780 = arith.constant 0 : i32
      %parallel_loop3A_781 = arith.cmpi ne, %parallel_loop3A_779, %parallel_loop3A_780 : i32
      %parallel_loop3A_782 = arith.andi %parallel_loop3A_778, %parallel_loop3A_781 : i1
      %parallel_loop3A_783 = arith.constant 1 : i32
      %parallel_loop3A_784 = arith.subi %parallel_loop3A_763, %parallel_loop3A_783 : i32
      %parallel_loop3A_785 = arith.select %parallel_loop3A_782, %parallel_loop3A_784, %parallel_loop3A_763 : i32
      %parallel_loop3A_786 = arith.constant 8 : i32
      %parallel_loop3A_787 = arith.constant 0 : i32
      %parallel_loop3A_788 = arith.cmpi eq, %parallel_loop3A_786, %parallel_loop3A_787 : i32
      %parallel_loop3A_789 = arith.constant 1 : i32
      %parallel_loop3A_790 = arith.select %parallel_loop3A_788, %parallel_loop3A_789, %parallel_loop3A_786 : i32
      %parallel_loop3A_791 = arith.remsi %parallel_loop3A_761, %parallel_loop3A_790 : i32
      %parallel_loop3A_792 = arith.constant 0 : i32
      %parallel_loop3A_793 = arith.cmpi ne, %parallel_loop3A_791, %parallel_loop3A_792 : i32
      %parallel_loop3A_794 = arith.constant 0 : i32
      %parallel_loop3A_795 = arith.cmpi slt, %parallel_loop3A_791, %parallel_loop3A_794 : i32
      %parallel_loop3A_796 = arith.constant 0 : i32
      %parallel_loop3A_797 = arith.cmpi slt, %parallel_loop3A_790, %parallel_loop3A_796 : i32
      %parallel_loop3A_798 = arith.xori %parallel_loop3A_795, %parallel_loop3A_797 : i1
      %parallel_loop3A_799 = arith.andi %parallel_loop3A_798, %parallel_loop3A_793 : i1
      %parallel_loop3A_800 = arith.addi %parallel_loop3A_791, %parallel_loop3A_790 : i32
      %parallel_loop3A_801 = arith.select %parallel_loop3A_799, %parallel_loop3A_800, %parallel_loop3A_791 : i32
      %parallel_loop3A_802 = arith.constant 16 : i32
      %parallel_loop3A_803 = arith.muli %parallel_loop3A_801, %parallel_loop3A_802 : i32
      %parallel_loop3A_804 = arith.index_cast %parallel_loop3A_785 : i32 to index
      %parallel_loop3A_805 = arith.index_cast %parallel_loop3A_803 : i32 to index
      %parallel_loop3A_806 = tpu.vector_load %arg9[%parallel_loop3A_804, %parallel_loop3A_805] {strides = array<i32>} : memref<16x128xi32, #tpu.memory_space<vmem>>, vector<16xi32>,
      %parallel_loop3A_807 = arith.constant 7 : i32
      %parallel_loop3A_808 = vector.broadcast %parallel_loop3A_807 : i32 to vector<16xi32>
      %parallel_loop3A_809 = arith.shrui %parallel_loop3A_806, %parallel_loop3A_808 : vector<16xi32>
      %parallel_loop3A_810 = arith.constant 127 : i32
      %parallel_loop3A_811 = vector.broadcast %parallel_loop3A_810 : i32 to vector<16xi32>
      %parallel_loop3A_812 = arith.andi %parallel_loop3A_806, %parallel_loop3A_811 : vector<16xi32>
      %parallel_loop3A_813 = tpu.vector_load_idx %arg7[%broadcast_in_dim3A_1, %parallel_loop3A_809, %parallel_loop3A_812] : memref<8x8x128xf32, #tpu.memory_space<vmem>>[vector<16xi32>, vector<16xi32>, vector<16xi32>], vector<16xf32>,
      %parallel_loop3A_814 = tpu.vector_load_idx %arg7[%broadcast_in_dim3A_3, %parallel_loop3A_809, %parallel_loop3A_812] : memref<8x8x128xf32, #tpu.memory_space<vmem>>[vector<16xi32>, vector<16xi32>, vector<16xi32>], vector<16xf32>,
      %parallel_loop3A_815 = tpu.vector_load_idx %arg7[%broadcast_in_dim3A_5, %parallel_loop3A_809, %parallel_loop3A_812] : memref<8x8x128xf32, #tpu.memory_space<vmem>>[vector<16xi32>, vector<16xi32>, vector<16xi32>], vector<16xf32>,
      %parallel_loop3A_816 = tpu.vector_load_idx %arg7[%broadcast_in_dim3A_7, %parallel_loop3A_809, %parallel_loop3A_812] : memref<8x8x128xf32, #tpu.memory_space<vmem>>[vector<16xi32>, vector<16xi32>, vector<16xi32>], vector<16xf32>,
      %parallel_loop3A_817 = tpu.vector_load_idx %arg7[%broadcast_in_dim3A_9, %parallel_loop3A_809, %parallel_loop3A_812] : memref<8x8x128xf32, #tpu.memory_space<vmem>>[vector<16xi32>, vector<16xi32>, vector<16xi32>], vector<16xf32>,
      %parallel_loop3A_818 = tpu.vector_load_idx %arg7[%broadcast_in_dim3A_11, %parallel_loop3A_809, %parallel_loop3A_812] : memref<8x8x128xf32, #tpu.memory_space<vmem>>[vector<16xi32>, vector<16xi32>, vector<16xi32>], vector<16xf32>,
      %parallel_loop3A_819 = tpu.vector_load_idx %arg7[%broadcast_in_dim3A_13, %parallel_loop3A_809, %parallel_loop3A_812] : memref<8x8x128xf32, #tpu.memory_space<vmem>>[vector<16xi32>, vector<16xi32>, vector<16xi32>], vector<16xf32>,
      %parallel_loop3A_820 = tpu.vector_load_idx %arg7[%broadcast_in_dim3A_15, %parallel_loop3A_809, %parallel_loop3A_812] : memref<8x8x128xf32, #tpu.memory_space<vmem>>[vector<16xi32>, vector<16xi32>, vector<16xi32>], vector<16xf32>,
      %parallel_loop3A_821 = arith.constant 0 : i32
      %parallel_loop3A_822 = arith.index_cast %parallel_loop3A_821 : i32 to index
      %parallel_loop3A_823 = arith.index_cast %parallel_loop3A_785 : i32 to index
      %parallel_loop3A_824 = arith.index_cast %parallel_loop3A_803 : i32 to index
      %parallel_loop3A_825 = tpu.vector_load %arg11[%parallel_loop3A_822, %parallel_loop3A_823, %parallel_loop3A_824] {strides = array<i32>} : memref<8x16x128xf32, #tpu.memory_space<vmem>>, vector<16xf32>,
      tpu.vector_store %arg11[%parallel_loop3A_822, %parallel_loop3A_823, %parallel_loop3A_824], %parallel_loop3A_813 {strides = array<i32>} : memref<8x16x128xf32, #tpu.memory_space<vmem>>, vector<16xf32>,
      %parallel_loop3A_826 = arith.constant 1 : i32
      %parallel_loop3A_827 = arith.index_cast %parallel_loop3A_826 : i32 to index
      %parallel_loop3A_828 = arith.index_cast %parallel_loop3A_785 : i32 to index
      %parallel_loop3A_829 = arith.index_cast %parallel_loop3A_803 : i32 to index
      %parallel_loop3A_830 = tpu.vector_load %arg11[%parallel_loop3A_827, %parallel_loop3A_828, %parallel_loop3A_829] {strides = array<i32>} : memref<8x16x128xf32, #tpu.memory_space<vmem>>, vector<16xf32>,
      tpu.vector_store %arg11[%parallel_loop3A_827, %parallel_loop3A_828, %parallel_loop3A_829], %parallel_loop3A_814 {strides = array<i32>} : memref<8x16x128xf32, #tpu.memory_space<vmem>>, vector<16xf32>,
      %parallel_loop3A_831 = arith.constant 2 : i32
      %parallel_loop3A_832 = arith.index_cast %parallel_loop3A_831 : i32 to index
      %parallel_loop3A_833 = arith.index_cast %parallel_loop3A_785 : i32 to index
      %parallel_loop3A_834 = arith.index_cast %parallel_loop3A_803 : i32 to index
      %parallel_loop3A_835 = tpu.vector_load %arg11[%parallel_loop3A_832, %parallel_loop3A_833, %parallel_loop3A_834] {strides = array<i32>} : memref<8x16x128xf32, #tpu.memory_space<vmem>>, vector<16xf32>,
      tpu.vector_store %arg11[%parallel_loop3A_832, %parallel_loop3A_833, %parallel_loop3A_834], %parallel_loop3A_815 {strides = array<i32>} : memref<8x16x128xf32, #tpu.memory_space<vmem>>, vector<16xf32>,
      %parallel_loop3A_836 = arith.constant 3 : i32
      %parallel_loop3A_837 = arith.index_cast %parallel_loop3A_836 : i32 to index
      %parallel_loop3A_838 = arith.index_cast %parallel_loop3A_785 : i32 to index
      %parallel_loop3A_839 = arith.index_cast %parallel_loop3A_803 : i32 to index
      %parallel_loop3A_840 = tpu.vector_load %arg11[%parallel_loop3A_837, %parallel_loop3A_838, %parallel_loop3A_839] {strides = array<i32>} : memref<8x16x128xf32, #tpu.memory_space<vmem>>, vector<16xf32>,
      tpu.vector_store %arg11[%parallel_loop3A_837, %parallel_loop3A_838, %parallel_loop3A_839], %parallel_loop3A_816 {strides = array<i32>} : memref<8x16x128xf32, #tpu.memory_space<vmem>>, vector<16xf32>,
      %parallel_loop3A_841 = arith.constant 4 : i32
      %parallel_loop3A_842 = arith.index_cast %parallel_loop3A_841 : i32 to index
      %parallel_loop3A_843 = arith.index_cast %parallel_loop3A_785 : i32 to index
      %parallel_loop3A_844 = arith.index_cast %parallel_loop3A_803 : i32 to index
      %parallel_loop3A_845 = tpu.vector_load %arg11[%parallel_loop3A_842, %parallel_loop3A_843, %parallel_loop3A_844] {strides = array<i32>} : memref<8x16x128xf32, #tpu.memory_space<vmem>>, vector<16xf32>,
      tpu.vector_store %arg11[%parallel_loop3A_842, %parallel_loop3A_843, %parallel_loop3A_844], %parallel_loop3A_817 {strides = array<i32>} : memref<8x16x128xf32, #tpu.memory_space<vmem>>, vector<16xf32>,
      %parallel_loop3A_846 = arith.constant 5 : i32
      %parallel_loop3A_847 = arith.index_cast %parallel_loop3A_846 : i32 to index
      %parallel_loop3A_848 = arith.index_cast %parallel_loop3A_785 : i32 to index
      %parallel_loop3A_849 = arith.index_cast %parallel_loop3A_803 : i32 to index
      %parallel_loop3A_850 = tpu.vector_load %arg11[%parallel_loop3A_847, %parallel_loop3A_848, %parallel_loop3A_849] {strides = array<i32>} : memref<8x16x128xf32, #tpu.memory_space<vmem>>, vector<16xf32>,
      tpu.vector_store %arg11[%parallel_loop3A_847, %parallel_loop3A_848, %parallel_loop3A_849], %parallel_loop3A_818 {strides = array<i32>} : memref<8x16x128xf32, #tpu.memory_space<vmem>>, vector<16xf32>,
      %parallel_loop3A_851 = arith.constant 6 : i32
      %parallel_loop3A_852 = arith.index_cast %parallel_loop3A_851 : i32 to index
      %parallel_loop3A_853 = arith.index_cast %parallel_loop3A_785 : i32 to index
      %parallel_loop3A_854 = arith.index_cast %parallel_loop3A_803 : i32 to index
      %parallel_loop3A_855 = tpu.vector_load %arg11[%parallel_loop3A_852, %parallel_loop3A_853, %parallel_loop3A_854] {strides = array<i32>} : memref<8x16x128xf32, #tpu.memory_space<vmem>>, vector<16xf32>,
      tpu.vector_store %arg11[%parallel_loop3A_852, %parallel_loop3A_853, %parallel_loop3A_854], %parallel_loop3A_819 {strides = array<i32>} : memref<8x16x128xf32, #tpu.memory_space<vmem>>, vector<16xf32>,
      %parallel_loop3A_856 = arith.constant 7 : i32
      %parallel_loop3A_857 = arith.index_cast %parallel_loop3A_856 : i32 to index
      %parallel_loop3A_858 = arith.index_cast %parallel_loop3A_785 : i32 to index
      %parallel_loop3A_859 = arith.index_cast %parallel_loop3A_803 : i32 to index
      %parallel_loop3A_860 = tpu.vector_load %arg11[%parallel_loop3A_857, %parallel_loop3A_858, %parallel_loop3A_859] {strides = array<i32>} : memref<8x16x128xf32, #tpu.memory_space<vmem>>, vector<16xf32>,
      tpu.vector_store %arg11[%parallel_loop3A_857, %parallel_loop3A_858, %parallel_loop3A_859], %parallel_loop3A_820 {strides = array<i32>} : memref<8x16x128xf32, #tpu.memory_space<vmem>>, vector<16xf32>,
    } {sc.loop_unroll_factor = 4 : i64, sc.parallel_access}
    %jit3A_436 = arith.constant 16 : i32
    %eq3A_437 = arith.constant 0 : i32
    %eq3A_438 = arith.cmpi eq, %jit3A_436, %eq3A_437 : i32
    %jit3A_439 = arith.constant 1 : i32
    %select_n3A_440 = arith.select %eq3A_438, %jit3A_439, %jit3A_436 : i32
    %rem3A_441 = arith.remsi %select_n3A_69, %select_n3A_440 : i32
    %ne3A_442 = arith.constant 0 : i32
    %ne3A_443 = arith.cmpi ne, %rem3A_441, %ne3A_442 : i32
    %lt3A_444 = arith.constant 0 : i32
    %lt3A_445 = arith.cmpi slt, %rem3A_441, %lt3A_444 : i32
    %lt3A_446 = arith.constant 0 : i32
    %lt3A_447 = arith.cmpi slt, %select_n3A_440, %lt3A_446 : i32
    %ne3A_448 = arith.xori %lt3A_445, %lt3A_447 : i1
    %and3A_449 = arith.andi %ne3A_448, %ne3A_443 : i1
    %add3A_450 = arith.addi %rem3A_441, %select_n3A_440 : i32
    %select_n3A_451 = arith.select %and3A_449, %add3A_450, %rem3A_441 : i32
    %mul3A_452 = arith.constant 8 : i32
    %mul3A_453 = arith.muli %select_n3A_451, %mul3A_452 : i32
    %multiple_of3A_454 = tpu.assume_multiple %mul3A_453, 8 : i32
    %mul3A_455 = arith.constant 16 : i32
    %mul3A_456 = arith.muli %select_n3A_93, %mul3A_455 : i32
    %multiple_of3A_457 = tpu.assume_multiple %mul3A_456, 8 : i32
    %dma_start3A_458 = arith.constant 0 : i32
    %dma_start3A_459 = tpu.memref_slice %arg4[%multiple_of3A_454, %multiple_of3A_457, %dma_start3A_458] : memref<128x128x128xf32, #tpu.memory_space<hbm>> -> memref<8x16x128xf32, #tpu.memory_space<hbm>>
    %dma_start3A_460 = arith.constant 0 : i32
    %dma_start3A_461 = tpu.memref_slice %arg4[%multiple_of3A_454, %multiple_of3A_457, %dma_start3A_460] : memref<128x128x128xf32, #tpu.memory_space<hbm>> -> memref<8x16x128xf32, #tpu.memory_space<hbm>>
    tpu.enqueue_dma source(%arg11 : memref<8x16x128xf32, #tpu.memory_space<vmem>>) target(%dma_start3A_461 : memref<8x16x128xf32, #tpu.memory_space<hbm>>) target_semaphore(%arg15 : memref<!tpu.dma_semaphore, #tpu.memory_space<semaphore_mem>>)
    %dma_start3A_462 = arith.constant 0 : i32
    %dma_start3A_463 = arith.constant 0 : i32
    %dma_start3A_464 = arith.constant 0 : i32
    %dma_start3A_465 = tpu.memref_slice %arg2[%select_n3A_157, %dma_start3A_462, %dma_start3A_463, %dma_start3A_464] : memref<26x8x8x128xf32, #tpu.memory_space<hbm>> -> memref<1x8x8x128xf32, #tpu.memory_space<hbm>>
    %dma_start3A_466 = tpu.memref_squeeze %dma_start3A_465 : memref<1x8x8x128xf32, #tpu.memory_space<hbm>> -> memref<8x8x128xf32, #tpu.memory_space<hbm>>
    %dma_start3A_467 = arith.constant 0 : i32
    %dma_start3A_468 = arith.constant 0 : i32
    %dma_start3A_469 = arith.constant 0 : i32
    %dma_start3A_470 = tpu.memref_slice %arg2[%select_n3A_157, %dma_start3A_467, %dma_start3A_468, %dma_start3A_469] : memref<26x8x8x128xf32, #tpu.memory_space<hbm>> -> memref<1x8x8x128xf32, #tpu.memory_space<hbm>>
    %dma_start3A_471 = tpu.memref_squeeze %dma_start3A_470 : memref<1x8x8x128xf32, #tpu.memory_space<hbm>> -> memref<8x8x128xf32, #tpu.memory_space<hbm>>
    tpu.enqueue_dma source(%dma_start3A_471 : memref<8x8x128xf32, #tpu.memory_space<hbm>>) target(%arg7 : memref<8x8x128xf32, #tpu.memory_space<vmem>>) target_semaphore(%arg13 : memref<!tpu.dma_semaphore, #tpu.memory_space<semaphore_mem>>)
    %mul3A_472 = arith.constant 16 : i32
    %mul3A_473 = arith.muli %select_n3A_181, %mul3A_472 : i32
    %multiple_of3A_474 = tpu.assume_multiple %mul3A_473, 8 : i32
    %dma_start3A_475 = arith.constant 0 : i32
    %dma_start3A_476 = tpu.memref_slice %arg3[%select_n3A_157, %multiple_of3A_474, %dma_start3A_475] : memref<26x128x128xi32, #tpu.memory_space<hbm>> -> memref<1x16x128xi32, #tpu.memory_space<hbm>>
    %dma_start3A_477 = tpu.memref_squeeze %dma_start3A_476 : memref<1x16x128xi32, #tpu.memory_space<hbm>> -> memref<16x128xi32, #tpu.memory_space<hbm>>
    %dma_start3A_478 = arith.constant 0 : i32
    %dma_start3A_479 = tpu.memref_slice %arg3[%select_n3A_157, %multiple_of3A_474, %dma_start3A_478] : memref<26x128x128xi32, #tpu.memory_space<hbm>> -> memref<1x16x128xi32, #tpu.memory_space<hbm>>
    %dma_start3A_480 = tpu.memref_squeeze %dma_start3A_479 : memref<1x16x128xi32, #tpu.memory_space<hbm>> -> memref<16x128xi32, #tpu.memory_space<hbm>>
    tpu.enqueue_dma source(%dma_start3A_480 : memref<16x128xi32, #tpu.memory_space<hbm>>) target(%arg9 : memref<16x128xi32, #tpu.memory_space<vmem>>) target_semaphore(%arg13 : memref<!tpu.dma_semaphore, #tpu.memory_space<semaphore_mem>>)
    %dma_wait3A_481 = arith.constant 0 : i32
    %dma_wait3A_482 = arith.constant 0 : i32
    %dma_wait3A_483 = arith.constant 0 : i32
    %dma_wait3A_484 = tpu.memref_slice %arg2[%select_n3A_113, %dma_wait3A_481, %dma_wait3A_482, %dma_wait3A_483] : memref<26x8x8x128xf32, #tpu.memory_space<hbm>> -> memref<1x8x8x128xf32, #tpu.memory_space<hbm>>
    %dma_wait3A_485 = tpu.memref_squeeze %dma_wait3A_484 : memref<1x8x8x128xf32, #tpu.memory_space<hbm>> -> memref<8x8x128xf32, #tpu.memory_space<hbm>>
    %dma_wait3A_486 = arith.constant 0 : i32
    %dma_wait3A_487 = arith.constant 0 : i32
    %dma_wait3A_488 = arith.constant 0 : i32
    %dma_wait3A_489 = tpu.memref_slice %arg2[%select_n3A_113, %dma_wait3A_486, %dma_wait3A_487, %dma_wait3A_488] : memref<26x8x8x128xf32, #tpu.memory_space<hbm>> -> memref<1x8x8x128xf32, #tpu.memory_space<hbm>>
    %dma_wait3A_490 = tpu.memref_squeeze %dma_wait3A_489 : memref<1x8x8x128xf32, #tpu.memory_space<hbm>> -> memref<8x8x128xf32, #tpu.memory_space<hbm>>
    tpu.wait_dma2 semaphore(%arg12 : memref<!tpu.dma_semaphore, #tpu.memory_space<semaphore_mem>>) src(%dma_wait3A_490 : memref<8x8x128xf32, #tpu.memory_space<hbm>>) dst(%arg6 : memref<8x8x128xf32, #tpu.memory_space<vmem>>)
    %dma_wait3A_491 = arith.constant 0 : i32
    %dma_wait3A_492 = tpu.memref_slice %arg3[%select_n3A_113, %multiple_of3A_410, %dma_wait3A_491] : memref<26x128x128xi32, #tpu.memory_space<hbm>> -> memref<1x16x128xi32, #tpu.memory_space<hbm>>
    %dma_wait3A_493 = tpu.memref_squeeze %dma_wait3A_492 : memref<1x16x128xi32, #tpu.memory_space<hbm>> -> memref<16x128xi32, #tpu.memory_space<hbm>>
    %dma_wait3A_494 = arith.constant 0 : i32
    %dma_wait3A_495 = tpu.memref_slice %arg3[%select_n3A_113, %multiple_of3A_410, %dma_wait3A_494] : memref<26x128x128xi32, #tpu.memory_space<hbm>> -> memref<1x16x128xi32, #tpu.memory_space<hbm>>
    %dma_wait3A_496 = tpu.memref_squeeze %dma_wait3A_495 : memref<1x16x128xi32, #tpu.memory_space<hbm>> -> memref<16x128xi32, #tpu.memory_space<hbm>>
    tpu.wait_dma2 semaphore(%arg12 : memref<!tpu.dma_semaphore, #tpu.memory_space<semaphore_mem>>) src(%dma_wait3A_496 : memref<16x128xi32, #tpu.memory_space<hbm>>) dst(%arg8 : memref<16x128xi32, #tpu.memory_space<vmem>>)
    %dma_wait3A_497 = arith.constant 0 : i32
    %dma_wait3A_498 = tpu.memref_slice %arg4[%multiple_of3A_390, %multiple_of3A_393, %dma_wait3A_497] : memref<128x128x128xf32, #tpu.memory_space<hbm>> -> memref<8x16x128xf32, #tpu.memory_space<hbm>>
    %dma_wait3A_499 = arith.constant 0 : i32
    %dma_wait3A_500 = tpu.memref_slice %arg4[%multiple_of3A_390, %multiple_of3A_393, %dma_wait3A_499] : memref<128x128x128xf32, #tpu.memory_space<hbm>> -> memref<8x16x128xf32, #tpu.memory_space<hbm>>
    tpu.wait_dma2 semaphore(%arg14 : memref<!tpu.dma_semaphore, #tpu.memory_space<semaphore_mem>>) src(%arg10 : memref<8x16x128xf32, #tpu.memory_space<vmem>>) dst(%dma_wait3A_500 : memref<8x16x128xf32, #tpu.memory_space<hbm>>)
    %parallel_loop3A_501 = arith.constant 0 : i32
    %parallel_loop3A_502 = arith.constant 128 : i32
    %parallel_loop3A_503 = arith.constant 1 : i32
    scf.for %parallel_loop3A_761 = %parallel_loop3A_501 to %parallel_loop3A_502 step %parallel_loop3A_503  : i32 {
      %parallel_loop3A_762 = arith.constant 8 : i32
      %parallel_loop3A_763 = arith.divsi %parallel_loop3A_761, %parallel_loop3A_762 : i32
      %parallel_loop3A_764 = arith.constant 0 : i32
      %parallel_loop3A_765 = arith.cmpi sgt, %parallel_loop3A_761, %parallel_loop3A_764 : i32
      %parallel_loop3A_766 = arith.extui %parallel_loop3A_765 : i1 to i32
      %parallel_loop3A_767 = arith.constant 0 : i32
      %parallel_loop3A_768 = arith.cmpi slt, %parallel_loop3A_761, %parallel_loop3A_767 : i32
      %parallel_loop3A_769 = arith.extui %parallel_loop3A_768 : i1 to i32
      %parallel_loop3A_770 = arith.subi %parallel_loop3A_766, %parallel_loop3A_769 : i32
      %parallel_loop3A_771 = arith.constant 0 : i32
      %parallel_loop3A_772 = arith.cmpi sgt, %parallel_loop3A_762, %parallel_loop3A_771 : i32
      %parallel_loop3A_773 = arith.extui %parallel_loop3A_772 : i1 to i32
      %parallel_loop3A_774 = arith.constant 0 : i32
      %parallel_loop3A_775 = arith.cmpi slt, %parallel_loop3A_762, %parallel_loop3A_774 : i32
      %parallel_loop3A_776 = arith.extui %parallel_loop3A_775 : i1 to i32
      %parallel_loop3A_777 = arith.subi %parallel_loop3A_773, %parallel_loop3A_776 : i32
      %parallel_loop3A_778 = arith.cmpi ne, %parallel_loop3A_770, %parallel_loop3A_777 : i32
      %parallel_loop3A_779 = arith.remsi %parallel_loop3A_761, %parallel_loop3A_762 : i32
      %parallel_loop3A_780 = arith.constant 0 : i32
      %parallel_loop3A_781 = arith.cmpi ne, %parallel_loop3A_779, %parallel_loop3A_780 : i32
      %parallel_loop3A_782 = arith.andi %parallel_loop3A_778, %parallel_loop3A_781 : i1
      %parallel_loop3A_783 = arith.constant 1 : i32
      %parallel_loop3A_784 = arith.subi %parallel_loop3A_763, %parallel_loop3A_783 : i32
      %parallel_loop3A_785 = arith.select %parallel_loop3A_782, %parallel_loop3A_784, %parallel_loop3A_763 : i32
      %parallel_loop3A_786 = arith.constant 8 : i32
      %parallel_loop3A_787 = arith.constant 0 : i32
      %parallel_loop3A_788 = arith.cmpi eq, %parallel_loop3A_786, %parallel_loop3A_787 : i32
      %parallel_loop3A_789 = arith.constant 1 : i32
      %parallel_loop3A_790 = arith.select %parallel_loop3A_788, %parallel_loop3A_789, %parallel_loop3A_786 : i32
      %parallel_loop3A_791 = arith.remsi %parallel_loop3A_761, %parallel_loop3A_790 : i32
      %parallel_loop3A_792 = arith.constant 0 : i32
      %parallel_loop3A_793 = arith.cmpi ne, %parallel_loop3A_791, %parallel_loop3A_792 : i32
      %parallel_loop3A_794 = arith.constant 0 : i32
      %parallel_loop3A_795 = arith.cmpi slt, %parallel_loop3A_791, %parallel_loop3A_794 : i32
      %parallel_loop3A_796 = arith.constant 0 : i32
      %parallel_loop3A_797 = arith.cmpi slt, %parallel_loop3A_790, %parallel_loop3A_796 : i32
      %parallel_loop3A_798 = arith.xori %parallel_loop3A_795, %parallel_loop3A_797 : i1
      %parallel_loop3A_799 = arith.andi %parallel_loop3A_798, %parallel_loop3A_793 : i1
      %parallel_loop3A_800 = arith.addi %parallel_loop3A_791, %parallel_loop3A_790 : i32
      %parallel_loop3A_801 = arith.select %parallel_loop3A_799, %parallel_loop3A_800, %parallel_loop3A_791 : i32
      %parallel_loop3A_802 = arith.constant 16 : i32
      %parallel_loop3A_803 = arith.muli %parallel_loop3A_801, %parallel_loop3A_802 : i32
      %parallel_loop3A_804 = arith.index_cast %parallel_loop3A_785 : i32 to index
      %parallel_loop3A_805 = arith.index_cast %parallel_loop3A_803 : i32 to index
      %parallel_loop3A_806 = tpu.vector_load %arg8[%parallel_loop3A_804, %parallel_loop3A_805] {strides = array<i32>} : memref<16x128xi32, #tpu.memory_space<vmem>>, vector<16xi32>,
      %parallel_loop3A_807 = arith.constant 7 : i32
      %parallel_loop3A_808 = vector.broadcast %parallel_loop3A_807 : i32 to vector<16xi32>
      %parallel_loop3A_809 = arith.shrui %parallel_loop3A_806, %parallel_loop3A_808 : vector<16xi32>
      %parallel_loop3A_810 = arith.constant 127 : i32
      %parallel_loop3A_811 = vector.broadcast %parallel_loop3A_810 : i32 to vector<16xi32>
      %parallel_loop3A_812 = arith.andi %parallel_loop3A_806, %parallel_loop3A_811 : vector<16xi32>
      %parallel_loop3A_813 = tpu.vector_load_idx %arg6[%broadcast_in_dim3A_1, %parallel_loop3A_809, %parallel_loop3A_812] : memref<8x8x128xf32, #tpu.memory_space<vmem>>[vector<16xi32>, vector<16xi32>, vector<16xi32>], vector<16xf32>,
      %parallel_loop3A_814 = tpu.vector_load_idx %arg6[%broadcast_in_dim3A_3, %parallel_loop3A_809, %parallel_loop3A_812] : memref<8x8x128xf32, #tpu.memory_space<vmem>>[vector<16xi32>, vector<16xi32>, vector<16xi32>], vector<16xf32>,
      %parallel_loop3A_815 = tpu.vector_load_idx %arg6[%broadcast_in_dim3A_5, %parallel_loop3A_809, %parallel_loop3A_812] : memref<8x8x128xf32, #tpu.memory_space<vmem>>[vector<16xi32>, vector<16xi32>, vector<16xi32>], vector<16xf32>,
      %parallel_loop3A_816 = tpu.vector_load_idx %arg6[%broadcast_in_dim3A_7, %parallel_loop3A_809, %parallel_loop3A_812] : memref<8x8x128xf32, #tpu.memory_space<vmem>>[vector<16xi32>, vector<16xi32>, vector<16xi32>], vector<16xf32>,
      %parallel_loop3A_817 = tpu.vector_load_idx %arg6[%broadcast_in_dim3A_9, %parallel_loop3A_809, %parallel_loop3A_812] : memref<8x8x128xf32, #tpu.memory_space<vmem>>[vector<16xi32>, vector<16xi32>, vector<16xi32>], vector<16xf32>,
      %parallel_loop3A_818 = tpu.vector_load_idx %arg6[%broadcast_in_dim3A_11, %parallel_loop3A_809, %parallel_loop3A_812] : memref<8x8x128xf32, #tpu.memory_space<vmem>>[vector<16xi32>, vector<16xi32>, vector<16xi32>], vector<16xf32>,
      %parallel_loop3A_819 = tpu.vector_load_idx %arg6[%broadcast_in_dim3A_13, %parallel_loop3A_809, %parallel_loop3A_812] : memref<8x8x128xf32, #tpu.memory_space<vmem>>[vector<16xi32>, vector<16xi32>, vector<16xi32>], vector<16xf32>,
      %parallel_loop3A_820 = tpu.vector_load_idx %arg6[%broadcast_in_dim3A_15, %parallel_loop3A_809, %parallel_loop3A_812] : memref<8x8x128xf32, #tpu.memory_space<vmem>>[vector<16xi32>, vector<16xi32>, vector<16xi32>], vector<16xf32>,
      %parallel_loop3A_821 = arith.constant 0 : i32
      %parallel_loop3A_822 = arith.index_cast %parallel_loop3A_821 : i32 to index
      %parallel_loop3A_823 = arith.index_cast %parallel_loop3A_785 : i32 to index
      %parallel_loop3A_824 = arith.index_cast %parallel_loop3A_803 : i32 to index
      %parallel_loop3A_825 = tpu.vector_load %arg10[%parallel_loop3A_822, %parallel_loop3A_823, %parallel_loop3A_824] {strides = array<i32>} : memref<8x16x128xf32, #tpu.memory_space<vmem>>, vector<16xf32>,
      tpu.vector_store %arg10[%parallel_loop3A_822, %parallel_loop3A_823, %parallel_loop3A_824], %parallel_loop3A_813 {strides = array<i32>} : memref<8x16x128xf32, #tpu.memory_space<vmem>>, vector<16xf32>,
      %parallel_loop3A_826 = arith.constant 1 : i32
      %parallel_loop3A_827 = arith.index_cast %parallel_loop3A_826 : i32 to index
      %parallel_loop3A_828 = arith.index_cast %parallel_loop3A_785 : i32 to index
      %parallel_loop3A_829 = arith.index_cast %parallel_loop3A_803 : i32 to index
      %parallel_loop3A_830 = tpu.vector_load %arg10[%parallel_loop3A_827, %parallel_loop3A_828, %parallel_loop3A_829] {strides = array<i32>} : memref<8x16x128xf32, #tpu.memory_space<vmem>>, vector<16xf32>,
      tpu.vector_store %arg10[%parallel_loop3A_827, %parallel_loop3A_828, %parallel_loop3A_829], %parallel_loop3A_814 {strides = array<i32>} : memref<8x16x128xf32, #tpu.memory_space<vmem>>, vector<16xf32>,
      %parallel_loop3A_831 = arith.constant 2 : i32
      %parallel_loop3A_832 = arith.index_cast %parallel_loop3A_831 : i32 to index
      %parallel_loop3A_833 = arith.index_cast %parallel_loop3A_785 : i32 to index
      %parallel_loop3A_834 = arith.index_cast %parallel_loop3A_803 : i32 to index
      %parallel_loop3A_835 = tpu.vector_load %arg10[%parallel_loop3A_832, %parallel_loop3A_833, %parallel_loop3A_834] {strides = array<i32>} : memref<8x16x128xf32, #tpu.memory_space<vmem>>, vector<16xf32>,
      tpu.vector_store %arg10[%parallel_loop3A_832, %parallel_loop3A_833, %parallel_loop3A_834], %parallel_loop3A_815 {strides = array<i32>} : memref<8x16x128xf32, #tpu.memory_space<vmem>>, vector<16xf32>,
      %parallel_loop3A_836 = arith.constant 3 : i32
      %parallel_loop3A_837 = arith.index_cast %parallel_loop3A_836 : i32 to index
      %parallel_loop3A_838 = arith.index_cast %parallel_loop3A_785 : i32 to index
      %parallel_loop3A_839 = arith.index_cast %parallel_loop3A_803 : i32 to index
      %parallel_loop3A_840 = tpu.vector_load %arg10[%parallel_loop3A_837, %parallel_loop3A_838, %parallel_loop3A_839] {strides = array<i32>} : memref<8x16x128xf32, #tpu.memory_space<vmem>>, vector<16xf32>,
      tpu.vector_store %arg10[%parallel_loop3A_837, %parallel_loop3A_838, %parallel_loop3A_839], %parallel_loop3A_816 {strides = array<i32>} : memref<8x16x128xf32, #tpu.memory_space<vmem>>, vector<16xf32>,
      %parallel_loop3A_841 = arith.constant 4 : i32
      %parallel_loop3A_842 = arith.index_cast %parallel_loop3A_841 : i32 to index
      %parallel_loop3A_843 = arith.index_cast %parallel_loop3A_785 : i32 to index
      %parallel_loop3A_844 = arith.index_cast %parallel_loop3A_803 : i32 to index
      %parallel_loop3A_845 = tpu.vector_load %arg10[%parallel_loop3A_842, %parallel_loop3A_843, %parallel_loop3A_844] {strides = array<i32>} : memref<8x16x128xf32, #tpu.memory_space<vmem>>, vector<16xf32>,
      tpu.vector_store %arg10[%parallel_loop3A_842, %parallel_loop3A_843, %parallel_loop3A_844], %parallel_loop3A_817 {strides = array<i32>} : memref<8x16x128xf32, #tpu.memory_space<vmem>>, vector<16xf32>,
      %parallel_loop3A_846 = arith.constant 5 : i32
      %parallel_loop3A_847 = arith.index_cast %parallel_loop3A_846 : i32 to index
      %parallel_loop3A_848 = arith.index_cast %parallel_loop3A_785 : i32 to index
      %parallel_loop3A_849 = arith.index_cast %parallel_loop3A_803 : i32 to index
      %parallel_loop3A_850 = tpu.vector_load %arg10[%parallel_loop3A_847, %parallel_loop3A_848, %parallel_loop3A_849] {strides = array<i32>} : memref<8x16x128xf32, #tpu.memory_space<vmem>>, vector<16xf32>,
      tpu.vector_store %arg10[%parallel_loop3A_847, %parallel_loop3A_848, %parallel_loop3A_849], %parallel_loop3A_818 {strides = array<i32>} : memref<8x16x128xf32, #tpu.memory_space<vmem>>, vector<16xf32>,
      %parallel_loop3A_851 = arith.constant 6 : i32
      %parallel_loop3A_852 = arith.index_cast %parallel_loop3A_851 : i32 to index
      %parallel_loop3A_853 = arith.index_cast %parallel_loop3A_785 : i32 to index
      %parallel_loop3A_854 = arith.index_cast %parallel_loop3A_803 : i32 to index
      %parallel_loop3A_855 = tpu.vector_load %arg10[%parallel_loop3A_852, %parallel_loop3A_853, %parallel_loop3A_854] {strides = array<i32>} : memref<8x16x128xf32, #tpu.memory_space<vmem>>, vector<16xf32>,
      tpu.vector_store %arg10[%parallel_loop3A_852, %parallel_loop3A_853, %parallel_loop3A_854], %parallel_loop3A_819 {strides = array<i32>} : memref<8x16x128xf32, #tpu.memory_space<vmem>>, vector<16xf32>,
      %parallel_loop3A_856 = arith.constant 7 : i32
      %parallel_loop3A_857 = arith.index_cast %parallel_loop3A_856 : i32 to index
      %parallel_loop3A_858 = arith.index_cast %parallel_loop3A_785 : i32 to index
      %parallel_loop3A_859 = arith.index_cast %parallel_loop3A_803 : i32 to index
      %parallel_loop3A_860 = tpu.vector_load %arg10[%parallel_loop3A_857, %parallel_loop3A_858, %parallel_loop3A_859] {strides = array<i32>} : memref<8x16x128xf32, #tpu.memory_space<vmem>>, vector<16xf32>,
      tpu.vector_store %arg10[%parallel_loop3A_857, %parallel_loop3A_858, %parallel_loop3A_859], %parallel_loop3A_820 {strides = array<i32>} : memref<8x16x128xf32, #tpu.memory_space<vmem>>, vector<16xf32>,
    } {sc.loop_unroll_factor = 4 : i64, sc.parallel_access}
    %jit3A_504 = arith.constant 16 : i32
    %eq3A_505 = arith.constant 0 : i32
    %eq3A_506 = arith.cmpi eq, %jit3A_504, %eq3A_505 : i32
    %jit3A_507 = arith.constant 1 : i32
    %select_n3A_508 = arith.select %eq3A_506, %jit3A_507, %jit3A_504 : i32
    %rem3A_509 = arith.remsi %select_n3A_113, %select_n3A_508 : i32
    %ne3A_510 = arith.constant 0 : i32
    %ne3A_511 = arith.cmpi ne, %rem3A_509, %ne3A_510 : i32
    %lt3A_512 = arith.constant 0 : i32
    %lt3A_513 = arith.cmpi slt, %rem3A_509, %lt3A_512 : i32
    %lt3A_514 = arith.constant 0 : i32
    %lt3A_515 = arith.cmpi slt, %select_n3A_508, %lt3A_514 : i32
    %ne3A_516 = arith.xori %lt3A_513, %lt3A_515 : i1
    %and3A_517 = arith.andi %ne3A_516, %ne3A_511 : i1
    %add3A_518 = arith.addi %rem3A_509, %select_n3A_508 : i32
    %select_n3A_519 = arith.select %and3A_517, %add3A_518, %rem3A_509 : i32
    %mul3A_520 = arith.constant 8 : i32
    %mul3A_521 = arith.muli %select_n3A_519, %mul3A_520 : i32
    %multiple_of3A_522 = tpu.assume_multiple %mul3A_521, 8 : i32
    %mul3A_523 = arith.constant 16 : i32
    %mul3A_524 = arith.muli %select_n3A_137, %mul3A_523 : i32
    %multiple_of3A_525 = tpu.assume_multiple %mul3A_524, 8 : i32
    %dma_start3A_526 = arith.constant 0 : i32
    %dma_start3A_527 = tpu.memref_slice %arg4[%multiple_of3A_522, %multiple_of3A_525, %dma_start3A_526] : memref<128x128x128xf32, #tpu.memory_space<hbm>> -> memref<8x16x128xf32, #tpu.memory_space<hbm>>
    %dma_start3A_528 = arith.constant 0 : i32
    %dma_start3A_529 = tpu.memref_slice %arg4[%multiple_of3A_522, %multiple_of3A_525, %dma_start3A_528] : memref<128x128x128xf32, #tpu.memory_space<hbm>> -> memref<8x16x128xf32, #tpu.memory_space<hbm>>
    tpu.enqueue_dma source(%arg10 : memref<8x16x128xf32, #tpu.memory_space<vmem>>) target(%dma_start3A_529 : memref<8x16x128xf32, #tpu.memory_space<hbm>>) target_semaphore(%arg14 : memref<!tpu.dma_semaphore, #tpu.memory_space<semaphore_mem>>)
    %dma_start3A_530 = arith.constant 0 : i32
    %dma_start3A_531 = arith.constant 0 : i32
    %dma_start3A_532 = arith.constant 0 : i32
    %dma_start3A_533 = tpu.memref_slice %arg2[%add3A_203, %dma_start3A_530, %dma_start3A_531, %dma_start3A_532] : memref<26x8x8x128xf32, #tpu.memory_space<hbm>> -> memref<1x8x8x128xf32, #tpu.memory_space<hbm>>
    %dma_start3A_534 = tpu.memref_squeeze %dma_start3A_533 : memref<1x8x8x128xf32, #tpu.memory_space<hbm>> -> memref<8x8x128xf32, #tpu.memory_space<hbm>>
    %dma_start3A_535 = arith.constant 0 : i32
    %dma_start3A_536 = arith.constant 0 : i32
    %dma_start3A_537 = arith.constant 0 : i32
    %dma_start3A_538 = tpu.memref_slice %arg2[%add3A_203, %dma_start3A_535, %dma_start3A_536, %dma_start3A_537] : memref<26x8x8x128xf32, #tpu.memory_space<hbm>> -> memref<1x8x8x128xf32, #tpu.memory_space<hbm>>
    %dma_start3A_539 = tpu.memref_squeeze %dma_start3A_538 : memref<1x8x8x128xf32, #tpu.memory_space<hbm>> -> memref<8x8x128xf32, #tpu.memory_space<hbm>>
    tpu.enqueue_dma source(%dma_start3A_539 : memref<8x8x128xf32, #tpu.memory_space<hbm>>) target(%arg6 : memref<8x8x128xf32, #tpu.memory_space<vmem>>) target_semaphore(%arg12 : memref<!tpu.dma_semaphore, #tpu.memory_space<semaphore_mem>>)
    %mul3A_540 = arith.constant 16 : i32
    %mul3A_541 = arith.muli %select_n3A_227, %mul3A_540 : i32
    %multiple_of3A_542 = tpu.assume_multiple %mul3A_541, 8 : i32
    %dma_start3A_543 = arith.constant 0 : i32
    %dma_start3A_544 = tpu.memref_slice %arg3[%add3A_203, %multiple_of3A_542, %dma_start3A_543] : memref<26x128x128xi32, #tpu.memory_space<hbm>> -> memref<1x16x128xi32, #tpu.memory_space<hbm>>
    %dma_start3A_545 = tpu.memref_squeeze %dma_start3A_544 : memref<1x16x128xi32, #tpu.memory_space<hbm>> -> memref<16x128xi32, #tpu.memory_space<hbm>>
    %dma_start3A_546 = arith.constant 0 : i32
    %dma_start3A_547 = tpu.memref_slice %arg3[%add3A_203, %multiple_of3A_542, %dma_start3A_546] : memref<26x128x128xi32, #tpu.memory_space<hbm>> -> memref<1x16x128xi32, #tpu.memory_space<hbm>>
    %dma_start3A_548 = tpu.memref_squeeze %dma_start3A_547 : memref<1x16x128xi32, #tpu.memory_space<hbm>> -> memref<16x128xi32, #tpu.memory_space<hbm>>
    tpu.enqueue_dma source(%dma_start3A_548 : memref<16x128xi32, #tpu.memory_space<hbm>>) target(%arg8 : memref<16x128xi32, #tpu.memory_space<vmem>>) target_semaphore(%arg12 : memref<!tpu.dma_semaphore, #tpu.memory_space<semaphore_mem>>)
    %dma_wait3A_549 = arith.constant 0 : i32
    %dma_wait3A_550 = arith.constant 0 : i32
    %dma_wait3A_551 = arith.constant 0 : i32
    %dma_wait3A_552 = tpu.memref_slice %arg2[%select_n3A_157, %dma_wait3A_549, %dma_wait3A_550, %dma_wait3A_551] : memref<26x8x8x128xf32, #tpu.memory_space<hbm>> -> memref<1x8x8x128xf32, #tpu.memory_space<hbm>>
    %dma_wait3A_553 = tpu.memref_squeeze %dma_wait3A_552 : memref<1x8x8x128xf32, #tpu.memory_space<hbm>> -> memref<8x8x128xf32, #tpu.memory_space<hbm>>
    %dma_wait3A_554 = arith.constant 0 : i32
    %dma_wait3A_555 = arith.constant 0 : i32
    %dma_wait3A_556 = arith.constant 0 : i32
    %dma_wait3A_557 = tpu.memref_slice %arg2[%select_n3A_157, %dma_wait3A_554, %dma_wait3A_555, %dma_wait3A_556] : memref<26x8x8x128xf32, #tpu.memory_space<hbm>> -> memref<1x8x8x128xf32, #tpu.memory_space<hbm>>
    %dma_wait3A_558 = tpu.memref_squeeze %dma_wait3A_557 : memref<1x8x8x128xf32, #tpu.memory_space<hbm>> -> memref<8x8x128xf32, #tpu.memory_space<hbm>>
    tpu.wait_dma2 semaphore(%arg13 : memref<!tpu.dma_semaphore, #tpu.memory_space<semaphore_mem>>) src(%dma_wait3A_558 : memref<8x8x128xf32, #tpu.memory_space<hbm>>) dst(%arg7 : memref<8x8x128xf32, #tpu.memory_space<vmem>>)
    %dma_wait3A_559 = arith.constant 0 : i32
    %dma_wait3A_560 = tpu.memref_slice %arg3[%select_n3A_157, %multiple_of3A_474, %dma_wait3A_559] : memref<26x128x128xi32, #tpu.memory_space<hbm>> -> memref<1x16x128xi32, #tpu.memory_space<hbm>>
    %dma_wait3A_561 = tpu.memref_squeeze %dma_wait3A_560 : memref<1x16x128xi32, #tpu.memory_space<hbm>> -> memref<16x128xi32, #tpu.memory_space<hbm>>
    %dma_wait3A_562 = arith.constant 0 : i32
    %dma_wait3A_563 = tpu.memref_slice %arg3[%select_n3A_157, %multiple_of3A_474, %dma_wait3A_562] : memref<26x128x128xi32, #tpu.memory_space<hbm>> -> memref<1x16x128xi32, #tpu.memory_space<hbm>>
    %dma_wait3A_564 = tpu.memref_squeeze %dma_wait3A_563 : memref<1x16x128xi32, #tpu.memory_space<hbm>> -> memref<16x128xi32, #tpu.memory_space<hbm>>
    tpu.wait_dma2 semaphore(%arg13 : memref<!tpu.dma_semaphore, #tpu.memory_space<semaphore_mem>>) src(%dma_wait3A_564 : memref<16x128xi32, #tpu.memory_space<hbm>>) dst(%arg9 : memref<16x128xi32, #tpu.memory_space<vmem>>)
    %dma_wait3A_565 = arith.constant 0 : i32
    %dma_wait3A_566 = tpu.memref_slice %arg4[%multiple_of3A_454, %multiple_of3A_457, %dma_wait3A_565] : memref<128x128x128xf32, #tpu.memory_space<hbm>> -> memref<8x16x128xf32, #tpu.memory_space<hbm>>
    %dma_wait3A_567 = arith.constant 0 : i32
    %dma_wait3A_568 = tpu.memref_slice %arg4[%multiple_of3A_454, %multiple_of3A_457, %dma_wait3A_567] : memref<128x128x128xf32, #tpu.memory_space<hbm>> -> memref<8x16x128xf32, #tpu.memory_space<hbm>>
    tpu.wait_dma2 semaphore(%arg15 : memref<!tpu.dma_semaphore, #tpu.memory_space<semaphore_mem>>) src(%arg11 : memref<8x16x128xf32, #tpu.memory_space<vmem>>) dst(%dma_wait3A_568 : memref<8x16x128xf32, #tpu.memory_space<hbm>>)
    %parallel_loop3A_569 = arith.constant 0 : i32
    %parallel_loop3A_570 = arith.constant 128 : i32
    %parallel_loop3A_571 = arith.constant 1 : i32
    scf.for %parallel_loop3A_761 = %parallel_loop3A_569 to %parallel_loop3A_570 step %parallel_loop3A_571  : i32 {
      %parallel_loop3A_762 = arith.constant 8 : i32
      %parallel_loop3A_763 = arith.divsi %parallel_loop3A_761, %parallel_loop3A_762 : i32
      %parallel_loop3A_764 = arith.constant 0 : i32
      %parallel_loop3A_765 = arith.cmpi sgt, %parallel_loop3A_761, %parallel_loop3A_764 : i32
      %parallel_loop3A_766 = arith.extui %parallel_loop3A_765 : i1 to i32
      %parallel_loop3A_767 = arith.constant 0 : i32
      %parallel_loop3A_768 = arith.cmpi slt, %parallel_loop3A_761, %parallel_loop3A_767 : i32
      %parallel_loop3A_769 = arith.extui %parallel_loop3A_768 : i1 to i32
      %parallel_loop3A_770 = arith.subi %parallel_loop3A_766, %parallel_loop3A_769 : i32
      %parallel_loop3A_771 = arith.constant 0 : i32
      %parallel_loop3A_772 = arith.cmpi sgt, %parallel_loop3A_762, %parallel_loop3A_771 : i32
      %parallel_loop3A_773 = arith.extui %parallel_loop3A_772 : i1 to i32
      %parallel_loop3A_774 = arith.constant 0 : i32
      %parallel_loop3A_775 = arith.cmpi slt, %parallel_loop3A_762, %parallel_loop3A_774 : i32
      %parallel_loop3A_776 = arith.extui %parallel_loop3A_775 : i1 to i32
      %parallel_loop3A_777 = arith.subi %parallel_loop3A_773, %parallel_loop3A_776 : i32
      %parallel_loop3A_778 = arith.cmpi ne, %parallel_loop3A_770, %parallel_loop3A_777 : i32
      %parallel_loop3A_779 = arith.remsi %parallel_loop3A_761, %parallel_loop3A_762 : i32
      %parallel_loop3A_780 = arith.constant 0 : i32
      %parallel_loop3A_781 = arith.cmpi ne, %parallel_loop3A_779, %parallel_loop3A_780 : i32
      %parallel_loop3A_782 = arith.andi %parallel_loop3A_778, %parallel_loop3A_781 : i1
      %parallel_loop3A_783 = arith.constant 1 : i32
      %parallel_loop3A_784 = arith.subi %parallel_loop3A_763, %parallel_loop3A_783 : i32
      %parallel_loop3A_785 = arith.select %parallel_loop3A_782, %parallel_loop3A_784, %parallel_loop3A_763 : i32
      %parallel_loop3A_786 = arith.constant 8 : i32
      %parallel_loop3A_787 = arith.constant 0 : i32
      %parallel_loop3A_788 = arith.cmpi eq, %parallel_loop3A_786, %parallel_loop3A_787 : i32
      %parallel_loop3A_789 = arith.constant 1 : i32
      %parallel_loop3A_790 = arith.select %parallel_loop3A_788, %parallel_loop3A_789, %parallel_loop3A_786 : i32
      %parallel_loop3A_791 = arith.remsi %parallel_loop3A_761, %parallel_loop3A_790 : i32
      %parallel_loop3A_792 = arith.constant 0 : i32
      %parallel_loop3A_793 = arith.cmpi ne, %parallel_loop3A_791, %parallel_loop3A_792 : i32
      %parallel_loop3A_794 = arith.constant 0 : i32
      %parallel_loop3A_795 = arith.cmpi slt, %parallel_loop3A_791, %parallel_loop3A_794 : i32
      %parallel_loop3A_796 = arith.constant 0 : i32
      %parallel_loop3A_797 = arith.cmpi slt, %parallel_loop3A_790, %parallel_loop3A_796 : i32
      %parallel_loop3A_798 = arith.xori %parallel_loop3A_795, %parallel_loop3A_797 : i1
      %parallel_loop3A_799 = arith.andi %parallel_loop3A_798, %parallel_loop3A_793 : i1
      %parallel_loop3A_800 = arith.addi %parallel_loop3A_791, %parallel_loop3A_790 : i32
      %parallel_loop3A_801 = arith.select %parallel_loop3A_799, %parallel_loop3A_800, %parallel_loop3A_791 : i32
      %parallel_loop3A_802 = arith.constant 16 : i32
      %parallel_loop3A_803 = arith.muli %parallel_loop3A_801, %parallel_loop3A_802 : i32
      %parallel_loop3A_804 = arith.index_cast %parallel_loop3A_785 : i32 to index
      %parallel_loop3A_805 = arith.index_cast %parallel_loop3A_803 : i32 to index
      %parallel_loop3A_806 = tpu.vector_load %arg9[%parallel_loop3A_804, %parallel_loop3A_805] {strides = array<i32>} : memref<16x128xi32, #tpu.memory_space<vmem>>, vector<16xi32>,
      %parallel_loop3A_807 = arith.constant 7 : i32
      %parallel_loop3A_808 = vector.broadcast %parallel_loop3A_807 : i32 to vector<16xi32>
      %parallel_loop3A_809 = arith.shrui %parallel_loop3A_806, %parallel_loop3A_808 : vector<16xi32>
      %parallel_loop3A_810 = arith.constant 127 : i32
      %parallel_loop3A_811 = vector.broadcast %parallel_loop3A_810 : i32 to vector<16xi32>
      %parallel_loop3A_812 = arith.andi %parallel_loop3A_806, %parallel_loop3A_811 : vector<16xi32>
      %parallel_loop3A_813 = tpu.vector_load_idx %arg7[%broadcast_in_dim3A_1, %parallel_loop3A_809, %parallel_loop3A_812] : memref<8x8x128xf32, #tpu.memory_space<vmem>>[vector<16xi32>, vector<16xi32>, vector<16xi32>], vector<16xf32>,
      %parallel_loop3A_814 = tpu.vector_load_idx %arg7[%broadcast_in_dim3A_3, %parallel_loop3A_809, %parallel_loop3A_812] : memref<8x8x128xf32, #tpu.memory_space<vmem>>[vector<16xi32>, vector<16xi32>, vector<16xi32>], vector<16xf32>,
      %parallel_loop3A_815 = tpu.vector_load_idx %arg7[%broadcast_in_dim3A_5, %parallel_loop3A_809, %parallel_loop3A_812] : memref<8x8x128xf32, #tpu.memory_space<vmem>>[vector<16xi32>, vector<16xi32>, vector<16xi32>], vector<16xf32>,
      %parallel_loop3A_816 = tpu.vector_load_idx %arg7[%broadcast_in_dim3A_7, %parallel_loop3A_809, %parallel_loop3A_812] : memref<8x8x128xf32, #tpu.memory_space<vmem>>[vector<16xi32>, vector<16xi32>, vector<16xi32>], vector<16xf32>,
      %parallel_loop3A_817 = tpu.vector_load_idx %arg7[%broadcast_in_dim3A_9, %parallel_loop3A_809, %parallel_loop3A_812] : memref<8x8x128xf32, #tpu.memory_space<vmem>>[vector<16xi32>, vector<16xi32>, vector<16xi32>], vector<16xf32>,
      %parallel_loop3A_818 = tpu.vector_load_idx %arg7[%broadcast_in_dim3A_11, %parallel_loop3A_809, %parallel_loop3A_812] : memref<8x8x128xf32, #tpu.memory_space<vmem>>[vector<16xi32>, vector<16xi32>, vector<16xi32>], vector<16xf32>,
      %parallel_loop3A_819 = tpu.vector_load_idx %arg7[%broadcast_in_dim3A_13, %parallel_loop3A_809, %parallel_loop3A_812] : memref<8x8x128xf32, #tpu.memory_space<vmem>>[vector<16xi32>, vector<16xi32>, vector<16xi32>], vector<16xf32>,
      %parallel_loop3A_820 = tpu.vector_load_idx %arg7[%broadcast_in_dim3A_15, %parallel_loop3A_809, %parallel_loop3A_812] : memref<8x8x128xf32, #tpu.memory_space<vmem>>[vector<16xi32>, vector<16xi32>, vector<16xi32>], vector<16xf32>,
      %parallel_loop3A_821 = arith.constant 0 : i32
      %parallel_loop3A_822 = arith.index_cast %parallel_loop3A_821 : i32 to index
      %parallel_loop3A_823 = arith.index_cast %parallel_loop3A_785 : i32 to index
      %parallel_loop3A_824 = arith.index_cast %parallel_loop3A_803 : i32 to index
      %parallel_loop3A_825 = tpu.vector_load %arg11[%parallel_loop3A_822, %parallel_loop3A_823, %parallel_loop3A_824] {strides = array<i32>} : memref<8x16x128xf32, #tpu.memory_space<vmem>>, vector<16xf32>,
      tpu.vector_store %arg11[%parallel_loop3A_822, %parallel_loop3A_823, %parallel_loop3A_824], %parallel_loop3A_813 {strides = array<i32>} : memref<8x16x128xf32, #tpu.memory_space<vmem>>, vector<16xf32>,
      %parallel_loop3A_826 = arith.constant 1 : i32
      %parallel_loop3A_827 = arith.index_cast %parallel_loop3A_826 : i32 to index
      %parallel_loop3A_828 = arith.index_cast %parallel_loop3A_785 : i32 to index
      %parallel_loop3A_829 = arith.index_cast %parallel_loop3A_803 : i32 to index
      %parallel_loop3A_830 = tpu.vector_load %arg11[%parallel_loop3A_827, %parallel_loop3A_828, %parallel_loop3A_829] {strides = array<i32>} : memref<8x16x128xf32, #tpu.memory_space<vmem>>, vector<16xf32>,
      tpu.vector_store %arg11[%parallel_loop3A_827, %parallel_loop3A_828, %parallel_loop3A_829], %parallel_loop3A_814 {strides = array<i32>} : memref<8x16x128xf32, #tpu.memory_space<vmem>>, vector<16xf32>,
      %parallel_loop3A_831 = arith.constant 2 : i32
      %parallel_loop3A_832 = arith.index_cast %parallel_loop3A_831 : i32 to index
      %parallel_loop3A_833 = arith.index_cast %parallel_loop3A_785 : i32 to index
      %parallel_loop3A_834 = arith.index_cast %parallel_loop3A_803 : i32 to index
      %parallel_loop3A_835 = tpu.vector_load %arg11[%parallel_loop3A_832, %parallel_loop3A_833, %parallel_loop3A_834] {strides = array<i32>} : memref<8x16x128xf32, #tpu.memory_space<vmem>>, vector<16xf32>,
      tpu.vector_store %arg11[%parallel_loop3A_832, %parallel_loop3A_833, %parallel_loop3A_834], %parallel_loop3A_815 {strides = array<i32>} : memref<8x16x128xf32, #tpu.memory_space<vmem>>, vector<16xf32>,
      %parallel_loop3A_836 = arith.constant 3 : i32
      %parallel_loop3A_837 = arith.index_cast %parallel_loop3A_836 : i32 to index
      %parallel_loop3A_838 = arith.index_cast %parallel_loop3A_785 : i32 to index
      %parallel_loop3A_839 = arith.index_cast %parallel_loop3A_803 : i32 to index
      %parallel_loop3A_840 = tpu.vector_load %arg11[%parallel_loop3A_837, %parallel_loop3A_838, %parallel_loop3A_839] {strides = array<i32>} : memref<8x16x128xf32, #tpu.memory_space<vmem>>, vector<16xf32>,
      tpu.vector_store %arg11[%parallel_loop3A_837, %parallel_loop3A_838, %parallel_loop3A_839], %parallel_loop3A_816 {strides = array<i32>} : memref<8x16x128xf32, #tpu.memory_space<vmem>>, vector<16xf32>,
      %parallel_loop3A_841 = arith.constant 4 : i32
      %parallel_loop3A_842 = arith.index_cast %parallel_loop3A_841 : i32 to index
      %parallel_loop3A_843 = arith.index_cast %parallel_loop3A_785 : i32 to index
      %parallel_loop3A_844 = arith.index_cast %parallel_loop3A_803 : i32 to index
      %parallel_loop3A_845 = tpu.vector_load %arg11[%parallel_loop3A_842, %parallel_loop3A_843, %parallel_loop3A_844] {strides = array<i32>} : memref<8x16x128xf32, #tpu.memory_space<vmem>>, vector<16xf32>,
      tpu.vector_store %arg11[%parallel_loop3A_842, %parallel_loop3A_843, %parallel_loop3A_844], %parallel_loop3A_817 {strides = array<i32>} : memref<8x16x128xf32, #tpu.memory_space<vmem>>, vector<16xf32>,
      %parallel_loop3A_846 = arith.constant 5 : i32
      %parallel_loop3A_847 = arith.index_cast %parallel_loop3A_846 : i32 to index
      %parallel_loop3A_848 = arith.index_cast %parallel_loop3A_785 : i32 to index
      %parallel_loop3A_849 = arith.index_cast %parallel_loop3A_803 : i32 to index
      %parallel_loop3A_850 = tpu.vector_load %arg11[%parallel_loop3A_847, %parallel_loop3A_848, %parallel_loop3A_849] {strides = array<i32>} : memref<8x16x128xf32, #tpu.memory_space<vmem>>, vector<16xf32>,
      tpu.vector_store %arg11[%parallel_loop3A_847, %parallel_loop3A_848, %parallel_loop3A_849], %parallel_loop3A_818 {strides = array<i32>} : memref<8x16x128xf32, #tpu.memory_space<vmem>>, vector<16xf32>,
      %parallel_loop3A_851 = arith.constant 6 : i32
      %parallel_loop3A_852 = arith.index_cast %parallel_loop3A_851 : i32 to index
      %parallel_loop3A_853 = arith.index_cast %parallel_loop3A_785 : i32 to index
      %parallel_loop3A_854 = arith.index_cast %parallel_loop3A_803 : i32 to index
      %parallel_loop3A_855 = tpu.vector_load %arg11[%parallel_loop3A_852, %parallel_loop3A_853, %parallel_loop3A_854] {strides = array<i32>} : memref<8x16x128xf32, #tpu.memory_space<vmem>>, vector<16xf32>,
      tpu.vector_store %arg11[%parallel_loop3A_852, %parallel_loop3A_853, %parallel_loop3A_854], %parallel_loop3A_819 {strides = array<i32>} : memref<8x16x128xf32, #tpu.memory_space<vmem>>, vector<16xf32>,
      %parallel_loop3A_856 = arith.constant 7 : i32
      %parallel_loop3A_857 = arith.index_cast %parallel_loop3A_856 : i32 to index
      %parallel_loop3A_858 = arith.index_cast %parallel_loop3A_785 : i32 to index
      %parallel_loop3A_859 = arith.index_cast %parallel_loop3A_803 : i32 to index
      %parallel_loop3A_860 = tpu.vector_load %arg11[%parallel_loop3A_857, %parallel_loop3A_858, %parallel_loop3A_859] {strides = array<i32>} : memref<8x16x128xf32, #tpu.memory_space<vmem>>, vector<16xf32>,
      tpu.vector_store %arg11[%parallel_loop3A_857, %parallel_loop3A_858, %parallel_loop3A_859], %parallel_loop3A_820 {strides = array<i32>} : memref<8x16x128xf32, #tpu.memory_space<vmem>>, vector<16xf32>,
    } {sc.loop_unroll_factor = 4 : i64, sc.parallel_access}
    %jit3A_572 = arith.constant 16 : i32
    %eq3A_573 = arith.constant 0 : i32
    %eq3A_574 = arith.cmpi eq, %jit3A_572, %eq3A_573 : i32
    %jit3A_575 = arith.constant 1 : i32
    %select_n3A_576 = arith.select %eq3A_574, %jit3A_575, %jit3A_572 : i32
    %rem3A_577 = arith.remsi %select_n3A_157, %select_n3A_576 : i32
    %ne3A_578 = arith.constant 0 : i32
    %ne3A_579 = arith.cmpi ne, %rem3A_577, %ne3A_578 : i32
    %lt3A_580 = arith.constant 0 : i32
    %lt3A_581 = arith.cmpi slt, %rem3A_577, %lt3A_580 : i32
    %lt3A_582 = arith.constant 0 : i32
    %lt3A_583 = arith.cmpi slt, %select_n3A_576, %lt3A_582 : i32
    %ne3A_584 = arith.xori %lt3A_581, %lt3A_583 : i1
    %and3A_585 = arith.andi %ne3A_584, %ne3A_579 : i1
    %add3A_586 = arith.addi %rem3A_577, %select_n3A_576 : i32
    %select_n3A_587 = arith.select %and3A_585, %add3A_586, %rem3A_577 : i32
    %mul3A_588 = arith.constant 8 : i32
    %mul3A_589 = arith.muli %select_n3A_587, %mul3A_588 : i32
    %multiple_of3A_590 = tpu.assume_multiple %mul3A_589, 8 : i32
    %mul3A_591 = arith.constant 16 : i32
    %mul3A_592 = arith.muli %select_n3A_181, %mul3A_591 : i32
    %multiple_of3A_593 = tpu.assume_multiple %mul3A_592, 8 : i32
    %dma_start3A_594 = arith.constant 0 : i32
    %dma_start3A_595 = tpu.memref_slice %arg4[%multiple_of3A_590, %multiple_of3A_593, %dma_start3A_594] : memref<128x128x128xf32, #tpu.memory_space<hbm>> -> memref<8x16x128xf32, #tpu.memory_space<hbm>>
    %dma_start3A_596 = arith.constant 0 : i32
    %dma_start3A_597 = tpu.memref_slice %arg4[%multiple_of3A_590, %multiple_of3A_593, %dma_start3A_596] : memref<128x128x128xf32, #tpu.memory_space<hbm>> -> memref<8x16x128xf32, #tpu.memory_space<hbm>>
    tpu.enqueue_dma source(%arg11 : memref<8x16x128xf32, #tpu.memory_space<vmem>>) target(%dma_start3A_597 : memref<8x16x128xf32, #tpu.memory_space<hbm>>) target_semaphore(%arg15 : memref<!tpu.dma_semaphore, #tpu.memory_space<semaphore_mem>>)
    %dma_start3A_598 = arith.constant 0 : i32
    %dma_start3A_599 = arith.constant 0 : i32
    %dma_start3A_600 = arith.constant 0 : i32
    %dma_start3A_601 = tpu.memref_slice %arg2[%add3A_249, %dma_start3A_598, %dma_start3A_599, %dma_start3A_600] : memref<26x8x8x128xf32, #tpu.memory_space<hbm>> -> memref<1x8x8x128xf32, #tpu.memory_space<hbm>>
    %dma_start3A_602 = tpu.memref_squeeze %dma_start3A_601 : memref<1x8x8x128xf32, #tpu.memory_space<hbm>> -> memref<8x8x128xf32, #tpu.memory_space<hbm>>
    %dma_start3A_603 = arith.constant 0 : i32
    %dma_start3A_604 = arith.constant 0 : i32
    %dma_start3A_605 = arith.constant 0 : i32
    %dma_start3A_606 = tpu.memref_slice %arg2[%add3A_249, %dma_start3A_603, %dma_start3A_604, %dma_start3A_605] : memref<26x8x8x128xf32, #tpu.memory_space<hbm>> -> memref<1x8x8x128xf32, #tpu.memory_space<hbm>>
    %dma_start3A_607 = tpu.memref_squeeze %dma_start3A_606 : memref<1x8x8x128xf32, #tpu.memory_space<hbm>> -> memref<8x8x128xf32, #tpu.memory_space<hbm>>
    tpu.enqueue_dma source(%dma_start3A_607 : memref<8x8x128xf32, #tpu.memory_space<hbm>>) target(%arg7 : memref<8x8x128xf32, #tpu.memory_space<vmem>>) target_semaphore(%arg13 : memref<!tpu.dma_semaphore, #tpu.memory_space<semaphore_mem>>)
    %mul3A_608 = arith.constant 16 : i32
    %mul3A_609 = arith.muli %select_n3A_273, %mul3A_608 : i32
    %multiple_of3A_610 = tpu.assume_multiple %mul3A_609, 8 : i32
    %dma_start3A_611 = arith.constant 0 : i32
    %dma_start3A_612 = tpu.memref_slice %arg3[%add3A_249, %multiple_of3A_610, %dma_start3A_611] : memref<26x128x128xi32, #tpu.memory_space<hbm>> -> memref<1x16x128xi32, #tpu.memory_space<hbm>>
    %dma_start3A_613 = tpu.memref_squeeze %dma_start3A_612 : memref<1x16x128xi32, #tpu.memory_space<hbm>> -> memref<16x128xi32, #tpu.memory_space<hbm>>
    %dma_start3A_614 = arith.constant 0 : i32
    %dma_start3A_615 = tpu.memref_slice %arg3[%add3A_249, %multiple_of3A_610, %dma_start3A_614] : memref<26x128x128xi32, #tpu.memory_space<hbm>> -> memref<1x16x128xi32, #tpu.memory_space<hbm>>
    %dma_start3A_616 = tpu.memref_squeeze %dma_start3A_615 : memref<1x16x128xi32, #tpu.memory_space<hbm>> -> memref<16x128xi32, #tpu.memory_space<hbm>>
    tpu.enqueue_dma source(%dma_start3A_616 : memref<16x128xi32, #tpu.memory_space<hbm>>) target(%arg9 : memref<16x128xi32, #tpu.memory_space<vmem>>) target_semaphore(%arg13 : memref<!tpu.dma_semaphore, #tpu.memory_space<semaphore_mem>>)
    %dma_wait3A_617 = arith.constant 0 : i32
    %dma_wait3A_618 = arith.constant 0 : i32
    %dma_wait3A_619 = arith.constant 0 : i32
    %dma_wait3A_620 = tpu.memref_slice %arg2[%add3A_203, %dma_wait3A_617, %dma_wait3A_618, %dma_wait3A_619] : memref<26x8x8x128xf32, #tpu.memory_space<hbm>> -> memref<1x8x8x128xf32, #tpu.memory_space<hbm>>
    %dma_wait3A_621 = tpu.memref_squeeze %dma_wait3A_620 : memref<1x8x8x128xf32, #tpu.memory_space<hbm>> -> memref<8x8x128xf32, #tpu.memory_space<hbm>>
    %dma_wait3A_622 = arith.constant 0 : i32
    %dma_wait3A_623 = arith.constant 0 : i32
    %dma_wait3A_624 = arith.constant 0 : i32
    %dma_wait3A_625 = tpu.memref_slice %arg2[%add3A_203, %dma_wait3A_622, %dma_wait3A_623, %dma_wait3A_624] : memref<26x8x8x128xf32, #tpu.memory_space<hbm>> -> memref<1x8x8x128xf32, #tpu.memory_space<hbm>>
    %dma_wait3A_626 = tpu.memref_squeeze %dma_wait3A_625 : memref<1x8x8x128xf32, #tpu.memory_space<hbm>> -> memref<8x8x128xf32, #tpu.memory_space<hbm>>
    tpu.wait_dma2 semaphore(%arg12 : memref<!tpu.dma_semaphore, #tpu.memory_space<semaphore_mem>>) src(%dma_wait3A_626 : memref<8x8x128xf32, #tpu.memory_space<hbm>>) dst(%arg6 : memref<8x8x128xf32, #tpu.memory_space<vmem>>)
    %dma_wait3A_627 = arith.constant 0 : i32
    %dma_wait3A_628 = tpu.memref_slice %arg3[%add3A_203, %multiple_of3A_542, %dma_wait3A_627] : memref<26x128x128xi32, #tpu.memory_space<hbm>> -> memref<1x16x128xi32, #tpu.memory_space<hbm>>
    %dma_wait3A_629 = tpu.memref_squeeze %dma_wait3A_628 : memref<1x16x128xi32, #tpu.memory_space<hbm>> -> memref<16x128xi32, #tpu.memory_space<hbm>>
    %dma_wait3A_630 = arith.constant 0 : i32
    %dma_wait3A_631 = tpu.memref_slice %arg3[%add3A_203, %multiple_of3A_542, %dma_wait3A_630] : memref<26x128x128xi32, #tpu.memory_space<hbm>> -> memref<1x16x128xi32, #tpu.memory_space<hbm>>
    %dma_wait3A_632 = tpu.memref_squeeze %dma_wait3A_631 : memref<1x16x128xi32, #tpu.memory_space<hbm>> -> memref<16x128xi32, #tpu.memory_space<hbm>>
    tpu.wait_dma2 semaphore(%arg12 : memref<!tpu.dma_semaphore, #tpu.memory_space<semaphore_mem>>) src(%dma_wait3A_632 : memref<16x128xi32, #tpu.memory_space<hbm>>) dst(%arg8 : memref<16x128xi32, #tpu.memory_space<vmem>>)
    %dma_wait3A_633 = arith.constant 0 : i32
    %dma_wait3A_634 = tpu.memref_slice %arg4[%multiple_of3A_522, %multiple_of3A_525, %dma_wait3A_633] : memref<128x128x128xf32, #tpu.memory_space<hbm>> -> memref<8x16x128xf32, #tpu.memory_space<hbm>>
    %dma_wait3A_635 = arith.constant 0 : i32
    %dma_wait3A_636 = tpu.memref_slice %arg4[%multiple_of3A_522, %multiple_of3A_525, %dma_wait3A_635] : memref<128x128x128xf32, #tpu.memory_space<hbm>> -> memref<8x16x128xf32, #tpu.memory_space<hbm>>
    tpu.wait_dma2 semaphore(%arg14 : memref<!tpu.dma_semaphore, #tpu.memory_space<semaphore_mem>>) src(%arg10 : memref<8x16x128xf32, #tpu.memory_space<vmem>>) dst(%dma_wait3A_636 : memref<8x16x128xf32, #tpu.memory_space<hbm>>)
    %parallel_loop3A_637 = arith.constant 0 : i32
    %parallel_loop3A_638 = arith.constant 128 : i32
    %parallel_loop3A_639 = arith.constant 1 : i32
    scf.for %parallel_loop3A_761 = %parallel_loop3A_637 to %parallel_loop3A_638 step %parallel_loop3A_639  : i32 {
      %parallel_loop3A_762 = arith.constant 8 : i32
      %parallel_loop3A_763 = arith.divsi %parallel_loop3A_761, %parallel_loop3A_762 : i32
      %parallel_loop3A_764 = arith.constant 0 : i32
      %parallel_loop3A_765 = arith.cmpi sgt, %parallel_loop3A_761, %parallel_loop3A_764 : i32
      %parallel_loop3A_766 = arith.extui %parallel_loop3A_765 : i1 to i32
      %parallel_loop3A_767 = arith.constant 0 : i32
      %parallel_loop3A_768 = arith.cmpi slt, %parallel_loop3A_761, %parallel_loop3A_767 : i32
      %parallel_loop3A_769 = arith.extui %parallel_loop3A_768 : i1 to i32
      %parallel_loop3A_770 = arith.subi %parallel_loop3A_766, %parallel_loop3A_769 : i32
      %parallel_loop3A_771 = arith.constant 0 : i32
      %parallel_loop3A_772 = arith.cmpi sgt, %parallel_loop3A_762, %parallel_loop3A_771 : i32
      %parallel_loop3A_773 = arith.extui %parallel_loop3A_772 : i1 to i32
      %parallel_loop3A_774 = arith.constant 0 : i32
      %parallel_loop3A_775 = arith.cmpi slt, %parallel_loop3A_762, %parallel_loop3A_774 : i32
      %parallel_loop3A_776 = arith.extui %parallel_loop3A_775 : i1 to i32
      %parallel_loop3A_777 = arith.subi %parallel_loop3A_773, %parallel_loop3A_776 : i32
      %parallel_loop3A_778 = arith.cmpi ne, %parallel_loop3A_770, %parallel_loop3A_777 : i32
      %parallel_loop3A_779 = arith.remsi %parallel_loop3A_761, %parallel_loop3A_762 : i32
      %parallel_loop3A_780 = arith.constant 0 : i32
      %parallel_loop3A_781 = arith.cmpi ne, %parallel_loop3A_779, %parallel_loop3A_780 : i32
      %parallel_loop3A_782 = arith.andi %parallel_loop3A_778, %parallel_loop3A_781 : i1
      %parallel_loop3A_783 = arith.constant 1 : i32
      %parallel_loop3A_784 = arith.subi %parallel_loop3A_763, %parallel_loop3A_783 : i32
      %parallel_loop3A_785 = arith.select %parallel_loop3A_782, %parallel_loop3A_784, %parallel_loop3A_763 : i32
      %parallel_loop3A_786 = arith.constant 8 : i32
      %parallel_loop3A_787 = arith.constant 0 : i32
      %parallel_loop3A_788 = arith.cmpi eq, %parallel_loop3A_786, %parallel_loop3A_787 : i32
      %parallel_loop3A_789 = arith.constant 1 : i32
      %parallel_loop3A_790 = arith.select %parallel_loop3A_788, %parallel_loop3A_789, %parallel_loop3A_786 : i32
      %parallel_loop3A_791 = arith.remsi %parallel_loop3A_761, %parallel_loop3A_790 : i32
      %parallel_loop3A_792 = arith.constant 0 : i32
      %parallel_loop3A_793 = arith.cmpi ne, %parallel_loop3A_791, %parallel_loop3A_792 : i32
      %parallel_loop3A_794 = arith.constant 0 : i32
      %parallel_loop3A_795 = arith.cmpi slt, %parallel_loop3A_791, %parallel_loop3A_794 : i32
      %parallel_loop3A_796 = arith.constant 0 : i32
      %parallel_loop3A_797 = arith.cmpi slt, %parallel_loop3A_790, %parallel_loop3A_796 : i32
      %parallel_loop3A_798 = arith.xori %parallel_loop3A_795, %parallel_loop3A_797 : i1
      %parallel_loop3A_799 = arith.andi %parallel_loop3A_798, %parallel_loop3A_793 : i1
      %parallel_loop3A_800 = arith.addi %parallel_loop3A_791, %parallel_loop3A_790 : i32
      %parallel_loop3A_801 = arith.select %parallel_loop3A_799, %parallel_loop3A_800, %parallel_loop3A_791 : i32
      %parallel_loop3A_802 = arith.constant 16 : i32
      %parallel_loop3A_803 = arith.muli %parallel_loop3A_801, %parallel_loop3A_802 : i32
      %parallel_loop3A_804 = arith.index_cast %parallel_loop3A_785 : i32 to index
      %parallel_loop3A_805 = arith.index_cast %parallel_loop3A_803 : i32 to index
      %parallel_loop3A_806 = tpu.vector_load %arg8[%parallel_loop3A_804, %parallel_loop3A_805] {strides = array<i32>} : memref<16x128xi32, #tpu.memory_space<vmem>>, vector<16xi32>,
      %parallel_loop3A_807 = arith.constant 7 : i32
      %parallel_loop3A_808 = vector.broadcast %parallel_loop3A_807 : i32 to vector<16xi32>
      %parallel_loop3A_809 = arith.shrui %parallel_loop3A_806, %parallel_loop3A_808 : vector<16xi32>
      %parallel_loop3A_810 = arith.constant 127 : i32
      %parallel_loop3A_811 = vector.broadcast %parallel_loop3A_810 : i32 to vector<16xi32>
      %parallel_loop3A_812 = arith.andi %parallel_loop3A_806, %parallel_loop3A_811 : vector<16xi32>
      %parallel_loop3A_813 = tpu.vector_load_idx %arg6[%broadcast_in_dim3A_1, %parallel_loop3A_809, %parallel_loop3A_812] : memref<8x8x128xf32, #tpu.memory_space<vmem>>[vector<16xi32>, vector<16xi32>, vector<16xi32>], vector<16xf32>,
      %parallel_loop3A_814 = tpu.vector_load_idx %arg6[%broadcast_in_dim3A_3, %parallel_loop3A_809, %parallel_loop3A_812] : memref<8x8x128xf32, #tpu.memory_space<vmem>>[vector<16xi32>, vector<16xi32>, vector<16xi32>], vector<16xf32>,
      %parallel_loop3A_815 = tpu.vector_load_idx %arg6[%broadcast_in_dim3A_5, %parallel_loop3A_809, %parallel_loop3A_812] : memref<8x8x128xf32, #tpu.memory_space<vmem>>[vector<16xi32>, vector<16xi32>, vector<16xi32>], vector<16xf32>,
      %parallel_loop3A_816 = tpu.vector_load_idx %arg6[%broadcast_in_dim3A_7, %parallel_loop3A_809, %parallel_loop3A_812] : memref<8x8x128xf32, #tpu.memory_space<vmem>>[vector<16xi32>, vector<16xi32>, vector<16xi32>], vector<16xf32>,
      %parallel_loop3A_817 = tpu.vector_load_idx %arg6[%broadcast_in_dim3A_9, %parallel_loop3A_809, %parallel_loop3A_812] : memref<8x8x128xf32, #tpu.memory_space<vmem>>[vector<16xi32>, vector<16xi32>, vector<16xi32>], vector<16xf32>,
      %parallel_loop3A_818 = tpu.vector_load_idx %arg6[%broadcast_in_dim3A_11, %parallel_loop3A_809, %parallel_loop3A_812] : memref<8x8x128xf32, #tpu.memory_space<vmem>>[vector<16xi32>, vector<16xi32>, vector<16xi32>], vector<16xf32>,
      %parallel_loop3A_819 = tpu.vector_load_idx %arg6[%broadcast_in_dim3A_13, %parallel_loop3A_809, %parallel_loop3A_812] : memref<8x8x128xf32, #tpu.memory_space<vmem>>[vector<16xi32>, vector<16xi32>, vector<16xi32>], vector<16xf32>,
      %parallel_loop3A_820 = tpu.vector_load_idx %arg6[%broadcast_in_dim3A_15, %parallel_loop3A_809, %parallel_loop3A_812] : memref<8x8x128xf32, #tpu.memory_space<vmem>>[vector<16xi32>, vector<16xi32>, vector<16xi32>], vector<16xf32>,
      %parallel_loop3A_821 = arith.constant 0 : i32
      %parallel_loop3A_822 = arith.index_cast %parallel_loop3A_821 : i32 to index
      %parallel_loop3A_823 = arith.index_cast %parallel_loop3A_785 : i32 to index
      %parallel_loop3A_824 = arith.index_cast %parallel_loop3A_803 : i32 to index
      %parallel_loop3A_825 = tpu.vector_load %arg10[%parallel_loop3A_822, %parallel_loop3A_823, %parallel_loop3A_824] {strides = array<i32>} : memref<8x16x128xf32, #tpu.memory_space<vmem>>, vector<16xf32>,
      tpu.vector_store %arg10[%parallel_loop3A_822, %parallel_loop3A_823, %parallel_loop3A_824], %parallel_loop3A_813 {strides = array<i32>} : memref<8x16x128xf32, #tpu.memory_space<vmem>>, vector<16xf32>,
      %parallel_loop3A_826 = arith.constant 1 : i32
      %parallel_loop3A_827 = arith.index_cast %parallel_loop3A_826 : i32 to index
      %parallel_loop3A_828 = arith.index_cast %parallel_loop3A_785 : i32 to index
      %parallel_loop3A_829 = arith.index_cast %parallel_loop3A_803 : i32 to index
      %parallel_loop3A_830 = tpu.vector_load %arg10[%parallel_loop3A_827, %parallel_loop3A_828, %parallel_loop3A_829] {strides = array<i32>} : memref<8x16x128xf32, #tpu.memory_space<vmem>>, vector<16xf32>,
      tpu.vector_store %arg10[%parallel_loop3A_827, %parallel_loop3A_828, %parallel_loop3A_829], %parallel_loop3A_814 {strides = array<i32>} : memref<8x16x128xf32, #tpu.memory_space<vmem>>, vector<16xf32>,
      %parallel_loop3A_831 = arith.constant 2 : i32
      %parallel_loop3A_832 = arith.index_cast %parallel_loop3A_831 : i32 to index
      %parallel_loop3A_833 = arith.index_cast %parallel_loop3A_785 : i32 to index
      %parallel_loop3A_834 = arith.index_cast %parallel_loop3A_803 : i32 to index
      %parallel_loop3A_835 = tpu.vector_load %arg10[%parallel_loop3A_832, %parallel_loop3A_833, %parallel_loop3A_834] {strides = array<i32>} : memref<8x16x128xf32, #tpu.memory_space<vmem>>, vector<16xf32>,
      tpu.vector_store %arg10[%parallel_loop3A_832, %parallel_loop3A_833, %parallel_loop3A_834], %parallel_loop3A_815 {strides = array<i32>} : memref<8x16x128xf32, #tpu.memory_space<vmem>>, vector<16xf32>,
      %parallel_loop3A_836 = arith.constant 3 : i32
      %parallel_loop3A_837 = arith.index_cast %parallel_loop3A_836 : i32 to index
      %parallel_loop3A_838 = arith.index_cast %parallel_loop3A_785 : i32 to index
      %parallel_loop3A_839 = arith.index_cast %parallel_loop3A_803 : i32 to index
      %parallel_loop3A_840 = tpu.vector_load %arg10[%parallel_loop3A_837, %parallel_loop3A_838, %parallel_loop3A_839] {strides = array<i32>} : memref<8x16x128xf32, #tpu.memory_space<vmem>>, vector<16xf32>,
      tpu.vector_store %arg10[%parallel_loop3A_837, %parallel_loop3A_838, %parallel_loop3A_839], %parallel_loop3A_816 {strides = array<i32>} : memref<8x16x128xf32, #tpu.memory_space<vmem>>, vector<16xf32>,
      %parallel_loop3A_841 = arith.constant 4 : i32
      %parallel_loop3A_842 = arith.index_cast %parallel_loop3A_841 : i32 to index
      %parallel_loop3A_843 = arith.index_cast %parallel_loop3A_785 : i32 to index
      %parallel_loop3A_844 = arith.index_cast %parallel_loop3A_803 : i32 to index
      %parallel_loop3A_845 = tpu.vector_load %arg10[%parallel_loop3A_842, %parallel_loop3A_843, %parallel_loop3A_844] {strides = array<i32>} : memref<8x16x128xf32, #tpu.memory_space<vmem>>, vector<16xf32>,
      tpu.vector_store %arg10[%parallel_loop3A_842, %parallel_loop3A_843, %parallel_loop3A_844], %parallel_loop3A_817 {strides = array<i32>} : memref<8x16x128xf32, #tpu.memory_space<vmem>>, vector<16xf32>,
      %parallel_loop3A_846 = arith.constant 5 : i32
      %parallel_loop3A_847 = arith.index_cast %parallel_loop3A_846 : i32 to index
      %parallel_loop3A_848 = arith.index_cast %parallel_loop3A_785 : i32 to index
      %parallel_loop3A_849 = arith.index_cast %parallel_loop3A_803 : i32 to index
      %parallel_loop3A_850 = tpu.vector_load %arg10[%parallel_loop3A_847, %parallel_loop3A_848, %parallel_loop3A_849] {strides = array<i32>} : memref<8x16x128xf32, #tpu.memory_space<vmem>>, vector<16xf32>,
      tpu.vector_store %arg10[%parallel_loop3A_847, %parallel_loop3A_848, %parallel_loop3A_849], %parallel_loop3A_818 {strides = array<i32>} : memref<8x16x128xf32, #tpu.memory_space<vmem>>, vector<16xf32>,
      %parallel_loop3A_851 = arith.constant 6 : i32
      %parallel_loop3A_852 = arith.index_cast %parallel_loop3A_851 : i32 to index
      %parallel_loop3A_853 = arith.index_cast %parallel_loop3A_785 : i32 to index
      %parallel_loop3A_854 = arith.index_cast %parallel_loop3A_803 : i32 to index
      %parallel_loop3A_855 = tpu.vector_load %arg10[%parallel_loop3A_852, %parallel_loop3A_853, %parallel_loop3A_854] {strides = array<i32>} : memref<8x16x128xf32, #tpu.memory_space<vmem>>, vector<16xf32>,
      tpu.vector_store %arg10[%parallel_loop3A_852, %parallel_loop3A_853, %parallel_loop3A_854], %parallel_loop3A_819 {strides = array<i32>} : memref<8x16x128xf32, #tpu.memory_space<vmem>>, vector<16xf32>,
      %parallel_loop3A_856 = arith.constant 7 : i32
      %parallel_loop3A_857 = arith.index_cast %parallel_loop3A_856 : i32 to index
      %parallel_loop3A_858 = arith.index_cast %parallel_loop3A_785 : i32 to index
      %parallel_loop3A_859 = arith.index_cast %parallel_loop3A_803 : i32 to index
      %parallel_loop3A_860 = tpu.vector_load %arg10[%parallel_loop3A_857, %parallel_loop3A_858, %parallel_loop3A_859] {strides = array<i32>} : memref<8x16x128xf32, #tpu.memory_space<vmem>>, vector<16xf32>,
      tpu.vector_store %arg10[%parallel_loop3A_857, %parallel_loop3A_858, %parallel_loop3A_859], %parallel_loop3A_820 {strides = array<i32>} : memref<8x16x128xf32, #tpu.memory_space<vmem>>, vector<16xf32>,
    } {sc.loop_unroll_factor = 4 : i64, sc.parallel_access}
    %jit3A_640 = arith.constant 16 : i32
    %eq3A_641 = arith.constant 0 : i32
    %eq3A_642 = arith.cmpi eq, %jit3A_640, %eq3A_641 : i32
    %jit3A_643 = arith.constant 1 : i32
    %select_n3A_644 = arith.select %eq3A_642, %jit3A_643, %jit3A_640 : i32
    %rem3A_645 = arith.remsi %add3A_203, %select_n3A_644 : i32
    %ne3A_646 = arith.constant 0 : i32
    %ne3A_647 = arith.cmpi ne, %rem3A_645, %ne3A_646 : i32
    %lt3A_648 = arith.constant 0 : i32
    %lt3A_649 = arith.cmpi slt, %rem3A_645, %lt3A_648 : i32
    %lt3A_650 = arith.constant 0 : i32
    %lt3A_651 = arith.cmpi slt, %select_n3A_644, %lt3A_650 : i32
    %ne3A_652 = arith.xori %lt3A_649, %lt3A_651 : i1
    %and3A_653 = arith.andi %ne3A_652, %ne3A_647 : i1
    %add3A_654 = arith.addi %rem3A_645, %select_n3A_644 : i32
    %select_n3A_655 = arith.select %and3A_653, %add3A_654, %rem3A_645 : i32
    %mul3A_656 = arith.constant 8 : i32
    %mul3A_657 = arith.muli %select_n3A_655, %mul3A_656 : i32
    %multiple_of3A_658 = tpu.assume_multiple %mul3A_657, 8 : i32
    %mul3A_659 = arith.constant 16 : i32
    %mul3A_660 = arith.muli %select_n3A_227, %mul3A_659 : i32
    %multiple_of3A_661 = tpu.assume_multiple %mul3A_660, 8 : i32
    %dma_start3A_662 = arith.constant 0 : i32
    %dma_start3A_663 = tpu.memref_slice %arg5[%multiple_of3A_658, %multiple_of3A_661, %dma_start3A_662] : memref<128x128x128xf32, #tpu.memory_space<hbm>> -> memref<8x16x128xf32, #tpu.memory_space<hbm>>
    %dma_start3A_664 = arith.constant 0 : i32
    %dma_start3A_665 = tpu.memref_slice %arg5[%multiple_of3A_658, %multiple_of3A_661, %dma_start3A_664] : memref<128x128x128xf32, #tpu.memory_space<hbm>> -> memref<8x16x128xf32, #tpu.memory_space<hbm>>
    tpu.enqueue_dma source(%arg10 : memref<8x16x128xf32, #tpu.memory_space<vmem>>) target(%dma_start3A_665 : memref<8x16x128xf32, #tpu.memory_space<hbm>>) target_semaphore(%arg14 : memref<!tpu.dma_semaphore, #tpu.memory_space<semaphore_mem>>)
    %dma_start3A_666 = arith.constant 0 : i32
    %dma_start3A_667 = arith.constant 0 : i32
    %dma_start3A_668 = arith.constant 0 : i32
    %dma_start3A_669 = tpu.memref_slice %arg2[%add3A_293, %dma_start3A_666, %dma_start3A_667, %dma_start3A_668] : memref<26x8x8x128xf32, #tpu.memory_space<hbm>> -> memref<1x8x8x128xf32, #tpu.memory_space<hbm>>
    %dma_start3A_670 = tpu.memref_squeeze %dma_start3A_669 : memref<1x8x8x128xf32, #tpu.memory_space<hbm>> -> memref<8x8x128xf32, #tpu.memory_space<hbm>>
    %dma_start3A_671 = arith.constant 0 : i32
    %dma_start3A_672 = arith.constant 0 : i32
    %dma_start3A_673 = arith.constant 0 : i32
    %dma_start3A_674 = tpu.memref_slice %arg2[%add3A_293, %dma_start3A_671, %dma_start3A_672, %dma_start3A_673] : memref<26x8x8x128xf32, #tpu.memory_space<hbm>> -> memref<1x8x8x128xf32, #tpu.memory_space<hbm>>
    %dma_start3A_675 = tpu.memref_squeeze %dma_start3A_674 : memref<1x8x8x128xf32, #tpu.memory_space<hbm>> -> memref<8x8x128xf32, #tpu.memory_space<hbm>>
    tpu.enqueue_dma source(%dma_start3A_675 : memref<8x8x128xf32, #tpu.memory_space<hbm>>) target(%arg6 : memref<8x8x128xf32, #tpu.memory_space<vmem>>) target_semaphore(%arg12 : memref<!tpu.dma_semaphore, #tpu.memory_space<semaphore_mem>>)
    %mul3A_676 = arith.constant 16 : i32
    %mul3A_677 = arith.muli %min3A_318, %mul3A_676 : i32
    %multiple_of3A_678 = tpu.assume_multiple %mul3A_677, 8 : i32
    %dma_start3A_679 = arith.constant 0 : i32
    %dma_start3A_680 = tpu.memref_slice %arg3[%add3A_293, %multiple_of3A_678, %dma_start3A_679] : memref<26x128x128xi32, #tpu.memory_space<hbm>> -> memref<1x16x128xi32, #tpu.memory_space<hbm>>
    %dma_start3A_681 = tpu.memref_squeeze %dma_start3A_680 : memref<1x16x128xi32, #tpu.memory_space<hbm>> -> memref<16x128xi32, #tpu.memory_space<hbm>>
    %dma_start3A_682 = arith.constant 0 : i32
    %dma_start3A_683 = tpu.memref_slice %arg3[%add3A_293, %multiple_of3A_678, %dma_start3A_682] : memref<26x128x128xi32, #tpu.memory_space<hbm>> -> memref<1x16x128xi32, #tpu.memory_space<hbm>>
    %dma_start3A_684 = tpu.memref_squeeze %dma_start3A_683 : memref<1x16x128xi32, #tpu.memory_space<hbm>> -> memref<16x128xi32, #tpu.memory_space<hbm>>
    tpu.enqueue_dma source(%dma_start3A_684 : memref<16x128xi32, #tpu.memory_space<hbm>>) target(%arg8 : memref<16x128xi32, #tpu.memory_space<vmem>>) target_semaphore(%arg12 : memref<!tpu.dma_semaphore, #tpu.memory_space<semaphore_mem>>)
    %dma_wait3A_685 = arith.constant 0 : i32
    %dma_wait3A_686 = arith.constant 0 : i32
    %dma_wait3A_687 = arith.constant 0 : i32
    %dma_wait3A_688 = tpu.memref_slice %arg2[%add3A_249, %dma_wait3A_685, %dma_wait3A_686, %dma_wait3A_687] : memref<26x8x8x128xf32, #tpu.memory_space<hbm>> -> memref<1x8x8x128xf32, #tpu.memory_space<hbm>>
    %dma_wait3A_689 = tpu.memref_squeeze %dma_wait3A_688 : memref<1x8x8x128xf32, #tpu.memory_space<hbm>> -> memref<8x8x128xf32, #tpu.memory_space<hbm>>
    %dma_wait3A_690 = arith.constant 0 : i32
    %dma_wait3A_691 = arith.constant 0 : i32
    %dma_wait3A_692 = arith.constant 0 : i32
    %dma_wait3A_693 = tpu.memref_slice %arg2[%add3A_249, %dma_wait3A_690, %dma_wait3A_691, %dma_wait3A_692] : memref<26x8x8x128xf32, #tpu.memory_space<hbm>> -> memref<1x8x8x128xf32, #tpu.memory_space<hbm>>
    %dma_wait3A_694 = tpu.memref_squeeze %dma_wait3A_693 : memref<1x8x8x128xf32, #tpu.memory_space<hbm>> -> memref<8x8x128xf32, #tpu.memory_space<hbm>>
    tpu.wait_dma2 semaphore(%arg13 : memref<!tpu.dma_semaphore, #tpu.memory_space<semaphore_mem>>) src(%dma_wait3A_694 : memref<8x8x128xf32, #tpu.memory_space<hbm>>) dst(%arg7 : memref<8x8x128xf32, #tpu.memory_space<vmem>>)
    %dma_wait3A_695 = arith.constant 0 : i32
    %dma_wait3A_696 = tpu.memref_slice %arg3[%add3A_249, %multiple_of3A_610, %dma_wait3A_695] : memref<26x128x128xi32, #tpu.memory_space<hbm>> -> memref<1x16x128xi32, #tpu.memory_space<hbm>>
    %dma_wait3A_697 = tpu.memref_squeeze %dma_wait3A_696 : memref<1x16x128xi32, #tpu.memory_space<hbm>> -> memref<16x128xi32, #tpu.memory_space<hbm>>
    %dma_wait3A_698 = arith.constant 0 : i32
    %dma_wait3A_699 = tpu.memref_slice %arg3[%add3A_249, %multiple_of3A_610, %dma_wait3A_698] : memref<26x128x128xi32, #tpu.memory_space<hbm>> -> memref<1x16x128xi32, #tpu.memory_space<hbm>>
    %dma_wait3A_700 = tpu.memref_squeeze %dma_wait3A_699 : memref<1x16x128xi32, #tpu.memory_space<hbm>> -> memref<16x128xi32, #tpu.memory_space<hbm>>
    tpu.wait_dma2 semaphore(%arg13 : memref<!tpu.dma_semaphore, #tpu.memory_space<semaphore_mem>>) src(%dma_wait3A_700 : memref<16x128xi32, #tpu.memory_space<hbm>>) dst(%arg9 : memref<16x128xi32, #tpu.memory_space<vmem>>)
    %dma_wait3A_701 = arith.constant 0 : i32
    %dma_wait3A_702 = tpu.memref_slice %arg4[%multiple_of3A_590, %multiple_of3A_593, %dma_wait3A_701] : memref<128x128x128xf32, #tpu.memory_space<hbm>> -> memref<8x16x128xf32, #tpu.memory_space<hbm>>
    %dma_wait3A_703 = arith.constant 0 : i32
    %dma_wait3A_704 = tpu.memref_slice %arg4[%multiple_of3A_590, %multiple_of3A_593, %dma_wait3A_703] : memref<128x128x128xf32, #tpu.memory_space<hbm>> -> memref<8x16x128xf32, #tpu.memory_space<hbm>>
    tpu.wait_dma2 semaphore(%arg15 : memref<!tpu.dma_semaphore, #tpu.memory_space<semaphore_mem>>) src(%arg11 : memref<8x16x128xf32, #tpu.memory_space<vmem>>) dst(%dma_wait3A_704 : memref<8x16x128xf32, #tpu.memory_space<hbm>>)
    %parallel_loop3A_705 = arith.constant 0 : i32
    %parallel_loop3A_706 = arith.constant 128 : i32
    %parallel_loop3A_707 = arith.constant 1 : i32
    scf.for %parallel_loop3A_761 = %parallel_loop3A_705 to %parallel_loop3A_706 step %parallel_loop3A_707  : i32 {
      %parallel_loop3A_762 = arith.constant 8 : i32
      %parallel_loop3A_763 = arith.divsi %parallel_loop3A_761, %parallel_loop3A_762 : i32
      %parallel_loop3A_764 = arith.constant 0 : i32
      %parallel_loop3A_765 = arith.cmpi sgt, %parallel_loop3A_761, %parallel_loop3A_764 : i32
      %parallel_loop3A_766 = arith.extui %parallel_loop3A_765 : i1 to i32
      %parallel_loop3A_767 = arith.constant 0 : i32
      %parallel_loop3A_768 = arith.cmpi slt, %parallel_loop3A_761, %parallel_loop3A_767 : i32
      %parallel_loop3A_769 = arith.extui %parallel_loop3A_768 : i1 to i32
      %parallel_loop3A_770 = arith.subi %parallel_loop3A_766, %parallel_loop3A_769 : i32
      %parallel_loop3A_771 = arith.constant 0 : i32
      %parallel_loop3A_772 = arith.cmpi sgt, %parallel_loop3A_762, %parallel_loop3A_771 : i32
      %parallel_loop3A_773 = arith.extui %parallel_loop3A_772 : i1 to i32
      %parallel_loop3A_774 = arith.constant 0 : i32
      %parallel_loop3A_775 = arith.cmpi slt, %parallel_loop3A_762, %parallel_loop3A_774 : i32
      %parallel_loop3A_776 = arith.extui %parallel_loop3A_775 : i1 to i32
      %parallel_loop3A_777 = arith.subi %parallel_loop3A_773, %parallel_loop3A_776 : i32
      %parallel_loop3A_778 = arith.cmpi ne, %parallel_loop3A_770, %parallel_loop3A_777 : i32
      %parallel_loop3A_779 = arith.remsi %parallel_loop3A_761, %parallel_loop3A_762 : i32
      %parallel_loop3A_780 = arith.constant 0 : i32
      %parallel_loop3A_781 = arith.cmpi ne, %parallel_loop3A_779, %parallel_loop3A_780 : i32
      %parallel_loop3A_782 = arith.andi %parallel_loop3A_778, %parallel_loop3A_781 : i1
      %parallel_loop3A_783 = arith.constant 1 : i32
      %parallel_loop3A_784 = arith.subi %parallel_loop3A_763, %parallel_loop3A_783 : i32
      %parallel_loop3A_785 = arith.select %parallel_loop3A_782, %parallel_loop3A_784, %parallel_loop3A_763 : i32
      %parallel_loop3A_786 = arith.constant 8 : i32
      %parallel_loop3A_787 = arith.constant 0 : i32
      %parallel_loop3A_788 = arith.cmpi eq, %parallel_loop3A_786, %parallel_loop3A_787 : i32
      %parallel_loop3A_789 = arith.constant 1 : i32
      %parallel_loop3A_790 = arith.select %parallel_loop3A_788, %parallel_loop3A_789, %parallel_loop3A_786 : i32
      %parallel_loop3A_791 = arith.remsi %parallel_loop3A_761, %parallel_loop3A_790 : i32
      %parallel_loop3A_792 = arith.constant 0 : i32
      %parallel_loop3A_793 = arith.cmpi ne, %parallel_loop3A_791, %parallel_loop3A_792 : i32
      %parallel_loop3A_794 = arith.constant 0 : i32
      %parallel_loop3A_795 = arith.cmpi slt, %parallel_loop3A_791, %parallel_loop3A_794 : i32
      %parallel_loop3A_796 = arith.constant 0 : i32
      %parallel_loop3A_797 = arith.cmpi slt, %parallel_loop3A_790, %parallel_loop3A_796 : i32
      %parallel_loop3A_798 = arith.xori %parallel_loop3A_795, %parallel_loop3A_797 : i1
      %parallel_loop3A_799 = arith.andi %parallel_loop3A_798, %parallel_loop3A_793 : i1
      %parallel_loop3A_800 = arith.addi %parallel_loop3A_791, %parallel_loop3A_790 : i32
      %parallel_loop3A_801 = arith.select %parallel_loop3A_799, %parallel_loop3A_800, %parallel_loop3A_791 : i32
      %parallel_loop3A_802 = arith.constant 16 : i32
      %parallel_loop3A_803 = arith.muli %parallel_loop3A_801, %parallel_loop3A_802 : i32
      %parallel_loop3A_804 = arith.index_cast %parallel_loop3A_785 : i32 to index
      %parallel_loop3A_805 = arith.index_cast %parallel_loop3A_803 : i32 to index
      %parallel_loop3A_806 = tpu.vector_load %arg9[%parallel_loop3A_804, %parallel_loop3A_805] {strides = array<i32>} : memref<16x128xi32, #tpu.memory_space<vmem>>, vector<16xi32>,
      %parallel_loop3A_807 = arith.constant 7 : i32
      %parallel_loop3A_808 = vector.broadcast %parallel_loop3A_807 : i32 to vector<16xi32>
      %parallel_loop3A_809 = arith.shrui %parallel_loop3A_806, %parallel_loop3A_808 : vector<16xi32>
      %parallel_loop3A_810 = arith.constant 127 : i32
      %parallel_loop3A_811 = vector.broadcast %parallel_loop3A_810 : i32 to vector<16xi32>
      %parallel_loop3A_812 = arith.andi %parallel_loop3A_806, %parallel_loop3A_811 : vector<16xi32>
      %parallel_loop3A_813 = tpu.vector_load_idx %arg7[%broadcast_in_dim3A_1, %parallel_loop3A_809, %parallel_loop3A_812] : memref<8x8x128xf32, #tpu.memory_space<vmem>>[vector<16xi32>, vector<16xi32>, vector<16xi32>], vector<16xf32>,
      %parallel_loop3A_814 = tpu.vector_load_idx %arg7[%broadcast_in_dim3A_3, %parallel_loop3A_809, %parallel_loop3A_812] : memref<8x8x128xf32, #tpu.memory_space<vmem>>[vector<16xi32>, vector<16xi32>, vector<16xi32>], vector<16xf32>,
      %parallel_loop3A_815 = tpu.vector_load_idx %arg7[%broadcast_in_dim3A_5, %parallel_loop3A_809, %parallel_loop3A_812] : memref<8x8x128xf32, #tpu.memory_space<vmem>>[vector<16xi32>, vector<16xi32>, vector<16xi32>], vector<16xf32>,
      %parallel_loop3A_816 = tpu.vector_load_idx %arg7[%broadcast_in_dim3A_7, %parallel_loop3A_809, %parallel_loop3A_812] : memref<8x8x128xf32, #tpu.memory_space<vmem>>[vector<16xi32>, vector<16xi32>, vector<16xi32>], vector<16xf32>,
      %parallel_loop3A_817 = tpu.vector_load_idx %arg7[%broadcast_in_dim3A_9, %parallel_loop3A_809, %parallel_loop3A_812] : memref<8x8x128xf32, #tpu.memory_space<vmem>>[vector<16xi32>, vector<16xi32>, vector<16xi32>], vector<16xf32>,
      %parallel_loop3A_818 = tpu.vector_load_idx %arg7[%broadcast_in_dim3A_11, %parallel_loop3A_809, %parallel_loop3A_812] : memref<8x8x128xf32, #tpu.memory_space<vmem>>[vector<16xi32>, vector<16xi32>, vector<16xi32>], vector<16xf32>,
      %parallel_loop3A_819 = tpu.vector_load_idx %arg7[%broadcast_in_dim3A_13, %parallel_loop3A_809, %parallel_loop3A_812] : memref<8x8x128xf32, #tpu.memory_space<vmem>>[vector<16xi32>, vector<16xi32>, vector<16xi32>], vector<16xf32>,
      %parallel_loop3A_820 = tpu.vector_load_idx %arg7[%broadcast_in_dim3A_15, %parallel_loop3A_809, %parallel_loop3A_812] : memref<8x8x128xf32, #tpu.memory_space<vmem>>[vector<16xi32>, vector<16xi32>, vector<16xi32>], vector<16xf32>,
      %parallel_loop3A_821 = arith.constant 0 : i32
      %parallel_loop3A_822 = arith.index_cast %parallel_loop3A_821 : i32 to index
      %parallel_loop3A_823 = arith.index_cast %parallel_loop3A_785 : i32 to index
      %parallel_loop3A_824 = arith.index_cast %parallel_loop3A_803 : i32 to index
      %parallel_loop3A_825 = tpu.vector_load %arg11[%parallel_loop3A_822, %parallel_loop3A_823, %parallel_loop3A_824] {strides = array<i32>} : memref<8x16x128xf32, #tpu.memory_space<vmem>>, vector<16xf32>,
      tpu.vector_store %arg11[%parallel_loop3A_822, %parallel_loop3A_823, %parallel_loop3A_824], %parallel_loop3A_813 {strides = array<i32>} : memref<8x16x128xf32, #tpu.memory_space<vmem>>, vector<16xf32>,
      %parallel_loop3A_826 = arith.constant 1 : i32
      %parallel_loop3A_827 = arith.index_cast %parallel_loop3A_826 : i32 to index
      %parallel_loop3A_828 = arith.index_cast %parallel_loop3A_785 : i32 to index
      %parallel_loop3A_829 = arith.index_cast %parallel_loop3A_803 : i32 to index
      %parallel_loop3A_830 = tpu.vector_load %arg11[%parallel_loop3A_827, %parallel_loop3A_828, %parallel_loop3A_829] {strides = array<i32>} : memref<8x16x128xf32, #tpu.memory_space<vmem>>, vector<16xf32>,
      tpu.vector_store %arg11[%parallel_loop3A_827, %parallel_loop3A_828, %parallel_loop3A_829], %parallel_loop3A_814 {strides = array<i32>} : memref<8x16x128xf32, #tpu.memory_space<vmem>>, vector<16xf32>,
      %parallel_loop3A_831 = arith.constant 2 : i32
      %parallel_loop3A_832 = arith.index_cast %parallel_loop3A_831 : i32 to index
      %parallel_loop3A_833 = arith.index_cast %parallel_loop3A_785 : i32 to index
      %parallel_loop3A_834 = arith.index_cast %parallel_loop3A_803 : i32 to index
      %parallel_loop3A_835 = tpu.vector_load %arg11[%parallel_loop3A_832, %parallel_loop3A_833, %parallel_loop3A_834] {strides = array<i32>} : memref<8x16x128xf32, #tpu.memory_space<vmem>>, vector<16xf32>,
      tpu.vector_store %arg11[%parallel_loop3A_832, %parallel_loop3A_833, %parallel_loop3A_834], %parallel_loop3A_815 {strides = array<i32>} : memref<8x16x128xf32, #tpu.memory_space<vmem>>, vector<16xf32>,
      %parallel_loop3A_836 = arith.constant 3 : i32
      %parallel_loop3A_837 = arith.index_cast %parallel_loop3A_836 : i32 to index
      %parallel_loop3A_838 = arith.index_cast %parallel_loop3A_785 : i32 to index
      %parallel_loop3A_839 = arith.index_cast %parallel_loop3A_803 : i32 to index
      %parallel_loop3A_840 = tpu.vector_load %arg11[%parallel_loop3A_837, %parallel_loop3A_838, %parallel_loop3A_839] {strides = array<i32>} : memref<8x16x128xf32, #tpu.memory_space<vmem>>, vector<16xf32>,
      tpu.vector_store %arg11[%parallel_loop3A_837, %parallel_loop3A_838, %parallel_loop3A_839], %parallel_loop3A_816 {strides = array<i32>} : memref<8x16x128xf32, #tpu.memory_space<vmem>>, vector<16xf32>,
      %parallel_loop3A_841 = arith.constant 4 : i32
      %parallel_loop3A_842 = arith.index_cast %parallel_loop3A_841 : i32 to index
      %parallel_loop3A_843 = arith.index_cast %parallel_loop3A_785 : i32 to index
      %parallel_loop3A_844 = arith.index_cast %parallel_loop3A_803 : i32 to index
      %parallel_loop3A_845 = tpu.vector_load %arg11[%parallel_loop3A_842, %parallel_loop3A_843, %parallel_loop3A_844] {strides = array<i32>} : memref<8x16x128xf32, #tpu.memory_space<vmem>>, vector<16xf32>,
      tpu.vector_store %arg11[%parallel_loop3A_842, %parallel_loop3A_843, %parallel_loop3A_844], %parallel_loop3A_817 {strides = array<i32>} : memref<8x16x128xf32, #tpu.memory_space<vmem>>, vector<16xf32>,
      %parallel_loop3A_846 = arith.constant 5 : i32
      %parallel_loop3A_847 = arith.index_cast %parallel_loop3A_846 : i32 to index
      %parallel_loop3A_848 = arith.index_cast %parallel_loop3A_785 : i32 to index
      %parallel_loop3A_849 = arith.index_cast %parallel_loop3A_803 : i32 to index
      %parallel_loop3A_850 = tpu.vector_load %arg11[%parallel_loop3A_847, %parallel_loop3A_848, %parallel_loop3A_849] {strides = array<i32>} : memref<8x16x128xf32, #tpu.memory_space<vmem>>, vector<16xf32>,
      tpu.vector_store %arg11[%parallel_loop3A_847, %parallel_loop3A_848, %parallel_loop3A_849], %parallel_loop3A_818 {strides = array<i32>} : memref<8x16x128xf32, #tpu.memory_space<vmem>>, vector<16xf32>,
      %parallel_loop3A_851 = arith.constant 6 : i32
      %parallel_loop3A_852 = arith.index_cast %parallel_loop3A_851 : i32 to index
      %parallel_loop3A_853 = arith.index_cast %parallel_loop3A_785 : i32 to index
      %parallel_loop3A_854 = arith.index_cast %parallel_loop3A_803 : i32 to index
      %parallel_loop3A_855 = tpu.vector_load %arg11[%parallel_loop3A_852, %parallel_loop3A_853, %parallel_loop3A_854] {strides = array<i32>} : memref<8x16x128xf32, #tpu.memory_space<vmem>>, vector<16xf32>,
      tpu.vector_store %arg11[%parallel_loop3A_852, %parallel_loop3A_853, %parallel_loop3A_854], %parallel_loop3A_819 {strides = array<i32>} : memref<8x16x128xf32, #tpu.memory_space<vmem>>, vector<16xf32>,
      %parallel_loop3A_856 = arith.constant 7 : i32
      %parallel_loop3A_857 = arith.index_cast %parallel_loop3A_856 : i32 to index
      %parallel_loop3A_858 = arith.index_cast %parallel_loop3A_785 : i32 to index
      %parallel_loop3A_859 = arith.index_cast %parallel_loop3A_803 : i32 to index
      %parallel_loop3A_860 = tpu.vector_load %arg11[%parallel_loop3A_857, %parallel_loop3A_858, %parallel_loop3A_859] {strides = array<i32>} : memref<8x16x128xf32, #tpu.memory_space<vmem>>, vector<16xf32>,
      tpu.vector_store %arg11[%parallel_loop3A_857, %parallel_loop3A_858, %parallel_loop3A_859], %parallel_loop3A_820 {strides = array<i32>} : memref<8x16x128xf32, #tpu.memory_space<vmem>>, vector<16xf32>,
    } {sc.loop_unroll_factor = 4 : i64, sc.parallel_access}
    %jit3A_708 = arith.constant 16 : i32
    %eq3A_709 = arith.constant 0 : i32
    %eq3A_710 = arith.cmpi eq, %jit3A_708, %eq3A_709 : i32
    %jit3A_711 = arith.constant 1 : i32
    %select_n3A_712 = arith.select %eq3A_710, %jit3A_711, %jit3A_708 : i32
    %rem3A_713 = arith.remsi %add3A_249, %select_n3A_712 : i32
    %ne3A_714 = arith.constant 0 : i32
    %ne3A_715 = arith.cmpi ne, %rem3A_713, %ne3A_714 : i32
    %lt3A_716 = arith.constant 0 : i32
    %lt3A_717 = arith.cmpi slt, %rem3A_713, %lt3A_716 : i32
    %lt3A_718 = arith.constant 0 : i32
    %lt3A_719 = arith.cmpi slt, %select_n3A_712, %lt3A_718 : i32
    %ne3A_720 = arith.xori %lt3A_717, %lt3A_719 : i1
    %and3A_721 = arith.andi %ne3A_720, %ne3A_715 : i1
    %add3A_722 = arith.addi %rem3A_713, %select_n3A_712 : i32
    %select_n3A_723 = arith.select %and3A_721, %add3A_722, %rem3A_713 : i32
    %mul3A_724 = arith.constant 8 : i32
    %mul3A_725 = arith.muli %select_n3A_723, %mul3A_724 : i32
    %multiple_of3A_726 = tpu.assume_multiple %mul3A_725, 8 : i32
    %mul3A_727 = arith.constant 16 : i32
    %mul3A_728 = arith.muli %select_n3A_273, %mul3A_727 : i32
    %multiple_of3A_729 = tpu.assume_multiple %mul3A_728, 8 : i32
    %dma_start3A_730 = arith.constant 0 : i32
    %dma_start3A_731 = tpu.memref_slice %arg5[%multiple_of3A_726, %multiple_of3A_729, %dma_start3A_730] : memref<128x128x128xf32, #tpu.memory_space<hbm>> -> memref<8x16x128xf32, #tpu.memory_space<hbm>>
    %dma_start3A_732 = arith.constant 0 : i32
    %dma_start3A_733 = tpu.memref_slice %arg5[%multiple_of3A_726, %multiple_of3A_729, %dma_start3A_732] : memref<128x128x128xf32, #tpu.memory_space<hbm>> -> memref<8x16x128xf32, #tpu.memory_space<hbm>>
    tpu.enqueue_dma source(%arg11 : memref<8x16x128xf32, #tpu.memory_space<vmem>>) target(%dma_start3A_733 : memref<8x16x128xf32, #tpu.memory_space<hbm>>) target_semaphore(%arg15 : memref<!tpu.dma_semaphore, #tpu.memory_space<semaphore_mem>>)
    %dma_wait3A_734 = arith.constant 0 : i32
    %dma_wait3A_735 = arith.constant 0 : i32
    %dma_wait3A_736 = arith.constant 0 : i32
    %dma_wait3A_737 = tpu.memref_slice %arg2[%add3A_293, %dma_wait3A_734, %dma_wait3A_735, %dma_wait3A_736] : memref<26x8x8x128xf32, #tpu.memory_space<hbm>> -> memref<1x8x8x128xf32, #tpu.memory_space<hbm>>
    %dma_wait3A_738 = tpu.memref_squeeze %dma_wait3A_737 : memref<1x8x8x128xf32, #tpu.memory_space<hbm>> -> memref<8x8x128xf32, #tpu.memory_space<hbm>>
    %dma_wait3A_739 = arith.constant 0 : i32
    %dma_wait3A_740 = arith.constant 0 : i32
    %dma_wait3A_741 = arith.constant 0 : i32
    %dma_wait3A_742 = tpu.memref_slice %arg2[%add3A_293, %dma_wait3A_739, %dma_wait3A_740, %dma_wait3A_741] : memref<26x8x8x128xf32, #tpu.memory_space<hbm>> -> memref<1x8x8x128xf32, #tpu.memory_space<hbm>>
    %dma_wait3A_743 = tpu.memref_squeeze %dma_wait3A_742 : memref<1x8x8x128xf32, #tpu.memory_space<hbm>> -> memref<8x8x128xf32, #tpu.memory_space<hbm>>
    tpu.wait_dma2 semaphore(%arg12 : memref<!tpu.dma_semaphore, #tpu.memory_space<semaphore_mem>>) src(%dma_wait3A_743 : memref<8x8x128xf32, #tpu.memory_space<hbm>>) dst(%arg6 : memref<8x8x128xf32, #tpu.memory_space<vmem>>)
    %dma_wait3A_744 = arith.constant 0 : i32
    %dma_wait3A_745 = tpu.memref_slice %arg3[%add3A_293, %multiple_of3A_678, %dma_wait3A_744] : memref<26x128x128xi32, #tpu.memory_space<hbm>> -> memref<1x16x128xi32, #tpu.memory_space<hbm>>
    %dma_wait3A_746 = tpu.memref_squeeze %dma_wait3A_745 : memref<1x16x128xi32, #tpu.memory_space<hbm>> -> memref<16x128xi32, #tpu.memory_space<hbm>>
    %dma_wait3A_747 = arith.constant 0 : i32
    %dma_wait3A_748 = tpu.memref_slice %arg3[%add3A_293, %multiple_of3A_678, %dma_wait3A_747] : memref<26x128x128xi32, #tpu.memory_space<hbm>> -> memref<1x16x128xi32, #tpu.memory_space<hbm>>
    %dma_wait3A_749 = tpu.memref_squeeze %dma_wait3A_748 : memref<1x16x128xi32, #tpu.memory_space<hbm>> -> memref<16x128xi32, #tpu.memory_space<hbm>>
    tpu.wait_dma2 semaphore(%arg12 : memref<!tpu.dma_semaphore, #tpu.memory_space<semaphore_mem>>) src(%dma_wait3A_749 : memref<16x128xi32, #tpu.memory_space<hbm>>) dst(%arg8 : memref<16x128xi32, #tpu.memory_space<vmem>>)
    %dma_wait3A_750 = arith.constant 0 : i32
    %dma_wait3A_751 = tpu.memref_slice %arg5[%multiple_of3A_658, %multiple_of3A_661, %dma_wait3A_750] : memref<128x128x128xf32, #tpu.memory_space<hbm>> -> memref<8x16x128xf32, #tpu.memory_space<hbm>>
    %dma_wait3A_752 = arith.constant 0 : i32
    %dma_wait3A_753 = tpu.memref_slice %arg5[%multiple_of3A_658, %multiple_of3A_661, %dma_wait3A_752] : memref<128x128x128xf32, #tpu.memory_space<hbm>> -> memref<8x16x128xf32, #tpu.memory_space<hbm>>
    tpu.wait_dma2 semaphore(%arg14 : memref<!tpu.dma_semaphore, #tpu.memory_space<semaphore_mem>>) src(%arg10 : memref<8x16x128xf32, #tpu.memory_space<vmem>>) dst(%dma_wait3A_753 : memref<8x16x128xf32, #tpu.memory_space<hbm>>)
    %lt3A_754 = arith.constant 16 : i32
    %lt3A_755 = arith.cmpi slt, %add3A, %lt3A_754 : i32
    %convert_element_type3A = arith.extui %lt3A_755 : i1 to i32
    %cond3A = arith.constant 0 : i32
    %cond3A_756 = arith.cmpi ne, %convert_element_type3A, %cond3A : i32
    scf.if %cond3A_756 {
      %parallel_loop3A_761 = arith.constant 0 : i32
      %parallel_loop3A_762 = arith.constant 128 : i32
      %parallel_loop3A_763 = arith.constant 1 : i32
      scf.for %parallel_loop3A_794 = %parallel_loop3A_761 to %parallel_loop3A_762 step %parallel_loop3A_763  : i32 {
        %parallel_loop3A_795 = arith.constant 8 : i32
        %parallel_loop3A_796 = arith.divsi %parallel_loop3A_794, %parallel_loop3A_795 : i32
        %parallel_loop3A_797 = arith.constant 0 : i32
        %parallel_loop3A_798 = arith.cmpi sgt, %parallel_loop3A_794, %parallel_loop3A_797 : i32
        %parallel_loop3A_799 = arith.extui %parallel_loop3A_798 : i1 to i32
        %parallel_loop3A_800 = arith.constant 0 : i32
        %parallel_loop3A_801 = arith.cmpi slt, %parallel_loop3A_794, %parallel_loop3A_800 : i32
        %parallel_loop3A_802 = arith.extui %parallel_loop3A_801 : i1 to i32
        %parallel_loop3A_803 = arith.subi %parallel_loop3A_799, %parallel_loop3A_802 : i32
        %parallel_loop3A_804 = arith.constant 0 : i32
        %parallel_loop3A_805 = arith.cmpi sgt, %parallel_loop3A_795, %parallel_loop3A_804 : i32
        %parallel_loop3A_806 = arith.extui %parallel_loop3A_805 : i1 to i32
        %parallel_loop3A_807 = arith.constant 0 : i32
        %parallel_loop3A_808 = arith.cmpi slt, %parallel_loop3A_795, %parallel_loop3A_807 : i32
        %parallel_loop3A_809 = arith.extui %parallel_loop3A_808 : i1 to i32
        %parallel_loop3A_810 = arith.subi %parallel_loop3A_806, %parallel_loop3A_809 : i32
        %parallel_loop3A_811 = arith.cmpi ne, %parallel_loop3A_803, %parallel_loop3A_810 : i32
        %parallel_loop3A_812 = arith.remsi %parallel_loop3A_794, %parallel_loop3A_795 : i32
        %parallel_loop3A_813 = arith.constant 0 : i32
        %parallel_loop3A_814 = arith.cmpi ne, %parallel_loop3A_812, %parallel_loop3A_813 : i32
        %parallel_loop3A_815 = arith.andi %parallel_loop3A_811, %parallel_loop3A_814 : i1
        %parallel_loop3A_816 = arith.constant 1 : i32
        %parallel_loop3A_817 = arith.subi %parallel_loop3A_796, %parallel_loop3A_816 : i32
        %parallel_loop3A_818 = arith.select %parallel_loop3A_815, %parallel_loop3A_817, %parallel_loop3A_796 : i32
        %parallel_loop3A_819 = arith.constant 8 : i32
        %parallel_loop3A_820 = arith.constant 0 : i32
        %parallel_loop3A_821 = arith.cmpi eq, %parallel_loop3A_819, %parallel_loop3A_820 : i32
        %parallel_loop3A_822 = arith.constant 1 : i32
        %parallel_loop3A_823 = arith.select %parallel_loop3A_821, %parallel_loop3A_822, %parallel_loop3A_819 : i32
        %parallel_loop3A_824 = arith.remsi %parallel_loop3A_794, %parallel_loop3A_823 : i32
        %parallel_loop3A_825 = arith.constant 0 : i32
        %parallel_loop3A_826 = arith.cmpi ne, %parallel_loop3A_824, %parallel_loop3A_825 : i32
        %parallel_loop3A_827 = arith.constant 0 : i32
        %parallel_loop3A_828 = arith.cmpi slt, %parallel_loop3A_824, %parallel_loop3A_827 : i32
        %parallel_loop3A_829 = arith.constant 0 : i32
        %parallel_loop3A_830 = arith.cmpi slt, %parallel_loop3A_823, %parallel_loop3A_829 : i32
        %parallel_loop3A_831 = arith.xori %parallel_loop3A_828, %parallel_loop3A_830 : i1
        %parallel_loop3A_832 = arith.andi %parallel_loop3A_831, %parallel_loop3A_826 : i1
        %parallel_loop3A_833 = arith.addi %parallel_loop3A_824, %parallel_loop3A_823 : i32
        %parallel_loop3A_834 = arith.select %parallel_loop3A_832, %parallel_loop3A_833, %parallel_loop3A_824 : i32
        %parallel_loop3A_835 = arith.constant 16 : i32
        %parallel_loop3A_836 = arith.muli %parallel_loop3A_834, %parallel_loop3A_835 : i32
        %parallel_loop3A_837 = arith.index_cast %parallel_loop3A_818 : i32 to index
        %parallel_loop3A_838 = arith.index_cast %parallel_loop3A_836 : i32 to index
        %parallel_loop3A_839 = tpu.vector_load %arg8[%parallel_loop3A_837, %parallel_loop3A_838] {strides = array<i32>} : memref<16x128xi32, #tpu.memory_space<vmem>>, vector<16xi32>,
        %parallel_loop3A_840 = arith.constant 7 : i32
        %parallel_loop3A_841 = vector.broadcast %parallel_loop3A_840 : i32 to vector<16xi32>
        %parallel_loop3A_842 = arith.shrui %parallel_loop3A_839, %parallel_loop3A_841 : vector<16xi32>
        %parallel_loop3A_843 = arith.constant 127 : i32
        %parallel_loop3A_844 = vector.broadcast %parallel_loop3A_843 : i32 to vector<16xi32>
        %parallel_loop3A_845 = arith.andi %parallel_loop3A_839, %parallel_loop3A_844 : vector<16xi32>
        %parallel_loop3A_846 = tpu.vector_load_idx %arg6[%broadcast_in_dim3A_1, %parallel_loop3A_842, %parallel_loop3A_845] : memref<8x8x128xf32, #tpu.memory_space<vmem>>[vector<16xi32>, vector<16xi32>, vector<16xi32>], vector<16xf32>,
        %parallel_loop3A_847 = tpu.vector_load_idx %arg6[%broadcast_in_dim3A_3, %parallel_loop3A_842, %parallel_loop3A_845] : memref<8x8x128xf32, #tpu.memory_space<vmem>>[vector<16xi32>, vector<16xi32>, vector<16xi32>], vector<16xf32>,
        %parallel_loop3A_848 = tpu.vector_load_idx %arg6[%broadcast_in_dim3A_5, %parallel_loop3A_842, %parallel_loop3A_845] : memref<8x8x128xf32, #tpu.memory_space<vmem>>[vector<16xi32>, vector<16xi32>, vector<16xi32>], vector<16xf32>,
        %parallel_loop3A_849 = tpu.vector_load_idx %arg6[%broadcast_in_dim3A_7, %parallel_loop3A_842, %parallel_loop3A_845] : memref<8x8x128xf32, #tpu.memory_space<vmem>>[vector<16xi32>, vector<16xi32>, vector<16xi32>], vector<16xf32>,
        %parallel_loop3A_850 = tpu.vector_load_idx %arg6[%broadcast_in_dim3A_9, %parallel_loop3A_842, %parallel_loop3A_845] : memref<8x8x128xf32, #tpu.memory_space<vmem>>[vector<16xi32>, vector<16xi32>, vector<16xi32>], vector<16xf32>,
        %parallel_loop3A_851 = tpu.vector_load_idx %arg6[%broadcast_in_dim3A_11, %parallel_loop3A_842, %parallel_loop3A_845] : memref<8x8x128xf32, #tpu.memory_space<vmem>>[vector<16xi32>, vector<16xi32>, vector<16xi32>], vector<16xf32>,
        %parallel_loop3A_852 = tpu.vector_load_idx %arg6[%broadcast_in_dim3A_13, %parallel_loop3A_842, %parallel_loop3A_845] : memref<8x8x128xf32, #tpu.memory_space<vmem>>[vector<16xi32>, vector<16xi32>, vector<16xi32>], vector<16xf32>,
        %parallel_loop3A_853 = tpu.vector_load_idx %arg6[%broadcast_in_dim3A_15, %parallel_loop3A_842, %parallel_loop3A_845] : memref<8x8x128xf32, #tpu.memory_space<vmem>>[vector<16xi32>, vector<16xi32>, vector<16xi32>], vector<16xf32>,
        %parallel_loop3A_854 = arith.constant 0 : i32
        %parallel_loop3A_855 = arith.index_cast %parallel_loop3A_854 : i32 to index
        %parallel_loop3A_856 = arith.index_cast %parallel_loop3A_818 : i32 to index
        %parallel_loop3A_857 = arith.index_cast %parallel_loop3A_836 : i32 to index
        %parallel_loop3A_858 = tpu.vector_load %arg10[%parallel_loop3A_855, %parallel_loop3A_856, %parallel_loop3A_857] {strides = array<i32>} : memref<8x16x128xf32, #tpu.memory_space<vmem>>, vector<16xf32>,
        tpu.vector_store %arg10[%parallel_loop3A_855, %parallel_loop3A_856, %parallel_loop3A_857], %parallel_loop3A_846 {strides = array<i32>} : memref<8x16x128xf32, #tpu.memory_space<vmem>>, vector<16xf32>,
        %parallel_loop3A_859 = arith.constant 1 : i32
        %parallel_loop3A_860 = arith.index_cast %parallel_loop3A_859 : i32 to index
        %parallel_loop3A_861 = arith.index_cast %parallel_loop3A_818 : i32 to index
        %parallel_loop3A_862 = arith.index_cast %parallel_loop3A_836 : i32 to index
        %parallel_loop3A_863 = tpu.vector_load %arg10[%parallel_loop3A_860, %parallel_loop3A_861, %parallel_loop3A_862] {strides = array<i32>} : memref<8x16x128xf32, #tpu.memory_space<vmem>>, vector<16xf32>,
        tpu.vector_store %arg10[%parallel_loop3A_860, %parallel_loop3A_861, %parallel_loop3A_862], %parallel_loop3A_847 {strides = array<i32>} : memref<8x16x128xf32, #tpu.memory_space<vmem>>, vector<16xf32>,
        %parallel_loop3A_864 = arith.constant 2 : i32
        %parallel_loop3A_865 = arith.index_cast %parallel_loop3A_864 : i32 to index
        %parallel_loop3A_866 = arith.index_cast %parallel_loop3A_818 : i32 to index
        %parallel_loop3A_867 = arith.index_cast %parallel_loop3A_836 : i32 to index
        %parallel_loop3A_868 = tpu.vector_load %arg10[%parallel_loop3A_865, %parallel_loop3A_866, %parallel_loop3A_867] {strides = array<i32>} : memref<8x16x128xf32, #tpu.memory_space<vmem>>, vector<16xf32>,
        tpu.vector_store %arg10[%parallel_loop3A_865, %parallel_loop3A_866, %parallel_loop3A_867], %parallel_loop3A_848 {strides = array<i32>} : memref<8x16x128xf32, #tpu.memory_space<vmem>>, vector<16xf32>,
        %parallel_loop3A_869 = arith.constant 3 : i32
        %parallel_loop3A_870 = arith.index_cast %parallel_loop3A_869 : i32 to index
        %parallel_loop3A_871 = arith.index_cast %parallel_loop3A_818 : i32 to index
        %parallel_loop3A_872 = arith.index_cast %parallel_loop3A_836 : i32 to index
        %parallel_loop3A_873 = tpu.vector_load %arg10[%parallel_loop3A_870, %parallel_loop3A_871, %parallel_loop3A_872] {strides = array<i32>} : memref<8x16x128xf32, #tpu.memory_space<vmem>>, vector<16xf32>,
        tpu.vector_store %arg10[%parallel_loop3A_870, %parallel_loop3A_871, %parallel_loop3A_872], %parallel_loop3A_849 {strides = array<i32>} : memref<8x16x128xf32, #tpu.memory_space<vmem>>, vector<16xf32>,
        %parallel_loop3A_874 = arith.constant 4 : i32
        %parallel_loop3A_875 = arith.index_cast %parallel_loop3A_874 : i32 to index
        %parallel_loop3A_876 = arith.index_cast %parallel_loop3A_818 : i32 to index
        %parallel_loop3A_877 = arith.index_cast %parallel_loop3A_836 : i32 to index
        %parallel_loop3A_878 = tpu.vector_load %arg10[%parallel_loop3A_875, %parallel_loop3A_876, %parallel_loop3A_877] {strides = array<i32>} : memref<8x16x128xf32, #tpu.memory_space<vmem>>, vector<16xf32>,
        tpu.vector_store %arg10[%parallel_loop3A_875, %parallel_loop3A_876, %parallel_loop3A_877], %parallel_loop3A_850 {strides = array<i32>} : memref<8x16x128xf32, #tpu.memory_space<vmem>>, vector<16xf32>,
        %parallel_loop3A_879 = arith.constant 5 : i32
        %parallel_loop3A_880 = arith.index_cast %parallel_loop3A_879 : i32 to index
        %parallel_loop3A_881 = arith.index_cast %parallel_loop3A_818 : i32 to index
        %parallel_loop3A_882 = arith.index_cast %parallel_loop3A_836 : i32 to index
        %parallel_loop3A_883 = tpu.vector_load %arg10[%parallel_loop3A_880, %parallel_loop3A_881, %parallel_loop3A_882] {strides = array<i32>} : memref<8x16x128xf32, #tpu.memory_space<vmem>>, vector<16xf32>,
        tpu.vector_store %arg10[%parallel_loop3A_880, %parallel_loop3A_881, %parallel_loop3A_882], %parallel_loop3A_851 {strides = array<i32>} : memref<8x16x128xf32, #tpu.memory_space<vmem>>, vector<16xf32>,
        %parallel_loop3A_884 = arith.constant 6 : i32
        %parallel_loop3A_885 = arith.index_cast %parallel_loop3A_884 : i32 to index
        %parallel_loop3A_886 = arith.index_cast %parallel_loop3A_818 : i32 to index
        %parallel_loop3A_887 = arith.index_cast %parallel_loop3A_836 : i32 to index
        %parallel_loop3A_888 = tpu.vector_load %arg10[%parallel_loop3A_885, %parallel_loop3A_886, %parallel_loop3A_887] {strides = array<i32>} : memref<8x16x128xf32, #tpu.memory_space<vmem>>, vector<16xf32>,
        tpu.vector_store %arg10[%parallel_loop3A_885, %parallel_loop3A_886, %parallel_loop3A_887], %parallel_loop3A_852 {strides = array<i32>} : memref<8x16x128xf32, #tpu.memory_space<vmem>>, vector<16xf32>,
        %parallel_loop3A_889 = arith.constant 7 : i32
        %parallel_loop3A_890 = arith.index_cast %parallel_loop3A_889 : i32 to index
        %parallel_loop3A_891 = arith.index_cast %parallel_loop3A_818 : i32 to index
        %parallel_loop3A_892 = arith.index_cast %parallel_loop3A_836 : i32 to index
        %parallel_loop3A_893 = tpu.vector_load %arg10[%parallel_loop3A_890, %parallel_loop3A_891, %parallel_loop3A_892] {strides = array<i32>} : memref<8x16x128xf32, #tpu.memory_space<vmem>>, vector<16xf32>,
        tpu.vector_store %arg10[%parallel_loop3A_890, %parallel_loop3A_891, %parallel_loop3A_892], %parallel_loop3A_853 {strides = array<i32>} : memref<8x16x128xf32, #tpu.memory_space<vmem>>, vector<16xf32>,
      } {sc.loop_unroll_factor = 4 : i64, sc.parallel_access}
      %jit3A_764 = arith.constant 16 : i32
      %eq3A_765 = arith.constant 0 : i32
      %eq3A_766 = arith.cmpi eq, %jit3A_764, %eq3A_765 : i32
      %jit3A_767 = arith.constant 1 : i32
      %select_n3A_768 = arith.select %eq3A_766, %jit3A_767, %jit3A_764 : i32
      %rem3A_769 = arith.remsi %add3A_293, %select_n3A_768 : i32
      %ne3A_770 = arith.constant 0 : i32
      %ne3A_771 = arith.cmpi ne, %rem3A_769, %ne3A_770 : i32
      %lt3A_772 = arith.constant 0 : i32
      %lt3A_773 = arith.cmpi slt, %rem3A_769, %lt3A_772 : i32
      %lt3A_774 = arith.constant 0 : i32
      %lt3A_775 = arith.cmpi slt, %select_n3A_768, %lt3A_774 : i32
      %ne3A_776 = arith.xori %lt3A_773, %lt3A_775 : i1
      %and3A_777 = arith.andi %ne3A_776, %ne3A_771 : i1
      %add3A_778 = arith.addi %rem3A_769, %select_n3A_768 : i32
      %select_n3A_779 = arith.select %and3A_777, %add3A_778, %rem3A_769 : i32
      %mul3A_780 = arith.constant 8 : i32
      %mul3A_781 = arith.muli %select_n3A_779, %mul3A_780 : i32
      %multiple_of3A_782 = tpu.assume_multiple %mul3A_781, 8 : i32
      %mul3A_783 = arith.constant 16 : i32
      %mul3A_784 = arith.muli %min3A_318, %mul3A_783 : i32
      %multiple_of3A_785 = tpu.assume_multiple %mul3A_784, 8 : i32
      %dma_start3A_786 = arith.constant 0 : i32
      %dma_start3A_787 = tpu.memref_slice %arg5[%multiple_of3A_782, %multiple_of3A_785, %dma_start3A_786] : memref<128x128x128xf32, #tpu.memory_space<hbm>> -> memref<8x16x128xf32, #tpu.memory_space<hbm>>
      %dma_start3A_788 = arith.constant 0 : i32
      %dma_start3A_789 = tpu.memref_slice %arg5[%multiple_of3A_782, %multiple_of3A_785, %dma_start3A_788] : memref<128x128x128xf32, #tpu.memory_space<hbm>> -> memref<8x16x128xf32, #tpu.memory_space<hbm>>
      tpu.enqueue_dma source(%arg10 : memref<8x16x128xf32, #tpu.memory_space<vmem>>) target(%dma_start3A_789 : memref<8x16x128xf32, #tpu.memory_space<hbm>>) target_semaphore(%arg14 : memref<!tpu.dma_semaphore, #tpu.memory_space<semaphore_mem>>)
      %dma_wait3A_790 = arith.constant 0 : i32
      %dma_wait3A_791 = tpu.memref_slice %arg5[%multiple_of3A_782, %multiple_of3A_785, %dma_wait3A_790] : memref<128x128x128xf32, #tpu.memory_space<hbm>> -> memref<8x16x128xf32, #tpu.memory_space<hbm>>
      %dma_wait3A_792 = arith.constant 0 : i32
      %dma_wait3A_793 = tpu.memref_slice %arg5[%multiple_of3A_782, %multiple_of3A_785, %dma_wait3A_792] : memref<128x128x128xf32, #tpu.memory_space<hbm>> -> memref<8x16x128xf32, #tpu.memory_space<hbm>>
      tpu.wait_dma2 semaphore(%arg14 : memref<!tpu.dma_semaphore, #tpu.memory_space<semaphore_mem>>) src(%arg10 : memref<8x16x128xf32, #tpu.memory_space<vmem>>) dst(%dma_wait3A_793 : memref<8x16x128xf32, #tpu.memory_space<hbm>>)
    } else {
    }
    %dma_wait3A_757 = arith.constant 0 : i32
    %dma_wait3A_758 = tpu.memref_slice %arg5[%multiple_of3A_726, %multiple_of3A_729, %dma_wait3A_757] : memref<128x128x128xf32, #tpu.memory_space<hbm>> -> memref<8x16x128xf32, #tpu.memory_space<hbm>>
    %dma_wait3A_759 = arith.constant 0 : i32
    %dma_wait3A_760 = tpu.memref_slice %arg5[%multiple_of3A_726, %multiple_of3A_729, %dma_wait3A_759] : memref<128x128x128xf32, #tpu.memory_space<hbm>> -> memref<8x16x128xf32, #tpu.memory_space<hbm>>
    tpu.wait_dma2 semaphore(%arg15 : memref<!tpu.dma_semaphore, #tpu.memory_space<semaphore_mem>>) src(%arg11 : memref<8x16x128xf32, #tpu.memory_space<vmem>>) dst(%dma_wait3A_760 : memref<8x16x128xf32, #tpu.memory_space<hbm>>)
    return
  }
}

module attributes {stable_mosaic.version = 14 : i64} {
  func.func @_prep_body(%arg0: i32, %arg1: memref<64x2048xf32, #tpu.memory_space<vmem>>, %arg2: memref<26x8x1000xf32, #tpu.memory_space<vmem>>, %arg3: memref<26x8x8x128xf32, #tpu.memory_space<vmem>>, %arg4: memref<26x16x128xi32, #tpu.memory_space<vmem>>) attributes {dimension_semantics = [#tpu.dimension_semantics<arbitrary>], iteration_bounds = array<i64: 8>, scalar_prefetch = 0 : i64, scratch_operands = 0 : i64, tpu.core_type = #tpu.core_type<tc>, window_params = [{transform_indices = @transform_0, window_bounds = array<i64: 64, 2048>}, {pipeline_mode = #tpu.pipeline_mode<synchronous>, transform_indices = @transform_1, window_bounds = array<i64: 26, 8, 1000>}, {pipeline_mode = #tpu.pipeline_mode<synchronous>, transform_indices = @transform_2, window_bounds = array<i64: 26, 8, 8, 128>}, {transform_indices = @transform_3, window_bounds = array<i64: 26, 16, 128>}]} {
    %eq3A = arith.constant 0 : i32
    %eq3A_0 = arith.cmpi eq, %arg0, %eq3A : i32
    %convert_element_type3A = arith.extui %eq3A_0 : i1 to i32
    %cond3A = arith.constant 0 : i32
    %cond3A_1 = arith.cmpi ne, %convert_element_type3A, %cond3A : i32
    scf.if %cond3A_1 {
      %get3A_8 = arith.constant 0 : index
      %get3A_9 = arith.constant 0 : index
      %get3A_10 = arith.constant 0 : index
      %get3A_11 = vector.load %arg2[%get3A_8, %get3A_9, %get3A_10] : memref<26x8x1000xf32, #tpu.memory_space<vmem>>, vector<26x8x1000xf32>
      %logistic3A = arith.negf %get3A_11 : vector<26x8x1000xf32>
      %logistic3A_12 = math.exp %logistic3A : vector<26x8x1000xf32>
      %logistic3A_13 = arith.constant 1.000000e+00 : f32
      %logistic3A_14 = vector.broadcast %logistic3A_13 : f32 to vector<26x8x1000xf32>
      %logistic3A_15 = arith.addf %logistic3A_14, %logistic3A_12 : vector<26x8x1000xf32>
      %logistic3A_16 = arith.divf %logistic3A_14, %logistic3A_15 : vector<26x8x1000xf32>
      %mul3A = arith.constant 9.998000e-01 : f32
      %mul3A_17 = vector.broadcast %mul3A : f32 to vector<26x8x1000xf32>
      %mul3A_18 = arith.mulf %mul3A_17, %logistic3A_16 : vector<26x8x1000xf32>
      %add3A = arith.constant 9.99999974E-5 : f32
      %add3A_19 = vector.broadcast %add3A : f32 to vector<26x8x1000xf32>
      %add3A_20 = arith.addf %add3A_19, %mul3A_18 : vector<26x8x1000xf32>
      %broadcast_in_dim3A = arith.constant 0.000000e+00 : f32
      %broadcast_in_dim3A_21 = vector.broadcast %broadcast_in_dim3A : f32 to vector<26x8x24xf32>
      %concatenate3A = tpu.concatenate %add3A_20, %broadcast_in_dim3A_21 in 2 : vector<26x8x1000xf32>, vector<26x8x24xf32> -> vector<26x8x1024xf32>
      %reshape3A_22 = vector.shape_cast %concatenate3A : vector<26x8x1024xf32> to vector<26x8x8x128xf32>
      %swap3A_23 = arith.constant 0 : index
      %swap3A_24 = arith.constant 0 : index
      %swap3A_25 = arith.constant 0 : index
      %swap3A_26 = arith.constant 0 : index
      %swap3A_27 = vector.load %arg3[%swap3A_23, %swap3A_24, %swap3A_25, %swap3A_26] : memref<26x8x8x128xf32, #tpu.memory_space<vmem>>, vector<26x8x8x128xf32>
      tpu.vector_store %arg3[%swap3A_23, %swap3A_24, %swap3A_25, %swap3A_26], %reshape3A_22 {strides = array<i32>} : memref<26x8x8x128xf32, #tpu.memory_space<vmem>>, vector<26x8x8x128xf32>,
    } else {
    }
    %get3A = arith.constant 0 : index
    %get3A_2 = arith.constant 0 : index
    %get3A_3 = vector.load %arg1[%get3A, %get3A_2] : memref<64x2048xf32, #tpu.memory_space<vmem>>, vector<26x2048xf32>
    %convert_element_type3A_4 = arith.fptosi %get3A_3 : vector<26x2048xf32> to vector<26x2048xi32>
    %reshape3A = vector.shape_cast %convert_element_type3A_4 : vector<26x2048xi32> to vector<26x16x128xi32>
    %swap3A = arith.constant 0 : index
    %swap3A_5 = arith.constant 0 : index
    %swap3A_6 = arith.constant 0 : index
    %swap3A_7 = vector.load %arg4[%swap3A, %swap3A_5, %swap3A_6] : memref<26x16x128xi32, #tpu.memory_space<vmem>>, vector<26x16x128xi32>
    tpu.vector_store %arg4[%swap3A, %swap3A_5, %swap3A_6], %reshape3A {strides = array<i32>} : memref<26x16x128xi32, #tpu.memory_space<vmem>>, vector<26x16x128xi32>,
    return
  }
  func.func @transform_0(%arg0: i32) -> (i32, i32) {
    %c0_i32 = arith.constant 0 : i32
    %c0_i32_0 = arith.constant 0 : i32
    return %c0_i32, %arg0 : i32, i32
  }
  func.func @transform_1(%arg0: i32) -> (i32, i32, i32) {
    %c0_i32 = arith.constant 0 : i32
    %c0_i32_0 = arith.constant 0 : i32
    %c0_i32_1 = arith.constant 0 : i32
    %c0_i32_2 = arith.constant 0 : i32
    return %c0_i32, %c0_i32_0, %c0_i32_1 : i32, i32, i32
  }
  func.func @transform_2(%arg0: i32) -> (i32, i32, i32, i32) {
    %c0_i32 = arith.constant 0 : i32
    %c0_i32_0 = arith.constant 0 : i32
    %c0_i32_1 = arith.constant 0 : i32
    %c0_i32_2 = arith.constant 0 : i32
    %c0_i32_3 = arith.constant 0 : i32
    return %c0_i32, %c0_i32_0, %c0_i32_1, %c0_i32_2 : i32, i32, i32, i32
  }
  func.func @transform_3(%arg0: i32) -> (i32, i32, i32) {
    %c0_i32 = arith.constant 0 : i32
    %c0_i32_0 = arith.constant 0 : i32
    %c0_i32_1 = arith.constant 0 : i32
    return %c0_i32, %arg0, %c0_i32_0 : i32, i32, i32
  }
}

module attributes {stable_mosaic.version = 14 : i64} {
  func.func @_concat_body(%arg0: i32, %arg1: memref<64x2048xf32, #tpu.memory_space<vmem>>, %arg2: memref<128x16x128xf32, #tpu.memory_space<vmem>>, %arg3: memref<128x16x128xf32, #tpu.memory_space<vmem>>, %arg4: memref<246x2048xf32, #tpu.memory_space<vmem>>) attributes {dimension_semantics = [#tpu.dimension_semantics<arbitrary>], iteration_bounds = array<i64: 8>, scalar_prefetch = 0 : i64, scratch_operands = 0 : i64, tpu.core_type = #tpu.core_type<tc>, window_params = [{transform_indices = @transform_0, window_bounds = array<i64: 64, 2048>}, {transform_indices = @transform_1, window_bounds = array<i64: 128, 16, 128>}, {transform_indices = @transform_2, window_bounds = array<i64: 128, 16, 128>}, {transform_indices = @transform_3, window_bounds = array<i64: 246, 2048>}]} {
    %get3A = arith.constant 26 : index
    %get3A_0 = arith.constant 0 : index
    %get3A_1 = vector.load %arg1[%get3A, %get3A_0] : memref<64x2048xf32, #tpu.memory_space<vmem>>, vector<38x2048xf32>
    %swap3A = arith.constant 0 : index
    %swap3A_2 = arith.constant 0 : index
    %swap3A_3 = vector.load %arg4[%swap3A, %swap3A_2] : memref<246x2048xf32, #tpu.memory_space<vmem>>, vector<38x2048xf32>
    tpu.vector_store %arg4[%swap3A, %swap3A_2], %get3A_1 {strides = array<i32>} : memref<246x2048xf32, #tpu.memory_space<vmem>>, vector<38x2048xf32>,
    %get3A_4 = arith.constant 0 : index
    %get3A_5 = arith.constant 0 : index
    %get3A_6 = arith.constant 0 : index
    %get3A_7 = vector.load %arg2[%get3A_4, %get3A_5, %get3A_6] : memref<128x16x128xf32, #tpu.memory_space<vmem>>, vector<128x16x128xf32>
    %reshape3A = vector.shape_cast %get3A_7 : vector<128x16x128xf32> to vector<128x2048xf32>
    %get3A_8 = arith.constant 0 : index
    %get3A_9 = arith.constant 0 : index
    %get3A_10 = arith.constant 0 : index
    %get3A_11 = vector.load %arg3[%get3A_8, %get3A_9, %get3A_10] : memref<128x16x128xf32, #tpu.memory_space<vmem>>, vector<128x16x128xf32>
    %reshape3A_12 = vector.shape_cast %get3A_11 : vector<128x16x128xf32> to vector<128x2048xf32>
    %swap3A_13 = arith.constant 38 : index
    %swap3A_14 = arith.constant 0 : index
    %swap3A_15 = vector.load %arg4[%swap3A_13, %swap3A_14] : memref<246x2048xf32, #tpu.memory_space<vmem>>, vector<128x2048xf32>
    tpu.vector_store %arg4[%swap3A_13, %swap3A_14], %reshape3A {strides = array<i32>} : memref<246x2048xf32, #tpu.memory_space<vmem>>, vector<128x2048xf32>,
    %slice3A = vector.extract_strided_slice %reshape3A_12 {offsets = [0, 0], sizes = [80, 2048], strides = [1, 1]} : vector<128x2048xf32> to vector<80x2048xf32>
    %swap3A_16 = arith.constant 166 : index
    %swap3A_17 = arith.constant 0 : index
    %swap3A_18 = vector.load %arg4[%swap3A_16, %swap3A_17] : memref<246x2048xf32, #tpu.memory_space<vmem>>, vector<80x2048xf32>
    tpu.vector_store %arg4[%swap3A_16, %swap3A_17], %slice3A {strides = array<i32>} : memref<246x2048xf32, #tpu.memory_space<vmem>>, vector<80x2048xf32>,
    return
  }
  func.func @transform_0(%arg0: i32) -> (i32, i32) {
    %c0_i32 = arith.constant 0 : i32
    %c0_i32_0 = arith.constant 0 : i32
    return %c0_i32, %arg0 : i32, i32
  }
  func.func @transform_1(%arg0: i32) -> (i32, i32, i32) {
    %c0_i32 = arith.constant 0 : i32
    %c0_i32_0 = arith.constant 0 : i32
    %c0_i32_1 = arith.constant 0 : i32
    return %c0_i32, %arg0, %c0_i32_0 : i32, i32, i32
  }
  func.func @transform_2(%arg0: i32) -> (i32, i32, i32) {
    %c0_i32 = arith.constant 0 : i32
    %c0_i32_0 = arith.constant 0 : i32
    %c0_i32_1 = arith.constant 0 : i32
    return %c0_i32, %arg0, %c0_i32_0 : i32, i32, i32
  }
  func.func @transform_3(%arg0: i32) -> (i32, i32) {
    %c0_i32 = arith.constant 0 : i32
    %c0_i32_0 = arith.constant 0 : i32
    return %c0_i32, %arg0 : i32, i32
  }
}

</mosaic_0001>

<sc_bundles>
// kernel: kernel.5.cloned.1.call-start
scs
__scs_entry_jumppad:
0x0: {  	(pc) =	sbr.rel $0x88, $3  }
0x1: {  	(tag) =	ssettag $0x0;
	lr =	simm.s32 $0x1  }
0x2: {  	[smem:$0x3F9F] =	sst lr;
	_ =	strace $0xD0000000  }
0x3: {  	_ = 	snop  }
0x4: {  	_ = 	snop  }
0x5: {  	_ = 	snop  }
0x6: {  	_ = 	snop  }
0x7: {  	_ = 	snop  }
__scs_overlays_trampoline_lowered:
0x8: {  	[smem:$0x3FAE] =	sst s0  }
0x9: {  	[smem:$0x3FAF] =	sst s1  }
0xa: {  	[smem:$0x3FB0] =	sst s2  }
0xb: {  	[smem:$0x3FB1] =	sst s3  }
0xc: {  	[smem:$0x3FB2] =	sst s4  }
0xd: {  	[smem:$0x3FB3] =	sst s5  }
0xe: {  	[smem:$0x3FB4] =	sst s6  }
0xf: {  	[smem:$0x3FB5] =	sst s7  }
0x10: {  	[smem:$0x3FB6] =	sst s8  }
0x11: {  	[smem:$0x3FB7] =	sst s9;
	s0 =	simm.s32 @!p0 $0x0  }
0x12: {  	s1 =	sld [smem:$0x3F9D];
	s0 =	simm.s32 @p0 $0x1  }
0x13: {  	[smem:$0x3FB8] =	sst s0;
	s0 =	simm.s32 @!p1 $0x0  }
0x14: {  	s2 =	sld [smem:$0x3F9C];
	s0 =	simm.s32 @p1 $0x1  }
0x15: {  	[smem:$0x3FB9] =	sst s0;
	s0 =	simm.s32 @!p2 $0x0  }
0x16: {  	s3 =	sld [smem:$0x3FDB];
	s0 =	simm.s32 @p2 $0x1  }
0x17: {  	s4 =	simm.s32 $0x1BF5;
	[smem:$0x3FBB] =	sst s0  }
0x18: {  	s0 =	sld [smem:$0x3F9E];
	_ =	swait.ge [sflag:s4], $0x0  }
0x19: {  	s7 =	sld [smem:$0x3F9F]  }
0x1a: {  	s8 =	sadd.s32 $0xFFFFE003, lr  }
0x1b: {  	s9 =	sadd.s32 $0xFFFFFEF7, lr;
	s5 =	simm.s32 $0xFFFFFFFF;
	p2 =	slt.u32 s8, $0xFFFFF086  }
0x1c: {  	p1 =	slt.u32 s9, $0xF7A;
	s5 =	simm.s32 @!p2 $0x0  }
0x1d: {  	s5 =	simm.s32 @p1 $0x1;
	p0 =	seq.s32 s7, s2  }
0x1e: {  	s7 =	smul.u32 @!p0 $0xF7A, s2;
	p2 =	seq.s32 @!p0 s5, $0x0  }
0x1f: {  	s9 =	smul.u32 $0xF7A, s1;
	s8 =	simm.s32 @!p0 $0x1BF5;
	p2 =	por !p2, p0  }
0x20: {  	[sflag:s8] =	ssyncset.s32 @!p0 $0xFFFFF086;
	s6 =	sadd.s32 @!p0 s3, s7;
	s7 =	simm.s32 @!p0 $0x108  }
0x21: {  	s3 =	sadd.s32 s3, s9;
	s6 =	sadd.s32 @!p0 $0x88, s6;
	s7 =	simm.s32 @p2 $0x1082  }
0x22: {  	[simem:s7], [sflag:s8] =	dma.local @!p0 [hbm:s6], $0xF7A  }
0x23: {  	s9 =	sor.u32 $0xD0000000, s2;
	s6 =	simm.s32 $0x108;
	_ =	swait.ge @!p0 [sflag:s8], $0x0  }
0x24: {  	s3 =	sadd.s32 $0x88, s3;
	s6 =	simm.s32 @!p1 $0x1082;
	[sflag:s4] =	ssyncset.s32 $0xFFFFF086  }
0x25: {  	[simem:s6], [sflag:s4] =	dma.local [hbm:s3], $0xF7A  }
0x26: {  	[smem:$0x3F9F] =	sst s1;
	(tag) =	ssettag s2;
	_ =	strace s9  }
0x27: {  	s1 =	sld [smem:$0x3FAF]  }
0x28: {  	s2 =	sld [smem:$0x3FB0]  }
0x29: {  	s4 =	sld [smem:$0x3FB2]  }
0x2a: {  	p0 =	seq.s32 s5, $0x0;
	s5 =	sld [smem:$0x3FB3]  }
0x2b: {  	s6 =	sld [smem:$0x3FB4]  }
0x2c: {  	s7 =	sld [smem:$0x3FB5]  }
0x2d: {  	s3 =	simm.s32 $0x108;
	s8 =	sld [smem:$0x3FB6]  }
0x2e: {  	s3 =	simm.s32 @!p0 $0x1082;
	s9 =	sld [smem:$0x3FB7]  }
0x2f: {  	lr =	sadd.s32 s0, s3;
	s0 =	sld [smem:$0x3FAE]  }
0x30: {  	s3 =	sld [smem:$0x3FB1]  }
0x31: {  	[smem:$0x3FBA] =	sst s10  }
0x32: {  	s10 =	sld [smem:$0x3FB8];
	_ =	sdelay $0x3  }
0x33: {  	p0 =	seq.s32 s10, $0x1;
	s10 =	sld [smem:$0x3FBA];
	_ =	sdelay $0x3  }
0x34: {  	[smem:$0x3FBA] =	sst s10  }
0x35: {  	s10 =	sld [smem:$0x3FB9];
	_ =	sdelay $0x3  }
0x36: {  	p1 =	seq.s32 s10, $0x1;
	s10 =	sld [smem:$0x3FBA];
	_ =	sdelay $0x3  }
0x37: {  	[smem:$0x3FBA] =	sst s10  }
0x38: {  	s10 =	sld [smem:$0x3FBB]  }
0x39: {  	_ = 	snop;
	(pc) =	sbr.ind lr, $3  }
0x3a: {  	_ = 	snop  }
0x3b: {  	_ = 	snop  }
0x3c: {  	p2 =	seq.s32 s10, $0x1;
	s10 =	sld [smem:$0x3FBA]  }
0x3d: {  	_ =	shalt  }
0x3e: {  	_ =	shalt  }
0x3f: {  	_ =	shalt  }
0x40: {  	_ =	shalt  }
0x41: {  	_ =	shalt  }
0x42: {  	_ =	shalt  }
0x43: {  	_ =	shalt  }
0x44: {  	_ =	shalt  }
0x45: {  	_ =	shalt  }
0x46: {  	_ =	shalt  }
0x47: {  	_ =	shalt  }
0x48: {  	_ =	shalt  }
0x49: {  	_ =	shalt  }
0x4a: {  	_ =	shalt  }
0x4b: {  	_ =	shalt  }
0x4c: {  	_ =	shalt  }
0x4d: {  	_ =	shalt  }
0x4e: {  	_ =	shalt  }
0x4f: {  	_ =	shalt  }
0x50: {  	_ =	shalt  }
0x51: {  	_ =	shalt  }
0x52: {  	_ =	shalt  }
0x53: {  	_ =	shalt  }
0x54: {  	_ =	shalt  }
0x55: {  	_ =	shalt  }
0x56: {  	_ =	shalt  }
0x57: {  	_ =	shalt  }
0x58: {  	_ =	shalt  }
0x59: {  	_ =	shalt  }
0x5a: {  	_ =	shalt  }
0x5b: {  	_ =	shalt  }
0x5c: {  	_ =	shalt  }
0x5d: {  	_ =	shalt  }
0x5e: {  	_ =	shalt  }
0x5f: {  	_ =	shalt  }
0x60: {  	_ =	shalt  }
0x61: {  	_ =	shalt  }
0x62: {  	_ =	shalt  }
0x63: {  	_ =	shalt  }
0x64: {  	_ =	shalt  }
0x65: {  	_ =	shalt  }
0x66: {  	_ =	shalt  }
0x67: {  	_ =	shalt  }
0x68: {  	_ =	shalt  }
0x69: {  	_ =	shalt  }
0x6a: {  	_ =	shalt  }
0x6b: {  	_ =	shalt  }
0x6c: {  	_ =	shalt  }
0x6d: {  	_ =	shalt  }
0x6e: {  	_ =	shalt  }
0x6f: {  	_ =	shalt  }
0x70: {  	_ =	shalt  }
0x71: {  	_ =	shalt  }
0x72: {  	_ =	shalt  }
0x73: {  	_ =	shalt  }
0x74: {  	_ =	shalt  }
0x75: {  	_ =	shalt  }
0x76: {  	_ =	shalt  }
0x77: {  	_ =	shalt  }
0x78: {  	_ =	shalt  }
0x79: {  	_ =	shalt  }
0x7a: {  	_ =	shalt  }
0x7b: {  	_ =	shalt  }
0x7c: {  	_ =	shalt  }
0x7d: {  	_ =	shalt  }
0x7e: {  	_ =	shalt  }
0x7f: {  	_ =	shalt  }
0x80: {  	_ =	shalt  }
0x81: {  	_ =	shalt  }
0x82: {  	_ =	shalt  }
0x83: {  	_ =	shalt  }
0x84: {  	_ =	shalt  }
0x85: {  	_ =	shalt  }
0x86: {  	_ =	shalt  }
0x87: {  	_ =	shalt  }
.Lfunc_end0:
.L_simem_size_0:
called_computation_lowered:
.L_overlay_start_0:
0x88: {  	s2 =	sld [smem:$0x3FD9]  }
0x89: {  	s3 =	sld [smem:$0x3FFE];
	_ =	sdelay $0x1  }
0x8a: {  	s1 =	srdreg.scid  }
0x8b: {  	s0 =	sand.u32 $0x1, s1  }
0x8c: {  	s17 =	sshll.u32 s0, $0xA;
	s2 =	sadd.s32 s3, s2  }
0x8d: {  	s2 =	sadd.s32 s2, s17  }
0x8e: {  	[smem:$0x3FC6] =	sst s2  }
0x8f: {  	_ = 	snop  }
0x90: {  	s2 =	sld [smem:$0x3FD0];
	(tm) =	ssettm $0x1  }
0x91: {  	s18 =	sld [smem:$0x3FFB];
	_ =	sdelay $0x3  }
0x92: {  	_ =	strace s18  }
0x93: {  	s3 =	sld [smem:$0x3FFC];
	_ =	sdelay $0x3  }
0x94: {  	_ =	strace s3  }
0x95: {  	s3 =	sld [smem:$0x3FFD];
	_ =	sdelay $0x3  }
0x96: {  	_ =	strace s3  }
0x97: {  	_ =	strace $0x8FFFFFFF  }
0x98: {  	s19 =	sld [smem:$0x3FDB];
	_ =	sdelay $0x1  }
0x99: {  	s4 =	simm.s32 $_scs_section_size  }
0x9a: {  	s5 =	simm.s32 $_size__tile_overlayer_lowered;
	s6 =	simm.s32 $_tile_overlayer_lowered  }
0x9b: {  	s22 =	simm.s32 $0x1BFF;
	s21 =	sshll.u32 s6, $0x1;
	s3 =	sadd.s32 s4, s19  }
0x9c: {  	s7 =	simm.s32 $0x0;
	s20 =	sshll.u32 s5, $0x1;
	s5 =	sadd.s32 s21, s3  }
0x9d: {  	[timem:s7], [sflag:s22] =	dma.local [hbm:s5], s20  }
0x9e: {  	_ =	swait.ge [sflag:s22], s20  }
0x9f: {  	s4 =	ssub.s32 $0x0, s20;
	[sflag:s22] =	ssyncset.done $0x0  }
0xa0: {  	[sflag:s22] =	ssyncadd.s32 s4;
	_ =	sdelay $0x1  }
0xa1: {  	s23 =	simm.s32 $0x1B8B  }
0xa2: {  	_ =	swait.ge [sflag:s23], $0x1  }
0xa3: {  	[sflag:s23] =	ssyncset.done $0x0  }
0xa4: {  	s25 =	simm.s32 $0x1B8E;
	s24 =	sld [smem:$0x3FFE];
	[sflag:s23] =	ssyncadd.s32 $0xFFFFFFFF  }
0xa5: {  	s26 =	simm.s32 $execute0_lowered;
	[smem:$0x3FD2] =	sst s25  }
0xa6: {  	s5 =	sshll.u32 s26, $0x1;
	_ =	strace $0x80000046;
	[dreg:$0x1] =	wrdreg $0xFFFFFFFF  }
0xa7: {  	s28 =	simm.s32 $_size_execute0_lowered;
	s3 =	sadd.s32 s3, s5;
	[dreg:$0x0] =	wrdreg $0x0  }
0xa8: {  	s5 =	sshll.u32 s28, $0x1;
	[dreg:$0x2] =	wrdreg s3  }
0xa9: {  	[dreg:$0x3] =	wrdreg s5  }
0xaa: {  	[dreg:$0x4] =	wrdreg $0xC0  }
0xab: {  	_ =	task [dreg:s7], $0x5FFFF  }
0xac: {  	[dreg:$0x1] =	wrdreg $0xFFFFFFFF  }
0xad: {  	[dreg:$0x0] =	wrdreg $0x60  }
0xae: {  	[dreg:$0x2] =	wrdreg s24  }
0xaf: {  	[dreg:$0x3] =	wrdreg s2  }
0xb0: {  	[dreg:$0x4] =	wrdreg $0x9  }
0xb1: {  	_ =	task.clear_ibuf [dreg:s7], $0x5FFFF;
	_ =	strace $0x90000046  }
0xb2: {  	s29 =	simm.s32 $0x9;
	_ =	strace $0x80000048  }
0xb3: {  	_ =	swait.ge [sflag:s29], $0x1  }
0xb4: {  	[sflag:s29] =	ssyncadd.s32 $0xFFFFFFFF  }
0xb5: {  	_ =	strace $0x90000048  }
0xb6: {  	_ =	sfence  }
0xb7: {  	s30 =	sld [smem:$0x0];
	_ =	sdelay $0x2  }
0xb8: {  	s31 =	sshll.u32 s1, $0xD;
	s1 =	sshrl.u32 s1, $0x2  }
0xb9: {  	s3 =	sand.u32 $0x4000, s31;
	s1 =	sadd.s32 s1, s30  }
0xba: {  	s0 =	sor.u32 s3, s0;
	s1 =	sshll.u32 s1, $0x11  }
0xbb: {  	s0 =	sor.u32 s1, s0  }
0xbc: {  	s0 =	sadd.s32 $0x8F2B, s0  }
0xbd: {  	[sflag:s0] =	ssyncadd.remote.s32 $0x1  }
0xbe: {  	_ =	sfence.sel $0xFFFF  }
0xbf: {  	[dreg:$0x0] =	wrdreg $0xFFFFFFFF;
	(pc) =	sbr.abs _section_cstart, $3  }
0xc0: {  	[dreg:$0x1] =	wrdreg $0xFFFFFFFF  }
0xc1: {  	_ =	task.clear_ibuf [dreg:s7], $0x2FFFF;
	_ =	strace $0x9FFFFFFF  }
0xc2: {  	(tm) =	ssettm $0x7FFFFFFF  }
0xc3: {  	_ =	shalt  }
tec
execute0_lowered:
.L_overlay_start_1:
0x0: {  	(tag) =	ssettag $0x1  }
0x1: {  	s0 =	rddreg [dreg:$0x0];
	s1 =	srdreg.scid  }
0x2: {  	s19 =	stileid.u32;
	s7 =	rddreg [dreg:$0x1]  }
0x3: {  	s1 =	sand.u32 $0x1, s1;
	s2 =	sshll.u32 s19, $0x1;
	s4 =	sadd.s32 $0xE800, s0  }
0x4: {  	s17 =	sshll.u32 s19, $0xA;
	s5 =	ssub.s32 $0x2, s1;
	s3 =	sor.u32 s1, s2  }
0x5: {  	s2 =	smul.u32 $0x34, s3;
	s6 =	sshllo.u32 s3, $0x1;
	s8 =	sor.u32 $0x40, s3  }
0x6: {  	s9 =	sshll.u32 s3, $0x2;
	s13 =	sshll.u32 s3, $0x1;
	s3 =	smul.u32 $0x1A0, s3  }
0x7: {  	s28 =	sand.u32 $0x3800, s17;
	s24 =	sshrl.u32 s5, $0x1;
	s25 =	smul.u32 $0x1A, s6  }
0x8: {  	s1 =	ssub.s32 s5, s24;
	s10 =	smul.u32 $0x67, s8;
	s9 =	sand.u32 $0xC, s9  }
0x9: {  	s2 =	sshrl.u32 s2, $0x8;
	s11 =	sor.u32 $0x1, s9;
	s12 =	sor.u32 $0x2, s9  }
0xa: {  	s15 =	sor.u32 $0x3, s9;
	s16 =	sshll.u32 s9, $0xA;
	s29 =	sshll.u32 s9, $0xE  }
0xb: {  	s9 =	sshll.u32 s9, $0x11;
	s3 =	sand.u32 $0x3800, s3;
	s2 =	smul.u32 $0xA, s2  }
0xc: {  	s5 =	sshrl.u32 s25, $0x8;
	s10 =	sshrl.u32 s10, $0xA;
	s16 =	sadd.s32 s4, s16  }
0xd: {  	s17 =	sor.u32 s28, s29;
	s18 =	sshll.u32 s11, $0xA;
	s30 =	sshll.u32 s11, $0xE  }
0xe: {  	s9 =	sor.u32 s28, s9;
	s11 =	sshll.u32 s11, $0x11;
	s31 =	sshll.u32 s12, $0xA  }
0xf: {  	s20 =	sshll.u32 s12, $0xE;
	s21 =	sshll.u32 s15, $0xA;
	s22 =	sshll.u32 s15, $0xE  }
0x10: {  	s12 =	sshll.u32 s12, $0x11;
	s15 =	sshll.u32 s15, $0x11;
	s5 =	smul.u32 $0xA, s5  }
0x11: {  	s14 =	smul.u32 $0xA, s10;
	[smem:$0x7E8] =	sst s16;
	s18 =	sadd.s32 s4, s18  }
0x12: {  	s9 =	sshrl.u32 s9, $0x3;
	s11 =	sor.u32 s28, s11;
	s12 =	sor.u32 s28, s12  }
0x13: {  	s15 =	sor.u32 s28, s15;
	s29 =	sshrl.u32 s17, $0x3;
	s10 =	smin.u32 s10, $0x7  }
0x14: {  	s2 =	ssub.s32 s13, s2;
	[smem:$0x7E9] =	sst s18;
	s18 =	sor.u32 s28, s30  }
0x15: {  	s9 =	sadd.s32 s7, s9;
	s11 =	sshrl.u32 s11, $0x3;
	s12 =	sshrl.u32 s12, $0x3  }
0x16: {  	s25 =	sshrl.u32 s15, $0x3;
	s6 =	ssub.s32 s6, s5;
	s5 =	sand.u32 $0xFE, s2  }
0x17: {  	s26 =	ssub.s32 s8, s14;
	[smem:$0x7EA] =	sst s9;
	s9 =	sadd.s32 s4, s31  }
0x18: {  	s11 =	sadd.s32 s7, s11;
	s12 =	sadd.s32 s7, s12;
	s7 =	sadd.s32 s7, s25  }
0x19: {  	s30 =	sshrl.u32 s18, $0x3;
	s31 =	sadd.s32 $0x1800, s0;
	[smem:$0x7EB] =	sst s9  }
0x1a: {  	s0 =	sadd.s32 $0x15000, s0;
	s2 =	sand.u32 $0xFF, s6;
	[smem:$0x7EC] =	sst s11  }
0x1b: {  	s8 =	sor.u32 $0x10, s5;
	s6 =	sand.u32 $0xFF, s26;
	[smem:$0x7EE] =	sst s12  }
0x1c: {  	s9 =	sor.u32 s28, s20;
	s11 =	sadd.s32 s4, s21;
	[smem:$0x7F0] =	sst s7  }
0x1d: {  	s15 =	sadd.s32 s31, s30;
	s13 =	sor.u32 $0x10, s2;
	s14 =	sor.u32 $0x10, s6  }
0x1e: {  	[smem:$0x7ED] =	sst s11;
	s11 =	sor.u32 s28, s22;
	s23 =	sshll.u32 s8, $0xA  }
0x1f: {  	[smem:$0x7F4] =	sst s15;
	s16 =	sshrl.u32 s9, $0x3;
	s17 =	sshll.u32 s8, $0xE  }
0x20: {  	s22 =	sshll.u32 s10, $0xB;
	s2 =	sshll.u32 s2, $0x11;
	s24 =	sadd.s32 s4, s23  }
0x21: {  	s26 =	sshll.u32 s13, $0xA;
	s28 =	sshll.u32 s14, $0xA;
	s18 =	sshrl.u32 s11, $0x3  }
0x22: {  	s21 =	sshll.u32 s13, $0xE;
	s23 =	sshll.u32 s14, $0xE;
	s2 =	sor.u32 s3, s2  }
0x23: {  	[smem:$0x7EF] =	sst s24;
	s7 =	sadd.s32 s4, s26;
	s4 =	sadd.s32 s4, s28  }
0x24: {  	s25 =	sor.u32 s22, s23;
	s26 =	sshll.u32 s5, $0x11;
	[smem:$0x7F1] =	sst s7  }
0x25: {  	s2 =	sshrl.u32 s2, $0x3;
	[smem:$0x7F2] =	sst s4;
	s4 =	sadd.s32 s31, s29  }
0x26: {  	s7 =	sor.u32 s3, s17;
	s28 =	sshrl.u32 s25, $0x3;
	s29 =	sshll.u32 s6, $0x11  }
0x27: {  	s2 =	sadd.s32 s0, s2;
	[smem:$0x7F3] =	sst s4;
	s4 =	sadd.s32 s31, s16  }
0x28: {  	s20 =	sshrl.u32 s7, $0x3;
	s5 =	sadd.s32 s31, s28;
	[smem:$0x7F5] =	sst s4  }
0x29: {  	s7 =	sor.u32 s3, s21;
	s4 =	sadd.s32 s31, s18;
	[smem:$0x7F9] =	sst s5  }
0x2a: {  	s30 =	sor.u32 s29, s22;
	[smem:$0x7F6] =	sst s4;
	s4 =	sadd.s32 s31, s20  }
0x2b: {  	s24 =	sshrl.u32 s7, $0x3;
	s20 =	simm.s32 $0x0;
	[smem:$0x7F7] =	sst s4  }
0x2c: {  	s4 =	sadd.s32 s31, s24;
	[smem:$0x7FF] =	sst s20;
	s31 =	smax.u32 s1, $0x1  }
.Ltmp0:
0x2d: {  	[smem:$0x7F8] =	sst s4;
	s4 =	sor.u32 s3, s26;
	(pc) =	sbr.rel .LBB2_1-.Ltmp0, $4  }
0x2e: {  	_ =	strace $0x80000047;
	s4 =	sshrl.u32 s4, $0x3;
	[smem:$0x7FB] =	sst s2  }
0x2f: {  	s3 =	sshrl.u32 s30, $0x3;
	[smem:$0x7FD] =	sst s31;
	s4 =	sadd.s32 s0, s4  }
0x30: {  	p0 =	sgt.u32 s19, $0x7;
	s0 =	sadd.s32 s0, s3;
	[smem:$0x7FA] =	sst s4  }
0x31: {  	s25 =	simm.s32 $0x2000;
	s2 =	simm.s32 $0x0;
	[smem:$0x7FC] =	sst s0  }
.LBB2_16:
0x32: {  	_ =	sdelay $0x1  }
0x33: {  	s3 =	sld [smem:$0x74E];
	_ =	sdelay $0x1  }
0x34: {  	v10 =	vld.idx.msk [tilespmem:v10+s20+$0x0], $0xffff;
	v20 =	vadd.s32 $0x1800, v2  }
0x35: {  	v55 =	vadd.s32 $0x1C00, v2;
	[tilespmem:s3+$0x0] =	vst v22  }
0x36: {  	[tilespmem:s29+$0x0] =	vst v18  }
0x37: {  	v56 =	vld.idx.msk [tilespmem:v23+s20+$0x0], $0xffff;
	[tilespmem:s26+$0x0] =	vst v24  }
0x38: {  	v58 =	vld.idx.msk [tilespmem:v26+s20+$0x0], $0xffff;
	[tilespmem:s30+$0x0] =	vst v21  }
0x39: {  	v60 =	vld.idx.msk [tilespmem:v20+s20+$0x0], $0xffff;
	s3 =	sld [smem:$0x751];
	[tilespmem:s7+$0x0] =	vst v10  }
0x3a: {  	v2 =	vld.idx.msk [tilespmem:v55+s20+$0x0], $0xffff;
	[tilespmem:s18+$0x5000] =	vst v4  }
0x3b: {  	[tilespmem:s17+$0x0] =	vst v25  }
0x3c: {  	[tilespmem:s3+$0x0] =	vst v19  }
0x3d: {  	s3 =	sld [smem:$0x74F];
	_ =	sdelay $0x2  }
0x3e: {  	v57 =	vadd.s32 $0x1400, v5;
	[tilespmem:s3+$0x0] =	vst v8  }
0x3f: {  	v59 =	vadd.s32 $0x1800, v5;
	s3 =	sld [smem:$0x750]  }
0x40: {  	v61 =	vadd.s32 $0x1C00, v5;
	_ =	sdelay $0x1  }
0x41: {  	[tilespmem:s3+$0x0] =	vst v11  }
0x42: {  	v62 =	vld.idx.msk [tilespmem:v57+s20+$0x0], $0xffff;
	s3 =	sld [smem:$0x752]  }
0x43: {  	v63 =	vld.idx.msk [tilespmem:v59+s20+$0x0], $0xffff  }
0x44: {  	v5 =	vld.idx.msk [tilespmem:v61+s20+$0x0], $0xffff;
	[tilespmem:s31+$0x5000] =	vst v1  }
0x45: {  	[tilespmem:s3+$0x0] =	vst v12  }
0x46: {  	s3 =	rddreg [dreg:$0x19]  }
0x47: {  	[tilespmem:s3+$0x0] =	vst v56  }
0x48: {  	s3 =	sld [smem:$0x753];
	_ =	sdelay $0x2  }
0x49: {  	[tilespmem:s3+$0x0] =	vst v3  }
0x4a: {  	s3 =	rddreg [dreg:$0x1a]  }
0x4b: {  	[tilespmem:s3+$0x0] =	vst v17  }
0x4c: {  	s3 =	rddreg [dreg:$0xc];
	[tilespmem:s23+$0x0] =	vst v0  }
0x4d: {  	[tilespmem:s1+$0x0] =	vst v15  }
0x4e: {  	[tilespmem:s3+$0x0] =	vst v16  }
0x4f: {  	[tilespmem:s2+$0x0] =	vst v6  }
0x50: {  	[tilespmem:s6+$0x0] =	vst v13  }
0x51: {  	[tilespmem:s21+$0x0] =	vst v7  }
0x52: {  	[tilespmem:s13+$0x0] =	vst v14  }
0x53: {  	[tilespmem:s14+$0x0] =	vst v60  }
0x54: {  	[tilespmem:s22+$0x0] =	vst v62  }
0x55: {  	[tilespmem:s16+$0x0] =	vst v58  }
0x56: {  	[tilespmem:s19+$0x0] =	vst v2  }
0x57: {  	[tilespmem:s24+$0x0] =	vst v63  }
0x58: {  	[tilespmem:s0+$0x0] =	vst v9  }
0x59: {  	[tilespmem:s11+$0x0] =	vst v5  }
0x5a: {  	s0 =	sld [smem:$0x7FC]  }
0x5b: {  	s28 =	simm.s32 $0x800  }
0x5c: {  	s29 =	simm.s32 $0x4000;
	s30 =	simm.s32 $0x5000;
	s31 =	simm.s32 $0x3  }
0x5d: {  	[hbm4b:s0+s28] =	stream.strided.scatter [tilespmem:s30], [sflag:$0x3], $0x4000, s29, s28, $0x38;
	[tilespmem:$0xD000] =	vst v63  }
0x5e: {  	_ =	swait.ge [sflag:s31], $0x4000  }
0x5f: {  	[sflag:s31] =	ssyncset.done $0x0  }
0x60: {  	s2 =	sld [smem:$0x7E3];
	[sflag:s31] =	ssyncadd.s32 $0xFFFFC000  }
.LBB2_17:
0x61: {  	s1 =	simm.s32 $0x4  }
0x62: {  	_ =	swait.ge [sflag:s1], $0x4000  }
0x63: {  	s0 =	sld [smem:$0x7FD];
	_ =	sdelay $0x1  }
0x64: {  	s2 =	sadd.s32 $0x1, s2  }
0x65: {  	p1 =	sne.s32 s2, s0  }
.Ltmp1:
0x66: {  	_ = 	snop;
	(pc) =	sbr.rel @!p1 .LBB2_18-.Ltmp1, $3  }
0x67: {  	_ =	sdelay $0x1  }
0x68: {  	[sflag:s1] =	ssyncset.done $0x0  }
0x69: {  	[sflag:s1] =	ssyncadd.s32 $0xFFFFC000  }
.LBB2_1:
0x6a: {  	s0 =	sld [smem:$0x7E8];
	_ =	sdelay $0x1  }
0x6b: {  	s15 =	sld [smem:$0x7F3]  }
0x6c: {  	[tilespmem:s20], [sflag:$0x1] =	stream.linear.gather [hbm4b:s0+s20], $0x2000, $0x38;
	[tilespmem:$0xD000] =	vst v63  }
0x6d: {  	s7 =	simm.s32 $0x4000;
	s16 =	sld [smem:$0x7E9]  }
0x6e: {  	[tilespmem:s7], [sflag:$0x1] =	stream.linear.gather [hbm4b:s15+s20], $0x800, $0x38;
	[tilespmem:$0xD000] =	vst v63  }
0x6f: {  	s17 =	sld [smem:$0x7F4]  }
0x70: {  	[tilespmem:s25], [sflag:$0x2] =	stream.linear.gather [hbm4b:s16+s20], $0x2000, $0x38;
	[tilespmem:$0xD000] =	vst v63  }
0x71: {  	[smem:$0x7E3] =	sst s2;
	s1 =	simm.s32 $0x4800;
	s18 =	simm.s32 $0x1  }
0x72: {  	[tilespmem:s1], [sflag:$0x2] =	stream.linear.gather [hbm4b:s17+s20], $0x800, $0x38;
	[tilespmem:$0xD000] =	vst v63  }
0x73: {  	_ =	swait.ge [sflag:s18], $0x2000  }
0x74: {  	[sflag:s18] =	ssyncset.done $0x0  }
0x75: {  	[sflag:s18] =	ssyncadd.s32 $0xFFFFE000  }
0x76: {  	s3 =	sand.u32 $0x40, s20;
	s19 =	sand.u32 $0x780, s20;
	_ =	swait.ge [sflag:s18], $0x800  }
0x77: {  	s4 =	sor.u32 $0x10, s3;
	s6 =	sor.u32 $0x30, s3;
	[sflag:s18] =	ssyncset.done $0x0  }
0x78: {  	s5 =	sor.u32 $0x20, s3;
	[sflag:s18] =	ssyncadd.s32 $0xFFFFF800;
	s18 =	sor.u32 s19, s4  }
0x79: {  	s21 =	sor.u32 s19, s5;
	s0 =	sor.u32 s19, s6;
	v2 =	vld [tilespmem:s18+$0x4000]  }
0x7a: {  	v6 =	vld [tilespmem:s0+$0x4000];
	[dreg:$0x5] =	wrdreg s21  }
0x7b: {  	v5 =	vld [tilespmem:s21+$0x4000];
	_ =	sdelay $0x3  }
0x7c: {  	v0 =	vadd.s32 $0x400, v2  }
0x7d: {  	v10 =	vld [tilespmem:s7+$0x0];
	v3 =	vadd.s32 $0x1000, v6  }
0x7e: {  	v11 =	vadd.s32 $0x800, v2;
	v4 =	vld.idx.msk [tilespmem:v2+s20+$0x0], $0xffff  }
0x7f: {  	v8 =	vadd.s32 $0x400, v5;
	v14 =	vld.idx.msk [tilespmem:v6+s20+$0x0], $0xffff  }
0x80: {  	v9 =	vadd.s32 $0x800, v5;
	v1 =	vld.idx.msk [tilespmem:v5+s20+$0x0], $0xffff  }
0x81: {  	v12 =	vadd.s32 $0xC00, v6;
	v7 =	vld.idx.msk [tilespmem:v0+s20+$0x0], $0xffff  }
0x82: {  	v13 =	vadd.s32 $0xC00, v2;
	v18 =	vld.idx.msk [tilespmem:v3+s20+$0x0], $0xffff  }
0x83: {  	v15 =	vadd.s32 $0x1C00, v6;
	v11 =	vld.idx.msk [tilespmem:v11+s20+$0x0], $0xffff  }
0x84: {  	v3 =	vld.idx.msk [tilespmem:v8+s20+$0x0], $0xffff;
	v8 =	vadd.s32 $0x1800, v6  }
0x85: {  	v0 =	vld.idx.msk [tilespmem:v9+s20+$0x0], $0xffff;
	v9 =	vadd.s32 $0xC00, v5  }
0x86: {  	v16 =	vadd.s32 $0x1400, v6;
	v22 =	vld.idx.msk [tilespmem:v12+s20+$0x0], $0xffff  }
0x87: {  	v12 =	vld.idx.msk [tilespmem:v13+s20+$0x0], $0xffff;
	v13 =	vadd.s32 $0x1000, v5  }
0x88: {  	s28 =	simm.s32 $0x0;
	s22 =	sor.u32 $0x5800, s19;
	s10 =	sor.u32 $0x6800, s19;
	v19 =	vld.idx.msk [tilespmem:v15+s20+$0x0], $0xffff  }
0x89: {  	s8 =	sor.u32 $0x6000, s19;
	s11 =	sor.u32 $0x7000, s19;
	s23 =	sor.u32 s6, s10;
	v17 =	vadd.s32 $0x400, v6;
	v21 =	vld.idx.msk [tilespmem:v8+s20+$0x0], $0xffff  }
0x8a: {  	s13 =	sor.u32 $0x7800, s19;
	s14 =	sor.u32 $0x8000, s19;
	v15 =	vadd.s32 $0x800, v6;
	v6 =	vld.idx.msk [tilespmem:v9+s20+$0x0], $0xffff;
	[smem:$0x7E4] =	sst s23  }
0x8b: {  	s9 =	sor.u32 s6, s22;
	s12 =	sor.u32 s6, s8;
	s24 =	sor.u32 s4, s22;
	v24 =	vld.idx.msk [tilespmem:v16+s20+$0x0], $0xffff  }
0x8c: {  	s29 =	sor.u32 s6, s11;
	s2 =	sor.u32 s4, s8;
	v20 =	vadd.s32 $0x1000, v2;
	v8 =	vld.idx.msk [tilespmem:v13+s20+$0x0], $0xffff;
	[smem:$0x7E5] =	sst s24  }
0x8d: {  	s26 =	sor.u32 s6, s13;
	s16 =	sor.u32 s3, s8;
	v9 =	vadd.s32 $0x1400, v2;
	[smem:$0x7E6] =	sst s2  }
0x8e: {  	s15 =	sor.u32 $0x8800, s19;
	s19 =	sor.u32 s4, s10;
	v23 =	vadd.s32 $0xC00, v10;
	v26 =	vld.idx.msk [tilespmem:v17+s20+$0x0], $0xffff;
	[dreg:$0xd] =	wrdreg s16  }
0x8f: {  	s30 =	sor.u32 s6, s14;
	s21 =	sor.u32 s5, s22;
	v13 =	vadd.s32 $0x1000, v10;
	[smem:$0x7E7] =	sst s19  }
0x90: {  	s31 =	sor.u32 s6, s15;
	s6 =	sor.u32 s3, s11;
	v25 =	vadd.s32 $0x400, v10;
	v27 =	vld.idx.msk [tilespmem:v15+s20+$0x0], $0xffff;
	[dreg:$0x1b] =	wrdreg s21  }
0x91: {  	s17 =	sor.u32 s3, s22;
	s1 =	sor.u32 s3, s10;
	s22 =	sor.u32 s4, s11;
	v28 =	vadd.s32 $0x1C00, v10;
	v17 =	vld.idx.msk [tilespmem:v20+s20+$0x0], $0xffff  }
0x92: {  	s7 =	simm.s32 $0x5000;
	s24 =	sor.u32 s4, s13;
	v20 =	vadd.s32 $0x1400, v10;
	v16 =	vld.idx.msk [tilespmem:v9+s20+$0x0], $0xffff;
	[dreg:$0xe] =	wrdreg s22  }
0x93: {  	s23 =	sor.u32 s5, s8;
	s2 =	sor.u32 s5, s10;
	v15 =	vld.idx.msk [tilespmem:v23+s20+$0x0], $0xffff;
	[dreg:$0x8] =	wrdreg s24  }
0x94: {  	s16 =	sor.u32 s3, s14;
	s19 =	sor.u32 s4, s15;
	s21 =	sor.u32 s5, s11;
	v13 =	vld.idx.msk [tilespmem:v13+s20+$0x0], $0xffff  }
0x95: {  	s11 =	sor.u32 s5, s15;
	s22 =	sor.u32 s5, s13;
	s13 =	sor.u32 s3, s13;
	[tilespmem:s0+$0x5000] =	vst v14;
	v25 =	vld.idx.msk [tilespmem:v25+s20+$0x0], $0xffff  }
0x96: {  	s24 =	sor.u32 s5, s14;
	s14 =	sor.u32 s4, s14;
	s4 =	simm.s32 $0x5040;
	v9 =	vld.idx.msk [tilespmem:v28+s20+$0x0], $0xffff;
	[tilespmem:s9+$0x0] =	vst v26  }
0x97: {  	v23 =	vadd.s32 $0x800, v10;
	s5 =	simm.s32 $0x40;
	s0 =	sor.u32 s3, s15;
	s3 =	simm.s32 $0x4040;
	v26 =	vadd.s32 $0x1800, v10;
	[tilespmem:s12+$0x0] =	vst v27;
	v14 =	vld.idx.msk [tilespmem:v20+s20+$0x0], $0xffff  }
.LBB2_2:
0x98: {  	[smem:$0x7D2] =	sst s2  }
0x99: {  	[smem:$0x7D5] =	sst s22  }
0x9a: {  	[smem:$0x7D3] =	sst s21  }
0x9b: {  	[smem:$0x7DD] =	sst s19  }
0x9c: {  	[smem:$0x7D0] =	sst s1  }
0x9d: {  	[smem:$0x7D9] =	sst s16  }
0x9e: {  	[smem:$0x7D7] =	sst s6  }
0x9f: {  	[smem:$0x7D8] =	sst s13  }
0xa0: {  	[smem:$0x7DB] =	sst s14  }
0xa1: {  	[smem:$0x7DE] =	sst s11  }
0xa2: {  	[smem:$0x7DF] =	sst s0;
	s8 =	sand.u32 $0x40, s5  }
0xa3: {  	s0 =	sand.u32 $0x780, s5;
	s9 =	sld [smem:$0x7E4];
	s6 =	sor.u32 $0x30, s8  }
0xa4: {  	s1 =	rddreg [dreg:$0xd];
	s13 =	sor.u32 $0x5800, s0;
	s15 =	sor.u32 s0, s6  }
0xa5: {  	s14 =	sor.u32 $0x6000, s0;
	s19 =	sor.u32 s6, s13;
	[smem:$0x7E0] =	sst s15  }
0xa6: {  	v10 =	vld.idx.msk [tilespmem:v10+s20+$0x0], $0xffff;
	s11 =	sor.u32 $0x10, s8;
	s21 =	sor.u32 s6, s14;
	[tilespmem:s9+$0x0] =	vst v22;
	[smem:$0x7E1] =	sst s19  }
0xa7: {  	s16 =	sor.u32 $0x7000, s0;
	[smem:$0x7E2] =	sst s21;
	s21 =	sor.u32 s8, s13;
	[tilespmem:s29+$0x0] =	vst v18  }
0xa8: {  	s29 =	sor.u32 $0x7800, s0;
	[smem:$0x7D4] =	sst s21;
	[tilespmem:s26+$0x0] =	vst v24;
	s26 =	sor.u32 s6, s16  }
0xa9: {  	s10 =	sor.u32 $0x20, s8;
	v22 =	vld.idx.msk [tilespmem:v23+s20+$0x0], $0xffff;
	v23 =	vadd.s32 $0x1800, v2;
	s2 =	sor.u32 s6, s29;
	[smem:$0x7DA] =	sst s26  }
0xaa: {  	s12 =	sor.u32 s0, s10;
	v18 =	vadd.s32 $0x1C00, v2;
	v24 =	vld [tilespmem:s15+$0x4000];
	s15 =	sor.u32 $0x6800, s0;
	[smem:$0x7D6] =	sst s2  }
0xab: {  	v20 =	vld.idx.msk [tilespmem:v26+s20+$0x0], $0xffff;
	s9 =	sor.u32 s0, s11;
	[tilespmem:s7+$0x0] =	vst v10;
	s2 =	sld [smem:$0x7E5];
	s22 =	sor.u32 s6, s15  }
0xac: {  	v2 =	vld [tilespmem:s9+$0x4000];
	s21 =	sor.u32 s11, s16;
	[tilespmem:s30+$0x0] =	vst v21;
	[smem:$0x7E4] =	sst s22;
	s22 =	sor.u32 s11, s14  }
0xad: {  	s7 =	sor.u32 s8, s14;
	s30 =	sor.u32 $0x8800, s0;
	[tilespmem:s31+$0x0] =	vst v19;
	v19 =	vld [tilespmem:s12+$0x4000];
	[smem:$0x7CF] =	sst s22  }
0xae: {  	v26 =	vadd.s32 $0x1400, v5;
	[tilespmem:s17+$0x0] =	vst v25;
	s31 =	sor.u32 $0x8000, s0;
	v27 =	vld.idx.msk [tilespmem:v23+s20+$0x0], $0xffff;
	s22 =	sor.u32 s10, s14;
	s14 =	sld [smem:$0x7E6]  }
0xaf: {  	v21 =	vadd.s32 $0x1800, v5;
	s17 =	sor.u32 s10, s16;
	s26 =	sor.u32 s6, s30;
	s19 =	sor.u32 s6, s31;
	v25 =	vld.idx.msk [tilespmem:v18+s20+$0x0], $0xffff;
	[tilespmem:s18+$0x5000] =	vst v4  }
0xb0: {  	v23 =	vadd.s32 $0x1C00, v5;
	[smem:$0x7DC] =	sst s26;
	s6 =	sor.u32 s11, s15;
	s18 =	sor.u32 s8, s15;
	[tilespmem:s2+$0x0] =	vst v7  }
0xb1: {  	[tilespmem:s14+$0x0] =	vst v11;
	s14 =	smov.u32 s24;
	s24 =	sor.u32 s10, s15;
	s15 =	sld [smem:$0x7E7]  }
0xb2: {  	s0 =	sor.u32 s11, s13;
	v10 =	vld [tilespmem:s3+$0x0];
	s13 =	sor.u32 s10, s13;
	[tilespmem:s1+$0x0] =	vst v22;
	s1 =	rddreg [dreg:$0x1b]  }
0xb3: {  	v26 =	vld.idx.msk [tilespmem:v26+s20+$0x0], $0xffff;
	s26 =	sor.u32 s10, s29;
	[smem:$0x7D1] =	sst s19;
	s19 =	sor.u32 s10, s31  }
0xb4: {  	s2 =	sor.u32 s11, s29;
	v21 =	vld.idx.msk [tilespmem:v21+s20+$0x0], $0xffff;
	[tilespmem:s15+$0x0] =	vst v12;
	s15 =	sor.u32 s8, s16;
	s16 =	rddreg [dreg:$0x5]  }
0xb5: {  	s10 =	sor.u32 s10, s30;
	v29 =	vld.idx.msk [tilespmem:v23+s20+$0x0], $0xffff;
	[tilespmem:s16+$0x5000] =	vst v1;
	s16 =	sor.u32 s8, s29;
	s29 =	sor.u32 s8, s31  }
0xb6: {  	v7 =	vadd.s32 $0x400, v2;
	v5 =	vmov v19;
	s31 =	sor.u32 s11, s31;
	s8 =	sor.u32 s8, s30;
	s11 =	sor.u32 s11, s30  }
0xb7: {  	v11 =	vadd.s32 $0x400, v5;
	s30 =	smov.u32 s9;
	s9 =	smov.u32 s12;
	v1 =	vld.idx.msk [tilespmem:v19+s20+$0x0], $0xffff;
	[tilespmem:s1+$0x0] =	vst v3;
	s1 =	rddreg [dreg:$0xe]  }
0xb8: {  	s12 =	smov.u32 s0;
	[dreg:$0x5] =	wrdreg s9  }
0xb9: {  	[smem:$0x7E5] =	sst s12  }
0xba: {  	v4 =	vld.idx.msk [tilespmem:v2+s20+$0x0], $0xffff;
	s9 =	sld [smem:$0x7CF]  }
0xbb: {  	v7 =	vld.idx.msk [tilespmem:v7+s20+$0x0], $0xffff;
	[tilespmem:s1+$0x0] =	vst v17;
	s1 =	rddreg [dreg:$0x8]  }
0xbc: {  	v3 =	vld.idx.msk [tilespmem:v11+s20+$0x0], $0xffff;
	[tilespmem:s23+$0x0] =	vst v0;
	s23 =	smov.u32 s21;
	s21 =	smov.u32 s17;
	s17 =	sld [smem:$0x7D4]  }
0xbd: {  	v18 =	vadd.s32 $0x1000, v24;
	s12 =	smov.u32 s9;
	s9 =	smov.u32 s7;
	s7 =	sld [smem:$0x7D0]  }
0xbe: {  	v33 =	vadd.s32 $0x1400, v24;
	[smem:$0x7E6] =	sst s12  }
0xbf: {  	v12 =	vadd.s32 $0x800, v5;
	[dreg:$0xd] =	wrdreg s9  }
0xc0: {  	v22 =	vadd.s32 $0x800, v2;
	s12 =	smov.u32 s6;
	s9 =	sld [smem:$0x7D2]  }
0xc1: {  	v32 =	vadd.s32 $0xC00, v24;
	v31 =	vld.idx.msk [tilespmem:v24+s20+$0x0], $0xffff;
	[smem:$0x7E7] =	sst s12  }
0xc2: {  	v35 =	vadd.s32 $0xC00, v2;
	v28 =	vadd.s32 $0x400, v24;
	v18 =	vld.idx.msk [tilespmem:v18+s20+$0x0], $0xffff;
	[tilespmem:s1+$0x0] =	vst v16;
	s12 =	sld [smem:$0x7D3]  }
0xc3: {  	v30 =	vadd.s32 $0x800, v24;
	v34 =	vadd.s32 $0x1800, v24;
	v19 =	vadd.s32 $0x1C00, v24;
	v24 =	vld.idx.msk [tilespmem:v33+s20+$0x0], $0xffff;
	s6 =	smov.u32 s13;
	s13 =	sld [smem:$0x7D5];
	[tilespmem:s7+$0x0] =	vst v15  }
0xc4: {  	[dreg:$0xe] =	wrdreg s23;
	v0 =	vld.idx.msk [tilespmem:v12+s20+$0x0], $0xffff;
	[tilespmem:s9+$0x0] =	vst v6  }
0xc5: {  	v11 =	vld.idx.msk [tilespmem:v22+s20+$0x0], $0xffff;
	[dreg:$0x1b] =	wrdreg s6;
	[tilespmem:s12+$0x0] =	vst v8  }
0xc6: {  	v22 =	vld.idx.msk [tilespmem:v32+s20+$0x0], $0xffff;
	v15 =	vadd.s32 $0xC00, v5;
	s9 =	sld [smem:$0x7DB];
	[tilespmem:s13+$0x0] =	vst v26  }
0xc7: {  	v12 =	vld.idx.msk [tilespmem:v35+s20+$0x0], $0xffff;
	v8 =	vadd.s32 $0x1000, v5;
	[tilespmem:s14+$0x0] =	vst v21;
	s14 =	sld [smem:$0x7D7]  }
0xc8: {  	s1 =	smov.u32 s2;
	v19 =	vld.idx.msk [tilespmem:v19+s20+$0x0], $0xffff;
	s6 =	smov.u32 s15;
	s15 =	sld [smem:$0x7D8]  }
0xc9: {  	v38 =	vadd.s32 $0xC00, v10;
	s2 =	smov.u32 s24;
	s24 =	smov.u32 s19;
	s19 =	sld [smem:$0x7D9];
	v21 =	vld.idx.msk [tilespmem:v34+s20+$0x0], $0xffff;
	[tilespmem:s9+$0x0] =	vst v27  }
0xca: {  	v36 =	vadd.s32 $0x400, v10;
	v27 =	vld.idx.msk [tilespmem:v30+s20+$0x0], $0xffff;
	s9 =	sld [smem:$0x7DF];
	[tilespmem:s14+$0x0] =	vst v13  }
0xcb: {  	v37 =	vadd.s32 $0x1C00, v10;
	s23 =	smov.u32 s22;
	s22 =	smov.u32 s26;
	s26 =	sld [smem:$0x7D6];
	v6 =	vld.idx.msk [tilespmem:v15+s20+$0x0], $0xffff;
	[tilespmem:s15+$0x0] =	vst v14  }
0xcc: {  	s12 =	sld [smem:$0x7DD];
	v13 =	vadd.s32 $0x1000, v2;
	v8 =	vld.idx.msk [tilespmem:v8+s20+$0x0], $0xffff;
	[tilespmem:s19+$0x0] =	vst v20  }
0xcd: {  	s28 =	sadd.s32 $0x4, s28;
	v39 =	vadd.s32 $0x1000, v10;
	[dreg:$0x8] =	wrdreg s1;
	v20 =	vld.idx.msk [tilespmem:v28+s20+$0x0], $0xffff;
	[tilespmem:s9+$0x0] =	vst v9  }
0xce: {  	s5 =	sadd.s32 $0x40, s5;
	p1 =	slt.u32 s28, $0x7C;
	v14 =	vadd.s32 $0x1400, v2;
	s15 =	sld [smem:$0x7DE];
	v15 =	vld.idx.msk [tilespmem:v38+s20+$0x0], $0xffff  }
0xcf: {  	v40 =	vadd.s32 $0x1400, v10;
	[tilespmem:s12+$0x0] =	vst v25;
	s19 =	smov.u32 s11;
	s11 =	smov.u32 s10;
	s10 =	sld [smem:$0x7E0];
	v25 =	vld.idx.msk [tilespmem:v36+s20+$0x0], $0xffff  }
.Ltmp2:
0xd0: {  	s3 =	sadd.s32 $0x40, s3;
	s12 =	sld [smem:$0x7E1];
	v9 =	vld.idx.msk [tilespmem:v37+s20+$0x0], $0xffff;
	(pc) =	sbr.rel @p1 .LBB2_2-.Ltmp2, $4  }
0xd1: {  	s0 =	smov.u32 s8;
	s1 =	smov.u32 s18;
	[tilespmem:s15+$0x0] =	vst v29;
	s15 =	sld [smem:$0x7E2];
	v17 =	vld.idx.msk [tilespmem:v13+s20+$0x0], $0xffff  }
0xd2: {  	s18 =	smov.u32 s30;
	s30 =	sld [smem:$0x7D1];
	s7 =	smov.u32 s4;
	v13 =	vld.idx.msk [tilespmem:v39+s20+$0x0], $0xffff;
	[tilespmem:s10+$0x5000] =	vst v31  }
0xd3: {  	s13 =	smov.u32 s16;
	s16 =	smov.u32 s29;
	s29 =	sld [smem:$0x7DA];
	v16 =	vld.idx.msk [tilespmem:v14+s20+$0x0], $0xffff;
	[tilespmem:s12+$0x0] =	vst v20  }
0xd4: {  	v23 =	vadd.s32 $0x800, v10;
	s4 =	sadd.s32 $0x40, s4;
	v26 =	vadd.s32 $0x1800, v10;
	s14 =	smov.u32 s31;
	s31 =	sld [smem:$0x7DC];
	v14 =	vld.idx.msk [tilespmem:v40+s20+$0x0], $0xffff;
	[tilespmem:s15+$0x0] =	vst v27  }
0xd5: {  	_ =	sdelay $0x1  }
0xd6: {  	s3 =	sld [smem:$0x7E4]  }
0xd7: {  	v20 =	vadd.s32 $0x1800, v2;
	v2 =	vadd.s32 $0x1C00, v2  }
0xd8: {  	v10 =	vld.idx.msk [tilespmem:v10+s20+$0x0], $0xffff  }
0xd9: {  	[tilespmem:s3+$0x0] =	vst v22  }
0xda: {  	[tilespmem:s29+$0x0] =	vst v18  }
0xdb: {  	v18 =	vld.idx.msk [tilespmem:v23+s20+$0x0], $0xffff;
	[tilespmem:s26+$0x0] =	vst v24  }
0xdc: {  	v2 =	vld.idx.msk [tilespmem:v2+s20+$0x0], $0xffff;
	[tilespmem:s30+$0x0] =	vst v21  }
0xdd: {  	v21 =	vld.idx.msk [tilespmem:v26+s20+$0x0], $0xffff;
	[tilespmem:s7+$0x0] =	vst v10  }
0xde: {  	v10 =	vld.idx.msk [tilespmem:v20+s20+$0x0], $0xffff;
	[tilespmem:s18+$0x5000] =	vst v4  }
0xdf: {  	[tilespmem:s31+$0x0] =	vst v19  }
0xe0: {  	[tilespmem:s17+$0x0] =	vst v25  }
0xe1: {  	s3 =	sld [smem:$0x7E5];
	_ =	sdelay $0x2  }
0xe2: {  	[tilespmem:s3+$0x0] =	vst v7  }
0xe3: {  	s3 =	sld [smem:$0x7E6];
	_ =	sdelay $0x1  }
0xe4: {  	v22 =	vadd.s32 $0x1400, v5  }
0xe5: {  	v23 =	vadd.s32 $0x1800, v5;
	v5 =	vadd.s32 $0x1C00, v5;
	[tilespmem:s3+$0x0] =	vst v11  }
0xe6: {  	s3 =	sld [smem:$0x7E7];
	_ =	sdelay $0x2  }
0xe7: {  	v4 =	vld.idx.msk [tilespmem:v22+s20+$0x0], $0xffff;
	[tilespmem:s3+$0x0] =	vst v12  }
0xe8: {  	v5 =	vld.idx.msk [tilespmem:v5+s20+$0x0], $0xffff;
	s3 =	rddreg [dreg:$0x5]  }
0xe9: {  	v7 =	vld.idx.msk [tilespmem:v23+s20+$0x0], $0xffff;
	[tilespmem:s3+$0x5000] =	vst v1  }
0xea: {  	s3 =	rddreg [dreg:$0xd]  }
0xeb: {  	[tilespmem:s3+$0x0] =	vst v18  }
0xec: {  	s3 =	rddreg [dreg:$0x1b]  }
0xed: {  	[tilespmem:s3+$0x0] =	vst v3  }
0xee: {  	s3 =	rddreg [dreg:$0xe]  }
0xef: {  	[tilespmem:s3+$0x0] =	vst v17  }
0xf0: {  	s3 =	rddreg [dreg:$0x8];
	[tilespmem:s23+$0x0] =	vst v0  }
0xf1: {  	[tilespmem:s1+$0x0] =	vst v15  }
0xf2: {  	[tilespmem:s3+$0x0] =	vst v16  }
0xf3: {  	[tilespmem:s2+$0x0] =	vst v6  }
0xf4: {  	[tilespmem:s6+$0x0] =	vst v13  }
0xf5: {  	[tilespmem:s21+$0x0] =	vst v8  }
0xf6: {  	[tilespmem:s13+$0x0] =	vst v14  }
0xf7: {  	[tilespmem:s14+$0x0] =	vst v10  }
0xf8: {  	[tilespmem:s22+$0x0] =	vst v4  }
0xf9: {  	[tilespmem:s16+$0x0] =	vst v21  }
0xfa: {  	[tilespmem:s19+$0x0] =	vst v2  }
0xfb: {  	[tilespmem:s24+$0x0] =	vst v7  }
0xfc: {  	[tilespmem:s0+$0x0] =	vst v9  }
0xfd: {  	[tilespmem:s11+$0x0] =	vst v5  }
0xfe: {  	s0 =	sld [smem:$0x7EA]  }
0xff: {  	s9 =	simm.s32 $0x800  }
0x100: {  	s10 =	simm.s32 $0x4000;
	s11 =	simm.s32 $0x5000;
	s13 =	sld [smem:$0x7EB]  }
0x101: {  	[hbm4b:s0+s9] =	stream.strided.scatter [tilespmem:s11], [sflag:$0x3], $0x4000, s10, s9, $0x38;
	[tilespmem:$0xD000] =	vst v63  }
0x102: {  	s12 =	simm.s32 $0x0;
	s14 =	sld [smem:$0x7F5]  }
0x103: {  	[tilespmem:s12], [sflag:$0x1] =	stream.linear.gather [hbm4b:s13+s12], $0x2000, $0x38;
	[tilespmem:$0xD000] =	vst v63  }
0x104: {  	s15 =	simm.s32 $0x2  }
0x105: {  	[tilespmem:s10], [sflag:$0x1] =	stream.linear.gather [hbm4b:s14+s12], $0x800, $0x38;
	[tilespmem:$0xD000] =	vst v63  }
0x106: {  	_ =	swait.ge [sflag:s15], $0x2000  }
0x107: {  	[sflag:s15] =	ssyncset.done $0x0  }
0x108: {  	s3 =	sand.u32 $0x40, s12;
	[sflag:s15] =	ssyncadd.s32 $0xFFFFE000  }
0x109: {  	s4 =	sor.u32 $0x10, s3;
	s16 =	sand.u32 $0x780, s12;
	_ =	swait.ge [sflag:s15], $0x800  }
0x10a: {  	s18 =	sor.u32 s16, s4;
	[sflag:s15] =	ssyncset.done $0x0  }
0x10b: {  	s17 =	sor.u32 $0x30, s3;
	[dreg:$0x3] =	wrdreg s18;
	[sflag:s15] =	ssyncadd.s32 $0xFFFFF800  }
0x10c: {  	s5 =	sor.u32 $0x20, s3;
	s0 =	sor.u32 s16, s17;
	v2 =	vld [tilespmem:s18+$0x4800]  }
0x10d: {  	s29 =	sor.u32 s16, s5;
	v6 =	vld [tilespmem:s0+$0x4800]  }
0x10e: {  	v4 =	vld [tilespmem:s29+$0x4800];
	_ =	sdelay $0x3  }
0x10f: {  	s19 =	simm.s32 $0x4800;
	v0 =	vadd.s32 $0x400, v2  }
0x110: {  	v10 =	vld [tilespmem:s19+$0x0];
	v3 =	vadd.s32 $0x1000, v6  }
0x111: {  	v8 =	vadd.s32 $0x400, v4;
	v5 =	vld.idx.msk [tilespmem:v2+s25+$0x0], $0xffff  }
0x112: {  	v9 =	vadd.s32 $0x800, v4;
	v14 =	vld.idx.msk [tilespmem:v6+s25+$0x0], $0xffff  }
0x113: {  	v11 =	vadd.s32 $0x800, v2;
	v1 =	vld.idx.msk [tilespmem:v4+s25+$0x0], $0xffff  }
0x114: {  	v12 =	vadd.s32 $0xC00, v6;
	v7 =	vld.idx.msk [tilespmem:v0+s25+$0x0], $0xffff  }
0x115: {  	v13 =	vadd.s32 $0xC00, v2;
	v18 =	vld.idx.msk [tilespmem:v3+s25+$0x0], $0xffff  }
0x116: {  	v15 =	vadd.s32 $0x1C00, v6;
	v3 =	vld.idx.msk [tilespmem:v8+s25+$0x0], $0xffff  }
0x117: {  	v8 =	vadd.s32 $0x1800, v6;
	v0 =	vld.idx.msk [tilespmem:v9+s25+$0x0], $0xffff  }
0x118: {  	v11 =	vld.idx.msk [tilespmem:v11+s25+$0x0], $0xffff;
	v9 =	vadd.s32 $0xC00, v4  }
0x119: {  	v16 =	vadd.s32 $0x1400, v6;
	v22 =	vld.idx.msk [tilespmem:v12+s25+$0x0], $0xffff  }
0x11a: {  	s21 =	sor.u32 $0x9800, s16;
	v12 =	vld.idx.msk [tilespmem:v13+s25+$0x0], $0xffff;
	v13 =	vadd.s32 $0x1000, v4  }
0x11b: {  	s8 =	sor.u32 $0xA000, s16;
	s23 =	sor.u32 s4, s21;
	s10 =	sor.u32 $0xA800, s16;
	v19 =	vld.idx.msk [tilespmem:v15+s25+$0x0], $0xffff  }
0x11c: {  	s9 =	sor.u32 s17, s21;
	s11 =	sor.u32 $0xB000, s16;
	s22 =	sor.u32 s17, s10;
	v17 =	vadd.s32 $0x400, v6;
	v21 =	vld.idx.msk [tilespmem:v8+s25+$0x0], $0xffff  }
0x11d: {  	s26 =	sor.u32 s17, s11;
	s13 =	sor.u32 $0xB800, s16;
	v15 =	vadd.s32 $0x800, v6;
	v6 =	vld.idx.msk [tilespmem:v9+s25+$0x0], $0xffff;
	[smem:$0x7CA] =	sst s22  }
0x11e: {  	s24 =	sor.u32 s17, s13;
	s12 =	sor.u32 s17, s8;
	s14 =	sor.u32 $0xC000, s16;
	v24 =	vld.idx.msk [tilespmem:v16+s25+$0x0], $0xffff  }
0x11f: {  	s15 =	sor.u32 $0xC800, s16;
	s16 =	sor.u32 s4, s8;
	v8 =	vld.idx.msk [tilespmem:v13+s25+$0x0], $0xffff;
	[smem:$0x7CB] =	sst s23  }
0x120: {  	s31 =	sor.u32 s17, s14;
	s17 =	sor.u32 s17, s15;
	v20 =	vadd.s32 $0x1000, v2;
	[smem:$0x7CC] =	sst s16  }
0x121: {  	s18 =	sor.u32 s3, s8;
	v9 =	vadd.s32 $0x1400, v2;
	v26 =	vld.idx.msk [tilespmem:v17+s25+$0x0], $0xffff;
	[smem:$0x7CD] =	sst s17  }
0x122: {  	s19 =	sor.u32 s4, s10;
	v23 =	vadd.s32 $0xC00, v10;
	[dreg:$0xf] =	wrdreg s18  }
0x123: {  	s1 =	sor.u32 s3, s21;
	s21 =	sor.u32 s5, s21;
	v13 =	vadd.s32 $0x1000, v10;
	[smem:$0x7CE] =	sst s19  }
0x124: {  	v25 =	vadd.s32 $0x400, v10;
	v27 =	vld.idx.msk [tilespmem:v15+s25+$0x0], $0xffff;
	[dreg:$0x1c] =	wrdreg s21  }
0x125: {  	s28 =	simm.s32 $0x0;
	s30 =	sor.u32 s4, s13;
	v28 =	vadd.s32 $0x1C00, v10;
	s22 =	sor.u32 s4, s11;
	v17 =	vld.idx.msk [tilespmem:v20+s25+$0x0], $0xffff  }
0x126: {  	s2 =	sor.u32 s3, s10;
	s6 =	sor.u32 s5, s10;
	v20 =	vadd.s32 $0x1400, v10;
	v16 =	vld.idx.msk [tilespmem:v9+s25+$0x0], $0xffff;
	[dreg:$0x10] =	wrdreg s22  }
0x127: {  	s10 =	sor.u32 s3, s15;
	s23 =	sor.u32 s5, s8;
	s16 =	sor.u32 s3, s14;
	v15 =	vld.idx.msk [tilespmem:v23+s25+$0x0], $0xffff  }
0x128: {  	s8 =	simm.s32 $0x9000;
	s18 =	sor.u32 s3, s11;
	s17 =	sor.u32 s5, s13;
	v13 =	vld.idx.msk [tilespmem:v13+s25+$0x0], $0xffff  }
0x129: {  	s13 =	sor.u32 s3, s13;
	s19 =	sor.u32 s4, s15;
	s3 =	simm.s32 $0x4840;
	[tilespmem:s0+$0x9000] =	vst v14;
	v25 =	vld.idx.msk [tilespmem:v25+s25+$0x0], $0xffff  }
0x12a: {  	s21 =	sor.u32 s5, s11;
	s11 =	sor.u32 s5, s15;
	s22 =	sor.u32 s5, s14;
	v9 =	vld.idx.msk [tilespmem:v28+s25+$0x0], $0xffff;
	[tilespmem:s9+$0x0] =	vst v26  }
0x12b: {  	s14 =	sor.u32 s4, s14;
	s4 =	simm.s32 $0x9040;
	s5 =	simm.s32 $0x40;
	v23 =	vadd.s32 $0x800, v10;
	v26 =	vadd.s32 $0x1800, v10;
	[tilespmem:s12+$0x0] =	vst v27;
	v14 =	vld.idx.msk [tilespmem:v20+s25+$0x0], $0xffff  }
.LBB2_4:
0x12c: {  	[smem:$0x7B6] =	sst s30  }
0x12d: {  	[smem:$0x7BF] =	sst s18  }
0x12e: {  	[smem:$0x7BB] =	sst s21  }
0x12f: {  	[smem:$0x7BE] =	sst s22  }
0x130: {  	[smem:$0x7BC] =	sst s17  }
0x131: {  	[smem:$0x7B9] =	sst s6  }
0x132: {  	[smem:$0x7C1] =	sst s16  }
0x133: {  	[smem:$0x7C4] =	sst s19  }
0x134: {  	[smem:$0x7C0] =	sst s13  }
0x135: {  	[smem:$0x7C2] =	sst s14  }
0x136: {  	[smem:$0x7C5] =	sst s11  }
0x137: {  	[smem:$0x7C6] =	sst s10  }
0x138: {  	s7 =	sand.u32 $0x40, s5;
	s9 =	sld [smem:$0x7CA]  }
0x139: {  	s0 =	sand.u32 $0x780, s5;
	s17 =	sld [smem:$0x7CD];
	s6 =	sor.u32 $0x30, s7  }
0x13a: {  	v10 =	vld.idx.msk [tilespmem:v10+s25+$0x0], $0xffff;
	s11 =	sor.u32 $0x10, s7;
	s16 =	sor.u32 $0xB000, s0;
	s15 =	sor.u32 s0, s6  }
0x13b: {  	v20 =	vld.idx.msk [tilespmem:v26+s25+$0x0], $0xffff;
	s13 =	sor.u32 $0x9800, s0;
	s21 =	sor.u32 s6, s16;
	[smem:$0x7C7] =	sst s15  }
0x13c: {  	s14 =	sor.u32 $0xA000, s0;
	[tilespmem:s9+$0x0] =	vst v22;
	v22 =	vld.idx.msk [tilespmem:v23+s25+$0x0], $0xffff;
	s25 =	sor.u32 s6, s13;
	[smem:$0x7BD] =	sst s21  }
0x13d: {  	s21 =	sor.u32 s11, s16;
	[tilespmem:s26+$0x0] =	vst v18;
	[smem:$0x7C8] =	sst s25;
	s26 =	sor.u32 s6, s14  }
0x13e: {  	s25 =	smov.u32 s29;
	s29 =	sor.u32 $0xB800, s0;
	[smem:$0x7B8] =	sst s21  }
0x13f: {  	[smem:$0x7C9] =	sst s26;
	s22 =	sor.u32 s6, s29  }
0x140: {  	s30 =	sor.u32 $0xC800, s0;
	s26 =	sor.u32 s11, s14;
	[smem:$0x7BA] =	sst s22  }
0x141: {  	[tilespmem:s8+$0x0] =	vst v10;
	s8 =	sor.u32 s6, s30;
	[smem:$0x7B7] =	sst s26  }
0x142: {  	s19 =	simm.s32 $0x2000;
	v23 =	vadd.s32 $0x1800, v2;
	[tilespmem:s24+$0x0] =	vst v24;
	[smem:$0x7CD] =	sst s8  }
0x143: {  	s9 =	sor.u32 s0, s11;
	v24 =	vld [tilespmem:s15+$0x4800];
	s15 =	sor.u32 $0xA800, s0;
	s22 =	sld [smem:$0x7CB]  }
0x144: {  	v18 =	vadd.s32 $0x1C00, v2;
	[tilespmem:s31+$0x0] =	vst v21;
	s31 =	sor.u32 $0xC000, s0;
	s26 =	sld [smem:$0x7CE];
	s18 =	sor.u32 s6, s15  }
0x145: {  	v26 =	vadd.s32 $0x1400, v4;
	s10 =	sor.u32 $0x20, s7;
	v2 =	vld [tilespmem:s9+$0x4800];
	s24 =	sor.u32 s6, s31;
	[smem:$0x7CA] =	sst s18  }
0x146: {  	s12 =	sor.u32 s0, s10;
	s21 =	smov.u32 s2;
	v21 =	vadd.s32 $0x1800, v4;
	[smem:$0x7C3] =	sst s24  }
0x147: {  	s2 =	sor.u32 s11, s29;
	[tilespmem:s1+$0x0] =	vst v25;
	s1 =	sor.u32 s11, s13;
	v27 =	vld.idx.msk [tilespmem:v23+s19+$0x0], $0xffff;
	v23 =	vadd.s32 $0x1C00, v4;
	s18 =	rddreg [dreg:$0x3]  }
0x148: {  	s8 =	sor.u32 s7, s14;
	s0 =	sor.u32 s10, s13;
	[tilespmem:s17+$0x0] =	vst v19;
	v19 =	vld [tilespmem:s12+$0x4800];
	s24 =	sld [smem:$0x7CC]  }
0x149: {  	s17 =	sor.u32 s7, s13;
	s6 =	sor.u32 s11, s15;
	s13 =	sor.u32 s10, s16;
	v25 =	vld.idx.msk [tilespmem:v18+s19+$0x0], $0xffff;
	[tilespmem:s18+$0x9000] =	vst v5  }
0x14a: {  	v26 =	vld.idx.msk [tilespmem:v26+s19+$0x0], $0xffff;
	s18 =	sor.u32 s7, s15;
	[tilespmem:s22+$0x0] =	vst v7;
	s22 =	sor.u32 s10, s14;
	s14 =	sor.u32 s7, s31  }
0x14b: {  	v21 =	vld.idx.msk [tilespmem:v21+s19+$0x0], $0xffff;
	[tilespmem:s24+$0x0] =	vst v11;
	s24 =	sor.u32 s10, s15;
	s15 =	sor.u32 s7, s16;
	s16 =	sor.u32 s7, s29  }
0x14c: {  	s7 =	sor.u32 s7, s30;
	[tilespmem:s26+$0x0] =	vst v12;
	s26 =	sor.u32 s10, s29;
	s29 =	rddreg [dreg:$0xf];
	v29 =	vld.idx.msk [tilespmem:v23+s19+$0x0], $0xffff  }
0x14d: {  	v7 =	vadd.s32 $0x400, v2;
	v5 =	vld.idx.msk [tilespmem:v2+s19+$0x0], $0xffff;
	s19 =	sor.u32 s10, s31;
	s31 =	sor.u32 s11, s31;
	s11 =	sor.u32 s11, s30  }
0x14e: {  	v10 =	vld [tilespmem:s3+$0x0];
	[tilespmem:s29+$0x0] =	vst v22;
	s10 =	sor.u32 s10, s30;
	s29 =	rddreg [dreg:$0x1c];
	s30 =	smov.u32 s2  }
0x14f: {  	[tilespmem:s25+$0x9000] =	vst v1;
	s2 =	smov.u32 s18;
	s18 =	smov.u32 s15;
	s15 =	sld [smem:$0x7C0]  }
0x150: {  	v4 =	vmov v19;
	s25 =	simm.s32 $0x2000;
	[tilespmem:s21+$0x0] =	vst v15;
	s21 =	sld [smem:$0x7B9]  }
0x151: {  	v11 =	vadd.s32 $0x400, v4;
	v1 =	vld.idx.msk [tilespmem:v19+s25+$0x0], $0xffff;
	[tilespmem:s29+$0x0] =	vst v3;
	s29 =	rddreg [dreg:$0x10]  }
0x152: {  	v7 =	vld.idx.msk [tilespmem:v7+s25+$0x0], $0xffff;
	[tilespmem:s29+$0x0] =	vst v17;
	s29 =	smov.u32 s9;
	s9 =	sld [smem:$0x7B7]  }
0x153: {  	v12 =	vadd.s32 $0x800, v4;
	[dreg:$0x3] =	wrdreg s29;
	s29 =	smov.u32 s12  }
0x154: {  	s12 =	smov.u32 s1;
	s1 =	smov.u32 s17;
	s17 =	sld [smem:$0x7B6]  }
0x155: {  	v18 =	vadd.s32 $0x1000, v24;
	[smem:$0x7CB] =	sst s12  }
0x156: {  	v33 =	vadd.s32 $0x1400, v24;
	s12 =	smov.u32 s8;
	v3 =	vld.idx.msk [tilespmem:v11+s25+$0x0], $0xffff;
	[tilespmem:s23+$0x0] =	vst v0;
	s23 =	smov.u32 s22;
	s22 =	sld [smem:$0x7BB]  }
0x157: {  	v19 =	vadd.s32 $0x1C00, v24;
	[dreg:$0xf] =	wrdreg s12  }
0x158: {  	v22 =	vadd.s32 $0x800, v2;
	v0 =	vld.idx.msk [tilespmem:v12+s25+$0x0], $0xffff;
	[tilespmem:s21+$0x0] =	vst v6;
	s21 =	smov.u32 s13;
	s13 =	sld [smem:$0x7BF]  }
0x159: {  	v35 =	vadd.s32 $0xC00, v2;
	v31 =	vld.idx.msk [tilespmem:v24+s25+$0x0], $0xffff;
	[tilespmem:s17+$0x0] =	vst v16;
	s17 =	smov.u32 s9;
	s9 =	sld [smem:$0x7B8]  }
0x15a: {  	v32 =	vadd.s32 $0xC00, v24;
	v18 =	vld.idx.msk [tilespmem:v18+s25+$0x0], $0xffff;
	[tilespmem:s22+$0x0] =	vst v8;
	s22 =	smov.u32 s19;
	s19 =	sld [smem:$0x7C2]  }
0x15b: {  	v28 =	vadd.s32 $0x400, v24;
	v30 =	vadd.s32 $0x800, v24;
	v34 =	vadd.s32 $0x1800, v24;
	v24 =	vld.idx.msk [tilespmem:v33+s25+$0x0], $0xffff;
	[tilespmem:s13+$0x0] =	vst v13;
	s13 =	smov.u32 s16;
	s16 =	sld [smem:$0x7C1]  }
0x15c: {  	v19 =	vld.idx.msk [tilespmem:v19+s25+$0x0], $0xffff;
	s12 =	smov.u32 s9;
	s9 =	sld [smem:$0x7BC]  }
0x15d: {  	v11 =	vld.idx.msk [tilespmem:v22+s25+$0x0], $0xffff;
	[tilespmem:s15+$0x0] =	vst v14;
	s15 =	sld [smem:$0x7C6]  }
0x15e: {  	v37 =	vadd.s32 $0x1C00, v10;
	v12 =	vld.idx.msk [tilespmem:v35+s25+$0x0], $0xffff;
	[dreg:$0x10] =	wrdreg s12;
	[tilespmem:s19+$0x0] =	vst v27  }
0x15f: {  	v15 =	vadd.s32 $0xC00, v4;
	v22 =	vld.idx.msk [tilespmem:v32+s25+$0x0], $0xffff;
	s12 =	sld [smem:$0x7BE];
	[tilespmem:s16+$0x0] =	vst v20  }
0x160: {  	[smem:$0x7CC] =	sst s17;
	v8 =	vadd.s32 $0x1000, v4;
	v27 =	vld.idx.msk [tilespmem:v30+s25+$0x0], $0xffff;
	[tilespmem:s9+$0x0] =	vst v26  }
0x161: {  	v38 =	vadd.s32 $0xC00, v10;
	s17 =	smov.u32 s6;
	s6 =	smov.u32 s24;
	s24 =	sld [smem:$0x7BA];
	v20 =	vld.idx.msk [tilespmem:v28+s25+$0x0], $0xffff;
	[tilespmem:s15+$0x0] =	vst v9  }
0x162: {  	v36 =	vadd.s32 $0x400, v10;
	[smem:$0x7CE] =	sst s17;
	[tilespmem:s12+$0x0] =	vst v21;
	v21 =	vld.idx.msk [tilespmem:v34+s25+$0x0], $0xffff  }
0x163: {  	v13 =	vadd.s32 $0x1000, v2;
	s9 =	sld [smem:$0x7C4];
	v9 =	vld.idx.msk [tilespmem:v37+s25+$0x0], $0xffff  }
0x164: {  	s17 =	smov.u32 s0;
	v14 =	vadd.s32 $0x1400, v2;
	s12 =	sld [smem:$0x7C5];
	v6 =	vld.idx.msk [tilespmem:v15+s25+$0x0], $0xffff  }
0x165: {  	s28 =	sadd.s32 $0x4, s28;
	v39 =	vadd.s32 $0x1000, v10;
	[dreg:$0x1c] =	wrdreg s17;
	v8 =	vld.idx.msk [tilespmem:v8+s25+$0x0], $0xffff  }
0x166: {  	p1 =	slt.u32 s28, $0x7C;
	v40 =	vadd.s32 $0x1400, v10;
	v15 =	vld.idx.msk [tilespmem:v38+s25+$0x0], $0xffff;
	[tilespmem:s9+$0x0] =	vst v25;
	s9 =	sld [smem:$0x7C7]  }
.Ltmp3:
0x167: {  	s5 =	sadd.s32 $0x40, s5;
	v25 =	vld.idx.msk [tilespmem:v36+s25+$0x0], $0xffff;
	[tilespmem:s12+$0x0] =	vst v29;
	s12 =	sld [smem:$0x7C8];
	(pc) =	sbr.rel @p1 .LBB2_4-.Ltmp3, $4  }
0x168: {  	s3 =	sadd.s32 $0x40, s3;
	s8 =	smov.u32 s4;
	s15 =	sld [smem:$0x7C9];
	v17 =	vld.idx.msk [tilespmem:v13+s25+$0x0], $0xffff  }
0x169: {  	s4 =	sadd.s32 $0x40, s4;
	s17 =	smov.u32 s26;
	s26 =	sld [smem:$0x7BD];
	v16 =	vld.idx.msk [tilespmem:v14+s25+$0x0], $0xffff;
	[tilespmem:s9+$0x9000] =	vst v31  }
0x16a: {  	s19 =	smov.u32 s11;
	s11 =	smov.u32 s10;
	s10 =	smov.u32 s7;
	v13 =	vld.idx.msk [tilespmem:v39+s25+$0x0], $0xffff;
	[tilespmem:s12+$0x0] =	vst v20  }
0x16b: {  	v23 =	vadd.s32 $0x800, v10;
	s16 =	smov.u32 s14;
	s14 =	smov.u32 s31;
	s31 =	sld [smem:$0x7C3];
	v26 =	vadd.s32 $0x1800, v10;
	v14 =	vld.idx.msk [tilespmem:v40+s25+$0x0], $0xffff;
	[tilespmem:s15+$0x0] =	vst v27  }
0x16c: {  	_ = 	snop  }
0x16d: {  	s0 =	sld [smem:$0x7CA];
	_ =	sdelay $0x2  }
0x16e: {  	v10 =	vld.idx.msk [tilespmem:v10+s25+$0x0], $0xffff;
	[tilespmem:s0+$0x0] =	vst v22  }
0x16f: {  	[tilespmem:s26+$0x0] =	vst v18  }
0x170: {  	[tilespmem:s24+$0x0] =	vst v24  }
0x171: {  	v20 =	vadd.s32 $0x1800, v2;
	v2 =	vadd.s32 $0x1C00, v2;
	[tilespmem:s31+$0x0] =	vst v21  }
0x172: {  	v18 =	vld.idx.msk [tilespmem:v23+s25+$0x0], $0xffff;
	s0 =	sld [smem:$0x7CD]  }
0x173: {  	v21 =	vld.idx.msk [tilespmem:v26+s25+$0x0], $0xffff;
	[tilespmem:s8+$0x0] =	vst v10  }
0x174: {  	[tilespmem:s1+$0x0] =	vst v25  }
0x175: {  	[tilespmem:s0+$0x0] =	vst v19  }
0x176: {  	v2 =	vld.idx.msk [tilespmem:v2+s25+$0x0], $0xffff;
	s0 =	rddreg [dreg:$0x3]  }
0x177: {  	v10 =	vld.idx.msk [tilespmem:v20+s25+$0x0], $0xffff;
	[tilespmem:s0+$0x9000] =	vst v5  }
0x178: {  	s0 =	sld [smem:$0x7CB];
	_ =	sdelay $0x2  }
0x179: {  	v22 =	vadd.s32 $0x1400, v4;
	v23 =	vadd.s32 $0x1800, v4;
	v4 =	vadd.s32 $0x1C00, v4;
	[tilespmem:s0+$0x0] =	vst v7  }
0x17a: {  	s0 =	sld [smem:$0x7CC];
	_ =	sdelay $0x2  }
0x17b: {  	[tilespmem:s0+$0x0] =	vst v11  }
0x17c: {  	v4 =	vld.idx.msk [tilespmem:v4+s25+$0x0], $0xffff;
	s0 =	sld [smem:$0x7CE]  }
0x17d: {  	v5 =	vld.idx.msk [tilespmem:v22+s25+$0x0], $0xffff  }
0x17e: {  	v7 =	vld.idx.msk [tilespmem:v23+s25+$0x0], $0xffff;
	[tilespmem:s29+$0x9000] =	vst v1  }
0x17f: {  	[tilespmem:s0+$0x0] =	vst v12  }
0x180: {  	s0 =	rddreg [dreg:$0xf]  }
0x181: {  	[tilespmem:s0+$0x0] =	vst v18  }
0x182: {  	s0 =	rddreg [dreg:$0x1c]  }
0x183: {  	[tilespmem:s0+$0x0] =	vst v3  }
0x184: {  	s0 =	rddreg [dreg:$0x10];
	[tilespmem:s23+$0x0] =	vst v0  }
0x185: {  	[tilespmem:s2+$0x0] =	vst v15  }
0x186: {  	[tilespmem:s0+$0x0] =	vst v17  }
0x187: {  	[tilespmem:s6+$0x0] =	vst v6  }
0x188: {  	[tilespmem:s18+$0x0] =	vst v13  }
0x189: {  	[tilespmem:s30+$0x0] =	vst v16  }
0x18a: {  	[tilespmem:s21+$0x0] =	vst v8  }
0x18b: {  	[tilespmem:s13+$0x0] =	vst v14  }
0x18c: {  	[tilespmem:s17+$0x0] =	vst v5  }
0x18d: {  	[tilespmem:s16+$0x0] =	vst v21  }
0x18e: {  	[tilespmem:s14+$0x0] =	vst v10  }
0x18f: {  	[tilespmem:s22+$0x0] =	vst v7  }
0x190: {  	[tilespmem:s19+$0x0] =	vst v2  }
0x191: {  	[tilespmem:s10+$0x0] =	vst v9  }
0x192: {  	[tilespmem:s11+$0x0] =	vst v4  }
0x193: {  	s0 =	sld [smem:$0x7EC]  }
0x194: {  	s12 =	simm.s32 $0x4000  }
0x195: {  	s3 =	simm.s32 $0x9000;
	s13 =	simm.s32 $0x800;
	s15 =	sld [smem:$0x7ED]  }
0x196: {  	[hbm4b:s0+s13] =	stream.strided.scatter [tilespmem:s3], [sflag:$0x4], $0x4000, s12, s13, $0x38;
	[tilespmem:$0xD000] =	vst v63  }
0x197: {  	s14 =	simm.s32 $0x0;
	s16 =	sld [smem:$0x7F6]  }
0x198: {  	[tilespmem:s25], [sflag:$0x2] =	stream.linear.gather [hbm4b:s15+s14], $0x2000, $0x38;
	[tilespmem:$0xD000] =	vst v63  }
0x199: {  	s18 =	simm.s32 $0x1;
	s17 =	simm.s32 $0x4800  }
0x19a: {  	[tilespmem:s17], [sflag:$0x2] =	stream.linear.gather [hbm4b:s16+s14], $0x800, $0x38;
	[tilespmem:$0xD000] =	vst v63  }
0x19b: {  	_ =	swait.ge [sflag:s18], $0x2000  }
0x19c: {  	[sflag:s18] =	ssyncset.done $0x0  }
0x19d: {  	[sflag:s18] =	ssyncadd.s32 $0xFFFFE000  }
0x19e: {  	_ =	swait.ge [sflag:s18], $0x800  }
0x19f: {  	[sflag:s18] =	ssyncset.done $0x0  }
0x1a0: {  	s5 =	simm.s32 $0x3;
	[sflag:s18] =	ssyncadd.s32 $0xFFFFF800  }
0x1a1: {  	s19 =	sand.u32 $0x780, s14;
	s3 =	sand.u32 $0x40, s14;
	_ =	swait.ge [sflag:s5], $0x4000  }
0x1a2: {  	s4 =	sor.u32 $0x10, s3;
	s21 =	sor.u32 $0x30, s3;
	[sflag:s5] =	ssyncset.done $0x0  }
0x1a3: {  	s18 =	sor.u32 s19, s4;
	[sflag:s5] =	ssyncadd.s32 $0xFFFFC000;
	s5 =	sor.u32 $0x20, s3  }
0x1a4: {  	s0 =	sor.u32 s19, s21;
	v2 =	vld [tilespmem:s18+$0x4000];
	s7 =	sor.u32 s19, s5  }
0x1a5: {  	v6 =	vld [tilespmem:s0+$0x4000];
	[dreg:$0x6] =	wrdreg s7  }
0x1a6: {  	v5 =	vld [tilespmem:s7+$0x4000];
	_ =	sdelay $0x3  }
0x1a7: {  	v0 =	vadd.s32 $0x400, v2  }
0x1a8: {  	v10 =	vld [tilespmem:s12+$0x0];
	v3 =	vadd.s32 $0x1000, v6  }
0x1a9: {  	v11 =	vadd.s32 $0x800, v2;
	v4 =	vld.idx.msk [tilespmem:v2+s20+$0x0], $0xffff  }
0x1aa: {  	v8 =	vadd.s32 $0x400, v5;
	v14 =	vld.idx.msk [tilespmem:v6+s20+$0x0], $0xffff  }
0x1ab: {  	v9 =	vadd.s32 $0x800, v5;
	v1 =	vld.idx.msk [tilespmem:v5+s20+$0x0], $0xffff  }
0x1ac: {  	v12 =	vadd.s32 $0xC00, v6;
	v7 =	vld.idx.msk [tilespmem:v0+s20+$0x0], $0xffff  }
0x1ad: {  	v13 =	vadd.s32 $0xC00, v2;
	v18 =	vld.idx.msk [tilespmem:v3+s20+$0x0], $0xffff  }
0x1ae: {  	v15 =	vadd.s32 $0x1C00, v6;
	v11 =	vld.idx.msk [tilespmem:v11+s20+$0x0], $0xffff  }
0x1af: {  	v3 =	vld.idx.msk [tilespmem:v8+s20+$0x0], $0xffff;
	v8 =	vadd.s32 $0x1800, v6  }
0x1b0: {  	v0 =	vld.idx.msk [tilespmem:v9+s20+$0x0], $0xffff;
	v9 =	vadd.s32 $0xC00, v5  }
0x1b1: {  	v16 =	vadd.s32 $0x1400, v6;
	v22 =	vld.idx.msk [tilespmem:v12+s20+$0x0], $0xffff  }
0x1b2: {  	v12 =	vld.idx.msk [tilespmem:v13+s20+$0x0], $0xffff;
	v13 =	vadd.s32 $0x1000, v5  }
0x1b3: {  	s8 =	sor.u32 $0x5800, s19;
	s10 =	sor.u32 $0x6000, s19;
	s22 =	sor.u32 $0x6800, s19;
	v19 =	vld.idx.msk [tilespmem:v15+s20+$0x0], $0xffff  }
0x1b4: {  	s11 =	sor.u32 $0x7000, s19;
	s13 =	sor.u32 $0x7800, s19;
	s23 =	sor.u32 s21, s22;
	v17 =	vadd.s32 $0x400, v6;
	v21 =	vld.idx.msk [tilespmem:v8+s20+$0x0], $0xffff  }
0x1b5: {  	s9 =	sor.u32 s21, s8;
	s29 =	sor.u32 s21, s11;
	v15 =	vadd.s32 $0x800, v6;
	v6 =	vld.idx.msk [tilespmem:v9+s20+$0x0], $0xffff;
	[smem:$0x7B2] =	sst s23  }
0x1b6: {  	s26 =	sor.u32 s21, s13;
	s15 =	sor.u32 $0x8800, s19;
	s24 =	sor.u32 s4, s8;
	v24 =	vld.idx.msk [tilespmem:v16+s20+$0x0], $0xffff  }
0x1b7: {  	s2 =	sor.u32 s4, s10;
	s31 =	sor.u32 s21, s15;
	v20 =	vadd.s32 $0x1000, v2;
	v8 =	vld.idx.msk [tilespmem:v13+s20+$0x0], $0xffff;
	[smem:$0x7B3] =	sst s24  }
0x1b8: {  	s14 =	sor.u32 $0x8000, s19;
	s16 =	sor.u32 s3, s10;
	v9 =	vadd.s32 $0x1400, v2;
	[smem:$0x7B4] =	sst s2  }
0x1b9: {  	s30 =	sor.u32 s21, s14;
	s19 =	sor.u32 s4, s22;
	v23 =	vadd.s32 $0xC00, v10;
	v26 =	vld.idx.msk [tilespmem:v17+s20+$0x0], $0xffff;
	[dreg:$0x11] =	wrdreg s16  }
0x1ba: {  	s12 =	sor.u32 s21, s10;
	s21 =	sor.u32 s5, s8;
	v13 =	vadd.s32 $0x1000, v10;
	[smem:$0x7B5] =	sst s19  }
0x1bb: {  	s28 =	simm.s32 $0x0;
	s1 =	sor.u32 s3, s22;
	v25 =	vadd.s32 $0x400, v10;
	v27 =	vld.idx.msk [tilespmem:v15+s20+$0x0], $0xffff;
	[dreg:$0x1d] =	wrdreg s21  }
0x1bc: {  	s6 =	sor.u32 s3, s11;
	v28 =	vadd.s32 $0x1C00, v10;
	s2 =	sor.u32 s5, s22;
	s22 =	sor.u32 s4, s11;
	v17 =	vld.idx.msk [tilespmem:v20+s20+$0x0], $0xffff  }
0x1bd: {  	s17 =	sor.u32 s3, s8;
	s24 =	sor.u32 s4, s13;
	v20 =	vadd.s32 $0x1400, v10;
	v16 =	vld.idx.msk [tilespmem:v9+s20+$0x0], $0xffff;
	[dreg:$0x12] =	wrdreg s22  }
0x1be: {  	s7 =	simm.s32 $0x5000;
	s23 =	sor.u32 s5, s10;
	v15 =	vld.idx.msk [tilespmem:v23+s20+$0x0], $0xffff;
	[dreg:$0x9] =	wrdreg s24  }
0x1bf: {  	s16 =	sor.u32 s3, s14;
	s19 =	sor.u32 s4, s15;
	s21 =	sor.u32 s5, s11;
	v13 =	vld.idx.msk [tilespmem:v13+s20+$0x0], $0xffff  }
0x1c0: {  	s11 =	sor.u32 s5, s15;
	s22 =	sor.u32 s5, s13;
	s13 =	sor.u32 s3, s13;
	[tilespmem:s0+$0x5000] =	vst v14;
	v25 =	vld.idx.msk [tilespmem:v25+s20+$0x0], $0xffff  }
0x1c1: {  	s24 =	sor.u32 s5, s14;
	s14 =	sor.u32 s4, s14;
	s4 =	simm.s32 $0x5040;
	v9 =	vld.idx.msk [tilespmem:v28+s20+$0x0], $0xffff;
	[tilespmem:s9+$0x0] =	vst v26  }
0x1c2: {  	v23 =	vadd.s32 $0x800, v10;
	s5 =	simm.s32 $0x40;
	s0 =	sor.u32 s3, s15;
	s3 =	simm.s32 $0x4040;
	v26 =	vadd.s32 $0x1800, v10;
	[tilespmem:s12+$0x0] =	vst v27;
	v14 =	vld.idx.msk [tilespmem:v20+s20+$0x0], $0xffff  }
.LBB2_6:
0x1c3: {  	[smem:$0x7A1] =	sst s2  }
0x1c4: {  	[smem:$0x7A4] =	sst s22  }
0x1c5: {  	[smem:$0x7A2] =	sst s21  }
0x1c6: {  	[smem:$0x7AC] =	sst s19  }
0x1c7: {  	[smem:$0x79F] =	sst s1  }
0x1c8: {  	[smem:$0x7A8] =	sst s16  }
0x1c9: {  	[smem:$0x7A6] =	sst s6  }
0x1ca: {  	[smem:$0x7A7] =	sst s13  }
0x1cb: {  	[smem:$0x7AA] =	sst s14  }
0x1cc: {  	[smem:$0x7AD] =	sst s11  }
0x1cd: {  	[smem:$0x7AE] =	sst s0;
	s8 =	sand.u32 $0x40, s5  }
0x1ce: {  	s0 =	sand.u32 $0x780, s5;
	s9 =	sld [smem:$0x7B2];
	s6 =	sor.u32 $0x30, s8  }
0x1cf: {  	s1 =	rddreg [dreg:$0x11];
	s13 =	sor.u32 $0x5800, s0;
	s15 =	sor.u32 s0, s6  }
0x1d0: {  	s14 =	sor.u32 $0x6000, s0;
	s19 =	sor.u32 s6, s13;
	[smem:$0x7AF] =	sst s15  }
0x1d1: {  	v10 =	vld.idx.msk [tilespmem:v10+s20+$0x0], $0xffff;
	s11 =	sor.u32 $0x10, s8;
	s21 =	sor.u32 s6, s14;
	[tilespmem:s9+$0x0] =	vst v22;
	[smem:$0x7B0] =	sst s19  }
0x1d2: {  	s16 =	sor.u32 $0x7000, s0;
	[smem:$0x7B1] =	sst s21;
	s21 =	sor.u32 s8, s13;
	[tilespmem:s29+$0x0] =	vst v18  }
0x1d3: {  	s29 =	sor.u32 $0x7800, s0;
	[smem:$0x7A3] =	sst s21;
	[tilespmem:s26+$0x0] =	vst v24;
	s26 =	sor.u32 s6, s16  }
0x1d4: {  	s10 =	sor.u32 $0x20, s8;
	v22 =	vld.idx.msk [tilespmem:v23+s20+$0x0], $0xffff;
	v23 =	vadd.s32 $0x1800, v2;
	s2 =	sor.u32 s6, s29;
	[smem:$0x7A9] =	sst s26  }
0x1d5: {  	s12 =	sor.u32 s0, s10;
	v18 =	vadd.s32 $0x1C00, v2;
	v24 =	vld [tilespmem:s15+$0x4000];
	s15 =	sor.u32 $0x6800, s0;
	[smem:$0x7A5] =	sst s2  }
0x1d6: {  	v20 =	vld.idx.msk [tilespmem:v26+s20+$0x0], $0xffff;
	s9 =	sor.u32 s0, s11;
	[tilespmem:s7+$0x0] =	vst v10;
	s2 =	sld [smem:$0x7B3];
	s22 =	sor.u32 s6, s15  }
0x1d7: {  	v2 =	vld [tilespmem:s9+$0x4000];
	s21 =	sor.u32 s11, s16;
	[tilespmem:s30+$0x0] =	vst v21;
	[smem:$0x7B2] =	sst s22;
	s22 =	sor.u32 s11, s14  }
0x1d8: {  	s7 =	sor.u32 s8, s14;
	s30 =	sor.u32 $0x8800, s0;
	[tilespmem:s31+$0x0] =	vst v19;
	v19 =	vld [tilespmem:s12+$0x4000];
	[smem:$0x79E] =	sst s22  }
0x1d9: {  	v26 =	vadd.s32 $0x1400, v5;
	[tilespmem:s17+$0x0] =	vst v25;
	s31 =	sor.u32 $0x8000, s0;
	v27 =	vld.idx.msk [tilespmem:v23+s20+$0x0], $0xffff;
	s22 =	sor.u32 s10, s14;
	s14 =	sld [smem:$0x7B4]  }
0x1da: {  	v21 =	vadd.s32 $0x1800, v5;
	s17 =	sor.u32 s10, s16;
	s26 =	sor.u32 s6, s30;
	s19 =	sor.u32 s6, s31;
	v25 =	vld.idx.msk [tilespmem:v18+s20+$0x0], $0xffff;
	[tilespmem:s18+$0x5000] =	vst v4  }
0x1db: {  	v23 =	vadd.s32 $0x1C00, v5;
	[smem:$0x7AB] =	sst s26;
	s6 =	sor.u32 s11, s15;
	s18 =	sor.u32 s8, s15;
	[tilespmem:s2+$0x0] =	vst v7  }
0x1dc: {  	[tilespmem:s14+$0x0] =	vst v11;
	s14 =	smov.u32 s24;
	s24 =	sor.u32 s10, s15;
	s15 =	sld [smem:$0x7B5]  }
0x1dd: {  	s0 =	sor.u32 s11, s13;
	v10 =	vld [tilespmem:s3+$0x0];
	s13 =	sor.u32 s10, s13;
	[tilespmem:s1+$0x0] =	vst v22;
	s1 =	rddreg [dreg:$0x1d]  }
0x1de: {  	v26 =	vld.idx.msk [tilespmem:v26+s20+$0x0], $0xffff;
	s26 =	sor.u32 s10, s29;
	[smem:$0x7A0] =	sst s19;
	s19 =	sor.u32 s10, s31  }
0x1df: {  	s2 =	sor.u32 s11, s29;
	v21 =	vld.idx.msk [tilespmem:v21+s20+$0x0], $0xffff;
	[tilespmem:s15+$0x0] =	vst v12;
	s15 =	sor.u32 s8, s16;
	s16 =	rddreg [dreg:$0x6]  }
0x1e0: {  	s10 =	sor.u32 s10, s30;
	v29 =	vld.idx.msk [tilespmem:v23+s20+$0x0], $0xffff;
	[tilespmem:s16+$0x5000] =	vst v1;
	s16 =	sor.u32 s8, s29;
	s29 =	sor.u32 s8, s31  }
0x1e1: {  	v7 =	vadd.s32 $0x400, v2;
	v5 =	vmov v19;
	s31 =	sor.u32 s11, s31;
	s8 =	sor.u32 s8, s30;
	s11 =	sor.u32 s11, s30  }
0x1e2: {  	v11 =	vadd.s32 $0x400, v5;
	s30 =	smov.u32 s9;
	s9 =	smov.u32 s12;
	v1 =	vld.idx.msk [tilespmem:v19+s20+$0x0], $0xffff;
	[tilespmem:s1+$0x0] =	vst v3;
	s1 =	rddreg [dreg:$0x12]  }
0x1e3: {  	s12 =	smov.u32 s0;
	[dreg:$0x6] =	wrdreg s9  }
0x1e4: {  	[smem:$0x7B3] =	sst s12  }
0x1e5: {  	v4 =	vld.idx.msk [tilespmem:v2+s20+$0x0], $0xffff;
	s9 =	sld [smem:$0x79E]  }
0x1e6: {  	v7 =	vld.idx.msk [tilespmem:v7+s20+$0x0], $0xffff;
	[tilespmem:s1+$0x0] =	vst v17;
	s1 =	rddreg [dreg:$0x9]  }
0x1e7: {  	v3 =	vld.idx.msk [tilespmem:v11+s20+$0x0], $0xffff;
	[tilespmem:s23+$0x0] =	vst v0;
	s23 =	smov.u32 s21;
	s21 =	smov.u32 s17;
	s17 =	sld [smem:$0x7A3]  }
0x1e8: {  	v18 =	vadd.s32 $0x1000, v24;
	s12 =	smov.u32 s9;
	s9 =	smov.u32 s7;
	s7 =	sld [smem:$0x79F]  }
0x1e9: {  	v33 =	vadd.s32 $0x1400, v24;
	[smem:$0x7B4] =	sst s12  }
0x1ea: {  	v12 =	vadd.s32 $0x800, v5;
	[dreg:$0x11] =	wrdreg s9  }
0x1eb: {  	v22 =	vadd.s32 $0x800, v2;
	s12 =	smov.u32 s6;
	s9 =	sld [smem:$0x7A1]  }
0x1ec: {  	v32 =	vadd.s32 $0xC00, v24;
	v31 =	vld.idx.msk [tilespmem:v24+s20+$0x0], $0xffff;
	[smem:$0x7B5] =	sst s12  }
0x1ed: {  	v35 =	vadd.s32 $0xC00, v2;
	v28 =	vadd.s32 $0x400, v24;
	v18 =	vld.idx.msk [tilespmem:v18+s20+$0x0], $0xffff;
	[tilespmem:s1+$0x0] =	vst v16;
	s12 =	sld [smem:$0x7A2]  }
0x1ee: {  	v30 =	vadd.s32 $0x800, v24;
	v34 =	vadd.s32 $0x1800, v24;
	v19 =	vadd.s32 $0x1C00, v24;
	v24 =	vld.idx.msk [tilespmem:v33+s20+$0x0], $0xffff;
	s6 =	smov.u32 s13;
	s13 =	sld [smem:$0x7A4];
	[tilespmem:s7+$0x0] =	vst v15  }
0x1ef: {  	[dreg:$0x12] =	wrdreg s23;
	v0 =	vld.idx.msk [tilespmem:v12+s20+$0x0], $0xffff;
	[tilespmem:s9+$0x0] =	vst v6  }
0x1f0: {  	v11 =	vld.idx.msk [tilespmem:v22+s20+$0x0], $0xffff;
	[dreg:$0x1d] =	wrdreg s6;
	[tilespmem:s12+$0x0] =	vst v8  }
0x1f1: {  	v22 =	vld.idx.msk [tilespmem:v32+s20+$0x0], $0xffff;
	v15 =	vadd.s32 $0xC00, v5;
	s9 =	sld [smem:$0x7AA];
	[tilespmem:s13+$0x0] =	vst v26  }
0x1f2: {  	v12 =	vld.idx.msk [tilespmem:v35+s20+$0x0], $0xffff;
	v8 =	vadd.s32 $0x1000, v5;
	[tilespmem:s14+$0x0] =	vst v21;
	s14 =	sld [smem:$0x7A6]  }
0x1f3: {  	s1 =	smov.u32 s2;
	v19 =	vld.idx.msk [tilespmem:v19+s20+$0x0], $0xffff;
	s6 =	smov.u32 s15;
	s15 =	sld [smem:$0x7A7]  }
0x1f4: {  	v38 =	vadd.s32 $0xC00, v10;
	s2 =	smov.u32 s24;
	s24 =	smov.u32 s19;
	s19 =	sld [smem:$0x7A8];
	v21 =	vld.idx.msk [tilespmem:v34+s20+$0x0], $0xffff;
	[tilespmem:s9+$0x0] =	vst v27  }
0x1f5: {  	v36 =	vadd.s32 $0x400, v10;
	v27 =	vld.idx.msk [tilespmem:v30+s20+$0x0], $0xffff;
	s9 =	sld [smem:$0x7AE];
	[tilespmem:s14+$0x0] =	vst v13  }
0x1f6: {  	v37 =	vadd.s32 $0x1C00, v10;
	s23 =	smov.u32 s22;
	s22 =	smov.u32 s26;
	s26 =	sld [smem:$0x7A5];
	v6 =	vld.idx.msk [tilespmem:v15+s20+$0x0], $0xffff;
	[tilespmem:s15+$0x0] =	vst v14  }
0x1f7: {  	s12 =	sld [smem:$0x7AC];
	v13 =	vadd.s32 $0x1000, v2;
	v8 =	vld.idx.msk [tilespmem:v8+s20+$0x0], $0xffff;
	[tilespmem:s19+$0x0] =	vst v20  }
0x1f8: {  	s28 =	sadd.s32 $0x4, s28;
	v39 =	vadd.s32 $0x1000, v10;
	[dreg:$0x9] =	wrdreg s1;
	v20 =	vld.idx.msk [tilespmem:v28+s20+$0x0], $0xffff;
	[tilespmem:s9+$0x0] =	vst v9  }
0x1f9: {  	s5 =	sadd.s32 $0x40, s5;
	p1 =	slt.u32 s28, $0x7C;
	v14 =	vadd.s32 $0x1400, v2;
	s15 =	sld [smem:$0x7AD];
	v15 =	vld.idx.msk [tilespmem:v38+s20+$0x0], $0xffff  }
0x1fa: {  	v40 =	vadd.s32 $0x1400, v10;
	[tilespmem:s12+$0x0] =	vst v25;
	s19 =	smov.u32 s11;
	s11 =	smov.u32 s10;
	s10 =	sld [smem:$0x7AF];
	v25 =	vld.idx.msk [tilespmem:v36+s20+$0x0], $0xffff  }
.Ltmp4:
0x1fb: {  	s3 =	sadd.s32 $0x40, s3;
	s12 =	sld [smem:$0x7B0];
	v9 =	vld.idx.msk [tilespmem:v37+s20+$0x0], $0xffff;
	(pc) =	sbr.rel @p1 .LBB2_6-.Ltmp4, $4  }
0x1fc: {  	s0 =	smov.u32 s8;
	s1 =	smov.u32 s18;
	[tilespmem:s15+$0x0] =	vst v29;
	s15 =	sld [smem:$0x7B1];
	v17 =	vld.idx.msk [tilespmem:v13+s20+$0x0], $0xffff  }
0x1fd: {  	s18 =	smov.u32 s30;
	s30 =	sld [smem:$0x7A0];
	s7 =	smov.u32 s4;
	v13 =	vld.idx.msk [tilespmem:v39+s20+$0x0], $0xffff;
	[tilespmem:s10+$0x5000] =	vst v31  }
0x1fe: {  	s13 =	smov.u32 s16;
	s16 =	smov.u32 s29;
	s29 =	sld [smem:$0x7A9];
	v16 =	vld.idx.msk [tilespmem:v14+s20+$0x0], $0xffff;
	[tilespmem:s12+$0x0] =	vst v20  }
0x1ff: {  	v23 =	vadd.s32 $0x800, v10;
	s4 =	sadd.s32 $0x40, s4;
	v26 =	vadd.s32 $0x1800, v10;
	s14 =	smov.u32 s31;
	s31 =	sld [smem:$0x7AB];
	v14 =	vld.idx.msk [tilespmem:v40+s20+$0x0], $0xffff;
	[tilespmem:s15+$0x0] =	vst v27  }
0x200: {  	_ =	sdelay $0x1  }
0x201: {  	s3 =	sld [smem:$0x7B2]  }
0x202: {  	v20 =	vadd.s32 $0x1800, v2;
	v2 =	vadd.s32 $0x1C00, v2  }
0x203: {  	v10 =	vld.idx.msk [tilespmem:v10+s20+$0x0], $0xffff  }
0x204: {  	[tilespmem:s3+$0x0] =	vst v22  }
0x205: {  	[tilespmem:s29+$0x0] =	vst v18  }
0x206: {  	v18 =	vld.idx.msk [tilespmem:v23+s20+$0x0], $0xffff;
	[tilespmem:s26+$0x0] =	vst v24  }
0x207: {  	v2 =	vld.idx.msk [tilespmem:v2+s20+$0x0], $0xffff;
	[tilespmem:s30+$0x0] =	vst v21  }
0x208: {  	v21 =	vld.idx.msk [tilespmem:v26+s20+$0x0], $0xffff;
	[tilespmem:s7+$0x0] =	vst v10  }
0x209: {  	v10 =	vld.idx.msk [tilespmem:v20+s20+$0x0], $0xffff;
	[tilespmem:s18+$0x5000] =	vst v4  }
0x20a: {  	[tilespmem:s31+$0x0] =	vst v19  }
0x20b: {  	[tilespmem:s17+$0x0] =	vst v25  }
0x20c: {  	s3 =	sld [smem:$0x7B3];
	_ =	sdelay $0x2  }
0x20d: {  	[tilespmem:s3+$0x0] =	vst v7  }
0x20e: {  	s3 =	sld [smem:$0x7B4];
	_ =	sdelay $0x1  }
0x20f: {  	v22 =	vadd.s32 $0x1400, v5  }
0x210: {  	v23 =	vadd.s32 $0x1800, v5;
	v5 =	vadd.s32 $0x1C00, v5;
	[tilespmem:s3+$0x0] =	vst v11  }
0x211: {  	s3 =	sld [smem:$0x7B5];
	_ =	sdelay $0x2  }
0x212: {  	v4 =	vld.idx.msk [tilespmem:v22+s20+$0x0], $0xffff;
	[tilespmem:s3+$0x0] =	vst v12  }
0x213: {  	v5 =	vld.idx.msk [tilespmem:v5+s20+$0x0], $0xffff;
	s3 =	rddreg [dreg:$0x6]  }
0x214: {  	v7 =	vld.idx.msk [tilespmem:v23+s20+$0x0], $0xffff;
	[tilespmem:s3+$0x5000] =	vst v1  }
0x215: {  	s3 =	rddreg [dreg:$0x11]  }
0x216: {  	[tilespmem:s3+$0x0] =	vst v18  }
0x217: {  	s3 =	rddreg [dreg:$0x1d]  }
0x218: {  	[tilespmem:s3+$0x0] =	vst v3  }
0x219: {  	s3 =	rddreg [dreg:$0x12]  }
0x21a: {  	[tilespmem:s3+$0x0] =	vst v17  }
0x21b: {  	s3 =	rddreg [dreg:$0x9];
	[tilespmem:s23+$0x0] =	vst v0  }
0x21c: {  	[tilespmem:s1+$0x0] =	vst v15  }
0x21d: {  	[tilespmem:s3+$0x0] =	vst v16  }
0x21e: {  	[tilespmem:s2+$0x0] =	vst v6  }
0x21f: {  	[tilespmem:s6+$0x0] =	vst v13  }
0x220: {  	[tilespmem:s21+$0x0] =	vst v8  }
0x221: {  	[tilespmem:s13+$0x0] =	vst v14  }
0x222: {  	[tilespmem:s14+$0x0] =	vst v10  }
0x223: {  	[tilespmem:s22+$0x0] =	vst v4  }
0x224: {  	[tilespmem:s16+$0x0] =	vst v21  }
0x225: {  	[tilespmem:s19+$0x0] =	vst v2  }
0x226: {  	[tilespmem:s24+$0x0] =	vst v7  }
0x227: {  	[tilespmem:s0+$0x0] =	vst v9  }
0x228: {  	[tilespmem:s11+$0x0] =	vst v5  }
0x229: {  	s0 =	sld [smem:$0x7EE]  }
0x22a: {  	s12 =	simm.s32 $0x4000  }
0x22b: {  	s13 =	simm.s32 $0x5000;
	s11 =	simm.s32 $0x800;
	s15 =	sld [smem:$0x7EF]  }
0x22c: {  	[hbm4b:s0+s11] =	stream.strided.scatter [tilespmem:s13], [sflag:$0x3], $0x4000, s12, s11, $0x38;
	[tilespmem:$0xD000] =	vst v63  }
0x22d: {  	s14 =	simm.s32 $0x0;
	s16 =	sld [smem:$0x7F7]  }
0x22e: {  	[tilespmem:s14], [sflag:$0x1] =	stream.linear.gather [hbm4b:s15+s14], $0x2000, $0x38;
	[tilespmem:$0xD000] =	vst v63  }
0x22f: {  	s17 =	simm.s32 $0x2  }
0x230: {  	[tilespmem:s12], [sflag:$0x1] =	stream.linear.gather [hbm4b:s16+s14], $0x800, $0x38;
	[tilespmem:$0xD000] =	vst v63  }
0x231: {  	_ =	swait.ge [sflag:s17], $0x2000  }
0x232: {  	[sflag:s17] =	ssyncset.done $0x0  }
0x233: {  	[sflag:s17] =	ssyncadd.s32 $0xFFFFE000  }
0x234: {  	_ =	swait.ge [sflag:s17], $0x800  }
0x235: {  	[sflag:s17] =	ssyncset.done $0x0  }
0x236: {  	s18 =	simm.s32 $0x4;
	s3 =	sand.u32 $0x40, s14;
	[sflag:s17] =	ssyncadd.s32 $0xFFFFF800  }
0x237: {  	s19 =	sand.u32 $0x780, s14;
	s4 =	sor.u32 $0x10, s3;
	_ =	swait.ge [sflag:s18], $0x4000  }
0x238: {  	s21 =	sor.u32 s19, s4;
	[sflag:s18] =	ssyncset.done $0x0  }
0x239: {  	s20 =	sor.u32 $0x30, s3;
	[dreg:$0x4] =	wrdreg s21;
	[sflag:s18] =	ssyncadd.s32 $0xFFFFC000  }
0x23a: {  	s5 =	sor.u32 $0x20, s3;
	s0 =	sor.u32 s19, s20;
	v2 =	vld [tilespmem:s21+$0x4800]  }
0x23b: {  	s30 =	sor.u32 s19, s5;
	v6 =	vld [tilespmem:s0+$0x4800]  }
0x23c: {  	v4 =	vld [tilespmem:s30+$0x4800];
	_ =	sdelay $0x3  }
0x23d: {  	s22 =	simm.s32 $0x4800;
	v0 =	vadd.s32 $0x400, v2  }
0x23e: {  	v10 =	vld [tilespmem:s22+$0x0];
	v3 =	vadd.s32 $0x1000, v6  }
0x23f: {  	v8 =	vadd.s32 $0x400, v4;
	v5 =	vld.idx.msk [tilespmem:v2+s25+$0x0], $0xffff  }
0x240: {  	v9 =	vadd.s32 $0x800, v4;
	v14 =	vld.idx.msk [tilespmem:v6+s25+$0x0], $0xffff  }
0x241: {  	v11 =	vadd.s32 $0x800, v2;
	v1 =	vld.idx.msk [tilespmem:v4+s25+$0x0], $0xffff  }
0x242: {  	v12 =	vadd.s32 $0xC00, v6;
	v7 =	vld.idx.msk [tilespmem:v0+s25+$0x0], $0xffff  }
0x243: {  	v13 =	vadd.s32 $0xC00, v2;
	v18 =	vld.idx.msk [tilespmem:v3+s25+$0x0], $0xffff  }
0x244: {  	v15 =	vadd.s32 $0x1C00, v6;
	v3 =	vld.idx.msk [tilespmem:v8+s25+$0x0], $0xffff  }
0x245: {  	v8 =	vadd.s32 $0x1800, v6;
	v0 =	vld.idx.msk [tilespmem:v9+s25+$0x0], $0xffff  }
0x246: {  	v11 =	vld.idx.msk [tilespmem:v11+s25+$0x0], $0xffff;
	v9 =	vadd.s32 $0xC00, v4  }
0x247: {  	v16 =	vadd.s32 $0x1400, v6;
	v22 =	vld.idx.msk [tilespmem:v12+s25+$0x0], $0xffff  }
0x248: {  	v12 =	vld.idx.msk [tilespmem:v13+s25+$0x0], $0xffff;
	v13 =	vadd.s32 $0x1000, v4  }
0x249: {  	s23 =	sor.u32 $0x9800, s19;
	s8 =	sor.u32 $0xA000, s19;
	s10 =	sor.u32 $0xA800, s19;
	v19 =	vld.idx.msk [tilespmem:v15+s25+$0x0], $0xffff  }
0x24a: {  	s9 =	sor.u32 s20, s23;
	s11 =	sor.u32 $0xB000, s19;
	s15 =	sor.u32 s20, s10;
	v17 =	vadd.s32 $0x400, v6;
	v21 =	vld.idx.msk [tilespmem:v8+s25+$0x0], $0xffff  }
0x24b: {  	s13 =	sor.u32 $0xB800, s19;
	s24 =	sor.u32 s20, s11;
	v15 =	vadd.s32 $0x800, v6;
	v6 =	vld.idx.msk [tilespmem:v9+s25+$0x0], $0xffff;
	[smem:$0x79A] =	sst s15  }
0x24c: {  	s12 =	sor.u32 s20, s8;
	s14 =	sor.u32 $0xC000, s19;
	s16 =	sor.u32 s4, s23;
	v24 =	vld.idx.msk [tilespmem:v16+s25+$0x0], $0xffff  }
0x24d: {  	s26 =	sor.u32 s20, s14;
	s17 =	sor.u32 s4, s8;
	v20 =	vadd.s32 $0x1000, v2;
	v8 =	vld.idx.msk [tilespmem:v13+s25+$0x0], $0xffff;
	[smem:$0x79B] =	sst s16  }
0x24e: {  	s18 =	sor.u32 s3, s8;
	s22 =	sor.u32 s20, s13;
	v9 =	vadd.s32 $0x1400, v2;
	[smem:$0x79C] =	sst s17  }
0x24f: {  	v23 =	vadd.s32 $0xC00, v10;
	s15 =	sor.u32 $0xC800, s19;
	s19 =	sor.u32 s4, s10;
	v26 =	vld.idx.msk [tilespmem:v17+s25+$0x0], $0xffff;
	[dreg:$0x13] =	wrdreg s18  }
0x250: {  	v13 =	vadd.s32 $0x1000, v10;
	s29 =	sor.u32 s20, s15;
	s20 =	sor.u32 s5, s23;
	[smem:$0x79D] =	sst s19  }
0x251: {  	s28 =	simm.s32 $0x0;
	v25 =	vadd.s32 $0x400, v10;
	v27 =	vld.idx.msk [tilespmem:v15+s25+$0x0], $0xffff;
	[dreg:$0x1e] =	wrdreg s20  }
0x252: {  	s1 =	sor.u32 s3, s23;
	s2 =	sor.u32 s3, s10;
	s21 =	sor.u32 s4, s11;
	v28 =	vadd.s32 $0x1C00, v10;
	v17 =	vld.idx.msk [tilespmem:v20+s25+$0x0], $0xffff  }
0x253: {  	s6 =	sor.u32 s5, s10;
	s31 =	sor.u32 s4, s13;
	v20 =	vadd.s32 $0x1400, v10;
	v16 =	vld.idx.msk [tilespmem:v9+s25+$0x0], $0xffff;
	[dreg:$0x14] =	wrdreg s21  }
0x254: {  	s23 =	sor.u32 s5, s8;
	s17 =	sor.u32 s5, s13;
	s13 =	sor.u32 s3, s13;
	v15 =	vld.idx.msk [tilespmem:v23+s25+$0x0], $0xffff  }
0x255: {  	s16 =	sor.u32 s3, s14;
	s10 =	sor.u32 s3, s15;
	s8 =	simm.s32 $0x9000;
	v13 =	vld.idx.msk [tilespmem:v13+s25+$0x0], $0xffff  }
0x256: {  	s18 =	sor.u32 s3, s11;
	s19 =	sor.u32 s5, s14;
	s14 =	sor.u32 s4, s14;
	[tilespmem:s0+$0x9000] =	vst v14;
	v25 =	vld.idx.msk [tilespmem:v25+s25+$0x0], $0xffff  }
0x257: {  	s3 =	simm.s32 $0x4840;
	s20 =	sor.u32 s4, s15;
	s4 =	simm.s32 $0x9040;
	v9 =	vld.idx.msk [tilespmem:v28+s25+$0x0], $0xffff;
	[tilespmem:s9+$0x0] =	vst v26  }
0x258: {  	s21 =	sor.u32 s5, s11;
	s11 =	sor.u32 s5, s15;
	s5 =	simm.s32 $0x40;
	v23 =	vadd.s32 $0x800, v10;
	v26 =	vadd.s32 $0x1800, v10;
	[tilespmem:s12+$0x0] =	vst v27;
	v14 =	vld.idx.msk [tilespmem:v20+s25+$0x0], $0xffff  }
.LBB2_8:
0x259: {  	[smem:$0x786] =	sst s31  }
0x25a: {  	[smem:$0x78F] =	sst s18  }
0x25b: {  	[smem:$0x78B] =	sst s21  }
0x25c: {  	[smem:$0x78E] =	sst s19  }
0x25d: {  	[smem:$0x78C] =	sst s17  }
0x25e: {  	[smem:$0x789] =	sst s6  }
0x25f: {  	[smem:$0x791] =	sst s16  }
0x260: {  	[smem:$0x794] =	sst s20  }
0x261: {  	[smem:$0x790] =	sst s13  }
0x262: {  	[smem:$0x793] =	sst s14  }
0x263: {  	[smem:$0x795] =	sst s11  }
0x264: {  	[smem:$0x796] =	sst s10;
	s7 =	sand.u32 $0x40, s5  }
0x265: {  	s0 =	sand.u32 $0x780, s5;
	s9 =	sld [smem:$0x79A];
	s6 =	sor.u32 $0x30, s7  }
0x266: {  	s11 =	sor.u32 $0x10, s7;
	s13 =	sor.u32 $0x9800, s0;
	s15 =	sor.u32 s0, s6  }
0x267: {  	s14 =	sor.u32 $0xA000, s0;
	s19 =	sor.u32 s6, s13;
	[smem:$0x797] =	sst s15  }
0x268: {  	s31 =	sor.u32 $0xC000, s0;
	s20 =	sor.u32 s6, s14;
	[smem:$0x798] =	sst s19  }
0x269: {  	v10 =	vld.idx.msk [tilespmem:v10+s25+$0x0], $0xffff;
	s16 =	sor.u32 $0xB000, s0;
	s17 =	sor.u32 s6, s31;
	[smem:$0x799] =	sst s20  }
0x26a: {  	s18 =	sor.u32 s11, s14;
	[tilespmem:s9+$0x0] =	vst v22;
	s20 =	smov.u32 s30;
	[smem:$0x78D] =	sst s17  }
0x26b: {  	s30 =	sor.u32 $0xC800, s0;
	[smem:$0x787] =	sst s18;
	[tilespmem:s24+$0x0] =	vst v18;
	s24 =	sor.u32 s6, s16  }
0x26c: {  	v20 =	vld.idx.msk [tilespmem:v26+s25+$0x0], $0xffff;
	s10 =	sor.u32 $0x20, s7;
	s19 =	sor.u32 s6, s30;
	[smem:$0x78A] =	sst s24  }
0x26d: {  	s12 =	sor.u32 s0, s10;
	v22 =	vld.idx.msk [tilespmem:v23+s25+$0x0], $0xffff;
	v23 =	vadd.s32 $0x1800, v2;
	s9 =	sor.u32 s0, s11;
	[tilespmem:s22+$0x0] =	vst v24;
	[smem:$0x792] =	sst s19  }
0x26e: {  	s17 =	sor.u32 s7, s13;
	v18 =	vadd.s32 $0x1C00, v2;
	[tilespmem:s8+$0x0] =	vst v10;
	s22 =	sld [smem:$0x79B];
	v24 =	vld [tilespmem:s15+$0x4800];
	s15 =	sor.u32 $0xA800, s0  }
0x26f: {  	s8 =	sor.u32 s7, s14;
	s24 =	sld [smem:$0x79C];
	[tilespmem:s26+$0x0] =	vst v21;
	s21 =	sor.u32 s6, s15  }
0x270: {  	v26 =	vadd.s32 $0x1400, v4;
	v2 =	vld [tilespmem:s9+$0x4800];
	s19 =	smov.u32 s2;
	[tilespmem:s29+$0x0] =	vst v19;
	s29 =	sor.u32 $0xB800, s0;
	[smem:$0x79A] =	sst s21  }
0x271: {  	v21 =	vadd.s32 $0x1800, v4;
	[tilespmem:s1+$0x0] =	vst v25;
	s1 =	sor.u32 s11, s13;
	v19 =	vld [tilespmem:s12+$0x4800];
	s26 =	sor.u32 s6, s29;
	s21 =	rddreg [dreg:$0x4]  }
0x272: {  	s0 =	sor.u32 s10, s13;
	s18 =	sor.u32 s7, s15;
	v27 =	vld.idx.msk [tilespmem:v23+s25+$0x0], $0xffff;
	v23 =	vadd.s32 $0x1C00, v4;
	[smem:$0x788] =	sst s26  }
0x273: {  	s13 =	sor.u32 s10, s16;
	s6 =	sor.u32 s11, s15;
	v25 =	vld.idx.msk [tilespmem:v18+s25+$0x0], $0xffff;
	[tilespmem:s21+$0x9000] =	vst v5;
	s26 =	sld [smem:$0x79D]  }
0x274: {  	s2 =	sor.u32 s11, s29;
	s21 =	sor.u32 s11, s16;
	[tilespmem:s22+$0x0] =	vst v7;
	s22 =	sor.u32 s10, s14  }
0x275: {  	v26 =	vld.idx.msk [tilespmem:v26+s25+$0x0], $0xffff;
	s14 =	sor.u32 s10, s31;
	[tilespmem:s24+$0x0] =	vst v11;
	s24 =	sor.u32 s10, s15;
	s15 =	sor.u32 s7, s16  }
0x276: {  	v7 =	vadd.s32 $0x400, v2;
	v21 =	vld.idx.msk [tilespmem:v21+s25+$0x0], $0xffff;
	s16 =	sor.u32 s7, s29;
	[tilespmem:s26+$0x0] =	vst v12;
	s26 =	sor.u32 s10, s29;
	s29 =	sor.u32 s7, s31  }
0x277: {  	s7 =	sor.u32 s7, s30;
	v29 =	vld.idx.msk [tilespmem:v23+s25+$0x0], $0xffff;
	[tilespmem:s20+$0x9000] =	vst v1;
	s20 =	sor.u32 s11, s31;
	s31 =	rddreg [dreg:$0x13]  }
0x278: {  	v10 =	vld [tilespmem:s3+$0x0];
	s10 =	sor.u32 s10, s30;
	s11 =	sor.u32 s11, s30;
	s30 =	rddreg [dreg:$0x1e]  }
0x279: {  	v5 =	vld.idx.msk [tilespmem:v2+s25+$0x0], $0xffff;
	[tilespmem:s31+$0x0] =	vst v22;
	s31 =	smov.u32 s2;
	s2 =	smov.u32 s18;
	s18 =	sld [smem:$0x78B]  }
0x27a: {  	v1 =	vld.idx.msk [tilespmem:v19+s25+$0x0], $0xffff;
	[tilespmem:s30+$0x0] =	vst v3;
	s30 =	rddreg [dreg:$0x14]  }
0x27b: {  	v7 =	vld.idx.msk [tilespmem:v7+s25+$0x0], $0xffff;
	[tilespmem:s30+$0x0] =	vst v17;
	s30 =	smov.u32 s9;
	s9 =	sld [smem:$0x787]  }
0x27c: {  	[dreg:$0x4] =	wrdreg s30;
	s30 =	smov.u32 s12  }
0x27d: {  	v18 =	vadd.s32 $0x1000, v24;
	s12 =	smov.u32 s1;
	s1 =	smov.u32 s17;
	s17 =	sld [smem:$0x786]  }
0x27e: {  	v33 =	vadd.s32 $0x1400, v24;
	v4 =	vmov v19;
	[smem:$0x79B] =	sst s12;
	s12 =	smov.u32 s8  }
0x27f: {  	v11 =	vadd.s32 $0x400, v4;
	[dreg:$0x13] =	wrdreg s12;
	s12 =	smov.u32 s0  }
0x280: {  	v12 =	vadd.s32 $0x800, v4;
	[dreg:$0x1e] =	wrdreg s12  }
0x281: {  	v31 =	vld.idx.msk [tilespmem:v24+s25+$0x0], $0xffff;
	v19 =	vadd.s32 $0x1C00, v24;
	[tilespmem:s17+$0x0] =	vst v16;
	s17 =	smov.u32 s9;
	s12 =	sld [smem:$0x78F]  }
0x282: {  	v28 =	vadd.s32 $0x400, v24;
	v22 =	vadd.s32 $0x800, v2;
	v18 =	vld.idx.msk [tilespmem:v18+s25+$0x0], $0xffff;
	[smem:$0x79C] =	sst s17;
	s17 =	smov.u32 s6  }
0x283: {  	v30 =	vadd.s32 $0x800, v24;
	v32 =	vadd.s32 $0xC00, v24;
	v34 =	vadd.s32 $0x1800, v24;
	v24 =	vld.idx.msk [tilespmem:v33+s25+$0x0], $0xffff;
	[smem:$0x79D] =	sst s17  }
0x284: {  	v35 =	vadd.s32 $0xC00, v2;
	v3 =	vld.idx.msk [tilespmem:v11+s25+$0x0], $0xffff;
	[tilespmem:s23+$0x0] =	vst v0;
	s17 =	sld [smem:$0x789]  }
0x285: {  	[tilespmem:s19+$0x0] =	vst v15;
	s19 =	sld [smem:$0x78C];
	v0 =	vld.idx.msk [tilespmem:v12+s25+$0x0], $0xffff;
	s9 =	smov.u32 s21  }
0x286: {  	v15 =	vadd.s32 $0xC00, v4;
	v19 =	vld.idx.msk [tilespmem:v19+s25+$0x0], $0xffff;
	[dreg:$0x14] =	wrdreg s9;
	[tilespmem:s12+$0x0] =	vst v13  }
0x287: {  	v11 =	vld.idx.msk [tilespmem:v22+s25+$0x0], $0xffff;
	s9 =	sld [smem:$0x78E];
	[tilespmem:s17+$0x0] =	vst v6  }
0x288: {  	s21 =	smov.u32 s13;
	s13 =	sld [smem:$0x790];
	v22 =	vld.idx.msk [tilespmem:v32+s25+$0x0], $0xffff;
	[tilespmem:s18+$0x0] =	vst v8  }
0x289: {  	v12 =	vld.idx.msk [tilespmem:v35+s25+$0x0], $0xffff;
	v8 =	vadd.s32 $0x1000, v4;
	s18 =	smov.u32 s15;
	s15 =	sld [smem:$0x793];
	[tilespmem:s19+$0x0] =	vst v26  }
0x28a: {  	v13 =	vadd.s32 $0x1000, v2;
	s19 =	smov.u32 s14;
	s14 =	sld [smem:$0x791];
	[tilespmem:s9+$0x0] =	vst v21;
	v21 =	vld.idx.msk [tilespmem:v34+s25+$0x0], $0xffff  }
0x28b: {  	[tilespmem:s13+$0x0] =	vst v14;
	v14 =	vadd.s32 $0x1400, v2;
	s9 =	sld [smem:$0x794];
	v6 =	vld.idx.msk [tilespmem:v15+s25+$0x0], $0xffff  }
0x28c: {  	v38 =	vadd.s32 $0xC00, v10;
	s23 =	smov.u32 s22;
	s22 =	sld [smem:$0x788];
	[tilespmem:s15+$0x0] =	vst v27;
	v27 =	vld.idx.msk [tilespmem:v30+s25+$0x0], $0xffff  }
0x28d: {  	v39 =	vadd.s32 $0x1000, v10;
	s15 =	sld [smem:$0x796];
	[tilespmem:s14+$0x0] =	vst v20;
	v20 =	vld.idx.msk [tilespmem:v28+s25+$0x0], $0xffff  }
0x28e: {  	v36 =	vadd.s32 $0x400, v10;
	s12 =	sld [smem:$0x795];
	v8 =	vld.idx.msk [tilespmem:v8+s25+$0x0], $0xffff;
	[tilespmem:s9+$0x0] =	vst v25  }
0x28f: {  	s28 =	sadd.s32 $0x4, s28;
	v37 =	vadd.s32 $0x1C00, v10;
	s6 =	smov.u32 s24;
	s24 =	sld [smem:$0x78A];
	v17 =	vld.idx.msk [tilespmem:v13+s25+$0x0], $0xffff  }
0x290: {  	s5 =	sadd.s32 $0x40, s5;
	p1 =	slt.u32 s28, $0x7C;
	v40 =	vadd.s32 $0x1400, v10;
	s9 =	sld [smem:$0x797];
	[tilespmem:s15+$0x0] =	vst v9;
	v16 =	vld.idx.msk [tilespmem:v14+s25+$0x0], $0xffff  }
.Ltmp5:
0x291: {  	s3 =	sadd.s32 $0x40, s3;
	[tilespmem:s12+$0x0] =	vst v29;
	s12 =	sld [smem:$0x798];
	v15 =	vld.idx.msk [tilespmem:v38+s25+$0x0], $0xffff;
	(pc) =	sbr.rel @p1 .LBB2_8-.Ltmp5, $4  }
0x292: {  	s8 =	smov.u32 s4;
	s4 =	sadd.s32 $0x40, s4;
	s15 =	sld [smem:$0x799];
	v13 =	vld.idx.msk [tilespmem:v39+s25+$0x0], $0xffff  }
0x293: {  	s13 =	smov.u32 s16;
	s16 =	smov.u32 s29;
	s29 =	sld [smem:$0x792];
	v25 =	vld.idx.msk [tilespmem:v36+s25+$0x0], $0xffff;
	[tilespmem:s9+$0x9000] =	vst v31  }
0x294: {  	s17 =	smov.u32 s26;
	s26 =	sld [smem:$0x78D];
	s14 =	smov.u32 s20;
	v9 =	vld.idx.msk [tilespmem:v37+s25+$0x0], $0xffff;
	[tilespmem:s12+$0x0] =	vst v20  }
0x295: {  	v23 =	vadd.s32 $0x800, v10;
	v26 =	vadd.s32 $0x1800, v10;
	s20 =	smov.u32 s11;
	s11 =	smov.u32 s10;
	s10 =	smov.u32 s7;
	v14 =	vld.idx.msk [tilespmem:v40+s25+$0x0], $0xffff;
	[tilespmem:s15+$0x0] =	vst v27  }
0x296: {  	_ =	sdelay $0x1  }
0x297: {  	s0 =	sld [smem:$0x79A];
	_ =	sdelay $0x1  }
0x298: {  	v10 =	vld.idx.msk [tilespmem:v10+s25+$0x0], $0xffff  }
0x299: {  	[tilespmem:s0+$0x0] =	vst v22  }
0x29a: {  	[tilespmem:s24+$0x0] =	vst v18  }
0x29b: {  	v20 =	vadd.s32 $0x1800, v2;
	v2 =	vadd.s32 $0x1C00, v2;
	[tilespmem:s22+$0x0] =	vst v24  }
0x29c: {  	v18 =	vld.idx.msk [tilespmem:v23+s25+$0x0], $0xffff;
	[tilespmem:s26+$0x0] =	vst v21  }
0x29d: {  	v21 =	vld.idx.msk [tilespmem:v26+s25+$0x0], $0xffff;
	[tilespmem:s8+$0x0] =	vst v10  }
0x29e: {  	[tilespmem:s29+$0x0] =	vst v19  }
0x29f: {  	[tilespmem:s1+$0x0] =	vst v25  }
0x2a0: {  	v2 =	vld.idx.msk [tilespmem:v2+s25+$0x0], $0xffff;
	s0 =	rddreg [dreg:$0x4]  }
0x2a1: {  	v10 =	vld.idx.msk [tilespmem:v20+s25+$0x0], $0xffff;
	[tilespmem:s0+$0x9000] =	vst v5  }
0x2a2: {  	s0 =	sld [smem:$0x79B];
	_ =	sdelay $0x2  }
0x2a3: {  	v22 =	vadd.s32 $0x1400, v4;
	[tilespmem:s0+$0x0] =	vst v7  }
0x2a4: {  	v23 =	vadd.s32 $0x1800, v4;
	v4 =	vadd.s32 $0x1C00, v4;
	s0 =	sld [smem:$0x79C];
	_ =	sdelay $0x2  }
0x2a5: {  	[tilespmem:s0+$0x0] =	vst v11  }
0x2a6: {  	v5 =	vld.idx.msk [tilespmem:v22+s25+$0x0], $0xffff;
	s0 =	sld [smem:$0x79D]  }
0x2a7: {  	v4 =	vld.idx.msk [tilespmem:v4+s25+$0x0], $0xffff  }
0x2a8: {  	v7 =	vld.idx.msk [tilespmem:v23+s25+$0x0], $0xffff;
	[tilespmem:s30+$0x9000] =	vst v1  }
0x2a9: {  	[tilespmem:s0+$0x0] =	vst v12  }
0x2aa: {  	s0 =	rddreg [dreg:$0x13]  }
0x2ab: {  	[tilespmem:s0+$0x0] =	vst v18  }
0x2ac: {  	s0 =	rddreg [dreg:$0x1e]  }
0x2ad: {  	[tilespmem:s0+$0x0] =	vst v3  }
0x2ae: {  	s0 =	rddreg [dreg:$0x14];
	[tilespmem:s23+$0x0] =	vst v0  }
0x2af: {  	[tilespmem:s2+$0x0] =	vst v15  }
0x2b0: {  	[tilespmem:s0+$0x0] =	vst v17  }
0x2b1: {  	[tilespmem:s6+$0x0] =	vst v6  }
0x2b2: {  	[tilespmem:s18+$0x0] =	vst v13  }
0x2b3: {  	[tilespmem:s31+$0x0] =	vst v16  }
0x2b4: {  	[tilespmem:s21+$0x0] =	vst v8  }
0x2b5: {  	[tilespmem:s13+$0x0] =	vst v14  }
0x2b6: {  	[tilespmem:s17+$0x0] =	vst v5  }
0x2b7: {  	[tilespmem:s16+$0x0] =	vst v21  }
0x2b8: {  	[tilespmem:s14+$0x0] =	vst v10  }
0x2b9: {  	[tilespmem:s19+$0x0] =	vst v7  }
0x2ba: {  	[tilespmem:s20+$0x0] =	vst v2  }
0x2bb: {  	[tilespmem:s10+$0x0] =	vst v9  }
0x2bc: {  	[tilespmem:s11+$0x0] =	vst v4  }
0x2bd: {  	s0 =	sld [smem:$0x7F0]  }
0x2be: {  	s12 =	simm.s32 $0x4000  }
0x2bf: {  	s3 =	simm.s32 $0x9000;
	s13 =	simm.s32 $0x800;
	s15 =	sld [smem:$0x7F1]  }
0x2c0: {  	[hbm4b:s0+s13] =	stream.strided.scatter [tilespmem:s3], [sflag:$0x4], $0x4000, s12, s13, $0x38;
	[tilespmem:$0xD000] =	vst v63  }
0x2c1: {  	s14 =	simm.s32 $0x0;
	s16 =	sld [smem:$0x7F8]  }
0x2c2: {  	[tilespmem:s25], [sflag:$0x2] =	stream.linear.gather [hbm4b:s15+s14], $0x2000, $0x38;
	[tilespmem:$0xD000] =	vst v63  }
0x2c3: {  	s18 =	simm.s32 $0x1;
	s17 =	simm.s32 $0x4800  }
0x2c4: {  	[tilespmem:s17], [sflag:$0x2] =	stream.linear.gather [hbm4b:s16+s14], $0x800, $0x38;
	[tilespmem:$0xD000] =	vst v63  }
0x2c5: {  	_ =	swait.ge [sflag:s18], $0x2000  }
0x2c6: {  	[sflag:s18] =	ssyncset.done $0x0  }
0x2c7: {  	[sflag:s18] =	ssyncadd.s32 $0xFFFFE000  }
0x2c8: {  	_ =	swait.ge [sflag:s18], $0x800  }
0x2c9: {  	[sflag:s18] =	ssyncset.done $0x0  }
0x2ca: {  	s5 =	simm.s32 $0x3;
	[sflag:s18] =	ssyncadd.s32 $0xFFFFF800  }
0x2cb: {  	s19 =	sand.u32 $0x780, s14;
	s3 =	sand.u32 $0x40, s14;
	_ =	swait.ge [sflag:s5], $0x4000  }
0x2cc: {  	s4 =	sor.u32 $0x10, s3;
	s21 =	sor.u32 $0x30, s3;
	[sflag:s5] =	ssyncset.done $0x0  }
0x2cd: {  	s18 =	sor.u32 s19, s4;
	[sflag:s5] =	ssyncadd.s32 $0xFFFFC000;
	s5 =	sor.u32 $0x20, s3  }
0x2ce: {  	s0 =	sor.u32 s19, s21;
	v2 =	vld [tilespmem:s18+$0x4000];
	s7 =	sor.u32 s19, s5  }
0x2cf: {  	v6 =	vld [tilespmem:s0+$0x4000];
	[dreg:$0x7] =	wrdreg s7  }
0x2d0: {  	v5 =	vld [tilespmem:s7+$0x4000];
	_ =	sdelay $0x3  }
0x2d1: {  	v0 =	vadd.s32 $0x400, v2  }
0x2d2: {  	s20 =	simm.s32 $0x0;
	v10 =	vld [tilespmem:s12+$0x0];
	v3 =	vadd.s32 $0x1000, v6  }
0x2d3: {  	v11 =	vadd.s32 $0x800, v2;
	v4 =	vld.idx.msk [tilespmem:v2+s20+$0x0], $0xffff  }
0x2d4: {  	v8 =	vadd.s32 $0x400, v5;
	v14 =	vld.idx.msk [tilespmem:v6+s20+$0x0], $0xffff  }
0x2d5: {  	v9 =	vadd.s32 $0x800, v5;
	v1 =	vld.idx.msk [tilespmem:v5+s20+$0x0], $0xffff  }
0x2d6: {  	v12 =	vadd.s32 $0xC00, v6;
	v7 =	vld.idx.msk [tilespmem:v0+s20+$0x0], $0xffff  }
0x2d7: {  	v13 =	vadd.s32 $0xC00, v2;
	v18 =	vld.idx.msk [tilespmem:v3+s20+$0x0], $0xffff  }
0x2d8: {  	v15 =	vadd.s32 $0x1C00, v6;
	v11 =	vld.idx.msk [tilespmem:v11+s20+$0x0], $0xffff  }
0x2d9: {  	v3 =	vld.idx.msk [tilespmem:v8+s20+$0x0], $0xffff;
	v8 =	vadd.s32 $0x1800, v6  }
0x2da: {  	v0 =	vld.idx.msk [tilespmem:v9+s20+$0x0], $0xffff;
	v9 =	vadd.s32 $0xC00, v5  }
0x2db: {  	v16 =	vadd.s32 $0x1400, v6;
	v22 =	vld.idx.msk [tilespmem:v12+s20+$0x0], $0xffff  }
0x2dc: {  	v12 =	vld.idx.msk [tilespmem:v13+s20+$0x0], $0xffff;
	v13 =	vadd.s32 $0x1000, v5  }
0x2dd: {  	s8 =	sor.u32 $0x5800, s19;
	s10 =	sor.u32 $0x6000, s19;
	s22 =	sor.u32 $0x6800, s19;
	v19 =	vld.idx.msk [tilespmem:v15+s20+$0x0], $0xffff  }
0x2de: {  	s11 =	sor.u32 $0x7000, s19;
	s13 =	sor.u32 $0x7800, s19;
	s23 =	sor.u32 s21, s22;
	v17 =	vadd.s32 $0x400, v6;
	v21 =	vld.idx.msk [tilespmem:v8+s20+$0x0], $0xffff  }
0x2df: {  	s9 =	sor.u32 s21, s8;
	s29 =	sor.u32 s21, s11;
	v15 =	vadd.s32 $0x800, v6;
	v6 =	vld.idx.msk [tilespmem:v9+s20+$0x0], $0xffff;
	[smem:$0x782] =	sst s23  }
0x2e0: {  	s26 =	sor.u32 s21, s13;
	s15 =	sor.u32 $0x8800, s19;
	s24 =	sor.u32 s4, s8;
	v24 =	vld.idx.msk [tilespmem:v16+s20+$0x0], $0xffff  }
0x2e1: {  	s2 =	sor.u32 s4, s10;
	s31 =	sor.u32 s21, s15;
	v20 =	vadd.s32 $0x1000, v2;
	v8 =	vld.idx.msk [tilespmem:v13+s20+$0x0], $0xffff;
	[smem:$0x783] =	sst s24  }
0x2e2: {  	s14 =	sor.u32 $0x8000, s19;
	s16 =	sor.u32 s3, s10;
	v9 =	vadd.s32 $0x1400, v2;
	[smem:$0x784] =	sst s2  }
0x2e3: {  	s30 =	sor.u32 s21, s14;
	s19 =	sor.u32 s4, s22;
	v23 =	vadd.s32 $0xC00, v10;
	v26 =	vld.idx.msk [tilespmem:v17+s20+$0x0], $0xffff;
	[dreg:$0x15] =	wrdreg s16  }
0x2e4: {  	s12 =	sor.u32 s21, s10;
	s21 =	sor.u32 s5, s8;
	v13 =	vadd.s32 $0x1000, v10;
	[smem:$0x785] =	sst s19  }
0x2e5: {  	s28 =	simm.s32 $0x0;
	s1 =	sor.u32 s3, s22;
	v25 =	vadd.s32 $0x400, v10;
	v27 =	vld.idx.msk [tilespmem:v15+s20+$0x0], $0xffff;
	[dreg:$0x1f] =	wrdreg s21  }
0x2e6: {  	s6 =	sor.u32 s3, s11;
	v28 =	vadd.s32 $0x1C00, v10;
	s2 =	sor.u32 s5, s22;
	s22 =	sor.u32 s4, s11;
	v17 =	vld.idx.msk [tilespmem:v20+s20+$0x0], $0xffff  }
0x2e7: {  	s17 =	sor.u32 s3, s8;
	s24 =	sor.u32 s4, s13;
	v20 =	vadd.s32 $0x1400, v10;
	v16 =	vld.idx.msk [tilespmem:v9+s20+$0x0], $0xffff;
	[dreg:$0x16] =	wrdreg s22  }
0x2e8: {  	s7 =	simm.s32 $0x5000;
	s23 =	sor.u32 s5, s10;
	v15 =	vld.idx.msk [tilespmem:v23+s20+$0x0], $0xffff;
	[dreg:$0xa] =	wrdreg s24  }
0x2e9: {  	s16 =	sor.u32 s3, s14;
	s19 =	sor.u32 s4, s15;
	s21 =	sor.u32 s5, s11;
	v13 =	vld.idx.msk [tilespmem:v13+s20+$0x0], $0xffff  }
0x2ea: {  	s11 =	sor.u32 s5, s15;
	s22 =	sor.u32 s5, s13;
	s13 =	sor.u32 s3, s13;
	[tilespmem:s0+$0x5000] =	vst v14;
	v25 =	vld.idx.msk [tilespmem:v25+s20+$0x0], $0xffff  }
0x2eb: {  	s24 =	sor.u32 s5, s14;
	s14 =	sor.u32 s4, s14;
	s4 =	simm.s32 $0x5040;
	v9 =	vld.idx.msk [tilespmem:v28+s20+$0x0], $0xffff;
	[tilespmem:s9+$0x0] =	vst v26  }
0x2ec: {  	v23 =	vadd.s32 $0x800, v10;
	s5 =	simm.s32 $0x40;
	s0 =	sor.u32 s3, s15;
	s3 =	simm.s32 $0x4040;
	v26 =	vadd.s32 $0x1800, v10;
	[tilespmem:s12+$0x0] =	vst v27;
	v14 =	vld.idx.msk [tilespmem:v20+s20+$0x0], $0xffff  }
.LBB2_10:
0x2ed: {  	[smem:$0x771] =	sst s2  }
0x2ee: {  	[smem:$0x774] =	sst s22  }
0x2ef: {  	[smem:$0x772] =	sst s21  }
0x2f0: {  	[smem:$0x77C] =	sst s19  }
0x2f1: {  	[smem:$0x76F] =	sst s1  }
0x2f2: {  	[smem:$0x778] =	sst s16  }
0x2f3: {  	[smem:$0x776] =	sst s6  }
0x2f4: {  	[smem:$0x777] =	sst s13  }
0x2f5: {  	[smem:$0x77A] =	sst s14  }
0x2f6: {  	[smem:$0x77D] =	sst s11  }
0x2f7: {  	[smem:$0x77E] =	sst s0;
	s8 =	sand.u32 $0x40, s5  }
0x2f8: {  	s0 =	sand.u32 $0x780, s5;
	s9 =	sld [smem:$0x782];
	s6 =	sor.u32 $0x30, s8  }
0x2f9: {  	s1 =	rddreg [dreg:$0x15];
	s13 =	sor.u32 $0x5800, s0;
	s15 =	sor.u32 s0, s6  }
0x2fa: {  	s14 =	sor.u32 $0x6000, s0;
	s19 =	sor.u32 s6, s13;
	[smem:$0x77F] =	sst s15  }
0x2fb: {  	v10 =	vld.idx.msk [tilespmem:v10+s20+$0x0], $0xffff;
	s11 =	sor.u32 $0x10, s8;
	s21 =	sor.u32 s6, s14;
	[tilespmem:s9+$0x0] =	vst v22;
	[smem:$0x780] =	sst s19  }
0x2fc: {  	s16 =	sor.u32 $0x7000, s0;
	[smem:$0x781] =	sst s21;
	s21 =	sor.u32 s8, s13;
	[tilespmem:s29+$0x0] =	vst v18  }
0x2fd: {  	s29 =	sor.u32 $0x7800, s0;
	[smem:$0x773] =	sst s21;
	[tilespmem:s26+$0x0] =	vst v24;
	s26 =	sor.u32 s6, s16  }
0x2fe: {  	s10 =	sor.u32 $0x20, s8;
	v22 =	vld.idx.msk [tilespmem:v23+s20+$0x0], $0xffff;
	v23 =	vadd.s32 $0x1800, v2;
	s2 =	sor.u32 s6, s29;
	[smem:$0x779] =	sst s26  }
0x2ff: {  	s12 =	sor.u32 s0, s10;
	v18 =	vadd.s32 $0x1C00, v2;
	v24 =	vld [tilespmem:s15+$0x4000];
	s15 =	sor.u32 $0x6800, s0;
	[smem:$0x775] =	sst s2  }
0x300: {  	v20 =	vld.idx.msk [tilespmem:v26+s20+$0x0], $0xffff;
	s9 =	sor.u32 s0, s11;
	[tilespmem:s7+$0x0] =	vst v10;
	s2 =	sld [smem:$0x783];
	s22 =	sor.u32 s6, s15  }
0x301: {  	v2 =	vld [tilespmem:s9+$0x4000];
	s21 =	sor.u32 s11, s16;
	[tilespmem:s30+$0x0] =	vst v21;
	[smem:$0x782] =	sst s22;
	s22 =	sor.u32 s11, s14  }
0x302: {  	s7 =	sor.u32 s8, s14;
	s30 =	sor.u32 $0x8800, s0;
	[tilespmem:s31+$0x0] =	vst v19;
	v19 =	vld [tilespmem:s12+$0x4000];
	[smem:$0x76E] =	sst s22  }
0x303: {  	v26 =	vadd.s32 $0x1400, v5;
	[tilespmem:s17+$0x0] =	vst v25;
	s31 =	sor.u32 $0x8000, s0;
	v27 =	vld.idx.msk [tilespmem:v23+s20+$0x0], $0xffff;
	s22 =	sor.u32 s10, s14;
	s14 =	sld [smem:$0x784]  }
0x304: {  	v21 =	vadd.s32 $0x1800, v5;
	s17 =	sor.u32 s10, s16;
	s26 =	sor.u32 s6, s30;
	s19 =	sor.u32 s6, s31;
	v25 =	vld.idx.msk [tilespmem:v18+s20+$0x0], $0xffff;
	[tilespmem:s18+$0x5000] =	vst v4  }
0x305: {  	v23 =	vadd.s32 $0x1C00, v5;
	[smem:$0x77B] =	sst s26;
	s6 =	sor.u32 s11, s15;
	s18 =	sor.u32 s8, s15;
	[tilespmem:s2+$0x0] =	vst v7  }
0x306: {  	[tilespmem:s14+$0x0] =	vst v11;
	s14 =	smov.u32 s24;
	s24 =	sor.u32 s10, s15;
	s15 =	sld [smem:$0x785]  }
0x307: {  	s0 =	sor.u32 s11, s13;
	v10 =	vld [tilespmem:s3+$0x0];
	s13 =	sor.u32 s10, s13;
	[tilespmem:s1+$0x0] =	vst v22;
	s1 =	rddreg [dreg:$0x1f]  }
0x308: {  	v26 =	vld.idx.msk [tilespmem:v26+s20+$0x0], $0xffff;
	s26 =	sor.u32 s10, s29;
	[smem:$0x770] =	sst s19;
	s19 =	sor.u32 s10, s31  }
0x309: {  	s2 =	sor.u32 s11, s29;
	v21 =	vld.idx.msk [tilespmem:v21+s20+$0x0], $0xffff;
	[tilespmem:s15+$0x0] =	vst v12;
	s15 =	sor.u32 s8, s16;
	s16 =	rddreg [dreg:$0x7]  }
0x30a: {  	s10 =	sor.u32 s10, s30;
	v29 =	vld.idx.msk [tilespmem:v23+s20+$0x0], $0xffff;
	[tilespmem:s16+$0x5000] =	vst v1;
	s16 =	sor.u32 s8, s29;
	s29 =	sor.u32 s8, s31  }
0x30b: {  	v7 =	vadd.s32 $0x400, v2;
	v5 =	vmov v19;
	s31 =	sor.u32 s11, s31;
	s8 =	sor.u32 s8, s30;
	s11 =	sor.u32 s11, s30  }
0x30c: {  	v11 =	vadd.s32 $0x400, v5;
	s30 =	smov.u32 s9;
	s9 =	smov.u32 s12;
	v1 =	vld.idx.msk [tilespmem:v19+s20+$0x0], $0xffff;
	[tilespmem:s1+$0x0] =	vst v3;
	s1 =	rddreg [dreg:$0x16]  }
0x30d: {  	s12 =	smov.u32 s0;
	[dreg:$0x7] =	wrdreg s9  }
0x30e: {  	[smem:$0x783] =	sst s12  }
0x30f: {  	v4 =	vld.idx.msk [tilespmem:v2+s20+$0x0], $0xffff;
	s9 =	sld [smem:$0x76E]  }
0x310: {  	v7 =	vld.idx.msk [tilespmem:v7+s20+$0x0], $0xffff;
	[tilespmem:s1+$0x0] =	vst v17;
	s1 =	rddreg [dreg:$0xa]  }
0x311: {  	v3 =	vld.idx.msk [tilespmem:v11+s20+$0x0], $0xffff;
	[tilespmem:s23+$0x0] =	vst v0;
	s23 =	smov.u32 s21;
	s21 =	smov.u32 s17;
	s17 =	sld [smem:$0x773]  }
0x312: {  	v18 =	vadd.s32 $0x1000, v24;
	s12 =	smov.u32 s9;
	s9 =	smov.u32 s7;
	s7 =	sld [smem:$0x76F]  }
0x313: {  	v33 =	vadd.s32 $0x1400, v24;
	[smem:$0x784] =	sst s12  }
0x314: {  	v12 =	vadd.s32 $0x800, v5;
	[dreg:$0x15] =	wrdreg s9  }
0x315: {  	v22 =	vadd.s32 $0x800, v2;
	s12 =	smov.u32 s6;
	s9 =	sld [smem:$0x771]  }
0x316: {  	v32 =	vadd.s32 $0xC00, v24;
	v31 =	vld.idx.msk [tilespmem:v24+s20+$0x0], $0xffff;
	[smem:$0x785] =	sst s12  }
0x317: {  	v35 =	vadd.s32 $0xC00, v2;
	v28 =	vadd.s32 $0x400, v24;
	v18 =	vld.idx.msk [tilespmem:v18+s20+$0x0], $0xffff;
	[tilespmem:s1+$0x0] =	vst v16;
	s12 =	sld [smem:$0x772]  }
0x318: {  	v30 =	vadd.s32 $0x800, v24;
	v34 =	vadd.s32 $0x1800, v24;
	v19 =	vadd.s32 $0x1C00, v24;
	v24 =	vld.idx.msk [tilespmem:v33+s20+$0x0], $0xffff;
	s6 =	smov.u32 s13;
	s13 =	sld [smem:$0x774];
	[tilespmem:s7+$0x0] =	vst v15  }
0x319: {  	[dreg:$0x16] =	wrdreg s23;
	v0 =	vld.idx.msk [tilespmem:v12+s20+$0x0], $0xffff;
	[tilespmem:s9+$0x0] =	vst v6  }
0x31a: {  	v11 =	vld.idx.msk [tilespmem:v22+s20+$0x0], $0xffff;
	[dreg:$0x1f] =	wrdreg s6;
	[tilespmem:s12+$0x0] =	vst v8  }
0x31b: {  	v22 =	vld.idx.msk [tilespmem:v32+s20+$0x0], $0xffff;
	v15 =	vadd.s32 $0xC00, v5;
	s9 =	sld [smem:$0x77A];
	[tilespmem:s13+$0x0] =	vst v26  }
0x31c: {  	v12 =	vld.idx.msk [tilespmem:v35+s20+$0x0], $0xffff;
	v8 =	vadd.s32 $0x1000, v5;
	[tilespmem:s14+$0x0] =	vst v21;
	s14 =	sld [smem:$0x776]  }
0x31d: {  	s1 =	smov.u32 s2;
	v19 =	vld.idx.msk [tilespmem:v19+s20+$0x0], $0xffff;
	s6 =	smov.u32 s15;
	s15 =	sld [smem:$0x777]  }
0x31e: {  	v38 =	vadd.s32 $0xC00, v10;
	s2 =	smov.u32 s24;
	s24 =	smov.u32 s19;
	s19 =	sld [smem:$0x778];
	v21 =	vld.idx.msk [tilespmem:v34+s20+$0x0], $0xffff;
	[tilespmem:s9+$0x0] =	vst v27  }
0x31f: {  	v36 =	vadd.s32 $0x400, v10;
	v27 =	vld.idx.msk [tilespmem:v30+s20+$0x0], $0xffff;
	s9 =	sld [smem:$0x77E];
	[tilespmem:s14+$0x0] =	vst v13  }
0x320: {  	v37 =	vadd.s32 $0x1C00, v10;
	s23 =	smov.u32 s22;
	s22 =	smov.u32 s26;
	s26 =	sld [smem:$0x775];
	v6 =	vld.idx.msk [tilespmem:v15+s20+$0x0], $0xffff;
	[tilespmem:s15+$0x0] =	vst v14  }
0x321: {  	s12 =	sld [smem:$0x77C];
	v13 =	vadd.s32 $0x1000, v2;
	v8 =	vld.idx.msk [tilespmem:v8+s20+$0x0], $0xffff;
	[tilespmem:s19+$0x0] =	vst v20  }
0x322: {  	s28 =	sadd.s32 $0x4, s28;
	v39 =	vadd.s32 $0x1000, v10;
	[dreg:$0xa] =	wrdreg s1;
	v20 =	vld.idx.msk [tilespmem:v28+s20+$0x0], $0xffff;
	[tilespmem:s9+$0x0] =	vst v9  }
0x323: {  	s5 =	sadd.s32 $0x40, s5;
	p1 =	slt.u32 s28, $0x7C;
	v14 =	vadd.s32 $0x1400, v2;
	s15 =	sld [smem:$0x77D];
	v15 =	vld.idx.msk [tilespmem:v38+s20+$0x0], $0xffff  }
0x324: {  	v40 =	vadd.s32 $0x1400, v10;
	[tilespmem:s12+$0x0] =	vst v25;
	s19 =	smov.u32 s11;
	s11 =	smov.u32 s10;
	s10 =	sld [smem:$0x77F];
	v25 =	vld.idx.msk [tilespmem:v36+s20+$0x0], $0xffff  }
.Ltmp6:
0x325: {  	s3 =	sadd.s32 $0x40, s3;
	s12 =	sld [smem:$0x780];
	v9 =	vld.idx.msk [tilespmem:v37+s20+$0x0], $0xffff;
	(pc) =	sbr.rel @p1 .LBB2_10-.Ltmp6, $4  }
0x326: {  	s0 =	smov.u32 s8;
	s1 =	smov.u32 s18;
	[tilespmem:s15+$0x0] =	vst v29;
	s15 =	sld [smem:$0x781];
	v17 =	vld.idx.msk [tilespmem:v13+s20+$0x0], $0xffff  }
0x327: {  	s18 =	smov.u32 s30;
	s30 =	sld [smem:$0x770];
	s7 =	smov.u32 s4;
	v13 =	vld.idx.msk [tilespmem:v39+s20+$0x0], $0xffff;
	[tilespmem:s10+$0x5000] =	vst v31  }
0x328: {  	s13 =	smov.u32 s16;
	s16 =	smov.u32 s29;
	s29 =	sld [smem:$0x779];
	v16 =	vld.idx.msk [tilespmem:v14+s20+$0x0], $0xffff;
	[tilespmem:s12+$0x0] =	vst v20  }
0x329: {  	v23 =	vadd.s32 $0x800, v10;
	s4 =	sadd.s32 $0x40, s4;
	v26 =	vadd.s32 $0x1800, v10;
	s14 =	smov.u32 s31;
	s31 =	sld [smem:$0x77B];
	v14 =	vld.idx.msk [tilespmem:v40+s20+$0x0], $0xffff;
	[tilespmem:s15+$0x0] =	vst v27  }
0x32a: {  	_ =	sdelay $0x1  }
0x32b: {  	s3 =	sld [smem:$0x782]  }
0x32c: {  	v20 =	vadd.s32 $0x1800, v2;
	v2 =	vadd.s32 $0x1C00, v2  }
0x32d: {  	v10 =	vld.idx.msk [tilespmem:v10+s20+$0x0], $0xffff  }
0x32e: {  	[tilespmem:s3+$0x0] =	vst v22  }
0x32f: {  	[tilespmem:s29+$0x0] =	vst v18  }
0x330: {  	v18 =	vld.idx.msk [tilespmem:v23+s20+$0x0], $0xffff;
	[tilespmem:s26+$0x0] =	vst v24  }
0x331: {  	v2 =	vld.idx.msk [tilespmem:v2+s20+$0x0], $0xffff;
	[tilespmem:s30+$0x0] =	vst v21  }
0x332: {  	v21 =	vld.idx.msk [tilespmem:v26+s20+$0x0], $0xffff;
	[tilespmem:s7+$0x0] =	vst v10  }
0x333: {  	v10 =	vld.idx.msk [tilespmem:v20+s20+$0x0], $0xffff;
	[tilespmem:s18+$0x5000] =	vst v4  }
0x334: {  	[tilespmem:s31+$0x0] =	vst v19  }
0x335: {  	[tilespmem:s17+$0x0] =	vst v25  }
0x336: {  	s3 =	sld [smem:$0x783];
	_ =	sdelay $0x2  }
0x337: {  	[tilespmem:s3+$0x0] =	vst v7  }
0x338: {  	s3 =	sld [smem:$0x784];
	_ =	sdelay $0x1  }
0x339: {  	v22 =	vadd.s32 $0x1400, v5  }
0x33a: {  	v23 =	vadd.s32 $0x1800, v5;
	v5 =	vadd.s32 $0x1C00, v5;
	[tilespmem:s3+$0x0] =	vst v11  }
0x33b: {  	s3 =	sld [smem:$0x785];
	_ =	sdelay $0x2  }
0x33c: {  	v4 =	vld.idx.msk [tilespmem:v22+s20+$0x0], $0xffff;
	[tilespmem:s3+$0x0] =	vst v12  }
0x33d: {  	v5 =	vld.idx.msk [tilespmem:v5+s20+$0x0], $0xffff;
	s3 =	rddreg [dreg:$0x7]  }
0x33e: {  	v7 =	vld.idx.msk [tilespmem:v23+s20+$0x0], $0xffff;
	[tilespmem:s3+$0x5000] =	vst v1  }
0x33f: {  	s3 =	rddreg [dreg:$0x15]  }
0x340: {  	[tilespmem:s3+$0x0] =	vst v18  }
0x341: {  	s3 =	rddreg [dreg:$0x1f]  }
0x342: {  	[tilespmem:s3+$0x0] =	vst v3  }
0x343: {  	s3 =	rddreg [dreg:$0x16]  }
0x344: {  	[tilespmem:s3+$0x0] =	vst v17  }
0x345: {  	s3 =	rddreg [dreg:$0xa];
	[tilespmem:s23+$0x0] =	vst v0  }
0x346: {  	[tilespmem:s1+$0x0] =	vst v15  }
0x347: {  	[tilespmem:s3+$0x0] =	vst v16  }
0x348: {  	[tilespmem:s2+$0x0] =	vst v6  }
0x349: {  	[tilespmem:s6+$0x0] =	vst v13  }
0x34a: {  	[tilespmem:s21+$0x0] =	vst v8  }
0x34b: {  	[tilespmem:s13+$0x0] =	vst v14  }
0x34c: {  	[tilespmem:s14+$0x0] =	vst v10  }
0x34d: {  	[tilespmem:s22+$0x0] =	vst v4  }
0x34e: {  	[tilespmem:s16+$0x0] =	vst v21  }
0x34f: {  	[tilespmem:s19+$0x0] =	vst v2  }
0x350: {  	[tilespmem:s24+$0x0] =	vst v7  }
0x351: {  	[tilespmem:s0+$0x0] =	vst v9  }
0x352: {  	[tilespmem:s11+$0x0] =	vst v5  }
0x353: {  	s0 =	sld [smem:$0x7FA]  }
0x354: {  	s8 =	simm.s32 $0x800  }
0x355: {  	s9 =	simm.s32 $0x4000;
	s10 =	simm.s32 $0x5000;
	s12 =	sld [smem:$0x7F2]  }
0x356: {  	[hbm4b:s0+s8] =	stream.strided.scatter [tilespmem:s10], [sflag:$0x3], $0x4000, s9, s8, $0x38;
	[tilespmem:$0xD000] =	vst v63  }
0x357: {  	s11 =	simm.s32 $0x0;
	s13 =	sld [smem:$0x7F9]  }
0x358: {  	[tilespmem:s11], [sflag:$0x1] =	stream.linear.gather [hbm4b:s12+s11], $0x2000, $0x38;
	[tilespmem:$0xD000] =	vst v63  }
0x359: {  	s14 =	simm.s32 $0x2  }
0x35a: {  	[tilespmem:s9], [sflag:$0x1] =	stream.linear.gather [hbm4b:s13+s11], $0x800, $0x38;
	[tilespmem:$0xD000] =	vst v63  }
0x35b: {  	_ =	swait.ge [sflag:s14], $0x2000  }
0x35c: {  	[sflag:s14] =	ssyncset.done $0x0  }
0x35d: {  	[sflag:s14] =	ssyncadd.s32 $0xFFFFE000  }
0x35e: {  	_ =	swait.ge [sflag:s14], $0x800  }
0x35f: {  	[sflag:s14] =	ssyncset.done $0x0  }
0x360: {  	s15 =	simm.s32 $0x4;
	[sflag:s14] =	ssyncadd.s32 $0xFFFFF800  }
0x361: {  	s3 =	sand.u32 $0x40, s11;
	_ =	swait.ge [sflag:s15], $0x4000  }
0x362: {  	s16 =	sand.u32 $0x780, s11;
	s4 =	sor.u32 $0x10, s3;
	[sflag:s15] =	ssyncset.done $0x0  }
0x363: {  	s19 =	sor.u32 $0x30, s3;
	s18 =	sor.u32 s16, s4;
	[sflag:s15] =	ssyncadd.s32 $0xFFFFC000  }
0x364: {  	s5 =	sor.u32 $0x20, s3;
	s0 =	sor.u32 s16, s19;
	v2 =	vld [tilespmem:s18+$0x4800]  }
0x365: {  	s31 =	sor.u32 s16, s5;
	v6 =	vld [tilespmem:s0+$0x4800]  }
0x366: {  	v4 =	vld [tilespmem:s31+$0x4800];
	_ =	sdelay $0x3  }
0x367: {  	s21 =	simm.s32 $0x4800;
	v0 =	vadd.s32 $0x400, v2  }
0x368: {  	v10 =	vld [tilespmem:s21+$0x0];
	v3 =	vadd.s32 $0x1000, v6  }
0x369: {  	v7 =	vadd.s32 $0x400, v4;
	v5 =	vld.idx.msk [tilespmem:v2+s25+$0x0], $0xffff  }
0x36a: {  	v9 =	vadd.s32 $0x800, v4;
	v14 =	vld.idx.msk [tilespmem:v6+s25+$0x0], $0xffff  }
0x36b: {  	v11 =	vadd.s32 $0x800, v2;
	v1 =	vld.idx.msk [tilespmem:v4+s25+$0x0], $0xffff  }
0x36c: {  	v12 =	vadd.s32 $0xC00, v6;
	v8 =	vld.idx.msk [tilespmem:v0+s25+$0x0], $0xffff  }
0x36d: {  	v13 =	vadd.s32 $0xC00, v2;
	v18 =	vld.idx.msk [tilespmem:v3+s25+$0x0], $0xffff  }
0x36e: {  	v15 =	vadd.s32 $0x1C00, v6;
	v3 =	vld.idx.msk [tilespmem:v7+s25+$0x0], $0xffff  }
0x36f: {  	v7 =	vadd.s32 $0x1800, v6;
	v0 =	vld.idx.msk [tilespmem:v9+s25+$0x0], $0xffff  }
0x370: {  	v11 =	vld.idx.msk [tilespmem:v11+s25+$0x0], $0xffff;
	v9 =	vadd.s32 $0xC00, v4  }
0x371: {  	v16 =	vadd.s32 $0x1400, v6;
	v22 =	vld.idx.msk [tilespmem:v12+s25+$0x0], $0xffff  }
0x372: {  	v12 =	vld.idx.msk [tilespmem:v13+s25+$0x0], $0xffff;
	v13 =	vadd.s32 $0x1000, v4  }
0x373: {  	s22 =	sor.u32 $0x9800, s16;
	s10 =	sor.u32 $0xA800, s16;
	v19 =	vld.idx.msk [tilespmem:v15+s25+$0x0], $0xffff  }
0x374: {  	s24 =	sor.u32 s4, s22;
	s8 =	sor.u32 $0xA000, s16;
	s23 =	sor.u32 s19, s10;
	v17 =	vadd.s32 $0x400, v6;
	v21 =	vld.idx.msk [tilespmem:v7+s25+$0x0], $0xffff  }
0x375: {  	s2 =	sor.u32 s4, s8;
	s12 =	sor.u32 s19, s8;
	v15 =	vadd.s32 $0x800, v6;
	v6 =	vld.idx.msk [tilespmem:v9+s25+$0x0], $0xffff;
	[smem:$0x768] =	sst s23  }
0x376: {  	s9 =	sor.u32 s19, s22;
	s11 =	sor.u32 $0xB000, s16;
	s13 =	sor.u32 $0xB800, s16;
	v24 =	vld.idx.msk [tilespmem:v16+s25+$0x0], $0xffff  }
0x377: {  	s29 =	sor.u32 s19, s11;
	s15 =	sor.u32 $0xC800, s16;
	v7 =	vld.idx.msk [tilespmem:v13+s25+$0x0], $0xffff;
	[smem:$0x769] =	sst s24  }
0x378: {  	s26 =	sor.u32 s19, s13;
	s6 =	sor.u32 s19, s15;
	v20 =	vadd.s32 $0x1000, v2;
	[smem:$0x76A] =	sst s2  }
0x379: {  	s14 =	sor.u32 $0xC000, s16;
	s16 =	sor.u32 s3, s8;
	v9 =	vadd.s32 $0x1400, v2;
	v26 =	vld.idx.msk [tilespmem:v17+s25+$0x0], $0xffff;
	[smem:$0x76B] =	sst s6  }
0x37a: {  	s30 =	sor.u32 s19, s14;
	s19 =	sor.u32 s4, s10;
	v23 =	vadd.s32 $0xC00, v10;
	[dreg:$0x17] =	wrdreg s16  }
0x37b: {  	s21 =	sor.u32 s5, s22;
	v13 =	vadd.s32 $0x1000, v10;
	[smem:$0x76C] =	sst s19  }
0x37c: {  	s28 =	simm.s32 $0x0;
	s17 =	sor.u32 s3, s22;
	v25 =	vadd.s32 $0x400, v10;
	v27 =	vld.idx.msk [tilespmem:v15+s25+$0x0], $0xffff;
	[smem:$0x76D] =	sst s21  }
0x37d: {  	s1 =	sor.u32 s3, s10;
	s22 =	sor.u32 s4, s11;
	v28 =	vadd.s32 $0x1C00, v10;
	s23 =	sor.u32 s5, s8;
	v17 =	vld.idx.msk [tilespmem:v20+s25+$0x0], $0xffff  }
0x37e: {  	s8 =	simm.s32 $0x9000;
	s24 =	sor.u32 s4, s13;
	v20 =	vadd.s32 $0x1400, v10;
	v16 =	vld.idx.msk [tilespmem:v9+s25+$0x0], $0xffff;
	[dreg:$0x18] =	wrdreg s22  }
0x37f: {  	s2 =	sor.u32 s5, s10;
	s6 =	sor.u32 s3, s11;
	v15 =	vld.idx.msk [tilespmem:v23+s25+$0x0], $0xffff;
	[dreg:$0xb] =	wrdreg s24  }
0x380: {  	s16 =	sor.u32 s3, s14;
	s19 =	sor.u32 s4, s15;
	s21 =	sor.u32 s5, s11;
	v13 =	vld.idx.msk [tilespmem:v13+s25+$0x0], $0xffff  }
0x381: {  	s11 =	sor.u32 s5, s15;
	s22 =	sor.u32 s5, s13;
	s13 =	sor.u32 s3, s13;
	[tilespmem:s0+$0x9000] =	vst v14;
	v25 =	vld.idx.msk [tilespmem:v25+s25+$0x0], $0xffff  }
0x382: {  	s24 =	sor.u32 s5, s14;
	s14 =	sor.u32 s4, s14;
	s4 =	simm.s32 $0x9040;
	v9 =	vld.idx.msk [tilespmem:v28+s25+$0x0], $0xffff;
	[tilespmem:s9+$0x0] =	vst v26  }
0x383: {  	v23 =	vadd.s32 $0x800, v10;
	s5 =	simm.s32 $0x40;
	s0 =	sor.u32 s3, s15;
	s3 =	simm.s32 $0x4840;
	v26 =	vadd.s32 $0x1800, v10;
	[tilespmem:s12+$0x0] =	vst v27;
	v14 =	vld.idx.msk [tilespmem:v20+s25+$0x0], $0xffff  }
.LBB2_12:
0x384: {  	[smem:$0x757] =	sst s2  }
0x385: {  	[smem:$0x75A] =	sst s22  }
0x386: {  	[smem:$0x758] =	sst s21  }
0x387: {  	[smem:$0x762] =	sst s19  }
0x388: {  	[smem:$0x755] =	sst s1  }
0x389: {  	[smem:$0x75E] =	sst s16  }
0x38a: {  	[smem:$0x75C] =	sst s6  }
0x38b: {  	[smem:$0x75D] =	sst s13  }
0x38c: {  	[smem:$0x760] =	sst s14  }
0x38d: {  	[smem:$0x763] =	sst s11  }
0x38e: {  	[smem:$0x764] =	sst s0  }
0x38f: {  	s9 =	sld [smem:$0x768]  }
0x390: {  	s7 =	sand.u32 $0x40, s5;
	s0 =	sand.u32 $0x780, s5;
	s2 =	sld [smem:$0x76B]  }
0x391: {  	s11 =	sor.u32 $0x10, s7;
	s10 =	sor.u32 $0x20, s7;
	s6 =	sor.u32 $0x30, s7  }
0x392: {  	v10 =	vld.idx.msk [tilespmem:v10+s25+$0x0], $0xffff;
	s13 =	sor.u32 $0x9800, s0;
	s14 =	sor.u32 $0xA000, s0;
	s15 =	sor.u32 s0, s6  }
0x393: {  	s16 =	sor.u32 $0xB000, s0;
	s1 =	sor.u32 s6, s14;
	[tilespmem:s9+$0x0] =	vst v22;
	[smem:$0x765] =	sst s15  }
0x394: {  	s12 =	sor.u32 s0, s10;
	s21 =	sor.u32 s6, s16;
	[smem:$0x767] =	sst s1;
	[tilespmem:s29+$0x0] =	vst v18  }
0x395: {  	[smem:$0x75F] =	sst s21;
	s29 =	sor.u32 $0xB800, s0;
	[tilespmem:s26+$0x0] =	vst v24;
	s26 =	sor.u32 s6, s13  }
0x396: {  	v22 =	vld.idx.msk [tilespmem:v23+s25+$0x0], $0xffff;
	v23 =	vadd.s32 $0x1800, v2;
	s9 =	sor.u32 s0, s11;
	s22 =	sor.u32 s6, s29;
	[smem:$0x766] =	sst s26  }
0x397: {  	v20 =	vld.idx.msk [tilespmem:v26+s25+$0x0], $0xffff;
	s1 =	smov.u32 s31;
	v18 =	vadd.s32 $0x1C00, v2;
	[tilespmem:s8+$0x0] =	vst v10;
	s8 =	sor.u32 s7, s13;
	[smem:$0x75B] =	sst s22  }
0x398: {  	s31 =	sor.u32 $0xC800, s0;
	s21 =	sor.u32 s11, s16;
	[smem:$0x759] =	sst s8  }
0x399: {  	v26 =	vadd.s32 $0x1400, v4;
	v24 =	vld [tilespmem:s15+$0x4800];
	s15 =	sor.u32 $0xA800, s0;
	[tilespmem:s17+$0x0] =	vst v25;
	s17 =	sor.u32 s11, s14;
	s26 =	sld [smem:$0x76C]  }
0x39a: {  	v2 =	vld [tilespmem:s9+$0x4800];
	[tilespmem:s30+$0x0] =	vst v21;
	s30 =	sor.u32 $0xC000, s0;
	s19 =	sor.u32 s6, s15;
	[smem:$0x754] =	sst s17  }
0x39b: {  	v21 =	vadd.s32 $0x1800, v4;
	s0 =	sor.u32 s11, s13;
	s8 =	sor.u32 s7, s14;
	[smem:$0x768] =	sst s19;
	v27 =	vld.idx.msk [tilespmem:v23+s25+$0x0], $0xffff  }
0x39c: {  	s22 =	sor.u32 s10, s14;
	s14 =	smov.u32 s24;
	v23 =	vadd.s32 $0x1C00, v4;
	v25 =	vld.idx.msk [tilespmem:v18+s25+$0x0], $0xffff;
	[tilespmem:s18+$0x9000] =	vst v5;
	s18 =	sld [smem:$0x769]  }
0x39d: {  	[tilespmem:s2+$0x0] =	vst v19;
	s2 =	sor.u32 s6, s30;
	s6 =	sor.u32 s6, s31;
	s19 =	sld [smem:$0x76A]  }
0x39e: {  	v26 =	vld.idx.msk [tilespmem:v26+s25+$0x0], $0xffff;
	s17 =	sor.u32 s11, s15;
	s24 =	sor.u32 s10, s15;
	[smem:$0x756] =	sst s2  }
0x39f: {  	v19 =	vld [tilespmem:s12+$0x4800];
	[smem:$0x76B] =	sst s6;
	s2 =	sor.u32 s11, s29;
	s6 =	sor.u32 s10, s13;
	[tilespmem:s18+$0x0] =	vst v8  }
0x3a0: {  	s13 =	sor.u32 s10, s16;
	v21 =	vld.idx.msk [tilespmem:v21+s25+$0x0], $0xffff;
	s18 =	sor.u32 s7, s15;
	s15 =	sor.u32 s7, s16;
	[tilespmem:s19+$0x0] =	vst v11  }
0x3a1: {  	s16 =	sor.u32 s7, s29;
	v29 =	vld.idx.msk [tilespmem:v23+s25+$0x0], $0xffff;
	s19 =	sor.u32 s10, s30;
	[tilespmem:s1+$0x9000] =	vst v1;
	s1 =	sor.u32 s11, s30  }
0x3a2: {  	s11 =	sor.u32 s11, s31;
	[tilespmem:s26+$0x0] =	vst v12;
	s26 =	sor.u32 s10, s29;
	[smem:$0x761] =	sst s1  }
0x3a3: {  	s29 =	sor.u32 s7, s30;
	s1 =	rddreg [dreg:$0x17];
	s7 =	sor.u32 s7, s31  }
0x3a4: {  	s10 =	sor.u32 s10, s31;
	s30 =	smov.u32 s9;
	s9 =	sld [smem:$0x754]  }
0x3a5: {  	v10 =	vld [tilespmem:s3+$0x0];
	s31 =	smov.u32 s12;
	s12 =	smov.u32 s0;
	[tilespmem:s1+$0x0] =	vst v22;
	s1 =	sld [smem:$0x76D]  }
0x3a6: {  	[smem:$0x769] =	sst s12  }
0x3a7: {  	s12 =	smov.u32 s9;
	s9 =	smov.u32 s8;
	s8 =	sld [smem:$0x755]  }
0x3a8: {  	v8 =	vadd.s32 $0x400, v2;
	v4 =	vmov v19;
	v1 =	vld.idx.msk [tilespmem:v19+s25+$0x0], $0xffff;
	[tilespmem:s1+$0x0] =	vst v3;
	s1 =	rddreg [dreg:$0x18]  }
0x3a9: {  	v11 =	vadd.s32 $0x400, v4;
	[smem:$0x76A] =	sst s12  }
0x3aa: {  	v18 =	vadd.s32 $0x1000, v24;
	[dreg:$0x17] =	wrdreg s9  }
0x3ab: {  	v33 =	vadd.s32 $0x1400, v24;
	v31 =	vld.idx.msk [tilespmem:v24+s25+$0x0], $0xffff;
	s9 =	sld [smem:$0x757]  }
0x3ac: {  	v12 =	vadd.s32 $0x800, v4;
	v5 =	vld.idx.msk [tilespmem:v2+s25+$0x0], $0xffff;
	s12 =	smov.u32 s17;
	s17 =	sld [smem:$0x759]  }
0x3ad: {  	v19 =	vadd.s32 $0x1C00, v24;
	v8 =	vld.idx.msk [tilespmem:v8+s25+$0x0], $0xffff;
	[tilespmem:s1+$0x0] =	vst v17;
	s1 =	rddreg [dreg:$0xb]  }
0x3ae: {  	v22 =	vadd.s32 $0x800, v2;
	[smem:$0x76C] =	sst s12;
	v3 =	vld.idx.msk [tilespmem:v11+s25+$0x0], $0xffff;
	[tilespmem:s23+$0x0] =	vst v0  }
0x3af: {  	v35 =	vadd.s32 $0xC00, v2;
	v32 =	vadd.s32 $0xC00, v24;
	v18 =	vld.idx.msk [tilespmem:v18+s25+$0x0], $0xffff;
	s23 =	smov.u32 s21;
	s12 =	sld [smem:$0x758];
	s21 =	smov.u32 s13;
	[tilespmem:s1+$0x0] =	vst v16  }
0x3b0: {  	v28 =	vadd.s32 $0x400, v24;
	v30 =	vadd.s32 $0x800, v24;
	v34 =	vadd.s32 $0x1800, v24;
	v24 =	vld.idx.msk [tilespmem:v33+s25+$0x0], $0xffff;
	s13 =	sld [smem:$0x75A];
	s1 =	smov.u32 s2;
	s2 =	smov.u32 s6;
	[tilespmem:s8+$0x0] =	vst v15  }
0x3b1: {  	v0 =	vld.idx.msk [tilespmem:v12+s25+$0x0], $0xffff;
	[smem:$0x76D] =	sst s2;
	[tilespmem:s9+$0x0] =	vst v6  }
0x3b2: {  	v19 =	vld.idx.msk [tilespmem:v19+s25+$0x0], $0xffff;
	s2 =	smov.u32 s24;
	s24 =	smov.u32 s19;
	s19 =	sld [smem:$0x760];
	[tilespmem:s12+$0x0] =	vst v7  }
0x3b3: {  	v15 =	vadd.s32 $0xC00, v4;
	v11 =	vld.idx.msk [tilespmem:v22+s25+$0x0], $0xffff;
	s9 =	sld [smem:$0x761];
	[tilespmem:s13+$0x0] =	vst v26  }
0x3b4: {  	v22 =	vld.idx.msk [tilespmem:v32+s25+$0x0], $0xffff;
	v7 =	vadd.s32 $0x1000, v4;
	[tilespmem:s14+$0x0] =	vst v21;
	s14 =	sld [smem:$0x75C]  }
0x3b5: {  	s6 =	smov.u32 s15;
	s15 =	sld [smem:$0x75D];
	v12 =	vld.idx.msk [tilespmem:v35+s25+$0x0], $0xffff  }
0x3b6: {  	v38 =	vadd.s32 $0xC00, v10;
	s13 =	smov.u32 s16;
	s16 =	sld [smem:$0x75E];
	v21 =	vld.idx.msk [tilespmem:v34+s25+$0x0], $0xffff;
	[tilespmem:s19+$0x0] =	vst v27  }
0x3b7: {  	v36 =	vadd.s32 $0x400, v10;
	v27 =	vld.idx.msk [tilespmem:v30+s25+$0x0], $0xffff;
	[tilespmem:s14+$0x0] =	vst v13;
	s14 =	smov.u32 s9;
	s9 =	sld [smem:$0x764]  }
0x3b8: {  	v37 =	vadd.s32 $0x1C00, v10;
	[dreg:$0x18] =	wrdreg s23;
	v6 =	vld.idx.msk [tilespmem:v15+s25+$0x0], $0xffff;
	[tilespmem:s15+$0x0] =	vst v14  }
0x3b9: {  	s28 =	sadd.s32 $0x4, s28;
	s12 =	sld [smem:$0x762];
	v13 =	vadd.s32 $0x1000, v2;
	v7 =	vld.idx.msk [tilespmem:v7+s25+$0x0], $0xffff;
	[tilespmem:s16+$0x0] =	vst v20  }
0x3ba: {  	v39 =	vadd.s32 $0x1000, v10;
	s23 =	smov.u32 s22;
	s22 =	smov.u32 s26;
	s26 =	sld [smem:$0x75B];
	v20 =	vld.idx.msk [tilespmem:v28+s25+$0x0], $0xffff;
	[tilespmem:s9+$0x0] =	vst v9  }
0x3bb: {  	p1 =	slt.u32 s28, $0x7C;
	v14 =	vadd.s32 $0x1400, v2;
	s15 =	sld [smem:$0x763];
	v15 =	vld.idx.msk [tilespmem:v38+s25+$0x0], $0xffff  }
0x3bc: {  	v40 =	vadd.s32 $0x1400, v10;
	s19 =	smov.u32 s11;
	s11 =	smov.u32 s10;
	s10 =	sld [smem:$0x765];
	[tilespmem:s12+$0x0] =	vst v25;
	v25 =	vld.idx.msk [tilespmem:v36+s25+$0x0], $0xffff  }
.Ltmp7:
0x3bd: {  	s12 =	sld [smem:$0x766];
	v9 =	vld.idx.msk [tilespmem:v37+s25+$0x0], $0xffff;
	(pc) =	sbr.rel @p1 .LBB2_12-.Ltmp7, $4  }
0x3be: {  	s5 =	sadd.s32 $0x40, s5;
	s3 =	sadd.s32 $0x40, s3;
	[tilespmem:s15+$0x0] =	vst v29;
	s15 =	sld [smem:$0x767];
	v17 =	vld.idx.msk [tilespmem:v13+s25+$0x0], $0xffff  }
0x3bf: {  	s0 =	smov.u32 s7;
	s8 =	smov.u32 s4;
	[dreg:$0xb] =	wrdreg s1;
	[tilespmem:s10+$0x9000] =	vst v31;
	v13 =	vld.idx.msk [tilespmem:v39+s25+$0x0], $0xffff  }
0x3c0: {  	s1 =	smov.u32 s18;
	s18 =	smov.u32 s30;
	s30 =	sld [smem:$0x756];
	v16 =	vld.idx.msk [tilespmem:v14+s25+$0x0], $0xffff;
	[tilespmem:s12+$0x0] =	vst v20  }
0x3c1: {  	v23 =	vadd.s32 $0x800, v10;
	s4 =	sadd.s32 $0x40, s4;
	v26 =	vadd.s32 $0x1800, v10;
	s16 =	smov.u32 s29;
	s29 =	sld [smem:$0x75F];
	v14 =	vld.idx.msk [tilespmem:v40+s25+$0x0], $0xffff;
	[tilespmem:s15+$0x0] =	vst v27  }
0x3c2: {  	_ =	sdelay $0x1  }
0x3c3: {  	s3 =	sld [smem:$0x768];
	_ =	sdelay $0x1  }
0x3c4: {  	v10 =	vld.idx.msk [tilespmem:v10+s25+$0x0], $0xffff;
	v20 =	vadd.s32 $0x1800, v2  }
0x3c5: {  	v55 =	vadd.s32 $0x1C00, v2;
	[tilespmem:s3+$0x0] =	vst v22  }
0x3c6: {  	[tilespmem:s29+$0x0] =	vst v18  }
0x3c7: {  	v56 =	vld.idx.msk [tilespmem:v23+s25+$0x0], $0xffff;
	[tilespmem:s26+$0x0] =	vst v24  }
0x3c8: {  	v58 =	vld.idx.msk [tilespmem:v26+s25+$0x0], $0xffff;
	[tilespmem:s30+$0x0] =	vst v21  }
0x3c9: {  	v60 =	vld.idx.msk [tilespmem:v20+s25+$0x0], $0xffff;
	s3 =	sld [smem:$0x76B];
	[tilespmem:s8+$0x0] =	vst v10  }
0x3ca: {  	v2 =	vld.idx.msk [tilespmem:v55+s25+$0x0], $0xffff;
	[tilespmem:s18+$0x9000] =	vst v5  }
0x3cb: {  	[tilespmem:s17+$0x0] =	vst v25  }
0x3cc: {  	[tilespmem:s3+$0x0] =	vst v19  }
0x3cd: {  	s3 =	sld [smem:$0x769];
	_ =	sdelay $0x2  }
0x3ce: {  	v57 =	vadd.s32 $0x1400, v4;
	[tilespmem:s3+$0x0] =	vst v8  }
0x3cf: {  	v59 =	vadd.s32 $0x1800, v4;
	s3 =	sld [smem:$0x76A]  }
0x3d0: {  	v61 =	vadd.s32 $0x1C00, v4;
	_ =	sdelay $0x1  }
0x3d1: {  	[tilespmem:s3+$0x0] =	vst v11  }
0x3d2: {  	v62 =	vld.idx.msk [tilespmem:v57+s25+$0x0], $0xffff;
	s3 =	sld [smem:$0x76C]  }
0x3d3: {  	v63 =	vld.idx.msk [tilespmem:v59+s25+$0x0], $0xffff  }
0x3d4: {  	v4 =	vld.idx.msk [tilespmem:v61+s25+$0x0], $0xffff;
	[tilespmem:s31+$0x9000] =	vst v1  }
0x3d5: {  	[tilespmem:s3+$0x0] =	vst v12  }
0x3d6: {  	s3 =	rddreg [dreg:$0x17]  }
0x3d7: {  	[tilespmem:s3+$0x0] =	vst v56  }
0x3d8: {  	s3 =	sld [smem:$0x76D];
	_ =	sdelay $0x2  }
0x3d9: {  	[tilespmem:s3+$0x0] =	vst v3  }
0x3da: {  	s3 =	rddreg [dreg:$0x18]  }
0x3db: {  	[tilespmem:s3+$0x0] =	vst v17  }
0x3dc: {  	s3 =	rddreg [dreg:$0xb];
	[tilespmem:s23+$0x0] =	vst v0  }
0x3dd: {  	[tilespmem:s1+$0x0] =	vst v15  }
0x3de: {  	[tilespmem:s3+$0x0] =	vst v16  }
0x3df: {  	[tilespmem:s2+$0x0] =	vst v6  }
0x3e0: {  	[tilespmem:s6+$0x0] =	vst v13  }
0x3e1: {  	[tilespmem:s21+$0x0] =	vst v7  }
0x3e2: {  	[tilespmem:s13+$0x0] =	vst v14  }
0x3e3: {  	[tilespmem:s14+$0x0] =	vst v60  }
0x3e4: {  	[tilespmem:s22+$0x0] =	vst v62  }
0x3e5: {  	[tilespmem:s16+$0x0] =	vst v58  }
0x3e6: {  	[tilespmem:s19+$0x0] =	vst v2  }
0x3e7: {  	[tilespmem:s24+$0x0] =	vst v63  }
0x3e8: {  	[tilespmem:s0+$0x0] =	vst v9  }
0x3e9: {  	[tilespmem:s11+$0x0] =	vst v4  }
0x3ea: {  	s0 =	sld [smem:$0x7FB]  }
0x3eb: {  	s28 =	simm.s32 $0x800  }
0x3ec: {  	s29 =	simm.s32 $0x9000;
	s30 =	simm.s32 $0x1;
	s1 =	simm.s32 $0x4000  }
0x3ed: {  	[hbm4b:s0+s28] =	stream.strided.scatter [tilespmem:s29], [sflag:$0x4], $0x4000, s1, s28, $0x38;
	[tilespmem:$0xD000] =	vst v63  }
0x3ee: {  	_ =	swait.ge [sflag:s30], $0x2000  }
0x3ef: {  	[sflag:s30] =	ssyncset.done $0x0  }
0x3f0: {  	[sflag:s30] =	ssyncadd.s32 $0xFFFFE000  }
0x3f1: {  	_ =	swait.ge [sflag:s30], $0x800  }
.Ltmp8:
0x3f2: {  	[sflag:s30] =	ssyncset.done $0x0;
	(pc) =	sbr.rel @p0 .LBB2_17-.Ltmp8, $4  }
0x3f3: {  	s31 =	simm.s32 $0x3;
	[sflag:s30] =	ssyncadd.s32 $0xFFFFF800  }
0x3f4: {  	_ =	swait.ge [sflag:s31], $0x4000  }
0x3f5: {  	[sflag:s31] =	ssyncset.done $0x0  }
0x3f6: {  	s2 =	sld [smem:$0x7E3];
	[sflag:s31] =	ssyncadd.s32 $0xFFFFC000  }
0x3f7: {  	s0 =	simm.s32 $0x0  }
0x3f8: {  	s3 =	sand.u32 $0x40, s0  }
0x3f9: {  	s2 =	sand.u32 $0x780, s0;
	s4 =	sor.u32 $0x10, s3  }
0x3fa: {  	s6 =	sor.u32 $0x30, s3;
	s18 =	sor.u32 s2, s4  }
0x3fb: {  	s5 =	sor.u32 $0x20, s3;
	s0 =	sor.u32 s2, s6;
	v2 =	vld [tilespmem:s18+$0x4000]  }
0x3fc: {  	s31 =	sor.u32 s2, s5;
	v6 =	vld [tilespmem:s0+$0x4000]  }
0x3fd: {  	v5 =	vld [tilespmem:s31+$0x4000];
	_ =	sdelay $0x3  }
0x3fe: {  	v0 =	vadd.s32 $0x400, v2  }
0x3ff: {  	v10 =	vld [tilespmem:s1+$0x0];
	v3 =	vadd.s32 $0x1000, v6  }
0x400: {  	v7 =	vadd.s32 $0x400, v5;
	v4 =	vld.idx.msk [tilespmem:v2+s20+$0x0], $0xffff  }
0x401: {  	v9 =	vadd.s32 $0x800, v5;
	v14 =	vld.idx.msk [tilespmem:v6+s20+$0x0], $0xffff  }
0x402: {  	v11 =	vadd.s32 $0x800, v2;
	v1 =	vld.idx.msk [tilespmem:v5+s20+$0x0], $0xffff  }
0x403: {  	v12 =	vadd.s32 $0xC00, v6;
	v8 =	vld.idx.msk [tilespmem:v0+s20+$0x0], $0xffff  }
0x404: {  	v13 =	vadd.s32 $0xC00, v2;
	v18 =	vld.idx.msk [tilespmem:v3+s20+$0x0], $0xffff  }
0x405: {  	v15 =	vadd.s32 $0x1C00, v6;
	v3 =	vld.idx.msk [tilespmem:v7+s20+$0x0], $0xffff  }
0x406: {  	v7 =	vadd.s32 $0x1800, v6;
	v0 =	vld.idx.msk [tilespmem:v9+s20+$0x0], $0xffff  }
0x407: {  	v11 =	vld.idx.msk [tilespmem:v11+s20+$0x0], $0xffff;
	v9 =	vadd.s32 $0xC00, v5  }
0x408: {  	v16 =	vadd.s32 $0x1400, v6;
	v22 =	vld.idx.msk [tilespmem:v12+s20+$0x0], $0xffff  }
0x409: {  	s7 =	sor.u32 $0x5800, s2;
	v12 =	vld.idx.msk [tilespmem:v13+s20+$0x0], $0xffff;
	v13 =	vadd.s32 $0x1000, v5  }
0x40a: {  	s8 =	sor.u32 $0x6000, s2;
	s10 =	sor.u32 $0x6800, s2;
	s11 =	sor.u32 $0x7000, s2;
	v19 =	vld.idx.msk [tilespmem:v15+s20+$0x0], $0xffff  }
0x40b: {  	s13 =	sor.u32 $0x7800, s2;
	s14 =	sor.u32 $0x8000, s2;
	s23 =	sor.u32 s6, s10;
	v17 =	vadd.s32 $0x400, v6;
	v21 =	vld.idx.msk [tilespmem:v7+s20+$0x0], $0xffff  }
0x40c: {  	s15 =	sor.u32 $0x8800, s2;
	s9 =	sor.u32 s6, s7;
	v15 =	vadd.s32 $0x800, v6;
	v6 =	vld.idx.msk [tilespmem:v9+s20+$0x0], $0xffff;
	[smem:$0x74E] =	sst s23  }
0x40d: {  	s12 =	sor.u32 s6, s8;
	s29 =	sor.u32 s6, s11;
	s24 =	sor.u32 s4, s7;
	v24 =	vld.idx.msk [tilespmem:v16+s20+$0x0], $0xffff  }
0x40e: {  	s26 =	sor.u32 s6, s13;
	s2 =	sor.u32 s4, s8;
	v7 =	vld.idx.msk [tilespmem:v13+s20+$0x0], $0xffff;
	[smem:$0x74F] =	sst s24  }
0x40f: {  	s30 =	sor.u32 s6, s14;
	s6 =	sor.u32 s6, s15;
	v20 =	vadd.s32 $0x1000, v2;
	[smem:$0x750] =	sst s2  }
0x410: {  	s16 =	sor.u32 s3, s8;
	v9 =	vadd.s32 $0x1400, v2;
	v26 =	vld.idx.msk [tilespmem:v17+s20+$0x0], $0xffff;
	[smem:$0x751] =	sst s6  }
0x411: {  	s19 =	sor.u32 s4, s10;
	v23 =	vadd.s32 $0xC00, v10;
	[dreg:$0x19] =	wrdreg s16  }
0x412: {  	s21 =	sor.u32 s5, s7;
	v13 =	vadd.s32 $0x1000, v10;
	[smem:$0x752] =	sst s19  }
0x413: {  	s28 =	simm.s32 $0x0;
	s17 =	sor.u32 s3, s7;
	v25 =	vadd.s32 $0x400, v10;
	v27 =	vld.idx.msk [tilespmem:v15+s20+$0x0], $0xffff;
	[smem:$0x753] =	sst s21  }
0x414: {  	s1 =	sor.u32 s3, s10;
	s22 =	sor.u32 s4, s11;
	s7 =	simm.s32 $0x5000;
	v28 =	vadd.s32 $0x1C00, v10;
	v17 =	vld.idx.msk [tilespmem:v20+s20+$0x0], $0xffff  }
0x415: {  	s23 =	sor.u32 s5, s8;
	s24 =	sor.u32 s4, s13;
	v20 =	vadd.s32 $0x1400, v10;
	v16 =	vld.idx.msk [tilespmem:v9+s20+$0x0], $0xffff;
	[dreg:$0x1a] =	wrdreg s22  }
0x416: {  	s2 =	sor.u32 s5, s10;
	s6 =	sor.u32 s3, s11;
	v15 =	vld.idx.msk [tilespmem:v23+s20+$0x0], $0xffff;
	[dreg:$0xc] =	wrdreg s24  }
0x417: {  	s16 =	sor.u32 s3, s14;
	s19 =	sor.u32 s4, s15;
	s21 =	sor.u32 s5, s11;
	v13 =	vld.idx.msk [tilespmem:v13+s20+$0x0], $0xffff  }
0x418: {  	s11 =	sor.u32 s5, s15;
	s22 =	sor.u32 s5, s13;
	s13 =	sor.u32 s3, s13;
	[tilespmem:s0+$0x5000] =	vst v14;
	v25 =	vld.idx.msk [tilespmem:v25+s20+$0x0], $0xffff  }
0x419: {  	s24 =	sor.u32 s5, s14;
	s14 =	sor.u32 s4, s14;
	s4 =	simm.s32 $0x5040;
	v9 =	vld.idx.msk [tilespmem:v28+s20+$0x0], $0xffff;
	[tilespmem:s9+$0x0] =	vst v26  }
0x41a: {  	v23 =	vadd.s32 $0x800, v10;
	s5 =	simm.s32 $0x40;
	s0 =	sor.u32 s3, s15;
	s3 =	simm.s32 $0x4040;
	v26 =	vadd.s32 $0x1800, v10;
	[tilespmem:s12+$0x0] =	vst v27;
	v14 =	vld.idx.msk [tilespmem:v20+s20+$0x0], $0xffff  }
.LBB2_15:
0x41b: {  	[smem:$0x73D] =	sst s2  }
0x41c: {  	[smem:$0x740] =	sst s22  }
0x41d: {  	[smem:$0x73E] =	sst s21  }
0x41e: {  	[smem:$0x748] =	sst s19  }
0x41f: {  	[smem:$0x73B] =	sst s1  }
0x420: {  	[smem:$0x744] =	sst s16  }
0x421: {  	[smem:$0x742] =	sst s6  }
0x422: {  	[smem:$0x743] =	sst s13  }
0x423: {  	[smem:$0x746] =	sst s14  }
0x424: {  	[smem:$0x749] =	sst s11  }
0x425: {  	[smem:$0x74A] =	sst s0  }
0x426: {  	s9 =	sld [smem:$0x74E]  }
0x427: {  	s8 =	sand.u32 $0x40, s5;
	s0 =	sand.u32 $0x780, s5;
	s2 =	sld [smem:$0x751]  }
0x428: {  	s11 =	sor.u32 $0x10, s8;
	s10 =	sor.u32 $0x20, s8;
	s6 =	sor.u32 $0x30, s8  }
0x429: {  	v10 =	vld.idx.msk [tilespmem:v10+s20+$0x0], $0xffff;
	s13 =	sor.u32 $0x5800, s0;
	s14 =	sor.u32 $0x6000, s0;
	s15 =	sor.u32 s0, s6  }
0x42a: {  	s16 =	sor.u32 $0x7000, s0;
	s1 =	sor.u32 s6, s14;
	[tilespmem:s9+$0x0] =	vst v22;
	[smem:$0x74B] =	sst s15  }
0x42b: {  	s12 =	sor.u32 s0, s10;
	s21 =	sor.u32 s6, s16;
	[smem:$0x74D] =	sst s1;
	[tilespmem:s29+$0x0] =	vst v18  }
0x42c: {  	[smem:$0x745] =	sst s21;
	s29 =	sor.u32 $0x7800, s0;
	[tilespmem:s26+$0x0] =	vst v24;
	s26 =	sor.u32 s6, s13  }
0x42d: {  	v22 =	vld.idx.msk [tilespmem:v23+s20+$0x0], $0xffff;
	v23 =	vadd.s32 $0x1800, v2;
	s9 =	sor.u32 s0, s11;
	s22 =	sor.u32 s6, s29;
	[smem:$0x74C] =	sst s26  }
0x42e: {  	v20 =	vld.idx.msk [tilespmem:v26+s20+$0x0], $0xffff;
	s1 =	smov.u32 s31;
	v18 =	vadd.s32 $0x1C00, v2;
	[tilespmem:s7+$0x0] =	vst v10;
	s7 =	sor.u32 s8, s13;
	[smem:$0x741] =	sst s22  }
0x42f: {  	s31 =	sor.u32 $0x8800, s0;
	s21 =	sor.u32 s11, s16;
	[smem:$0x73F] =	sst s7  }
0x430: {  	v26 =	vadd.s32 $0x1400, v5;
	v24 =	vld [tilespmem:s15+$0x4000];
	s15 =	sor.u32 $0x6800, s0;
	[tilespmem:s17+$0x0] =	vst v25;
	s17 =	sor.u32 s11, s14;
	s26 =	sld [smem:$0x752]  }
0x431: {  	v2 =	vld [tilespmem:s9+$0x4000];
	[tilespmem:s30+$0x0] =	vst v21;
	s30 =	sor.u32 $0x8000, s0;
	s19 =	sor.u32 s6, s15;
	[smem:$0x73A] =	sst s17  }
0x432: {  	v21 =	vadd.s32 $0x1800, v5;
	s0 =	sor.u32 s11, s13;
	s7 =	sor.u32 s8, s14;
	[smem:$0x74E] =	sst s19;
	v27 =	vld.idx.msk [tilespmem:v23+s20+$0x0], $0xffff  }
0x433: {  	s22 =	sor.u32 s10, s14;
	s14 =	smov.u32 s24;
	v23 =	vadd.s32 $0x1C00, v5;
	v25 =	vld.idx.msk [tilespmem:v18+s20+$0x0], $0xffff;
	[tilespmem:s18+$0x5000] =	vst v4;
	s18 =	sld [smem:$0x74F]  }
0x434: {  	[tilespmem:s2+$0x0] =	vst v19;
	s2 =	sor.u32 s6, s30;
	s6 =	sor.u32 s6, s31;
	s19 =	sld [smem:$0x750]  }
0x435: {  	v26 =	vld.idx.msk [tilespmem:v26+s20+$0x0], $0xffff;
	s17 =	sor.u32 s11, s15;
	s24 =	sor.u32 s10, s15;
	[smem:$0x73C] =	sst s2  }
0x436: {  	v19 =	vld [tilespmem:s12+$0x4000];
	[smem:$0x751] =	sst s6;
	s2 =	sor.u32 s11, s29;
	s6 =	sor.u32 s10, s13;
	[tilespmem:s18+$0x0] =	vst v8  }
0x437: {  	s13 =	sor.u32 s10, s16;
	v21 =	vld.idx.msk [tilespmem:v21+s20+$0x0], $0xffff;
	s18 =	sor.u32 s8, s15;
	s15 =	sor.u32 s8, s16;
	[tilespmem:s19+$0x0] =	vst v11  }
0x438: {  	s16 =	sor.u32 s8, s29;
	v29 =	vld.idx.msk [tilespmem:v23+s20+$0x0], $0xffff;
	s19 =	sor.u32 s10, s30;
	[tilespmem:s1+$0x5000] =	vst v1;
	s1 =	sor.u32 s11, s30  }
0x439: {  	s11 =	sor.u32 s11, s31;
	[tilespmem:s26+$0x0] =	vst v12;
	s26 =	sor.u32 s10, s29;
	[smem:$0x747] =	sst s1  }
0x43a: {  	s29 =	sor.u32 s8, s30;
	s1 =	rddreg [dreg:$0x19];
	s8 =	sor.u32 s8, s31  }
0x43b: {  	s10 =	sor.u32 s10, s31;
	s30 =	smov.u32 s9;
	s9 =	sld [smem:$0x73A]  }
0x43c: {  	v10 =	vld [tilespmem:s3+$0x0];
	s31 =	smov.u32 s12;
	s12 =	smov.u32 s0;
	[tilespmem:s1+$0x0] =	vst v22;
	s1 =	sld [smem:$0x753]  }
0x43d: {  	[smem:$0x74F] =	sst s12  }
0x43e: {  	s12 =	smov.u32 s9;
	s9 =	smov.u32 s7;
	s7 =	sld [smem:$0x73B]  }
0x43f: {  	v8 =	vadd.s32 $0x400, v2;
	v5 =	vmov v19;
	v1 =	vld.idx.msk [tilespmem:v19+s20+$0x0], $0xffff;
	[tilespmem:s1+$0x0] =	vst v3;
	s1 =	rddreg [dreg:$0x1a]  }
0x440: {  	v11 =	vadd.s32 $0x400, v5;
	[smem:$0x750] =	sst s12  }
0x441: {  	v18 =	vadd.s32 $0x1000, v24;
	[dreg:$0x19] =	wrdreg s9  }
0x442: {  	v33 =	vadd.s32 $0x1400, v24;
	v31 =	vld.idx.msk [tilespmem:v24+s20+$0x0], $0xffff;
	s9 =	sld [smem:$0x73D]  }
0x443: {  	v12 =	vadd.s32 $0x800, v5;
	v4 =	vld.idx.msk [tilespmem:v2+s20+$0x0], $0xffff;
	s12 =	smov.u32 s17;
	s17 =	sld [smem:$0x73F]  }
0x444: {  	v19 =	vadd.s32 $0x1C00, v24;
	v8 =	vld.idx.msk [tilespmem:v8+s20+$0x0], $0xffff;
	[tilespmem:s1+$0x0] =	vst v17;
	s1 =	rddreg [dreg:$0xc]  }
0x445: {  	v22 =	vadd.s32 $0x800, v2;
	[smem:$0x752] =	sst s12;
	v3 =	vld.idx.msk [tilespmem:v11+s20+$0x0], $0xffff;
	[tilespmem:s23+$0x0] =	vst v0  }
0x446: {  	v35 =	vadd.s32 $0xC00, v2;
	v32 =	vadd.s32 $0xC00, v24;
	v18 =	vld.idx.msk [tilespmem:v18+s20+$0x0], $0xffff;
	s23 =	smov.u32 s21;
	s12 =	sld [smem:$0x73E];
	s21 =	smov.u32 s13;
	[tilespmem:s1+$0x0] =	vst v16  }
0x447: {  	v28 =	vadd.s32 $0x400, v24;
	v30 =	vadd.s32 $0x800, v24;
	v34 =	vadd.s32 $0x1800, v24;
	v24 =	vld.idx.msk [tilespmem:v33+s20+$0x0], $0xffff;
	s13 =	sld [smem:$0x740];
	s1 =	smov.u32 s2;
	s2 =	smov.u32 s6;
	[tilespmem:s7+$0x0] =	vst v15  }
0x448: {  	v0 =	vld.idx.msk [tilespmem:v12+s20+$0x0], $0xffff;
	[smem:$0x753] =	sst s2;
	[tilespmem:s9+$0x0] =	vst v6  }
0x449: {  	v19 =	vld.idx.msk [tilespmem:v19+s20+$0x0], $0xffff;
	s2 =	smov.u32 s24;
	s24 =	smov.u32 s19;
	s19 =	sld [smem:$0x746];
	[tilespmem:s12+$0x0] =	vst v7  }
0x44a: {  	v15 =	vadd.s32 $0xC00, v5;
	v11 =	vld.idx.msk [tilespmem:v22+s20+$0x0], $0xffff;
	s9 =	sld [smem:$0x747];
	[tilespmem:s13+$0x0] =	vst v26  }
0x44b: {  	v22 =	vld.idx.msk [tilespmem:v32+s20+$0x0], $0xffff;
	v7 =	vadd.s32 $0x1000, v5;
	[tilespmem:s14+$0x0] =	vst v21;
	s14 =	sld [smem:$0x742]  }
0x44c: {  	s6 =	smov.u32 s15;
	s15 =	sld [smem:$0x743];
	v12 =	vld.idx.msk [tilespmem:v35+s20+$0x0], $0xffff  }
0x44d: {  	v38 =	vadd.s32 $0xC00, v10;
	s13 =	smov.u32 s16;
	s16 =	sld [smem:$0x744];
	v21 =	vld.idx.msk [tilespmem:v34+s20+$0x0], $0xffff;
	[tilespmem:s19+$0x0] =	vst v27  }
0x44e: {  	v36 =	vadd.s32 $0x400, v10;
	v27 =	vld.idx.msk [tilespmem:v30+s20+$0x0], $0xffff;
	[tilespmem:s14+$0x0] =	vst v13;
	s14 =	smov.u32 s9;
	s9 =	sld [smem:$0x74A]  }
0x44f: {  	v37 =	vadd.s32 $0x1C00, v10;
	[dreg:$0x1a] =	wrdreg s23;
	v6 =	vld.idx.msk [tilespmem:v15+s20+$0x0], $0xffff;
	[tilespmem:s15+$0x0] =	vst v14  }
0x450: {  	s28 =	sadd.s32 $0x4, s28;
	s12 =	sld [smem:$0x748];
	v13 =	vadd.s32 $0x1000, v2;
	v7 =	vld.idx.msk [tilespmem:v7+s20+$0x0], $0xffff;
	[tilespmem:s16+$0x0] =	vst v20  }
0x451: {  	v39 =	vadd.s32 $0x1000, v10;
	s23 =	smov.u32 s22;
	s22 =	smov.u32 s26;
	s26 =	sld [smem:$0x741];
	v20 =	vld.idx.msk [tilespmem:v28+s20+$0x0], $0xffff;
	[tilespmem:s9+$0x0] =	vst v9  }
0x452: {  	p1 =	slt.u32 s28, $0x7C;
	v14 =	vadd.s32 $0x1400, v2;
	s15 =	sld [smem:$0x749];
	v15 =	vld.idx.msk [tilespmem:v38+s20+$0x0], $0xffff  }
0x453: {  	v40 =	vadd.s32 $0x1400, v10;
	s19 =	smov.u32 s11;
	s11 =	smov.u32 s10;
	s10 =	sld [smem:$0x74B];
	[tilespmem:s12+$0x0] =	vst v25;
	v25 =	vld.idx.msk [tilespmem:v36+s20+$0x0], $0xffff  }
.Ltmp9:
0x454: {  	s12 =	sld [smem:$0x74C];
	v9 =	vld.idx.msk [tilespmem:v37+s20+$0x0], $0xffff;
	(pc) =	sbr.rel @p1 .LBB2_15-.Ltmp9, $4  }
0x455: {  	s5 =	sadd.s32 $0x40, s5;
	s3 =	sadd.s32 $0x40, s3;
	[tilespmem:s15+$0x0] =	vst v29;
	s15 =	sld [smem:$0x74D];
	v17 =	vld.idx.msk [tilespmem:v13+s20+$0x0], $0xffff  }
0x456: {  	s0 =	smov.u32 s8;
	s7 =	smov.u32 s4;
	[dreg:$0xc] =	wrdreg s1;
	[tilespmem:s10+$0x5000] =	vst v31;
	v13 =	vld.idx.msk [tilespmem:v39+s20+$0x0], $0xffff  }
0x457: {  	s1 =	smov.u32 s18;
	s18 =	smov.u32 s30;
	s30 =	sld [smem:$0x73C];
	v16 =	vld.idx.msk [tilespmem:v14+s20+$0x0], $0xffff;
	[tilespmem:s12+$0x0] =	vst v20  }
0x458: {  	v23 =	vadd.s32 $0x800, v10;
	s4 =	sadd.s32 $0x40, s4;
	v26 =	vadd.s32 $0x1800, v10;
	s16 =	smov.u32 s29;
	s29 =	sld [smem:$0x745];
	v14 =	vld.idx.msk [tilespmem:v40+s20+$0x0], $0xffff;
	[tilespmem:s15+$0x0] =	vst v27  }
.Ltmp10:
0x459: {  	_ = 	snop;
	(pc) =	sbr.rel .LBB2_16-.Ltmp10, $1  }
0x45a: {  	_ =	sdelay $0x3  }
.LBB2_18:
0x45b: {  	_ =	sfence.sel $0x180000  }
0x45c: {  	[bflag:$0x0] =	sbarrier.arrive $0xFFFF  }
0x45d: {  	_ =	strace $0x90000047  }
0x45e: {  	s0 =	stileid.u32;
	[bflag:$0x2] =	sbarrier.arrive $0xFFFF  }
0x45f: {  	p0 =	sne.s32 s0, $0x0;
	s0 =	rddreg [dreg:$0x2]  }
0x460: {  	s0 =	sadd.s32 @!p0 $0x100000, s0  }
0x461: {  	[sflag:s0] =	ssyncadd.tile.s32 @!p0 $0x1;
	_ =	shalt  }
.Lfunc_end2:
_tile_overlayer_lowered:
.L_overlay_start_2:
0x462: {  	(tag) =	ssettag $0x2  }
0x463: {  	s0 =	rddreg [dreg:$0x0];
	s2 =	stileid.u32  }
0x464: {  	s1 =	rddreg [dreg:$0x1];
	p0 =	sne.s32 s2, $0x0  }
0x465: {  	s3 =	rddreg [dreg:$0x2];
	[bflag:$0x3] =	sbarrier.arrive $0xFFFF;
	s2 =	simm.s32 @!p0 $0x1C05  }
0x466: {  	[timem:s3], [sflag:s2] =	dma.local @!p0 [hbm:s0], s1  }
0x467: {  	s0 =	simm.s32 @!p0 $0x5  }
0x468: {  	_ =	swait.ge @!p0 [sflag:s0], s1  }
0x469: {  	s1 =	ssub.s32 @!p0 $0x0, s1;
	[sflag:s0] =	ssyncset.done @!p0 $0x0  }
0x46a: {  	[sflag:s0] =	ssyncadd.s32 @!p0 s1  }
0x46b: {  	[bflag:$0x3] =	sbarrier.arrive $0xFFFF  }
0x46c: {  	_ =	shalt  }

</sc_bundles>
